<compile_context>
chip_gen: v7x
topology: tpu7x:2x2x1
jax: 0.10.2.dev20260603
libtpu: 0.0.44.dev20260713+nightly
codegen_flags: <defaults>
</compile_context>

<pallas_src>
import functools

import jax
import jax.numpy as jnp
from jax import lax
from jax.experimental import pallas as pl
from jax.experimental.pallas import tpu as pltpu
from jax.experimental.pallas import tpu_sc as plsc

_B = 4
_S = 4096
_H = 1024
_EPS = 1e-12
_NC = 2
_NS = 16
_NW = _NC * _NS
_SPW = _S // _NW
_C = 16
_NCHUNK = _SPW // _C
_LANES = _H // 16


def _vsum(x):
    iota = lax.iota(jnp.int32, 16)
    for k in (8, 4, 2, 1):
        x = x + jnp.take_along_axis(x, iota ^ k, axis=0)
    return x


def _rsqrt(x):
    xi = lax.bitcast_convert_type(x, jnp.int32)
    yi = jnp.int32(0x5F3759DF) - lax.shift_right_logical(xi, 1)
    y = lax.bitcast_convert_type(yi, jnp.float32)
    for _ in range(3):
        y = y * (1.5 - 0.5 * x * y * y)
    return y


def _body(ids_hbm, tok_hbm, pos_hbm, gam_hbm, bet_hbm, out_hbm,
          ids_v, pos_v, tok_v, gam_v, bet_v, gsems, psems):
    wid = lax.axis_index("s") * _NC + lax.axis_index("c")
    s0 = wid * _SPW

    pltpu.sync_copy(gam_hbm, gam_v)
    pltpu.sync_copy(bet_hbm, bet_v)
    for b in range(_B):
        pltpu.sync_copy(ids_hbm.at[pl.ds(b * _S + s0, _SPW)],
                        ids_v.at[pl.ds(b * _SPW, _SPW)])

    def issue_gather(off, z):
        idx = ids_v[pl.ds(off, _C)]
        return pltpu.async_copy(tok_hbm.at[idx], tok_v.at[z], gsems.at[z])

    def issue_pos(spos, z):
        return pltpu.async_copy(pos_hbm.at[pl.ds(spos, _C)], pos_v.at[z],
                                psems.at[z])

    def wait(sem, dst):
        pltpu.make_async_copy(out_hbm.at[pl.ds(0, _C)], dst, sem).wait()

    issue_gather(0, 0)
    issue_pos(s0, 0)

    @pl.loop(0, _NCHUNK, step=2)
    def _chunk(cil):
        for pi in range(2):
            ci = cil + pi
            for b in range(_B):
                z = b % 2
                zn = (z + 1) % 2
                if b == 0:
                    wait(psems.at[pi], pos_v.at[pi])

                    @pl.when(ci < _NCHUNK - 1)
                    def _():
                        issue_pos(s0 + (ci + 1) * _C, (pi + 1) % 2)

                if b < _B - 1:
                    issue_gather((b + 1) * _SPW + ci * _C, zn)
                else:
                    @pl.when(ci < _NCHUNK - 1)
                    def _():
                        issue_gather((ci + 1) * _C, zn)

                wait(gsems.at[z], tok_v.at[z])

                @pl.loop(0, _C)
                def _row(r):
                    def acc_body(i, carry):
                        acc, acc2 = carry
                        sl = pl.ds(i * 16, 16)
                        x = tok_v[z, r, sl] + pos_v[pi, r, sl]
                        tok_v[z, r, sl] = x
                        return acc + x, acc2 + x * x

                    zero = jnp.zeros((16,), jnp.float32)
                    acc, acc2 = lax.fori_loop(0, _LANES, acc_body,
                                              (zero, zero), unroll=4)
                    inv_n = jnp.float32(1.0 / _H)
                    mean = _vsum(acc) * inv_n
                    var = _vsum(acc2) * inv_n - mean * mean
                    rstd = _rsqrt(var + jnp.float32(_EPS))

                    def norm_body(i, _):
                        sl = pl.ds(i * 16, 16)
                        x = tok_v[z, r, sl]
                        tok_v[z, r, sl] = ((x - mean) * rstd * gam_v[sl]
                                           + bet_v[sl])
                        return 0

                    lax.fori_loop(0, _LANES, norm_body, 0, unroll=4)

                pltpu.sync_copy(tok_v.at[z],
                                out_hbm.at[pl.ds(b * _S + s0 + ci * _C, _C)])


@jax.jit
def _emb(ids, tok, pos, gamma, beta):
    mesh = plsc.VectorSubcoreMesh(core_axis_name="c", subcore_axis_name="s",
                                  num_cores=_NC, num_subcores=_NS)
    f = pl.kernel(
        _body,
        out_type=jax.ShapeDtypeStruct((_B * _S, _H), jnp.float32),
        mesh=mesh,
        scratch_types=[
            pltpu.VMEM((_B * _SPW,), jnp.int32),
            pltpu.VMEM((2, _C, _H), jnp.float32),
            pltpu.VMEM((2, _C, _H), jnp.float32),
            pltpu.VMEM((_H,), jnp.float32),
            pltpu.VMEM((_H,), jnp.float32),
            pltpu.SemaphoreType.DMA((2,)),
            pltpu.SemaphoreType.DMA((2,)),
        ],
    )
    return f(ids, tok, pos, gamma, beta)


def kernel(input_ids, token_table, pos_table, gamma, beta):
    ids = input_ids.reshape(-1).astype(jnp.int32)
    out = _emb(ids, token_table, pos_table, gamma, beta)
    return out.reshape(_B, _S, _H)

# --- scband reference (transcript-rebuilt; emitter-appended) ---
"""Pipeline reference for scband-embeddings-38938173505649 (READ-ONLY COPY).

The authoritative reference and input builder live on the scoring server;
editing this copy changes nothing except your own understanding.
"""

import jax, jax.numpy as jnp
import numpy as np

VOCAB = 100000
HID = 1024
MAXPOS = 8192
EPS = 1e-12
B = 4
S = 4096


def setup_inputs(seed: int = 0) -> dict:
    key = jax.random.key(seed)
    k1, k2, k3 = jax.random.split(key, 3)
    input_ids = jax.random.randint(k1, (B, S), 0, VOCAB)
    token_table = jax.random.normal(k2, (VOCAB, HID), dtype=jnp.float32) * 0.02
    pos_table = jax.random.normal(k3, (MAXPOS, HID), dtype=jnp.float32) * 0.02
    gamma = jnp.ones((HID,), dtype=jnp.float32)
    beta = jnp.zeros((HID,), dtype=jnp.float32)
    return {"input_ids": input_ids, "token_table": token_table, "pos_table": pos_table, "gamma": gamma, "beta": beta}


def reference(input_ids, token_table, pos_table, gamma, beta):
    # token embedding gather
    tok_emb = jnp.take(token_table, input_ids, axis=0)            # [B, S, H]
    # position embedding: arange over seq dim, broadcast over batch
    pos_ids = jnp.arange(input_ids.shape[1])
    pos_emb = jnp.take(pos_table, pos_ids, axis=0)[None, :, :]    # [1, S, H]
    emb = tok_emb + pos_emb
    # LayerNorm over last dim (eps from config)
    mean = jnp.mean(emb, axis=-1, keepdims=True)
    var = jnp.var(emb, axis=-1, keepdims=True)
    out = (emb - mean) / jnp.sqrt(var + EPS) * gamma + beta
    # dropout treated as identity (eval mode / deterministic reference)
    return out

if __name__ == "__main__":
    import jax
    _d = setup_inputs()
    print(jax.jit(kernel)(*tuple(_d.values())))

</pallas_src>

<mosaic_0001>
#map = affine_map<(d0, d1) -> (0)>
#map1 = affine_map<(d0, d1) -> (0, 0)>
module attributes {stable_mosaic.version = 14 : i64} {
  func.func @_body(%arg0: i32, %arg1: i32, %arg2: memref<16384xi32, #tpu.memory_space<hbm>>, %arg3: memref<100000x1024xf32, #tpu.memory_space<hbm>>, %arg4: memref<8192x1024xf32, #tpu.memory_space<hbm>>, %arg5: memref<1024xf32, #tpu.memory_space<hbm>>, %arg6: memref<1024xf32, #tpu.memory_space<hbm>>, %arg7: memref<16384x1024xf32, #tpu.memory_space<hbm>>, %arg8: memref<512xi32, #tpu.memory_space<vmem>>, %arg9: memref<2x16x1024xf32, #tpu.memory_space<vmem>>, %arg10: memref<2x16x1024xf32, #tpu.memory_space<vmem>>, %arg11: memref<1024xf32, #tpu.memory_space<vmem>>, %arg12: memref<1024xf32, #tpu.memory_space<vmem>>, %arg13: memref<2x!tpu.dma_semaphore, #tpu.memory_space<semaphore_mem>>, %arg14: memref<2x!tpu.dma_semaphore, #tpu.memory_space<semaphore_mem>>) attributes {dimension_semantics = [#tpu.dimension_semantics<core_parallel>, #tpu.dimension_semantics<subcore_parallel>], iteration_bounds = array<i64: 2, 16>, scalar_prefetch = 0 : i64, scratch_operands = 7 : i64, tpu.core_type = #tpu.core_type<sc_vector_subcore>, window_params = [{transform_indices = #map}, {transform_indices = #map1}, {transform_indices = #map1}, {transform_indices = #map}, {transform_indices = #map}, {transform_indices = #map1}]} {
    %mul3A = arith.constant 2 : i32
    %mul3A_0 = arith.muli %arg1, %mul3A : i32
    %add3A = arith.addi %mul3A_0, %arg0 : i32
    %mul3A_1 = arith.constant 128 : i32
    %mul3A_2 = arith.muli %add3A, %mul3A_1 : i32
    "tpu.region"() ({
      %run_scoped3A = tpu.sem_alloc : memref<!tpu.dma_semaphore, #tpu.memory_space<semaphore_mem>>
      tpu.enqueue_dma source(%arg5 : memref<1024xf32, #tpu.memory_space<hbm>>) target(%arg11 : memref<1024xf32, #tpu.memory_space<vmem>>) target_semaphore(%run_scoped3A : memref<!tpu.dma_semaphore, #tpu.memory_space<semaphore_mem>>)
      tpu.wait_dma2 semaphore(%run_scoped3A : memref<!tpu.dma_semaphore, #tpu.memory_space<semaphore_mem>>) src(%arg5 : memref<1024xf32, #tpu.memory_space<hbm>>) dst(%arg11 : memref<1024xf32, #tpu.memory_space<vmem>>)
      tpu.yield
    }) : () -> ()
    "tpu.region"() ({
      %run_scoped3A = tpu.sem_alloc : memref<!tpu.dma_semaphore, #tpu.memory_space<semaphore_mem>>
      tpu.enqueue_dma source(%arg6 : memref<1024xf32, #tpu.memory_space<hbm>>) target(%arg12 : memref<1024xf32, #tpu.memory_space<vmem>>) target_semaphore(%run_scoped3A : memref<!tpu.dma_semaphore, #tpu.memory_space<semaphore_mem>>)
      tpu.wait_dma2 semaphore(%run_scoped3A : memref<!tpu.dma_semaphore, #tpu.memory_space<semaphore_mem>>) src(%arg6 : memref<1024xf32, #tpu.memory_space<hbm>>) dst(%arg12 : memref<1024xf32, #tpu.memory_space<vmem>>)
      tpu.yield
    }) : () -> ()
    %add3A_3 = arith.constant 0 : i32
    %add3A_4 = arith.addi %add3A_3, %mul3A_2 : i32
    "tpu.region"() ({
      %run_scoped3A = tpu.sem_alloc : memref<!tpu.dma_semaphore, #tpu.memory_space<semaphore_mem>>
      %dma_start3A_43 = arith.constant 0 : i32
      %dma_start3A_44 = tpu.memref_slice %arg8[%dma_start3A_43] : memref<512xi32, #tpu.memory_space<vmem>> -> memref<128xi32, #tpu.memory_space<vmem>>
      %dma_start3A_45 = tpu.memref_slice %arg2[%add3A_4] : memref<16384xi32, #tpu.memory_space<hbm>> -> memref<128xi32, #tpu.memory_space<hbm>>
      %dma_start3A_46 = arith.constant 0 : i32
      %dma_start3A_47 = tpu.memref_slice %arg8[%dma_start3A_46] : memref<512xi32, #tpu.memory_space<vmem>> -> memref<128xi32, #tpu.memory_space<vmem>>
      %dma_start3A_48 = tpu.memref_slice %arg2[%add3A_4] : memref<16384xi32, #tpu.memory_space<hbm>> -> memref<128xi32, #tpu.memory_space<hbm>>
      tpu.enqueue_dma source(%dma_start3A_48 : memref<128xi32, #tpu.memory_space<hbm>>) target(%dma_start3A_47 : memref<128xi32, #tpu.memory_space<vmem>>) target_semaphore(%run_scoped3A : memref<!tpu.dma_semaphore, #tpu.memory_space<semaphore_mem>>)
      %dma_wait3A = arith.constant 0 : i32
      %dma_wait3A_49 = tpu.memref_slice %arg8[%dma_wait3A] : memref<512xi32, #tpu.memory_space<vmem>> -> memref<128xi32, #tpu.memory_space<vmem>>
      %dma_wait3A_50 = tpu.memref_slice %arg2[%add3A_4] : memref<16384xi32, #tpu.memory_space<hbm>> -> memref<128xi32, #tpu.memory_space<hbm>>
      %dma_wait3A_51 = arith.constant 0 : i32
      %dma_wait3A_52 = tpu.memref_slice %arg8[%dma_wait3A_51] : memref<512xi32, #tpu.memory_space<vmem>> -> memref<128xi32, #tpu.memory_space<vmem>>
      %dma_wait3A_53 = tpu.memref_slice %arg2[%add3A_4] : memref<16384xi32, #tpu.memory_space<hbm>> -> memref<128xi32, #tpu.memory_space<hbm>>
      tpu.wait_dma2 semaphore(%run_scoped3A : memref<!tpu.dma_semaphore, #tpu.memory_space<semaphore_mem>>) src(%dma_wait3A_53 : memref<128xi32, #tpu.memory_space<hbm>>) dst(%dma_wait3A_52 : memref<128xi32, #tpu.memory_space<vmem>>)
      tpu.yield
    }) : () -> ()
    %add3A_5 = arith.constant 4096 : i32
    %add3A_6 = arith.addi %add3A_5, %mul3A_2 : i32
    "tpu.region"() ({
      %run_scoped3A = tpu.sem_alloc : memref<!tpu.dma_semaphore, #tpu.memory_space<semaphore_mem>>
      %dma_start3A_43 = arith.constant 128 : i32
      %dma_start3A_44 = tpu.memref_slice %arg8[%dma_start3A_43] : memref<512xi32, #tpu.memory_space<vmem>> -> memref<128xi32, #tpu.memory_space<vmem>>
      %dma_start3A_45 = tpu.memref_slice %arg2[%add3A_6] : memref<16384xi32, #tpu.memory_space<hbm>> -> memref<128xi32, #tpu.memory_space<hbm>>
      %dma_start3A_46 = arith.constant 128 : i32
      %dma_start3A_47 = tpu.memref_slice %arg8[%dma_start3A_46] : memref<512xi32, #tpu.memory_space<vmem>> -> memref<128xi32, #tpu.memory_space<vmem>>
      %dma_start3A_48 = tpu.memref_slice %arg2[%add3A_6] : memref<16384xi32, #tpu.memory_space<hbm>> -> memref<128xi32, #tpu.memory_space<hbm>>
      tpu.enqueue_dma source(%dma_start3A_48 : memref<128xi32, #tpu.memory_space<hbm>>) target(%dma_start3A_47 : memref<128xi32, #tpu.memory_space<vmem>>) target_semaphore(%run_scoped3A : memref<!tpu.dma_semaphore, #tpu.memory_space<semaphore_mem>>)
      %dma_wait3A = arith.constant 128 : i32
      %dma_wait3A_49 = tpu.memref_slice %arg8[%dma_wait3A] : memref<512xi32, #tpu.memory_space<vmem>> -> memref<128xi32, #tpu.memory_space<vmem>>
      %dma_wait3A_50 = tpu.memref_slice %arg2[%add3A_6] : memref<16384xi32, #tpu.memory_space<hbm>> -> memref<128xi32, #tpu.memory_space<hbm>>
      %dma_wait3A_51 = arith.constant 128 : i32
      %dma_wait3A_52 = tpu.memref_slice %arg8[%dma_wait3A_51] : memref<512xi32, #tpu.memory_space<vmem>> -> memref<128xi32, #tpu.memory_space<vmem>>
      %dma_wait3A_53 = tpu.memref_slice %arg2[%add3A_6] : memref<16384xi32, #tpu.memory_space<hbm>> -> memref<128xi32, #tpu.memory_space<hbm>>
      tpu.wait_dma2 semaphore(%run_scoped3A : memref<!tpu.dma_semaphore, #tpu.memory_space<semaphore_mem>>) src(%dma_wait3A_53 : memref<128xi32, #tpu.memory_space<hbm>>) dst(%dma_wait3A_52 : memref<128xi32, #tpu.memory_space<vmem>>)
      tpu.yield
    }) : () -> ()
    %add3A_7 = arith.constant 8192 : i32
    %add3A_8 = arith.addi %add3A_7, %mul3A_2 : i32
    "tpu.region"() ({
      %run_scoped3A = tpu.sem_alloc : memref<!tpu.dma_semaphore, #tpu.memory_space<semaphore_mem>>
      %dma_start3A_43 = arith.constant 256 : i32
      %dma_start3A_44 = tpu.memref_slice %arg8[%dma_start3A_43] : memref<512xi32, #tpu.memory_space<vmem>> -> memref<128xi32, #tpu.memory_space<vmem>>
      %dma_start3A_45 = tpu.memref_slice %arg2[%add3A_8] : memref<16384xi32, #tpu.memory_space<hbm>> -> memref<128xi32, #tpu.memory_space<hbm>>
      %dma_start3A_46 = arith.constant 256 : i32
      %dma_start3A_47 = tpu.memref_slice %arg8[%dma_start3A_46] : memref<512xi32, #tpu.memory_space<vmem>> -> memref<128xi32, #tpu.memory_space<vmem>>
      %dma_start3A_48 = tpu.memref_slice %arg2[%add3A_8] : memref<16384xi32, #tpu.memory_space<hbm>> -> memref<128xi32, #tpu.memory_space<hbm>>
      tpu.enqueue_dma source(%dma_start3A_48 : memref<128xi32, #tpu.memory_space<hbm>>) target(%dma_start3A_47 : memref<128xi32, #tpu.memory_space<vmem>>) target_semaphore(%run_scoped3A : memref<!tpu.dma_semaphore, #tpu.memory_space<semaphore_mem>>)
      %dma_wait3A = arith.constant 256 : i32
      %dma_wait3A_49 = tpu.memref_slice %arg8[%dma_wait3A] : memref<512xi32, #tpu.memory_space<vmem>> -> memref<128xi32, #tpu.memory_space<vmem>>
      %dma_wait3A_50 = tpu.memref_slice %arg2[%add3A_8] : memref<16384xi32, #tpu.memory_space<hbm>> -> memref<128xi32, #tpu.memory_space<hbm>>
      %dma_wait3A_51 = arith.constant 256 : i32
      %dma_wait3A_52 = tpu.memref_slice %arg8[%dma_wait3A_51] : memref<512xi32, #tpu.memory_space<vmem>> -> memref<128xi32, #tpu.memory_space<vmem>>
      %dma_wait3A_53 = tpu.memref_slice %arg2[%add3A_8] : memref<16384xi32, #tpu.memory_space<hbm>> -> memref<128xi32, #tpu.memory_space<hbm>>
      tpu.wait_dma2 semaphore(%run_scoped3A : memref<!tpu.dma_semaphore, #tpu.memory_space<semaphore_mem>>) src(%dma_wait3A_53 : memref<128xi32, #tpu.memory_space<hbm>>) dst(%dma_wait3A_52 : memref<128xi32, #tpu.memory_space<vmem>>)
      tpu.yield
    }) : () -> ()
    %add3A_9 = arith.constant 12288 : i32
    %add3A_10 = arith.addi %add3A_9, %mul3A_2 : i32
    "tpu.region"() ({
      %run_scoped3A = tpu.sem_alloc : memref<!tpu.dma_semaphore, #tpu.memory_space<semaphore_mem>>
      %dma_start3A_43 = arith.constant 384 : i32
      %dma_start3A_44 = tpu.memref_slice %arg8[%dma_start3A_43] : memref<512xi32, #tpu.memory_space<vmem>> -> memref<128xi32, #tpu.memory_space<vmem>>
      %dma_start3A_45 = tpu.memref_slice %arg2[%add3A_10] : memref<16384xi32, #tpu.memory_space<hbm>> -> memref<128xi32, #tpu.memory_space<hbm>>
      %dma_start3A_46 = arith.constant 384 : i32
      %dma_start3A_47 = tpu.memref_slice %arg8[%dma_start3A_46] : memref<512xi32, #tpu.memory_space<vmem>> -> memref<128xi32, #tpu.memory_space<vmem>>
      %dma_start3A_48 = tpu.memref_slice %arg2[%add3A_10] : memref<16384xi32, #tpu.memory_space<hbm>> -> memref<128xi32, #tpu.memory_space<hbm>>
      tpu.enqueue_dma source(%dma_start3A_48 : memref<128xi32, #tpu.memory_space<hbm>>) target(%dma_start3A_47 : memref<128xi32, #tpu.memory_space<vmem>>) target_semaphore(%run_scoped3A : memref<!tpu.dma_semaphore, #tpu.memory_space<semaphore_mem>>)
      %dma_wait3A = arith.constant 384 : i32
      %dma_wait3A_49 = tpu.memref_slice %arg8[%dma_wait3A] : memref<512xi32, #tpu.memory_space<vmem>> -> memref<128xi32, #tpu.memory_space<vmem>>
      %dma_wait3A_50 = tpu.memref_slice %arg2[%add3A_10] : memref<16384xi32, #tpu.memory_space<hbm>> -> memref<128xi32, #tpu.memory_space<hbm>>
      %dma_wait3A_51 = arith.constant 384 : i32
      %dma_wait3A_52 = tpu.memref_slice %arg8[%dma_wait3A_51] : memref<512xi32, #tpu.memory_space<vmem>> -> memref<128xi32, #tpu.memory_space<vmem>>
      %dma_wait3A_53 = tpu.memref_slice %arg2[%add3A_10] : memref<16384xi32, #tpu.memory_space<hbm>> -> memref<128xi32, #tpu.memory_space<hbm>>
      tpu.wait_dma2 semaphore(%run_scoped3A : memref<!tpu.dma_semaphore, #tpu.memory_space<semaphore_mem>>) src(%dma_wait3A_53 : memref<128xi32, #tpu.memory_space<hbm>>) dst(%dma_wait3A_52 : memref<128xi32, #tpu.memory_space<vmem>>)
      tpu.yield
    }) : () -> ()
    %get3A = arith.constant 0 : index
    %get3A_11 = tpu.vector_load %arg8[%get3A] {strides = array<i32>} : memref<512xi32, #tpu.memory_space<vmem>>, vector<16xi32>,
    %get3A_12 = vector.shape_cast %get3A_11 : vector<16xi32> to vector<16xi32>
    %dma_start3A = arith.constant 0 : i32
    %dma_start3A_13 = arith.constant 0 : i32
    %dma_start3A_14 = arith.constant 0 : i32
    %dma_start3A_15 = arith.constant 0 : i32
    %dma_start3A_16 = tpu.memref_slice %arg10[%dma_start3A, %dma_start3A_14, %dma_start3A_15] : memref<2x16x1024xf32, #tpu.memory_space<vmem>> -> memref<1x16x1024xf32, #tpu.memory_space<vmem>>
    %dma_start3A_17 = tpu.memref_squeeze %dma_start3A_16 : memref<1x16x1024xf32, #tpu.memory_space<vmem>> -> memref<16x1024xf32, #tpu.memory_space<vmem>>
    %dma_start3A_18 = arith.constant 0 : i32
    %dma_start3A_19 = arith.constant 0 : i32
    %dma_start3A_20 = tpu.memref_slice %arg3[%dma_start3A_18, %dma_start3A_19] : memref<100000x1024xf32, #tpu.memory_space<hbm>> -> memref<100000x1024xf32, #tpu.memory_space<hbm>>
    %dma_start3A_21 = tpu.memref_slice %arg13[%dma_start3A_13] : memref<2x!tpu.dma_semaphore, #tpu.memory_space<semaphore_mem>> -> memref<1x!tpu.dma_semaphore, #tpu.memory_space<semaphore_mem>>
    %dma_start3A_22 = tpu.memref_squeeze %dma_start3A_21 : memref<1x!tpu.dma_semaphore, #tpu.memory_space<semaphore_mem>> -> memref<!tpu.dma_semaphore, #tpu.memory_space<semaphore_mem>>
    tpu.enqueue_indirect_dma source(%dma_start3A_20 : memref<100000x1024xf32, #tpu.memory_space<hbm>>) target(%dma_start3A_17 : memref<16x1024xf32, #tpu.memory_space<vmem>>) offsets(%get3A_12 : vector<16xi32>) semaphore(%dma_start3A_22 : memref<!tpu.dma_semaphore, #tpu.memory_space<semaphore_mem>>)
    %dma_start3A_23 = arith.constant 0 : i32
    %dma_start3A_24 = arith.constant 0 : i32
    %dma_start3A_25 = arith.constant 0 : i32
    %dma_start3A_26 = arith.constant 0 : i32
    %dma_start3A_27 = tpu.memref_slice %arg9[%dma_start3A_23, %dma_start3A_25, %dma_start3A_26] : memref<2x16x1024xf32, #tpu.memory_space<vmem>> -> memref<1x16x1024xf32, #tpu.memory_space<vmem>>
    %dma_start3A_28 = tpu.memref_squeeze %dma_start3A_27 : memref<1x16x1024xf32, #tpu.memory_space<vmem>> -> memref<16x1024xf32, #tpu.memory_space<vmem>>
    %dma_start3A_29 = arith.constant 0 : i32
    %dma_start3A_30 = tpu.memref_slice %arg4[%mul3A_2, %dma_start3A_29] : memref<8192x1024xf32, #tpu.memory_space<hbm>> -> memref<16x1024xf32, #tpu.memory_space<hbm>>
    %dma_start3A_31 = tpu.memref_slice %arg14[%dma_start3A_24] : memref<2x!tpu.dma_semaphore, #tpu.memory_space<semaphore_mem>> -> memref<1x!tpu.dma_semaphore, #tpu.memory_space<semaphore_mem>>
    %dma_start3A_32 = tpu.memref_squeeze %dma_start3A_31 : memref<1x!tpu.dma_semaphore, #tpu.memory_space<semaphore_mem>> -> memref<!tpu.dma_semaphore, #tpu.memory_space<semaphore_mem>>
    %dma_start3A_33 = arith.constant 0 : i32
    %dma_start3A_34 = arith.constant 0 : i32
    %dma_start3A_35 = tpu.memref_slice %arg9[%dma_start3A_23, %dma_start3A_33, %dma_start3A_34] : memref<2x16x1024xf32, #tpu.memory_space<vmem>> -> memref<1x16x1024xf32, #tpu.memory_space<vmem>>
    %dma_start3A_36 = tpu.memref_squeeze %dma_start3A_35 : memref<1x16x1024xf32, #tpu.memory_space<vmem>> -> memref<16x1024xf32, #tpu.memory_space<vmem>>
    %dma_start3A_37 = arith.constant 0 : i32
    %dma_start3A_38 = tpu.memref_slice %arg4[%mul3A_2, %dma_start3A_37] : memref<8192x1024xf32, #tpu.memory_space<hbm>> -> memref<16x1024xf32, #tpu.memory_space<hbm>>
    tpu.enqueue_dma source(%dma_start3A_38 : memref<16x1024xf32, #tpu.memory_space<hbm>>) target(%dma_start3A_36 : memref<16x1024xf32, #tpu.memory_space<vmem>>) target_semaphore(%dma_start3A_32 : memref<!tpu.dma_semaphore, #tpu.memory_space<semaphore_mem>>)
    %scan3A = arith.constant 0 : i32
    %scan3A_39 = arith.constant 4 : i32
    %scan3A_40 = arith.addi %scan3A, %scan3A_39 : i32
    %scan3A_41 = arith.constant 1 : i32
    scf.for %scan3A_43 = %scan3A to %scan3A_40 step %scan3A_41  : i32 {
      %mul3A_44 = arith.constant 2 : i32
      %mul3A_45 = arith.muli %scan3A_43, %mul3A_44 : i32
      %add3A_46 = arith.constant 0 : i32
      %add3A_47 = arith.addi %add3A_46, %mul3A_45 : i32
      %add3A_48 = arith.constant 0 : i32
      %add3A_49 = arith.addi %add3A_47, %add3A_48 : i32
      %dma_wait3A = arith.constant 0 : i32
      %dma_wait3A_50 = arith.constant 0 : i32
      %dma_wait3A_51 = arith.constant 0 : i32
      %dma_wait3A_52 = arith.constant 0 : i32
      %dma_wait3A_53 = tpu.memref_slice %arg9[%dma_wait3A, %dma_wait3A_51, %dma_wait3A_52] : memref<2x16x1024xf32, #tpu.memory_space<vmem>> -> memref<1x16x1024xf32, #tpu.memory_space<vmem>>
      %dma_wait3A_54 = tpu.memref_squeeze %dma_wait3A_53 : memref<1x16x1024xf32, #tpu.memory_space<vmem>> -> memref<16x1024xf32, #tpu.memory_space<vmem>>
      %dma_wait3A_55 = arith.constant 0 : i32
      %dma_wait3A_56 = arith.constant 0 : i32
      %dma_wait3A_57 = tpu.memref_slice %arg7[%dma_wait3A_55, %dma_wait3A_56] : memref<16384x1024xf32, #tpu.memory_space<hbm>> -> memref<16x1024xf32, #tpu.memory_space<hbm>>
      %dma_wait3A_58 = tpu.memref_slice %arg14[%dma_wait3A_50] : memref<2x!tpu.dma_semaphore, #tpu.memory_space<semaphore_mem>> -> memref<1x!tpu.dma_semaphore, #tpu.memory_space<semaphore_mem>>
      %dma_wait3A_59 = tpu.memref_squeeze %dma_wait3A_58 : memref<1x!tpu.dma_semaphore, #tpu.memory_space<semaphore_mem>> -> memref<!tpu.dma_semaphore, #tpu.memory_space<semaphore_mem>>
      %dma_wait3A_60 = arith.constant 0 : i32
      %dma_wait3A_61 = arith.constant 0 : i32
      %dma_wait3A_62 = tpu.memref_slice %arg9[%dma_wait3A, %dma_wait3A_60, %dma_wait3A_61] : memref<2x16x1024xf32, #tpu.memory_space<vmem>> -> memref<1x16x1024xf32, #tpu.memory_space<vmem>>
      %dma_wait3A_63 = tpu.memref_squeeze %dma_wait3A_62 : memref<1x16x1024xf32, #tpu.memory_space<vmem>> -> memref<16x1024xf32, #tpu.memory_space<vmem>>
      %dma_wait3A_64 = arith.constant 0 : i32
      %dma_wait3A_65 = arith.constant 0 : i32
      %dma_wait3A_66 = tpu.memref_slice %arg7[%dma_wait3A_64, %dma_wait3A_65] : memref<16384x1024xf32, #tpu.memory_space<hbm>> -> memref<16x1024xf32, #tpu.memory_space<hbm>>
      tpu.wait_dma2 semaphore(%dma_wait3A_59 : memref<!tpu.dma_semaphore, #tpu.memory_space<semaphore_mem>>) src(%dma_wait3A_66 : memref<16x1024xf32, #tpu.memory_space<hbm>>) dst(%dma_wait3A_63 : memref<16x1024xf32, #tpu.memory_space<vmem>>)
      %lt3A = arith.constant 7 : i32
      %lt3A_67 = arith.cmpi slt, %add3A_49, %lt3A : i32
      %convert_element_type3A = arith.extui %lt3A_67 : i1 to i32
      %cond3A = arith.constant 0 : i32
      %cond3A_68 = arith.cmpi ne, %convert_element_type3A, %cond3A : i32
      scf.if %cond3A_68 {
        %add3A_443 = arith.constant 1 : i32
        %add3A_444 = arith.addi %add3A_49, %add3A_443 : i32
        %mul3A_445 = arith.constant 16 : i32
        %mul3A_446 = arith.muli %add3A_444, %mul3A_445 : i32
        %add3A_447 = arith.addi %mul3A_2, %mul3A_446 : i32
        %dma_start3A_448 = arith.constant 1 : i32
        %dma_start3A_449 = arith.constant 1 : i32
        %dma_start3A_450 = arith.constant 0 : i32
        %dma_start3A_451 = arith.constant 0 : i32
        %dma_start3A_452 = tpu.memref_slice %arg9[%dma_start3A_448, %dma_start3A_450, %dma_start3A_451] : memref<2x16x1024xf32, #tpu.memory_space<vmem>> -> memref<1x16x1024xf32, #tpu.memory_space<vmem>>
        %dma_start3A_453 = tpu.memref_squeeze %dma_start3A_452 : memref<1x16x1024xf32, #tpu.memory_space<vmem>> -> memref<16x1024xf32, #tpu.memory_space<vmem>>
        %dma_start3A_454 = arith.constant 0 : i32
        %dma_start3A_455 = tpu.memref_slice %arg4[%add3A_447, %dma_start3A_454] : memref<8192x1024xf32, #tpu.memory_space<hbm>> -> memref<16x1024xf32, #tpu.memory_space<hbm>>
        %dma_start3A_456 = tpu.memref_slice %arg14[%dma_start3A_449] : memref<2x!tpu.dma_semaphore, #tpu.memory_space<semaphore_mem>> -> memref<1x!tpu.dma_semaphore, #tpu.memory_space<semaphore_mem>>
        %dma_start3A_457 = tpu.memref_squeeze %dma_start3A_456 : memref<1x!tpu.dma_semaphore, #tpu.memory_space<semaphore_mem>> -> memref<!tpu.dma_semaphore, #tpu.memory_space<semaphore_mem>>
        %dma_start3A_458 = arith.constant 0 : i32
        %dma_start3A_459 = arith.constant 0 : i32
        %dma_start3A_460 = tpu.memref_slice %arg9[%dma_start3A_448, %dma_start3A_458, %dma_start3A_459] : memref<2x16x1024xf32, #tpu.memory_space<vmem>> -> memref<1x16x1024xf32, #tpu.memory_space<vmem>>
        %dma_start3A_461 = tpu.memref_squeeze %dma_start3A_460 : memref<1x16x1024xf32, #tpu.memory_space<vmem>> -> memref<16x1024xf32, #tpu.memory_space<vmem>>
        %dma_start3A_462 = arith.constant 0 : i32
        %dma_start3A_463 = tpu.memref_slice %arg4[%add3A_447, %dma_start3A_462] : memref<8192x1024xf32, #tpu.memory_space<hbm>> -> memref<16x1024xf32, #tpu.memory_space<hbm>>
        tpu.enqueue_dma source(%dma_start3A_463 : memref<16x1024xf32, #tpu.memory_space<hbm>>) target(%dma_start3A_461 : memref<16x1024xf32, #tpu.memory_space<vmem>>) target_semaphore(%dma_start3A_457 : memref<!tpu.dma_semaphore, #tpu.memory_space<semaphore_mem>>)
      } else {
      }
      %mul3A_69 = arith.constant 16 : i32
      %mul3A_70 = arith.muli %add3A_49, %mul3A_69 : i32
      %add3A_71 = arith.constant 128 : i32
      %add3A_72 = arith.addi %add3A_71, %mul3A_70 : i32
      %get3A_73 = arith.index_cast %add3A_72 : i32 to index
      %get3A_74 = tpu.vector_load %arg8[%get3A_73] {strides = array<i32>} : memref<512xi32, #tpu.memory_space<vmem>>, vector<16xi32>,
      %get3A_75 = vector.shape_cast %get3A_74 : vector<16xi32> to vector<16xi32>
      %dma_start3A_76 = arith.constant 1 : i32
      %dma_start3A_77 = arith.constant 1 : i32
      %dma_start3A_78 = arith.constant 0 : i32
      %dma_start3A_79 = arith.constant 0 : i32
      %dma_start3A_80 = tpu.memref_slice %arg10[%dma_start3A_76, %dma_start3A_78, %dma_start3A_79] : memref<2x16x1024xf32, #tpu.memory_space<vmem>> -> memref<1x16x1024xf32, #tpu.memory_space<vmem>>
      %dma_start3A_81 = tpu.memref_squeeze %dma_start3A_80 : memref<1x16x1024xf32, #tpu.memory_space<vmem>> -> memref<16x1024xf32, #tpu.memory_space<vmem>>
      %dma_start3A_82 = arith.constant 0 : i32
      %dma_start3A_83 = arith.constant 0 : i32
      %dma_start3A_84 = tpu.memref_slice %arg3[%dma_start3A_82, %dma_start3A_83] : memref<100000x1024xf32, #tpu.memory_space<hbm>> -> memref<100000x1024xf32, #tpu.memory_space<hbm>>
      %dma_start3A_85 = tpu.memref_slice %arg13[%dma_start3A_77] : memref<2x!tpu.dma_semaphore, #tpu.memory_space<semaphore_mem>> -> memref<1x!tpu.dma_semaphore, #tpu.memory_space<semaphore_mem>>
      %dma_start3A_86 = tpu.memref_squeeze %dma_start3A_85 : memref<1x!tpu.dma_semaphore, #tpu.memory_space<semaphore_mem>> -> memref<!tpu.dma_semaphore, #tpu.memory_space<semaphore_mem>>
      tpu.enqueue_indirect_dma source(%dma_start3A_84 : memref<100000x1024xf32, #tpu.memory_space<hbm>>) target(%dma_start3A_81 : memref<16x1024xf32, #tpu.memory_space<vmem>>) offsets(%get3A_75 : vector<16xi32>) semaphore(%dma_start3A_86 : memref<!tpu.dma_semaphore, #tpu.memory_space<semaphore_mem>>)
      %dma_wait3A_87 = arith.constant 0 : i32
      %dma_wait3A_88 = arith.constant 0 : i32
      %dma_wait3A_89 = arith.constant 0 : i32
      %dma_wait3A_90 = arith.constant 0 : i32
      %dma_wait3A_91 = tpu.memref_slice %arg10[%dma_wait3A_87, %dma_wait3A_89, %dma_wait3A_90] : memref<2x16x1024xf32, #tpu.memory_space<vmem>> -> memref<1x16x1024xf32, #tpu.memory_space<vmem>>
      %dma_wait3A_92 = tpu.memref_squeeze %dma_wait3A_91 : memref<1x16x1024xf32, #tpu.memory_space<vmem>> -> memref<16x1024xf32, #tpu.memory_space<vmem>>
      %dma_wait3A_93 = arith.constant 0 : i32
      %dma_wait3A_94 = arith.constant 0 : i32
      %dma_wait3A_95 = tpu.memref_slice %arg7[%dma_wait3A_93, %dma_wait3A_94] : memref<16384x1024xf32, #tpu.memory_space<hbm>> -> memref<16x1024xf32, #tpu.memory_space<hbm>>
      %dma_wait3A_96 = tpu.memref_slice %arg13[%dma_wait3A_88] : memref<2x!tpu.dma_semaphore, #tpu.memory_space<semaphore_mem>> -> memref<1x!tpu.dma_semaphore, #tpu.memory_space<semaphore_mem>>
      %dma_wait3A_97 = tpu.memref_squeeze %dma_wait3A_96 : memref<1x!tpu.dma_semaphore, #tpu.memory_space<semaphore_mem>> -> memref<!tpu.dma_semaphore, #tpu.memory_space<semaphore_mem>>
      %dma_wait3A_98 = arith.constant 0 : i32
      %dma_wait3A_99 = arith.constant 0 : i32
      %dma_wait3A_100 = tpu.memref_slice %arg10[%dma_wait3A_87, %dma_wait3A_98, %dma_wait3A_99] : memref<2x16x1024xf32, #tpu.memory_space<vmem>> -> memref<1x16x1024xf32, #tpu.memory_space<vmem>>
      %dma_wait3A_101 = tpu.memref_squeeze %dma_wait3A_100 : memref<1x16x1024xf32, #tpu.memory_space<vmem>> -> memref<16x1024xf32, #tpu.memory_space<vmem>>
      %dma_wait3A_102 = arith.constant 0 : i32
      %dma_wait3A_103 = arith.constant 0 : i32
      %dma_wait3A_104 = tpu.memref_slice %arg7[%dma_wait3A_102, %dma_wait3A_103] : memref<16384x1024xf32, #tpu.memory_space<hbm>> -> memref<16x1024xf32, #tpu.memory_space<hbm>>
      tpu.wait_dma2 semaphore(%dma_wait3A_97 : memref<!tpu.dma_semaphore, #tpu.memory_space<semaphore_mem>>) src(%dma_wait3A_104 : memref<16x1024xf32, #tpu.memory_space<hbm>>) dst(%dma_wait3A_101 : memref<16x1024xf32, #tpu.memory_space<vmem>>)
      %scan3A_105 = arith.constant 0 : i32
      %scan3A_106 = arith.constant 16 : i32
      %scan3A_107 = arith.addi %scan3A_105, %scan3A_106 : i32
      %scan3A_108 = arith.constant 1 : i32
      scf.for %scan3A_443 = %scan3A_105 to %scan3A_107 step %scan3A_108  : i32 {
        %mul3A_444 = arith.constant 1 : i32
        %mul3A_445 = arith.muli %scan3A_443, %mul3A_444 : i32
        %add3A_446 = arith.constant 0 : i32
        %add3A_447 = arith.addi %add3A_446, %mul3A_445 : i32
        %broadcast_in_dim3A = arith.constant 0.000000e+00 : f32
        %broadcast_in_dim3A_448 = vector.broadcast %broadcast_in_dim3A : f32 to vector<16xf32>
        %scan3A_449 = arith.constant 0 : i32
        %scan3A_450 = arith.constant 64 : i32
        %scan3A_451 = arith.addi %scan3A_449, %scan3A_450 : i32
        %scan3A_452 = arith.constant 4 : i32
        %scan3A_453:2 = scf.for %scan3A_614 = %scan3A_449 to %scan3A_451 step %scan3A_452 iter_args(%scan3A_615 = %broadcast_in_dim3A_448, %scan3A_616 = %broadcast_in_dim3A_448) -> (vector<16xf32>, vector<16xf32>)  : i32 {
          %mul3A_617 = arith.constant 16 : i32
          %mul3A_618 = arith.muli %scan3A_614, %mul3A_617 : i32
          %get3A_619 = arith.constant 0 : i32
          %get3A_620 = arith.index_cast %get3A_619 : i32 to index
          %get3A_621 = arith.index_cast %add3A_447 : i32 to index
          %get3A_622 = arith.index_cast %mul3A_618 : i32 to index
          %get3A_623 = tpu.vector_load %arg10[%get3A_620, %get3A_621, %get3A_622] {strides = array<i32>} : memref<2x16x1024xf32, #tpu.memory_space<vmem>>, vector<1x1x16xf32>,
          %get3A_624 = vector.shape_cast %get3A_623 : vector<1x1x16xf32> to vector<16xf32>
          %get3A_625 = arith.constant 0 : i32
          %get3A_626 = arith.index_cast %get3A_625 : i32 to index
          %get3A_627 = arith.index_cast %add3A_447 : i32 to index
          %get3A_628 = arith.index_cast %mul3A_618 : i32 to index
          %get3A_629 = tpu.vector_load %arg9[%get3A_626, %get3A_627, %get3A_628] {strides = array<i32>} : memref<2x16x1024xf32, #tpu.memory_space<vmem>>, vector<1x1x16xf32>,
          %get3A_630 = vector.shape_cast %get3A_629 : vector<1x1x16xf32> to vector<16xf32>
          %add3A_631 = arith.addf %get3A_624, %get3A_630 : vector<16xf32>
          %swap3A = arith.constant 0 : i32
          %swap3A_632 = arith.index_cast %swap3A : i32 to index
          %swap3A_633 = arith.index_cast %add3A_447 : i32 to index
          %swap3A_634 = arith.index_cast %mul3A_618 : i32 to index
          %swap3A_635 = tpu.vector_load %arg10[%swap3A_632, %swap3A_633, %swap3A_634] {strides = array<i32>} : memref<2x16x1024xf32, #tpu.memory_space<vmem>>, vector<1x1x16xf32>,
          %swap3A_636 = vector.shape_cast %swap3A_635 : vector<1x1x16xf32> to vector<16xf32>
          %swap3A_637 = vector.shape_cast %add3A_631 : vector<16xf32> to vector<1x1x16xf32>
          tpu.vector_store %arg10[%swap3A_632, %swap3A_633, %swap3A_634], %swap3A_637 {strides = array<i32>} : memref<2x16x1024xf32, #tpu.memory_space<vmem>>, vector<1x1x16xf32>,
          %add3A_638 = arith.addf %scan3A_615, %add3A_631 : vector<16xf32>
          %mul3A_639 = arith.mulf %add3A_631, %add3A_631 : vector<16xf32>
          %add3A_640 = arith.addf %scan3A_616, %mul3A_639 : vector<16xf32>
          %scan3A_641 = arith.constant 1 : i32
          %scan3A_642 = arith.addi %scan3A_614, %scan3A_641 : i32
          %mul3A_643 = arith.constant 16 : i32
          %mul3A_644 = arith.muli %scan3A_642, %mul3A_643 : i32
          %get3A_645 = arith.constant 0 : i32
          %get3A_646 = arith.index_cast %get3A_645 : i32 to index
          %get3A_647 = arith.index_cast %add3A_447 : i32 to index
          %get3A_648 = arith.index_cast %mul3A_644 : i32 to index
          %get3A_649 = tpu.vector_load %arg10[%get3A_646, %get3A_647, %get3A_648] {strides = array<i32>} : memref<2x16x1024xf32, #tpu.memory_space<vmem>>, vector<1x1x16xf32>,
          %get3A_650 = vector.shape_cast %get3A_649 : vector<1x1x16xf32> to vector<16xf32>
          %get3A_651 = arith.constant 0 : i32
          %get3A_652 = arith.index_cast %get3A_651 : i32 to index
          %get3A_653 = arith.index_cast %add3A_447 : i32 to index
          %get3A_654 = arith.index_cast %mul3A_644 : i32 to index
          %get3A_655 = tpu.vector_load %arg9[%get3A_652, %get3A_653, %get3A_654] {strides = array<i32>} : memref<2x16x1024xf32, #tpu.memory_space<vmem>>, vector<1x1x16xf32>,
          %get3A_656 = vector.shape_cast %get3A_655 : vector<1x1x16xf32> to vector<16xf32>
          %add3A_657 = arith.addf %get3A_650, %get3A_656 : vector<16xf32>
          %swap3A_658 = arith.constant 0 : i32
          %swap3A_659 = arith.index_cast %swap3A_658 : i32 to index
          %swap3A_660 = arith.index_cast %add3A_447 : i32 to index
          %swap3A_661 = arith.index_cast %mul3A_644 : i32 to index
          %swap3A_662 = tpu.vector_load %arg10[%swap3A_659, %swap3A_660, %swap3A_661] {strides = array<i32>} : memref<2x16x1024xf32, #tpu.memory_space<vmem>>, vector<1x1x16xf32>,
          %swap3A_663 = vector.shape_cast %swap3A_662 : vector<1x1x16xf32> to vector<16xf32>
          %swap3A_664 = vector.shape_cast %add3A_657 : vector<16xf32> to vector<1x1x16xf32>
          tpu.vector_store %arg10[%swap3A_659, %swap3A_660, %swap3A_661], %swap3A_664 {strides = array<i32>} : memref<2x16x1024xf32, #tpu.memory_space<vmem>>, vector<1x1x16xf32>,
          %add3A_665 = arith.addf %add3A_638, %add3A_657 : vector<16xf32>
          %mul3A_666 = arith.mulf %add3A_657, %add3A_657 : vector<16xf32>
          %add3A_667 = arith.addf %add3A_640, %mul3A_666 : vector<16xf32>
          %scan3A_668 = arith.constant 2 : i32
          %scan3A_669 = arith.addi %scan3A_614, %scan3A_668 : i32
          %mul3A_670 = arith.constant 16 : i32
          %mul3A_671 = arith.muli %scan3A_669, %mul3A_670 : i32
          %get3A_672 = arith.constant 0 : i32
          %get3A_673 = arith.index_cast %get3A_672 : i32 to index
          %get3A_674 = arith.index_cast %add3A_447 : i32 to index
          %get3A_675 = arith.index_cast %mul3A_671 : i32 to index
          %get3A_676 = tpu.vector_load %arg10[%get3A_673, %get3A_674, %get3A_675] {strides = array<i32>} : memref<2x16x1024xf32, #tpu.memory_space<vmem>>, vector<1x1x16xf32>,
          %get3A_677 = vector.shape_cast %get3A_676 : vector<1x1x16xf32> to vector<16xf32>
          %get3A_678 = arith.constant 0 : i32
          %get3A_679 = arith.index_cast %get3A_678 : i32 to index
          %get3A_680 = arith.index_cast %add3A_447 : i32 to index
          %get3A_681 = arith.index_cast %mul3A_671 : i32 to index
          %get3A_682 = tpu.vector_load %arg9[%get3A_679, %get3A_680, %get3A_681] {strides = array<i32>} : memref<2x16x1024xf32, #tpu.memory_space<vmem>>, vector<1x1x16xf32>,
          %get3A_683 = vector.shape_cast %get3A_682 : vector<1x1x16xf32> to vector<16xf32>
          %add3A_684 = arith.addf %get3A_677, %get3A_683 : vector<16xf32>
          %swap3A_685 = arith.constant 0 : i32
          %swap3A_686 = arith.index_cast %swap3A_685 : i32 to index
          %swap3A_687 = arith.index_cast %add3A_447 : i32 to index
          %swap3A_688 = arith.index_cast %mul3A_671 : i32 to index
          %swap3A_689 = tpu.vector_load %arg10[%swap3A_686, %swap3A_687, %swap3A_688] {strides = array<i32>} : memref<2x16x1024xf32, #tpu.memory_space<vmem>>, vector<1x1x16xf32>,
          %swap3A_690 = vector.shape_cast %swap3A_689 : vector<1x1x16xf32> to vector<16xf32>
          %swap3A_691 = vector.shape_cast %add3A_684 : vector<16xf32> to vector<1x1x16xf32>
          tpu.vector_store %arg10[%swap3A_686, %swap3A_687, %swap3A_688], %swap3A_691 {strides = array<i32>} : memref<2x16x1024xf32, #tpu.memory_space<vmem>>, vector<1x1x16xf32>,
          %add3A_692 = arith.addf %add3A_665, %add3A_684 : vector<16xf32>
          %mul3A_693 = arith.mulf %add3A_684, %add3A_684 : vector<16xf32>
          %add3A_694 = arith.addf %add3A_667, %mul3A_693 : vector<16xf32>
          %scan3A_695 = arith.constant 3 : i32
          %scan3A_696 = arith.addi %scan3A_614, %scan3A_695 : i32
          %mul3A_697 = arith.constant 16 : i32
          %mul3A_698 = arith.muli %scan3A_696, %mul3A_697 : i32
          %get3A_699 = arith.constant 0 : i32
          %get3A_700 = arith.index_cast %get3A_699 : i32 to index
          %get3A_701 = arith.index_cast %add3A_447 : i32 to index
          %get3A_702 = arith.index_cast %mul3A_698 : i32 to index
          %get3A_703 = tpu.vector_load %arg10[%get3A_700, %get3A_701, %get3A_702] {strides = array<i32>} : memref<2x16x1024xf32, #tpu.memory_space<vmem>>, vector<1x1x16xf32>,
          %get3A_704 = vector.shape_cast %get3A_703 : vector<1x1x16xf32> to vector<16xf32>
          %get3A_705 = arith.constant 0 : i32
          %get3A_706 = arith.index_cast %get3A_705 : i32 to index
          %get3A_707 = arith.index_cast %add3A_447 : i32 to index
          %get3A_708 = arith.index_cast %mul3A_698 : i32 to index
          %get3A_709 = tpu.vector_load %arg9[%get3A_706, %get3A_707, %get3A_708] {strides = array<i32>} : memref<2x16x1024xf32, #tpu.memory_space<vmem>>, vector<1x1x16xf32>,
          %get3A_710 = vector.shape_cast %get3A_709 : vector<1x1x16xf32> to vector<16xf32>
          %add3A_711 = arith.addf %get3A_704, %get3A_710 : vector<16xf32>
          %swap3A_712 = arith.constant 0 : i32
          %swap3A_713 = arith.index_cast %swap3A_712 : i32 to index
          %swap3A_714 = arith.index_cast %add3A_447 : i32 to index
          %swap3A_715 = arith.index_cast %mul3A_698 : i32 to index
          %swap3A_716 = tpu.vector_load %arg10[%swap3A_713, %swap3A_714, %swap3A_715] {strides = array<i32>} : memref<2x16x1024xf32, #tpu.memory_space<vmem>>, vector<1x1x16xf32>,
          %swap3A_717 = vector.shape_cast %swap3A_716 : vector<1x1x16xf32> to vector<16xf32>
          %swap3A_718 = vector.shape_cast %add3A_711 : vector<16xf32> to vector<1x1x16xf32>
          tpu.vector_store %arg10[%swap3A_713, %swap3A_714, %swap3A_715], %swap3A_718 {strides = array<i32>} : memref<2x16x1024xf32, #tpu.memory_space<vmem>>, vector<1x1x16xf32>,
          %add3A_719 = arith.addf %add3A_692, %add3A_711 : vector<16xf32>
          %mul3A_720 = arith.mulf %add3A_711, %add3A_711 : vector<16xf32>
          %add3A_721 = arith.addf %add3A_694, %mul3A_720 : vector<16xf32>
          scf.yield %add3A_719, %add3A_721 : vector<16xf32>, vector<16xf32>
        }
        %scan3A_454 = arith.constant 64 : i32
        %iota3A = tpu.iota {dimensions = array<i32: 0>} : vector<16xi32>
        %xor3A = arith.constant 8 : i32
        %xor3A_455 = vector.broadcast %xor3A : i32 to vector<16xi32>
        %xor3A_456 = arith.xori %iota3A, %xor3A_455 : vector<16xi32>
        %lt3A_457 = arith.constant 0 : i32
        %lt3A_458 = vector.broadcast %lt3A_457 : i32 to vector<16xi32>
        %lt3A_459 = arith.cmpi slt, %xor3A_456, %lt3A_458 : vector<16xi32>
        %add3A_460 = arith.constant 16 : i32
        %add3A_461 = vector.broadcast %add3A_460 : i32 to vector<16xi32>
        %add3A_462 = arith.addi %xor3A_456, %add3A_461 : vector<16xi32>
        %select_n3A = arith.select %lt3A_459, %add3A_462, %xor3A_456 : vector<16xi1>, vector<16xi32>
        %reshape3A = vector.shape_cast %select_n3A : vector<16xi32> to vector<16x1xi32>
        %gather3A = vector.shape_cast %reshape3A : vector<16x1xi32> to vector<16xi32>
        %gather3A_463 = tpu.dynamic_gather %scan3A_453#0[%gather3A] in [0] : vector<16xf32>, vector<16xi32> -> vector<16xf32>
        %add3A_464 = arith.addf %scan3A_453#0, %gather3A_463 : vector<16xf32>
        %xor3A_465 = arith.constant 4 : i32
        %xor3A_466 = vector.broadcast %xor3A_465 : i32 to vector<16xi32>
        %xor3A_467 = arith.xori %iota3A, %xor3A_466 : vector<16xi32>
        %lt3A_468 = arith.constant 0 : i32
        %lt3A_469 = vector.broadcast %lt3A_468 : i32 to vector<16xi32>
        %lt3A_470 = arith.cmpi slt, %xor3A_467, %lt3A_469 : vector<16xi32>
        %add3A_471 = arith.constant 16 : i32
        %add3A_472 = vector.broadcast %add3A_471 : i32 to vector<16xi32>
        %add3A_473 = arith.addi %xor3A_467, %add3A_472 : vector<16xi32>
        %select_n3A_474 = arith.select %lt3A_470, %add3A_473, %xor3A_467 : vector<16xi1>, vector<16xi32>
        %reshape3A_475 = vector.shape_cast %select_n3A_474 : vector<16xi32> to vector<16x1xi32>
        %gather3A_476 = vector.shape_cast %reshape3A_475 : vector<16x1xi32> to vector<16xi32>
        %gather3A_477 = tpu.dynamic_gather %add3A_464[%gather3A_476] in [0] : vector<16xf32>, vector<16xi32> -> vector<16xf32>
        %add3A_478 = arith.addf %add3A_464, %gather3A_477 : vector<16xf32>
        %xor3A_479 = arith.constant 2 : i32
        %xor3A_480 = vector.broadcast %xor3A_479 : i32 to vector<16xi32>
        %xor3A_481 = arith.xori %iota3A, %xor3A_480 : vector<16xi32>
        %lt3A_482 = arith.constant 0 : i32
        %lt3A_483 = vector.broadcast %lt3A_482 : i32 to vector<16xi32>
        %lt3A_484 = arith.cmpi slt, %xor3A_481, %lt3A_483 : vector<16xi32>
        %add3A_485 = arith.constant 16 : i32
        %add3A_486 = vector.broadcast %add3A_485 : i32 to vector<16xi32>
        %add3A_487 = arith.addi %xor3A_481, %add3A_486 : vector<16xi32>
        %select_n3A_488 = arith.select %lt3A_484, %add3A_487, %xor3A_481 : vector<16xi1>, vector<16xi32>
        %reshape3A_489 = vector.shape_cast %select_n3A_488 : vector<16xi32> to vector<16x1xi32>
        %gather3A_490 = vector.shape_cast %reshape3A_489 : vector<16x1xi32> to vector<16xi32>
        %gather3A_491 = tpu.dynamic_gather %add3A_478[%gather3A_490] in [0] : vector<16xf32>, vector<16xi32> -> vector<16xf32>
        %add3A_492 = arith.addf %add3A_478, %gather3A_491 : vector<16xf32>
        %xor3A_493 = arith.constant 1 : i32
        %xor3A_494 = vector.broadcast %xor3A_493 : i32 to vector<16xi32>
        %xor3A_495 = arith.xori %iota3A, %xor3A_494 : vector<16xi32>
        %lt3A_496 = arith.constant 0 : i32
        %lt3A_497 = vector.broadcast %lt3A_496 : i32 to vector<16xi32>
        %lt3A_498 = arith.cmpi slt, %xor3A_495, %lt3A_497 : vector<16xi32>
        %add3A_499 = arith.constant 16 : i32
        %add3A_500 = vector.broadcast %add3A_499 : i32 to vector<16xi32>
        %add3A_501 = arith.addi %xor3A_495, %add3A_500 : vector<16xi32>
        %select_n3A_502 = arith.select %lt3A_498, %add3A_501, %xor3A_495 : vector<16xi1>, vector<16xi32>
        %reshape3A_503 = vector.shape_cast %select_n3A_502 : vector<16xi32> to vector<16x1xi32>
        %gather3A_504 = vector.shape_cast %reshape3A_503 : vector<16x1xi32> to vector<16xi32>
        %gather3A_505 = tpu.dynamic_gather %add3A_492[%gather3A_504] in [0] : vector<16xf32>, vector<16xi32> -> vector<16xf32>
        %add3A_506 = arith.addf %add3A_492, %gather3A_505 : vector<16xf32>
        %mul3A_507 = arith.constant 9.765625E-4 : f32
        %mul3A_508 = vector.broadcast %mul3A_507 : f32 to vector<16xf32>
        %mul3A_509 = arith.mulf %add3A_506, %mul3A_508 : vector<16xf32>
        %iota3A_510 = tpu.iota {dimensions = array<i32: 0>} : vector<16xi32>
        %xor3A_511 = arith.constant 8 : i32
        %xor3A_512 = vector.broadcast %xor3A_511 : i32 to vector<16xi32>
        %xor3A_513 = arith.xori %iota3A_510, %xor3A_512 : vector<16xi32>
        %lt3A_514 = arith.constant 0 : i32
        %lt3A_515 = vector.broadcast %lt3A_514 : i32 to vector<16xi32>
        %lt3A_516 = arith.cmpi slt, %xor3A_513, %lt3A_515 : vector<16xi32>
        %add3A_517 = arith.constant 16 : i32
        %add3A_518 = vector.broadcast %add3A_517 : i32 to vector<16xi32>
        %add3A_519 = arith.addi %xor3A_513, %add3A_518 : vector<16xi32>
        %select_n3A_520 = arith.select %lt3A_516, %add3A_519, %xor3A_513 : vector<16xi1>, vector<16xi32>
        %reshape3A_521 = vector.shape_cast %select_n3A_520 : vector<16xi32> to vector<16x1xi32>
        %gather3A_522 = vector.shape_cast %reshape3A_521 : vector<16x1xi32> to vector<16xi32>
        %gather3A_523 = tpu.dynamic_gather %scan3A_453#1[%gather3A_522] in [0] : vector<16xf32>, vector<16xi32> -> vector<16xf32>
        %add3A_524 = arith.addf %scan3A_453#1, %gather3A_523 : vector<16xf32>
        %xor3A_525 = arith.constant 4 : i32
        %xor3A_526 = vector.broadcast %xor3A_525 : i32 to vector<16xi32>
        %xor3A_527 = arith.xori %iota3A_510, %xor3A_526 : vector<16xi32>
        %lt3A_528 = arith.constant 0 : i32
        %lt3A_529 = vector.broadcast %lt3A_528 : i32 to vector<16xi32>
        %lt3A_530 = arith.cmpi slt, %xor3A_527, %lt3A_529 : vector<16xi32>
        %add3A_531 = arith.constant 16 : i32
        %add3A_532 = vector.broadcast %add3A_531 : i32 to vector<16xi32>
        %add3A_533 = arith.addi %xor3A_527, %add3A_532 : vector<16xi32>
        %select_n3A_534 = arith.select %lt3A_530, %add3A_533, %xor3A_527 : vector<16xi1>, vector<16xi32>
        %reshape3A_535 = vector.shape_cast %select_n3A_534 : vector<16xi32> to vector<16x1xi32>
        %gather3A_536 = vector.shape_cast %reshape3A_535 : vector<16x1xi32> to vector<16xi32>
        %gather3A_537 = tpu.dynamic_gather %add3A_524[%gather3A_536] in [0] : vector<16xf32>, vector<16xi32> -> vector<16xf32>
        %add3A_538 = arith.addf %add3A_524, %gather3A_537 : vector<16xf32>
        %xor3A_539 = arith.constant 2 : i32
        %xor3A_540 = vector.broadcast %xor3A_539 : i32 to vector<16xi32>
        %xor3A_541 = arith.xori %iota3A_510, %xor3A_540 : vector<16xi32>
        %lt3A_542 = arith.constant 0 : i32
        %lt3A_543 = vector.broadcast %lt3A_542 : i32 to vector<16xi32>
        %lt3A_544 = arith.cmpi slt, %xor3A_541, %lt3A_543 : vector<16xi32>
        %add3A_545 = arith.constant 16 : i32
        %add3A_546 = vector.broadcast %add3A_545 : i32 to vector<16xi32>
        %add3A_547 = arith.addi %xor3A_541, %add3A_546 : vector<16xi32>
        %select_n3A_548 = arith.select %lt3A_544, %add3A_547, %xor3A_541 : vector<16xi1>, vector<16xi32>
        %reshape3A_549 = vector.shape_cast %select_n3A_548 : vector<16xi32> to vector<16x1xi32>
        %gather3A_550 = vector.shape_cast %reshape3A_549 : vector<16x1xi32> to vector<16xi32>
        %gather3A_551 = tpu.dynamic_gather %add3A_538[%gather3A_550] in [0] : vector<16xf32>, vector<16xi32> -> vector<16xf32>
        %add3A_552 = arith.addf %add3A_538, %gather3A_551 : vector<16xf32>
        %xor3A_553 = arith.constant 1 : i32
        %xor3A_554 = vector.broadcast %xor3A_553 : i32 to vector<16xi32>
        %xor3A_555 = arith.xori %iota3A_510, %xor3A_554 : vector<16xi32>
        %lt3A_556 = arith.constant 0 : i32
        %lt3A_557 = vector.broadcast %lt3A_556 : i32 to vector<16xi32>
        %lt3A_558 = arith.cmpi slt, %xor3A_555, %lt3A_557 : vector<16xi32>
        %add3A_559 = arith.constant 16 : i32
        %add3A_560 = vector.broadcast %add3A_559 : i32 to vector<16xi32>
        %add3A_561 = arith.addi %xor3A_555, %add3A_560 : vector<16xi32>
        %select_n3A_562 = arith.select %lt3A_558, %add3A_561, %xor3A_555 : vector<16xi1>, vector<16xi32>
        %reshape3A_563 = vector.shape_cast %select_n3A_562 : vector<16xi32> to vector<16x1xi32>
        %gather3A_564 = vector.shape_cast %reshape3A_563 : vector<16x1xi32> to vector<16xi32>
        %gather3A_565 = tpu.dynamic_gather %add3A_552[%gather3A_564] in [0] : vector<16xf32>, vector<16xi32> -> vector<16xf32>
        %add3A_566 = arith.addf %add3A_552, %gather3A_565 : vector<16xf32>
        %mul3A_567 = arith.constant 9.765625E-4 : f32
        %mul3A_568 = vector.broadcast %mul3A_567 : f32 to vector<16xf32>
        %mul3A_569 = arith.mulf %add3A_566, %mul3A_568 : vector<16xf32>
        %mul3A_570 = arith.mulf %mul3A_509, %mul3A_509 : vector<16xf32>
        %sub3A = arith.subf %mul3A_569, %mul3A_570 : vector<16xf32>
        %add3A_571 = arith.constant 9.99999996E-13 : f32
        %add3A_572 = vector.broadcast %add3A_571 : f32 to vector<16xf32>
        %add3A_573 = arith.addf %sub3A, %add3A_572 : vector<16xf32>
        %bitcast_convert_type3A = tpu.bitcast %add3A_573 : vector<16xf32> -> vector<16xi32>
        %shift_right_logical3A = arith.constant 1 : i32
        %shift_right_logical3A_574 = vector.broadcast %shift_right_logical3A : i32 to vector<16xi32>
        %shift_right_logical3A_575 = arith.shrui %bitcast_convert_type3A, %shift_right_logical3A_574 : vector<16xi32>
        %sub3A_576 = arith.constant 1597463007 : i32
        %sub3A_577 = vector.broadcast %sub3A_576 : i32 to vector<16xi32>
        %sub3A_578 = arith.subi %sub3A_577, %shift_right_logical3A_575 : vector<16xi32>
        %bitcast_convert_type3A_579 = tpu.bitcast %sub3A_578 : vector<16xi32> -> vector<16xf32>
        %mul3A_580 = arith.constant 5.000000e-01 : f32
        %mul3A_581 = vector.broadcast %mul3A_580 : f32 to vector<16xf32>
        %mul3A_582 = arith.mulf %mul3A_581, %add3A_573 : vector<16xf32>
        %mul3A_583 = arith.mulf %mul3A_582, %bitcast_convert_type3A_579 : vector<16xf32>
        %mul3A_584 = arith.mulf %mul3A_583, %bitcast_convert_type3A_579 : vector<16xf32>
        %sub3A_585 = arith.constant 1.500000e+00 : f32
        %sub3A_586 = vector.broadcast %sub3A_585 : f32 to vector<16xf32>
        %sub3A_587 = arith.subf %sub3A_586, %mul3A_584 : vector<16xf32>
        %mul3A_588 = arith.mulf %bitcast_convert_type3A_579, %sub3A_587 : vector<16xf32>
        %mul3A_589 = arith.constant 5.000000e-01 : f32
        %mul3A_590 = vector.broadcast %mul3A_589 : f32 to vector<16xf32>
        %mul3A_591 = arith.mulf %mul3A_590, %add3A_573 : vector<16xf32>
        %mul3A_592 = arith.mulf %mul3A_591, %mul3A_588 : vector<16xf32>
        %mul3A_593 = arith.mulf %mul3A_592, %mul3A_588 : vector<16xf32>
        %sub3A_594 = arith.constant 1.500000e+00 : f32
        %sub3A_595 = vector.broadcast %sub3A_594 : f32 to vector<16xf32>
        %sub3A_596 = arith.subf %sub3A_595, %mul3A_593 : vector<16xf32>
        %mul3A_597 = arith.mulf %mul3A_588, %sub3A_596 : vector<16xf32>
        %mul3A_598 = arith.constant 5.000000e-01 : f32
        %mul3A_599 = vector.broadcast %mul3A_598 : f32 to vector<16xf32>
        %mul3A_600 = arith.mulf %mul3A_599, %add3A_573 : vector<16xf32>
        %mul3A_601 = arith.mulf %mul3A_600, %mul3A_597 : vector<16xf32>
        %mul3A_602 = arith.mulf %mul3A_601, %mul3A_597 : vector<16xf32>
        %sub3A_603 = arith.constant 1.500000e+00 : f32
        %sub3A_604 = vector.broadcast %sub3A_603 : f32 to vector<16xf32>
        %sub3A_605 = arith.subf %sub3A_604, %mul3A_602 : vector<16xf32>
        %mul3A_606 = arith.mulf %mul3A_597, %sub3A_605 : vector<16xf32>
        %scan3A_607 = arith.constant 0 : i32
        %scan3A_608 = arith.constant 0 : i32
        %scan3A_609 = arith.constant 64 : i32
        %scan3A_610 = arith.addi %scan3A_608, %scan3A_609 : i32
        %scan3A_611 = arith.constant 4 : i32
        %scan3A_612 = scf.for %scan3A_614 = %scan3A_608 to %scan3A_610 step %scan3A_611 iter_args(%scan3A_615 = %scan3A_607) -> (i32)  : i32 {
          %mul3A_616 = arith.constant 16 : i32
          %mul3A_617 = arith.muli %scan3A_614, %mul3A_616 : i32
          %get3A_618 = arith.constant 0 : i32
          %get3A_619 = arith.index_cast %get3A_618 : i32 to index
          %get3A_620 = arith.index_cast %add3A_447 : i32 to index
          %get3A_621 = arith.index_cast %mul3A_617 : i32 to index
          %get3A_622 = tpu.vector_load %arg10[%get3A_619, %get3A_620, %get3A_621] {strides = array<i32>} : memref<2x16x1024xf32, #tpu.memory_space<vmem>>, vector<1x1x16xf32>,
          %get3A_623 = vector.shape_cast %get3A_622 : vector<1x1x16xf32> to vector<16xf32>
          %sub3A_624 = arith.subf %get3A_623, %mul3A_509 : vector<16xf32>
          %mul3A_625 = arith.mulf %sub3A_624, %mul3A_606 : vector<16xf32>
          %get3A_626 = arith.index_cast %mul3A_617 : i32 to index
          %get3A_627 = tpu.vector_load %arg11[%get3A_626] {strides = array<i32>} : memref<1024xf32, #tpu.memory_space<vmem>>, vector<16xf32>,
          %get3A_628 = vector.shape_cast %get3A_627 : vector<16xf32> to vector<16xf32>
          %mul3A_629 = arith.mulf %mul3A_625, %get3A_628 : vector<16xf32>
          %get3A_630 = arith.index_cast %mul3A_617 : i32 to index
          %get3A_631 = tpu.vector_load %arg12[%get3A_630] {strides = array<i32>} : memref<1024xf32, #tpu.memory_space<vmem>>, vector<16xf32>,
          %get3A_632 = vector.shape_cast %get3A_631 : vector<16xf32> to vector<16xf32>
          %add3A_633 = arith.addf %mul3A_629, %get3A_632 : vector<16xf32>
          %swap3A = arith.constant 0 : i32
          %swap3A_634 = arith.index_cast %swap3A : i32 to index
          %swap3A_635 = arith.index_cast %add3A_447 : i32 to index
          %swap3A_636 = arith.index_cast %mul3A_617 : i32 to index
          %swap3A_637 = tpu.vector_load %arg10[%swap3A_634, %swap3A_635, %swap3A_636] {strides = array<i32>} : memref<2x16x1024xf32, #tpu.memory_space<vmem>>, vector<1x1x16xf32>,
          %swap3A_638 = vector.shape_cast %swap3A_637 : vector<1x1x16xf32> to vector<16xf32>
          %swap3A_639 = vector.shape_cast %add3A_633 : vector<16xf32> to vector<1x1x16xf32>
          tpu.vector_store %arg10[%swap3A_634, %swap3A_635, %swap3A_636], %swap3A_639 {strides = array<i32>} : memref<2x16x1024xf32, #tpu.memory_space<vmem>>, vector<1x1x16xf32>,
          %scan3A_640 = arith.constant 0 : i32
          %scan3A_641 = arith.constant 1 : i32
          %scan3A_642 = arith.addi %scan3A_614, %scan3A_641 : i32
          %mul3A_643 = arith.constant 16 : i32
          %mul3A_644 = arith.muli %scan3A_642, %mul3A_643 : i32
          %get3A_645 = arith.constant 0 : i32
          %get3A_646 = arith.index_cast %get3A_645 : i32 to index
          %get3A_647 = arith.index_cast %add3A_447 : i32 to index
          %get3A_648 = arith.index_cast %mul3A_644 : i32 to index
          %get3A_649 = tpu.vector_load %arg10[%get3A_646, %get3A_647, %get3A_648] {strides = array<i32>} : memref<2x16x1024xf32, #tpu.memory_space<vmem>>, vector<1x1x16xf32>,
          %get3A_650 = vector.shape_cast %get3A_649 : vector<1x1x16xf32> to vector<16xf32>
          %sub3A_651 = arith.subf %get3A_650, %mul3A_509 : vector<16xf32>
          %mul3A_652 = arith.mulf %sub3A_651, %mul3A_606 : vector<16xf32>
          %get3A_653 = arith.index_cast %mul3A_644 : i32 to index
          %get3A_654 = tpu.vector_load %arg11[%get3A_653] {strides = array<i32>} : memref<1024xf32, #tpu.memory_space<vmem>>, vector<16xf32>,
          %get3A_655 = vector.shape_cast %get3A_654 : vector<16xf32> to vector<16xf32>
          %mul3A_656 = arith.mulf %mul3A_652, %get3A_655 : vector<16xf32>
          %get3A_657 = arith.index_cast %mul3A_644 : i32 to index
          %get3A_658 = tpu.vector_load %arg12[%get3A_657] {strides = array<i32>} : memref<1024xf32, #tpu.memory_space<vmem>>, vector<16xf32>,
          %get3A_659 = vector.shape_cast %get3A_658 : vector<16xf32> to vector<16xf32>
          %add3A_660 = arith.addf %mul3A_656, %get3A_659 : vector<16xf32>
          %swap3A_661 = arith.constant 0 : i32
          %swap3A_662 = arith.index_cast %swap3A_661 : i32 to index
          %swap3A_663 = arith.index_cast %add3A_447 : i32 to index
          %swap3A_664 = arith.index_cast %mul3A_644 : i32 to index
          %swap3A_665 = tpu.vector_load %arg10[%swap3A_662, %swap3A_663, %swap3A_664] {strides = array<i32>} : memref<2x16x1024xf32, #tpu.memory_space<vmem>>, vector<1x1x16xf32>,
          %swap3A_666 = vector.shape_cast %swap3A_665 : vector<1x1x16xf32> to vector<16xf32>
          %swap3A_667 = vector.shape_cast %add3A_660 : vector<16xf32> to vector<1x1x16xf32>
          tpu.vector_store %arg10[%swap3A_662, %swap3A_663, %swap3A_664], %swap3A_667 {strides = array<i32>} : memref<2x16x1024xf32, #tpu.memory_space<vmem>>, vector<1x1x16xf32>,
          %scan3A_668 = arith.constant 0 : i32
          %scan3A_669 = arith.constant 2 : i32
          %scan3A_670 = arith.addi %scan3A_614, %scan3A_669 : i32
          %mul3A_671 = arith.constant 16 : i32
          %mul3A_672 = arith.muli %scan3A_670, %mul3A_671 : i32
          %get3A_673 = arith.constant 0 : i32
          %get3A_674 = arith.index_cast %get3A_673 : i32 to index
          %get3A_675 = arith.index_cast %add3A_447 : i32 to index
          %get3A_676 = arith.index_cast %mul3A_672 : i32 to index
          %get3A_677 = tpu.vector_load %arg10[%get3A_674, %get3A_675, %get3A_676] {strides = array<i32>} : memref<2x16x1024xf32, #tpu.memory_space<vmem>>, vector<1x1x16xf32>,
          %get3A_678 = vector.shape_cast %get3A_677 : vector<1x1x16xf32> to vector<16xf32>
          %sub3A_679 = arith.subf %get3A_678, %mul3A_509 : vector<16xf32>
          %mul3A_680 = arith.mulf %sub3A_679, %mul3A_606 : vector<16xf32>
          %get3A_681 = arith.index_cast %mul3A_672 : i32 to index
          %get3A_682 = tpu.vector_load %arg11[%get3A_681] {strides = array<i32>} : memref<1024xf32, #tpu.memory_space<vmem>>, vector<16xf32>,
          %get3A_683 = vector.shape_cast %get3A_682 : vector<16xf32> to vector<16xf32>
          %mul3A_684 = arith.mulf %mul3A_680, %get3A_683 : vector<16xf32>
          %get3A_685 = arith.index_cast %mul3A_672 : i32 to index
          %get3A_686 = tpu.vector_load %arg12[%get3A_685] {strides = array<i32>} : memref<1024xf32, #tpu.memory_space<vmem>>, vector<16xf32>,
          %get3A_687 = vector.shape_cast %get3A_686 : vector<16xf32> to vector<16xf32>
          %add3A_688 = arith.addf %mul3A_684, %get3A_687 : vector<16xf32>
          %swap3A_689 = arith.constant 0 : i32
          %swap3A_690 = arith.index_cast %swap3A_689 : i32 to index
          %swap3A_691 = arith.index_cast %add3A_447 : i32 to index
          %swap3A_692 = arith.index_cast %mul3A_672 : i32 to index
          %swap3A_693 = tpu.vector_load %arg10[%swap3A_690, %swap3A_691, %swap3A_692] {strides = array<i32>} : memref<2x16x1024xf32, #tpu.memory_space<vmem>>, vector<1x1x16xf32>,
          %swap3A_694 = vector.shape_cast %swap3A_693 : vector<1x1x16xf32> to vector<16xf32>
          %swap3A_695 = vector.shape_cast %add3A_688 : vector<16xf32> to vector<1x1x16xf32>
          tpu.vector_store %arg10[%swap3A_690, %swap3A_691, %swap3A_692], %swap3A_695 {strides = array<i32>} : memref<2x16x1024xf32, #tpu.memory_space<vmem>>, vector<1x1x16xf32>,
          %scan3A_696 = arith.constant 0 : i32
          %scan3A_697 = arith.constant 3 : i32
          %scan3A_698 = arith.addi %scan3A_614, %scan3A_697 : i32
          %mul3A_699 = arith.constant 16 : i32
          %mul3A_700 = arith.muli %scan3A_698, %mul3A_699 : i32
          %get3A_701 = arith.constant 0 : i32
          %get3A_702 = arith.index_cast %get3A_701 : i32 to index
          %get3A_703 = arith.index_cast %add3A_447 : i32 to index
          %get3A_704 = arith.index_cast %mul3A_700 : i32 to index
          %get3A_705 = tpu.vector_load %arg10[%get3A_702, %get3A_703, %get3A_704] {strides = array<i32>} : memref<2x16x1024xf32, #tpu.memory_space<vmem>>, vector<1x1x16xf32>,
          %get3A_706 = vector.shape_cast %get3A_705 : vector<1x1x16xf32> to vector<16xf32>
          %sub3A_707 = arith.subf %get3A_706, %mul3A_509 : vector<16xf32>
          %mul3A_708 = arith.mulf %sub3A_707, %mul3A_606 : vector<16xf32>
          %get3A_709 = arith.index_cast %mul3A_700 : i32 to index
          %get3A_710 = tpu.vector_load %arg11[%get3A_709] {strides = array<i32>} : memref<1024xf32, #tpu.memory_space<vmem>>, vector<16xf32>,
          %get3A_711 = vector.shape_cast %get3A_710 : vector<16xf32> to vector<16xf32>
          %mul3A_712 = arith.mulf %mul3A_708, %get3A_711 : vector<16xf32>
          %get3A_713 = arith.index_cast %mul3A_700 : i32 to index
          %get3A_714 = tpu.vector_load %arg12[%get3A_713] {strides = array<i32>} : memref<1024xf32, #tpu.memory_space<vmem>>, vector<16xf32>,
          %get3A_715 = vector.shape_cast %get3A_714 : vector<16xf32> to vector<16xf32>
          %add3A_716 = arith.addf %mul3A_712, %get3A_715 : vector<16xf32>
          %swap3A_717 = arith.constant 0 : i32
          %swap3A_718 = arith.index_cast %swap3A_717 : i32 to index
          %swap3A_719 = arith.index_cast %add3A_447 : i32 to index
          %swap3A_720 = arith.index_cast %mul3A_700 : i32 to index
          %swap3A_721 = tpu.vector_load %arg10[%swap3A_718, %swap3A_719, %swap3A_720] {strides = array<i32>} : memref<2x16x1024xf32, #tpu.memory_space<vmem>>, vector<1x1x16xf32>,
          %swap3A_722 = vector.shape_cast %swap3A_721 : vector<1x1x16xf32> to vector<16xf32>
          %swap3A_723 = vector.shape_cast %add3A_716 : vector<16xf32> to vector<1x1x16xf32>
          tpu.vector_store %arg10[%swap3A_718, %swap3A_719, %swap3A_720], %swap3A_723 {strides = array<i32>} : memref<2x16x1024xf32, #tpu.memory_space<vmem>>, vector<1x1x16xf32>,
          %scan3A_724 = arith.constant 0 : i32
          scf.yield %scan3A_724 : i32
        }
        %scan3A_613 = arith.constant 64 : i32
      }
      %scan3A_109 = arith.constant 16 : i32
      %add3A_110 = arith.constant 0 : i32
      %add3A_111 = arith.addi %add3A_110, %mul3A_2 : i32
      %mul3A_112 = arith.constant 16 : i32
      %mul3A_113 = arith.muli %add3A_49, %mul3A_112 : i32
      %add3A_114 = arith.addi %add3A_111, %mul3A_113 : i32
      %run_scoped3A = arith.constant 0 : i32
      "tpu.region"() ({
        %run_scoped3A_443 = tpu.sem_alloc : memref<!tpu.dma_semaphore, #tpu.memory_space<semaphore_mem>>
        %dma_start3A_444 = arith.constant 0 : i32
        %dma_start3A_445 = arith.constant 0 : i32
        %dma_start3A_446 = tpu.memref_slice %arg10[%run_scoped3A, %dma_start3A_444, %dma_start3A_445] : memref<2x16x1024xf32, #tpu.memory_space<vmem>> -> memref<1x16x1024xf32, #tpu.memory_space<vmem>>
        %dma_start3A_447 = tpu.memref_squeeze %dma_start3A_446 : memref<1x16x1024xf32, #tpu.memory_space<vmem>> -> memref<16x1024xf32, #tpu.memory_space<vmem>>
        %dma_start3A_448 = arith.constant 0 : i32
        %dma_start3A_449 = tpu.memref_slice %arg7[%add3A_114, %dma_start3A_448] : memref<16384x1024xf32, #tpu.memory_space<hbm>> -> memref<16x1024xf32, #tpu.memory_space<hbm>>
        %dma_start3A_450 = arith.constant 0 : i32
        %dma_start3A_451 = tpu.memref_slice %arg7[%add3A_114, %dma_start3A_450] : memref<16384x1024xf32, #tpu.memory_space<hbm>> -> memref<16x1024xf32, #tpu.memory_space<hbm>>
        %dma_start3A_452 = arith.constant 0 : i32
        %dma_start3A_453 = arith.constant 0 : i32
        %dma_start3A_454 = tpu.memref_slice %arg10[%run_scoped3A, %dma_start3A_452, %dma_start3A_453] : memref<2x16x1024xf32, #tpu.memory_space<vmem>> -> memref<1x16x1024xf32, #tpu.memory_space<vmem>>
        %dma_start3A_455 = tpu.memref_squeeze %dma_start3A_454 : memref<1x16x1024xf32, #tpu.memory_space<vmem>> -> memref<16x1024xf32, #tpu.memory_space<vmem>>
        tpu.enqueue_dma source(%dma_start3A_455 : memref<16x1024xf32, #tpu.memory_space<vmem>>) target(%dma_start3A_451 : memref<16x1024xf32, #tpu.memory_space<hbm>>) target_semaphore(%run_scoped3A_443 : memref<!tpu.dma_semaphore, #tpu.memory_space<semaphore_mem>>)
        %dma_wait3A_456 = arith.constant 0 : i32
        %dma_wait3A_457 = arith.constant 0 : i32
        %dma_wait3A_458 = tpu.memref_slice %arg10[%run_scoped3A, %dma_wait3A_456, %dma_wait3A_457] : memref<2x16x1024xf32, #tpu.memory_space<vmem>> -> memref<1x16x1024xf32, #tpu.memory_space<vmem>>
        %dma_wait3A_459 = tpu.memref_squeeze %dma_wait3A_458 : memref<1x16x1024xf32, #tpu.memory_space<vmem>> -> memref<16x1024xf32, #tpu.memory_space<vmem>>
        %dma_wait3A_460 = arith.constant 0 : i32
        %dma_wait3A_461 = tpu.memref_slice %arg7[%add3A_114, %dma_wait3A_460] : memref<16384x1024xf32, #tpu.memory_space<hbm>> -> memref<16x1024xf32, #tpu.memory_space<hbm>>
        %dma_wait3A_462 = arith.constant 0 : i32
        %dma_wait3A_463 = tpu.memref_slice %arg7[%add3A_114, %dma_wait3A_462] : memref<16384x1024xf32, #tpu.memory_space<hbm>> -> memref<16x1024xf32, #tpu.memory_space<hbm>>
        %dma_wait3A_464 = arith.constant 0 : i32
        %dma_wait3A_465 = arith.constant 0 : i32
        %dma_wait3A_466 = tpu.memref_slice %arg10[%run_scoped3A, %dma_wait3A_464, %dma_wait3A_465] : memref<2x16x1024xf32, #tpu.memory_space<vmem>> -> memref<1x16x1024xf32, #tpu.memory_space<vmem>>
        %dma_wait3A_467 = tpu.memref_squeeze %dma_wait3A_466 : memref<1x16x1024xf32, #tpu.memory_space<vmem>> -> memref<16x1024xf32, #tpu.memory_space<vmem>>
        tpu.wait_dma2 semaphore(%run_scoped3A_443 : memref<!tpu.dma_semaphore, #tpu.memory_space<semaphore_mem>>) src(%dma_wait3A_467 : memref<16x1024xf32, #tpu.memory_space<vmem>>) dst(%dma_wait3A_463 : memref<16x1024xf32, #tpu.memory_space<hbm>>)
        tpu.yield
      }) : () -> ()
      %mul3A_115 = arith.constant 16 : i32
      %mul3A_116 = arith.muli %add3A_49, %mul3A_115 : i32
      %add3A_117 = arith.constant 256 : i32
      %add3A_118 = arith.addi %add3A_117, %mul3A_116 : i32
      %get3A_119 = arith.index_cast %add3A_118 : i32 to index
      %get3A_120 = tpu.vector_load %arg8[%get3A_119] {strides = array<i32>} : memref<512xi32, #tpu.memory_space<vmem>>, vector<16xi32>,
      %get3A_121 = vector.shape_cast %get3A_120 : vector<16xi32> to vector<16xi32>
      %dma_start3A_122 = arith.constant 0 : i32
      %dma_start3A_123 = arith.constant 0 : i32
      %dma_start3A_124 = arith.constant 0 : i32
      %dma_start3A_125 = arith.constant 0 : i32
      %dma_start3A_126 = tpu.memref_slice %arg10[%dma_start3A_122, %dma_start3A_124, %dma_start3A_125] : memref<2x16x1024xf32, #tpu.memory_space<vmem>> -> memref<1x16x1024xf32, #tpu.memory_space<vmem>>
      %dma_start3A_127 = tpu.memref_squeeze %dma_start3A_126 : memref<1x16x1024xf32, #tpu.memory_space<vmem>> -> memref<16x1024xf32, #tpu.memory_space<vmem>>
      %dma_start3A_128 = arith.constant 0 : i32
      %dma_start3A_129 = arith.constant 0 : i32
      %dma_start3A_130 = tpu.memref_slice %arg3[%dma_start3A_128, %dma_start3A_129] : memref<100000x1024xf32, #tpu.memory_space<hbm>> -> memref<100000x1024xf32, #tpu.memory_space<hbm>>
      %dma_start3A_131 = tpu.memref_slice %arg13[%dma_start3A_123] : memref<2x!tpu.dma_semaphore, #tpu.memory_space<semaphore_mem>> -> memref<1x!tpu.dma_semaphore, #tpu.memory_space<semaphore_mem>>
      %dma_start3A_132 = tpu.memref_squeeze %dma_start3A_131 : memref<1x!tpu.dma_semaphore, #tpu.memory_space<semaphore_mem>> -> memref<!tpu.dma_semaphore, #tpu.memory_space<semaphore_mem>>
      tpu.enqueue_indirect_dma source(%dma_start3A_130 : memref<100000x1024xf32, #tpu.memory_space<hbm>>) target(%dma_start3A_127 : memref<16x1024xf32, #tpu.memory_space<vmem>>) offsets(%get3A_121 : vector<16xi32>) semaphore(%dma_start3A_132 : memref<!tpu.dma_semaphore, #tpu.memory_space<semaphore_mem>>)
      %dma_wait3A_133 = arith.constant 1 : i32
      %dma_wait3A_134 = arith.constant 1 : i32
      %dma_wait3A_135 = arith.constant 0 : i32
      %dma_wait3A_136 = arith.constant 0 : i32
      %dma_wait3A_137 = tpu.memref_slice %arg10[%dma_wait3A_133, %dma_wait3A_135, %dma_wait3A_136] : memref<2x16x1024xf32, #tpu.memory_space<vmem>> -> memref<1x16x1024xf32, #tpu.memory_space<vmem>>
      %dma_wait3A_138 = tpu.memref_squeeze %dma_wait3A_137 : memref<1x16x1024xf32, #tpu.memory_space<vmem>> -> memref<16x1024xf32, #tpu.memory_space<vmem>>
      %dma_wait3A_139 = arith.constant 0 : i32
      %dma_wait3A_140 = arith.constant 0 : i32
      %dma_wait3A_141 = tpu.memref_slice %arg7[%dma_wait3A_139, %dma_wait3A_140] : memref<16384x1024xf32, #tpu.memory_space<hbm>> -> memref<16x1024xf32, #tpu.memory_space<hbm>>
      %dma_wait3A_142 = tpu.memref_slice %arg13[%dma_wait3A_134] : memref<2x!tpu.dma_semaphore, #tpu.memory_space<semaphore_mem>> -> memref<1x!tpu.dma_semaphore, #tpu.memory_space<semaphore_mem>>
      %dma_wait3A_143 = tpu.memref_squeeze %dma_wait3A_142 : memref<1x!tpu.dma_semaphore, #tpu.memory_space<semaphore_mem>> -> memref<!tpu.dma_semaphore, #tpu.memory_space<semaphore_mem>>
      %dma_wait3A_144 = arith.constant 0 : i32
      %dma_wait3A_145 = arith.constant 0 : i32
      %dma_wait3A_146 = tpu.memref_slice %arg10[%dma_wait3A_133, %dma_wait3A_144, %dma_wait3A_145] : memref<2x16x1024xf32, #tpu.memory_space<vmem>> -> memref<1x16x1024xf32, #tpu.memory_space<vmem>>
      %dma_wait3A_147 = tpu.memref_squeeze %dma_wait3A_146 : memref<1x16x1024xf32, #tpu.memory_space<vmem>> -> memref<16x1024xf32, #tpu.memory_space<vmem>>
      %dma_wait3A_148 = arith.constant 0 : i32
      %dma_wait3A_149 = arith.constant 0 : i32
      %dma_wait3A_150 = tpu.memref_slice %arg7[%dma_wait3A_148, %dma_wait3A_149] : memref<16384x1024xf32, #tpu.memory_space<hbm>> -> memref<16x1024xf32, #tpu.memory_space<hbm>>
      tpu.wait_dma2 semaphore(%dma_wait3A_143 : memref<!tpu.dma_semaphore, #tpu.memory_space<semaphore_mem>>) src(%dma_wait3A_150 : memref<16x1024xf32, #tpu.memory_space<hbm>>) dst(%dma_wait3A_147 : memref<16x1024xf32, #tpu.memory_space<vmem>>)
      %scan3A_151 = arith.constant 0 : i32
      %scan3A_152 = arith.constant 16 : i32
      %scan3A_153 = arith.addi %scan3A_151, %scan3A_152 : i32
      %scan3A_154 = arith.constant 1 : i32
      scf.for %scan3A_443 = %scan3A_151 to %scan3A_153 step %scan3A_154  : i32 {
        %mul3A_444 = arith.constant 1 : i32
        %mul3A_445 = arith.muli %scan3A_443, %mul3A_444 : i32
        %add3A_446 = arith.constant 0 : i32
        %add3A_447 = arith.addi %add3A_446, %mul3A_445 : i32
        %broadcast_in_dim3A = arith.constant 0.000000e+00 : f32
        %broadcast_in_dim3A_448 = vector.broadcast %broadcast_in_dim3A : f32 to vector<16xf32>
        %scan3A_449 = arith.constant 0 : i32
        %scan3A_450 = arith.constant 64 : i32
        %scan3A_451 = arith.addi %scan3A_449, %scan3A_450 : i32
        %scan3A_452 = arith.constant 4 : i32
        %scan3A_453:2 = scf.for %scan3A_614 = %scan3A_449 to %scan3A_451 step %scan3A_452 iter_args(%scan3A_615 = %broadcast_in_dim3A_448, %scan3A_616 = %broadcast_in_dim3A_448) -> (vector<16xf32>, vector<16xf32>)  : i32 {
          %mul3A_617 = arith.constant 16 : i32
          %mul3A_618 = arith.muli %scan3A_614, %mul3A_617 : i32
          %get3A_619 = arith.constant 1 : i32
          %get3A_620 = arith.index_cast %get3A_619 : i32 to index
          %get3A_621 = arith.index_cast %add3A_447 : i32 to index
          %get3A_622 = arith.index_cast %mul3A_618 : i32 to index
          %get3A_623 = tpu.vector_load %arg10[%get3A_620, %get3A_621, %get3A_622] {strides = array<i32>} : memref<2x16x1024xf32, #tpu.memory_space<vmem>>, vector<1x1x16xf32>,
          %get3A_624 = vector.shape_cast %get3A_623 : vector<1x1x16xf32> to vector<16xf32>
          %get3A_625 = arith.constant 0 : i32
          %get3A_626 = arith.index_cast %get3A_625 : i32 to index
          %get3A_627 = arith.index_cast %add3A_447 : i32 to index
          %get3A_628 = arith.index_cast %mul3A_618 : i32 to index
          %get3A_629 = tpu.vector_load %arg9[%get3A_626, %get3A_627, %get3A_628] {strides = array<i32>} : memref<2x16x1024xf32, #tpu.memory_space<vmem>>, vector<1x1x16xf32>,
          %get3A_630 = vector.shape_cast %get3A_629 : vector<1x1x16xf32> to vector<16xf32>
          %add3A_631 = arith.addf %get3A_624, %get3A_630 : vector<16xf32>
          %swap3A = arith.constant 1 : i32
          %swap3A_632 = arith.index_cast %swap3A : i32 to index
          %swap3A_633 = arith.index_cast %add3A_447 : i32 to index
          %swap3A_634 = arith.index_cast %mul3A_618 : i32 to index
          %swap3A_635 = tpu.vector_load %arg10[%swap3A_632, %swap3A_633, %swap3A_634] {strides = array<i32>} : memref<2x16x1024xf32, #tpu.memory_space<vmem>>, vector<1x1x16xf32>,
          %swap3A_636 = vector.shape_cast %swap3A_635 : vector<1x1x16xf32> to vector<16xf32>
          %swap3A_637 = vector.shape_cast %add3A_631 : vector<16xf32> to vector<1x1x16xf32>
          tpu.vector_store %arg10[%swap3A_632, %swap3A_633, %swap3A_634], %swap3A_637 {strides = array<i32>} : memref<2x16x1024xf32, #tpu.memory_space<vmem>>, vector<1x1x16xf32>,
          %add3A_638 = arith.addf %scan3A_615, %add3A_631 : vector<16xf32>
          %mul3A_639 = arith.mulf %add3A_631, %add3A_631 : vector<16xf32>
          %add3A_640 = arith.addf %scan3A_616, %mul3A_639 : vector<16xf32>
          %scan3A_641 = arith.constant 1 : i32
          %scan3A_642 = arith.addi %scan3A_614, %scan3A_641 : i32
          %mul3A_643 = arith.constant 16 : i32
          %mul3A_644 = arith.muli %scan3A_642, %mul3A_643 : i32
          %get3A_645 = arith.constant 1 : i32
          %get3A_646 = arith.index_cast %get3A_645 : i32 to index
          %get3A_647 = arith.index_cast %add3A_447 : i32 to index
          %get3A_648 = arith.index_cast %mul3A_644 : i32 to index
          %get3A_649 = tpu.vector_load %arg10[%get3A_646, %get3A_647, %get3A_648] {strides = array<i32>} : memref<2x16x1024xf32, #tpu.memory_space<vmem>>, vector<1x1x16xf32>,
          %get3A_650 = vector.shape_cast %get3A_649 : vector<1x1x16xf32> to vector<16xf32>
          %get3A_651 = arith.constant 0 : i32
          %get3A_652 = arith.index_cast %get3A_651 : i32 to index
          %get3A_653 = arith.index_cast %add3A_447 : i32 to index
          %get3A_654 = arith.index_cast %mul3A_644 : i32 to index
          %get3A_655 = tpu.vector_load %arg9[%get3A_652, %get3A_653, %get3A_654] {strides = array<i32>} : memref<2x16x1024xf32, #tpu.memory_space<vmem>>, vector<1x1x16xf32>,
          %get3A_656 = vector.shape_cast %get3A_655 : vector<1x1x16xf32> to vector<16xf32>
          %add3A_657 = arith.addf %get3A_650, %get3A_656 : vector<16xf32>
          %swap3A_658 = arith.constant 1 : i32
          %swap3A_659 = arith.index_cast %swap3A_658 : i32 to index
          %swap3A_660 = arith.index_cast %add3A_447 : i32 to index
          %swap3A_661 = arith.index_cast %mul3A_644 : i32 to index
          %swap3A_662 = tpu.vector_load %arg10[%swap3A_659, %swap3A_660, %swap3A_661] {strides = array<i32>} : memref<2x16x1024xf32, #tpu.memory_space<vmem>>, vector<1x1x16xf32>,
          %swap3A_663 = vector.shape_cast %swap3A_662 : vector<1x1x16xf32> to vector<16xf32>
          %swap3A_664 = vector.shape_cast %add3A_657 : vector<16xf32> to vector<1x1x16xf32>
          tpu.vector_store %arg10[%swap3A_659, %swap3A_660, %swap3A_661], %swap3A_664 {strides = array<i32>} : memref<2x16x1024xf32, #tpu.memory_space<vmem>>, vector<1x1x16xf32>,
          %add3A_665 = arith.addf %add3A_638, %add3A_657 : vector<16xf32>
          %mul3A_666 = arith.mulf %add3A_657, %add3A_657 : vector<16xf32>
          %add3A_667 = arith.addf %add3A_640, %mul3A_666 : vector<16xf32>
          %scan3A_668 = arith.constant 2 : i32
          %scan3A_669 = arith.addi %scan3A_614, %scan3A_668 : i32
          %mul3A_670 = arith.constant 16 : i32
          %mul3A_671 = arith.muli %scan3A_669, %mul3A_670 : i32
          %get3A_672 = arith.constant 1 : i32
          %get3A_673 = arith.index_cast %get3A_672 : i32 to index
          %get3A_674 = arith.index_cast %add3A_447 : i32 to index
          %get3A_675 = arith.index_cast %mul3A_671 : i32 to index
          %get3A_676 = tpu.vector_load %arg10[%get3A_673, %get3A_674, %get3A_675] {strides = array<i32>} : memref<2x16x1024xf32, #tpu.memory_space<vmem>>, vector<1x1x16xf32>,
          %get3A_677 = vector.shape_cast %get3A_676 : vector<1x1x16xf32> to vector<16xf32>
          %get3A_678 = arith.constant 0 : i32
          %get3A_679 = arith.index_cast %get3A_678 : i32 to index
          %get3A_680 = arith.index_cast %add3A_447 : i32 to index
          %get3A_681 = arith.index_cast %mul3A_671 : i32 to index
          %get3A_682 = tpu.vector_load %arg9[%get3A_679, %get3A_680, %get3A_681] {strides = array<i32>} : memref<2x16x1024xf32, #tpu.memory_space<vmem>>, vector<1x1x16xf32>,
          %get3A_683 = vector.shape_cast %get3A_682 : vector<1x1x16xf32> to vector<16xf32>
          %add3A_684 = arith.addf %get3A_677, %get3A_683 : vector<16xf32>
          %swap3A_685 = arith.constant 1 : i32
          %swap3A_686 = arith.index_cast %swap3A_685 : i32 to index
          %swap3A_687 = arith.index_cast %add3A_447 : i32 to index
          %swap3A_688 = arith.index_cast %mul3A_671 : i32 to index
          %swap3A_689 = tpu.vector_load %arg10[%swap3A_686, %swap3A_687, %swap3A_688] {strides = array<i32>} : memref<2x16x1024xf32, #tpu.memory_space<vmem>>, vector<1x1x16xf32>,
          %swap3A_690 = vector.shape_cast %swap3A_689 : vector<1x1x16xf32> to vector<16xf32>
          %swap3A_691 = vector.shape_cast %add3A_684 : vector<16xf32> to vector<1x1x16xf32>
          tpu.vector_store %arg10[%swap3A_686, %swap3A_687, %swap3A_688], %swap3A_691 {strides = array<i32>} : memref<2x16x1024xf32, #tpu.memory_space<vmem>>, vector<1x1x16xf32>,
          %add3A_692 = arith.addf %add3A_665, %add3A_684 : vector<16xf32>
          %mul3A_693 = arith.mulf %add3A_684, %add3A_684 : vector<16xf32>
          %add3A_694 = arith.addf %add3A_667, %mul3A_693 : vector<16xf32>
          %scan3A_695 = arith.constant 3 : i32
          %scan3A_696 = arith.addi %scan3A_614, %scan3A_695 : i32
          %mul3A_697 = arith.constant 16 : i32
          %mul3A_698 = arith.muli %scan3A_696, %mul3A_697 : i32
          %get3A_699 = arith.constant 1 : i32
          %get3A_700 = arith.index_cast %get3A_699 : i32 to index
          %get3A_701 = arith.index_cast %add3A_447 : i32 to index
          %get3A_702 = arith.index_cast %mul3A_698 : i32 to index
          %get3A_703 = tpu.vector_load %arg10[%get3A_700, %get3A_701, %get3A_702] {strides = array<i32>} : memref<2x16x1024xf32, #tpu.memory_space<vmem>>, vector<1x1x16xf32>,
          %get3A_704 = vector.shape_cast %get3A_703 : vector<1x1x16xf32> to vector<16xf32>
          %get3A_705 = arith.constant 0 : i32
          %get3A_706 = arith.index_cast %get3A_705 : i32 to index
          %get3A_707 = arith.index_cast %add3A_447 : i32 to index
          %get3A_708 = arith.index_cast %mul3A_698 : i32 to index
          %get3A_709 = tpu.vector_load %arg9[%get3A_706, %get3A_707, %get3A_708] {strides = array<i32>} : memref<2x16x1024xf32, #tpu.memory_space<vmem>>, vector<1x1x16xf32>,
          %get3A_710 = vector.shape_cast %get3A_709 : vector<1x1x16xf32> to vector<16xf32>
          %add3A_711 = arith.addf %get3A_704, %get3A_710 : vector<16xf32>
          %swap3A_712 = arith.constant 1 : i32
          %swap3A_713 = arith.index_cast %swap3A_712 : i32 to index
          %swap3A_714 = arith.index_cast %add3A_447 : i32 to index
          %swap3A_715 = arith.index_cast %mul3A_698 : i32 to index
          %swap3A_716 = tpu.vector_load %arg10[%swap3A_713, %swap3A_714, %swap3A_715] {strides = array<i32>} : memref<2x16x1024xf32, #tpu.memory_space<vmem>>, vector<1x1x16xf32>,
          %swap3A_717 = vector.shape_cast %swap3A_716 : vector<1x1x16xf32> to vector<16xf32>
          %swap3A_718 = vector.shape_cast %add3A_711 : vector<16xf32> to vector<1x1x16xf32>
          tpu.vector_store %arg10[%swap3A_713, %swap3A_714, %swap3A_715], %swap3A_718 {strides = array<i32>} : memref<2x16x1024xf32, #tpu.memory_space<vmem>>, vector<1x1x16xf32>,
          %add3A_719 = arith.addf %add3A_692, %add3A_711 : vector<16xf32>
          %mul3A_720 = arith.mulf %add3A_711, %add3A_711 : vector<16xf32>
          %add3A_721 = arith.addf %add3A_694, %mul3A_720 : vector<16xf32>
          scf.yield %add3A_719, %add3A_721 : vector<16xf32>, vector<16xf32>
        }
        %scan3A_454 = arith.constant 64 : i32
        %iota3A = tpu.iota {dimensions = array<i32: 0>} : vector<16xi32>
        %xor3A = arith.constant 8 : i32
        %xor3A_455 = vector.broadcast %xor3A : i32 to vector<16xi32>
        %xor3A_456 = arith.xori %iota3A, %xor3A_455 : vector<16xi32>
        %lt3A_457 = arith.constant 0 : i32
        %lt3A_458 = vector.broadcast %lt3A_457 : i32 to vector<16xi32>
        %lt3A_459 = arith.cmpi slt, %xor3A_456, %lt3A_458 : vector<16xi32>
        %add3A_460 = arith.constant 16 : i32
        %add3A_461 = vector.broadcast %add3A_460 : i32 to vector<16xi32>
        %add3A_462 = arith.addi %xor3A_456, %add3A_461 : vector<16xi32>
        %select_n3A = arith.select %lt3A_459, %add3A_462, %xor3A_456 : vector<16xi1>, vector<16xi32>
        %reshape3A = vector.shape_cast %select_n3A : vector<16xi32> to vector<16x1xi32>
        %gather3A = vector.shape_cast %reshape3A : vector<16x1xi32> to vector<16xi32>
        %gather3A_463 = tpu.dynamic_gather %scan3A_453#0[%gather3A] in [0] : vector<16xf32>, vector<16xi32> -> vector<16xf32>
        %add3A_464 = arith.addf %scan3A_453#0, %gather3A_463 : vector<16xf32>
        %xor3A_465 = arith.constant 4 : i32
        %xor3A_466 = vector.broadcast %xor3A_465 : i32 to vector<16xi32>
        %xor3A_467 = arith.xori %iota3A, %xor3A_466 : vector<16xi32>
        %lt3A_468 = arith.constant 0 : i32
        %lt3A_469 = vector.broadcast %lt3A_468 : i32 to vector<16xi32>
        %lt3A_470 = arith.cmpi slt, %xor3A_467, %lt3A_469 : vector<16xi32>
        %add3A_471 = arith.constant 16 : i32
        %add3A_472 = vector.broadcast %add3A_471 : i32 to vector<16xi32>
        %add3A_473 = arith.addi %xor3A_467, %add3A_472 : vector<16xi32>
        %select_n3A_474 = arith.select %lt3A_470, %add3A_473, %xor3A_467 : vector<16xi1>, vector<16xi32>
        %reshape3A_475 = vector.shape_cast %select_n3A_474 : vector<16xi32> to vector<16x1xi32>
        %gather3A_476 = vector.shape_cast %reshape3A_475 : vector<16x1xi32> to vector<16xi32>
        %gather3A_477 = tpu.dynamic_gather %add3A_464[%gather3A_476] in [0] : vector<16xf32>, vector<16xi32> -> vector<16xf32>
        %add3A_478 = arith.addf %add3A_464, %gather3A_477 : vector<16xf32>
        %xor3A_479 = arith.constant 2 : i32
        %xor3A_480 = vector.broadcast %xor3A_479 : i32 to vector<16xi32>
        %xor3A_481 = arith.xori %iota3A, %xor3A_480 : vector<16xi32>
        %lt3A_482 = arith.constant 0 : i32
        %lt3A_483 = vector.broadcast %lt3A_482 : i32 to vector<16xi32>
        %lt3A_484 = arith.cmpi slt, %xor3A_481, %lt3A_483 : vector<16xi32>
        %add3A_485 = arith.constant 16 : i32
        %add3A_486 = vector.broadcast %add3A_485 : i32 to vector<16xi32>
        %add3A_487 = arith.addi %xor3A_481, %add3A_486 : vector<16xi32>
        %select_n3A_488 = arith.select %lt3A_484, %add3A_487, %xor3A_481 : vector<16xi1>, vector<16xi32>
        %reshape3A_489 = vector.shape_cast %select_n3A_488 : vector<16xi32> to vector<16x1xi32>
        %gather3A_490 = vector.shape_cast %reshape3A_489 : vector<16x1xi32> to vector<16xi32>
        %gather3A_491 = tpu.dynamic_gather %add3A_478[%gather3A_490] in [0] : vector<16xf32>, vector<16xi32> -> vector<16xf32>
        %add3A_492 = arith.addf %add3A_478, %gather3A_491 : vector<16xf32>
        %xor3A_493 = arith.constant 1 : i32
        %xor3A_494 = vector.broadcast %xor3A_493 : i32 to vector<16xi32>
        %xor3A_495 = arith.xori %iota3A, %xor3A_494 : vector<16xi32>
        %lt3A_496 = arith.constant 0 : i32
        %lt3A_497 = vector.broadcast %lt3A_496 : i32 to vector<16xi32>
        %lt3A_498 = arith.cmpi slt, %xor3A_495, %lt3A_497 : vector<16xi32>
        %add3A_499 = arith.constant 16 : i32
        %add3A_500 = vector.broadcast %add3A_499 : i32 to vector<16xi32>
        %add3A_501 = arith.addi %xor3A_495, %add3A_500 : vector<16xi32>
        %select_n3A_502 = arith.select %lt3A_498, %add3A_501, %xor3A_495 : vector<16xi1>, vector<16xi32>
        %reshape3A_503 = vector.shape_cast %select_n3A_502 : vector<16xi32> to vector<16x1xi32>
        %gather3A_504 = vector.shape_cast %reshape3A_503 : vector<16x1xi32> to vector<16xi32>
        %gather3A_505 = tpu.dynamic_gather %add3A_492[%gather3A_504] in [0] : vector<16xf32>, vector<16xi32> -> vector<16xf32>
        %add3A_506 = arith.addf %add3A_492, %gather3A_505 : vector<16xf32>
        %mul3A_507 = arith.constant 9.765625E-4 : f32
        %mul3A_508 = vector.broadcast %mul3A_507 : f32 to vector<16xf32>
        %mul3A_509 = arith.mulf %add3A_506, %mul3A_508 : vector<16xf32>
        %iota3A_510 = tpu.iota {dimensions = array<i32: 0>} : vector<16xi32>
        %xor3A_511 = arith.constant 8 : i32
        %xor3A_512 = vector.broadcast %xor3A_511 : i32 to vector<16xi32>
        %xor3A_513 = arith.xori %iota3A_510, %xor3A_512 : vector<16xi32>
        %lt3A_514 = arith.constant 0 : i32
        %lt3A_515 = vector.broadcast %lt3A_514 : i32 to vector<16xi32>
        %lt3A_516 = arith.cmpi slt, %xor3A_513, %lt3A_515 : vector<16xi32>
        %add3A_517 = arith.constant 16 : i32
        %add3A_518 = vector.broadcast %add3A_517 : i32 to vector<16xi32>
        %add3A_519 = arith.addi %xor3A_513, %add3A_518 : vector<16xi32>
        %select_n3A_520 = arith.select %lt3A_516, %add3A_519, %xor3A_513 : vector<16xi1>, vector<16xi32>
        %reshape3A_521 = vector.shape_cast %select_n3A_520 : vector<16xi32> to vector<16x1xi32>
        %gather3A_522 = vector.shape_cast %reshape3A_521 : vector<16x1xi32> to vector<16xi32>
        %gather3A_523 = tpu.dynamic_gather %scan3A_453#1[%gather3A_522] in [0] : vector<16xf32>, vector<16xi32> -> vector<16xf32>
        %add3A_524 = arith.addf %scan3A_453#1, %gather3A_523 : vector<16xf32>
        %xor3A_525 = arith.constant 4 : i32
        %xor3A_526 = vector.broadcast %xor3A_525 : i32 to vector<16xi32>
        %xor3A_527 = arith.xori %iota3A_510, %xor3A_526 : vector<16xi32>
        %lt3A_528 = arith.constant 0 : i32
        %lt3A_529 = vector.broadcast %lt3A_528 : i32 to vector<16xi32>
        %lt3A_530 = arith.cmpi slt, %xor3A_527, %lt3A_529 : vector<16xi32>
        %add3A_531 = arith.constant 16 : i32
        %add3A_532 = vector.broadcast %add3A_531 : i32 to vector<16xi32>
        %add3A_533 = arith.addi %xor3A_527, %add3A_532 : vector<16xi32>
        %select_n3A_534 = arith.select %lt3A_530, %add3A_533, %xor3A_527 : vector<16xi1>, vector<16xi32>
        %reshape3A_535 = vector.shape_cast %select_n3A_534 : vector<16xi32> to vector<16x1xi32>
        %gather3A_536 = vector.shape_cast %reshape3A_535 : vector<16x1xi32> to vector<16xi32>
        %gather3A_537 = tpu.dynamic_gather %add3A_524[%gather3A_536] in [0] : vector<16xf32>, vector<16xi32> -> vector<16xf32>
        %add3A_538 = arith.addf %add3A_524, %gather3A_537 : vector<16xf32>
        %xor3A_539 = arith.constant 2 : i32
        %xor3A_540 = vector.broadcast %xor3A_539 : i32 to vector<16xi32>
        %xor3A_541 = arith.xori %iota3A_510, %xor3A_540 : vector<16xi32>
        %lt3A_542 = arith.constant 0 : i32
        %lt3A_543 = vector.broadcast %lt3A_542 : i32 to vector<16xi32>
        %lt3A_544 = arith.cmpi slt, %xor3A_541, %lt3A_543 : vector<16xi32>
        %add3A_545 = arith.constant 16 : i32
        %add3A_546 = vector.broadcast %add3A_545 : i32 to vector<16xi32>
        %add3A_547 = arith.addi %xor3A_541, %add3A_546 : vector<16xi32>
        %select_n3A_548 = arith.select %lt3A_544, %add3A_547, %xor3A_541 : vector<16xi1>, vector<16xi32>
        %reshape3A_549 = vector.shape_cast %select_n3A_548 : vector<16xi32> to vector<16x1xi32>
        %gather3A_550 = vector.shape_cast %reshape3A_549 : vector<16x1xi32> to vector<16xi32>
        %gather3A_551 = tpu.dynamic_gather %add3A_538[%gather3A_550] in [0] : vector<16xf32>, vector<16xi32> -> vector<16xf32>
        %add3A_552 = arith.addf %add3A_538, %gather3A_551 : vector<16xf32>
        %xor3A_553 = arith.constant 1 : i32
        %xor3A_554 = vector.broadcast %xor3A_553 : i32 to vector<16xi32>
        %xor3A_555 = arith.xori %iota3A_510, %xor3A_554 : vector<16xi32>
        %lt3A_556 = arith.constant 0 : i32
        %lt3A_557 = vector.broadcast %lt3A_556 : i32 to vector<16xi32>
        %lt3A_558 = arith.cmpi slt, %xor3A_555, %lt3A_557 : vector<16xi32>
        %add3A_559 = arith.constant 16 : i32
        %add3A_560 = vector.broadcast %add3A_559 : i32 to vector<16xi32>
        %add3A_561 = arith.addi %xor3A_555, %add3A_560 : vector<16xi32>
        %select_n3A_562 = arith.select %lt3A_558, %add3A_561, %xor3A_555 : vector<16xi1>, vector<16xi32>
        %reshape3A_563 = vector.shape_cast %select_n3A_562 : vector<16xi32> to vector<16x1xi32>
        %gather3A_564 = vector.shape_cast %reshape3A_563 : vector<16x1xi32> to vector<16xi32>
        %gather3A_565 = tpu.dynamic_gather %add3A_552[%gather3A_564] in [0] : vector<16xf32>, vector<16xi32> -> vector<16xf32>
        %add3A_566 = arith.addf %add3A_552, %gather3A_565 : vector<16xf32>
        %mul3A_567 = arith.constant 9.765625E-4 : f32
        %mul3A_568 = vector.broadcast %mul3A_567 : f32 to vector<16xf32>
        %mul3A_569 = arith.mulf %add3A_566, %mul3A_568 : vector<16xf32>
        %mul3A_570 = arith.mulf %mul3A_509, %mul3A_509 : vector<16xf32>
        %sub3A = arith.subf %mul3A_569, %mul3A_570 : vector<16xf32>
        %add3A_571 = arith.constant 9.99999996E-13 : f32
        %add3A_572 = vector.broadcast %add3A_571 : f32 to vector<16xf32>
        %add3A_573 = arith.addf %sub3A, %add3A_572 : vector<16xf32>
        %bitcast_convert_type3A = tpu.bitcast %add3A_573 : vector<16xf32> -> vector<16xi32>
        %shift_right_logical3A = arith.constant 1 : i32
        %shift_right_logical3A_574 = vector.broadcast %shift_right_logical3A : i32 to vector<16xi32>
        %shift_right_logical3A_575 = arith.shrui %bitcast_convert_type3A, %shift_right_logical3A_574 : vector<16xi32>
        %sub3A_576 = arith.constant 1597463007 : i32
        %sub3A_577 = vector.broadcast %sub3A_576 : i32 to vector<16xi32>
        %sub3A_578 = arith.subi %sub3A_577, %shift_right_logical3A_575 : vector<16xi32>
        %bitcast_convert_type3A_579 = tpu.bitcast %sub3A_578 : vector<16xi32> -> vector<16xf32>
        %mul3A_580 = arith.constant 5.000000e-01 : f32
        %mul3A_581 = vector.broadcast %mul3A_580 : f32 to vector<16xf32>
        %mul3A_582 = arith.mulf %mul3A_581, %add3A_573 : vector<16xf32>
        %mul3A_583 = arith.mulf %mul3A_582, %bitcast_convert_type3A_579 : vector<16xf32>
        %mul3A_584 = arith.mulf %mul3A_583, %bitcast_convert_type3A_579 : vector<16xf32>
        %sub3A_585 = arith.constant 1.500000e+00 : f32
        %sub3A_586 = vector.broadcast %sub3A_585 : f32 to vector<16xf32>
        %sub3A_587 = arith.subf %sub3A_586, %mul3A_584 : vector<16xf32>
        %mul3A_588 = arith.mulf %bitcast_convert_type3A_579, %sub3A_587 : vector<16xf32>
        %mul3A_589 = arith.constant 5.000000e-01 : f32
        %mul3A_590 = vector.broadcast %mul3A_589 : f32 to vector<16xf32>
        %mul3A_591 = arith.mulf %mul3A_590, %add3A_573 : vector<16xf32>
        %mul3A_592 = arith.mulf %mul3A_591, %mul3A_588 : vector<16xf32>
        %mul3A_593 = arith.mulf %mul3A_592, %mul3A_588 : vector<16xf32>
        %sub3A_594 = arith.constant 1.500000e+00 : f32
        %sub3A_595 = vector.broadcast %sub3A_594 : f32 to vector<16xf32>
        %sub3A_596 = arith.subf %sub3A_595, %mul3A_593 : vector<16xf32>
        %mul3A_597 = arith.mulf %mul3A_588, %sub3A_596 : vector<16xf32>
        %mul3A_598 = arith.constant 5.000000e-01 : f32
        %mul3A_599 = vector.broadcast %mul3A_598 : f32 to vector<16xf32>
        %mul3A_600 = arith.mulf %mul3A_599, %add3A_573 : vector<16xf32>
        %mul3A_601 = arith.mulf %mul3A_600, %mul3A_597 : vector<16xf32>
        %mul3A_602 = arith.mulf %mul3A_601, %mul3A_597 : vector<16xf32>
        %sub3A_603 = arith.constant 1.500000e+00 : f32
        %sub3A_604 = vector.broadcast %sub3A_603 : f32 to vector<16xf32>
        %sub3A_605 = arith.subf %sub3A_604, %mul3A_602 : vector<16xf32>
        %mul3A_606 = arith.mulf %mul3A_597, %sub3A_605 : vector<16xf32>
        %scan3A_607 = arith.constant 0 : i32
        %scan3A_608 = arith.constant 0 : i32
        %scan3A_609 = arith.constant 64 : i32
        %scan3A_610 = arith.addi %scan3A_608, %scan3A_609 : i32
        %scan3A_611 = arith.constant 4 : i32
        %scan3A_612 = scf.for %scan3A_614 = %scan3A_608 to %scan3A_610 step %scan3A_611 iter_args(%scan3A_615 = %scan3A_607) -> (i32)  : i32 {
          %mul3A_616 = arith.constant 16 : i32
          %mul3A_617 = arith.muli %scan3A_614, %mul3A_616 : i32
          %get3A_618 = arith.constant 1 : i32
          %get3A_619 = arith.index_cast %get3A_618 : i32 to index
          %get3A_620 = arith.index_cast %add3A_447 : i32 to index
          %get3A_621 = arith.index_cast %mul3A_617 : i32 to index
          %get3A_622 = tpu.vector_load %arg10[%get3A_619, %get3A_620, %get3A_621] {strides = array<i32>} : memref<2x16x1024xf32, #tpu.memory_space<vmem>>, vector<1x1x16xf32>,
          %get3A_623 = vector.shape_cast %get3A_622 : vector<1x1x16xf32> to vector<16xf32>
          %sub3A_624 = arith.subf %get3A_623, %mul3A_509 : vector<16xf32>
          %mul3A_625 = arith.mulf %sub3A_624, %mul3A_606 : vector<16xf32>
          %get3A_626 = arith.index_cast %mul3A_617 : i32 to index
          %get3A_627 = tpu.vector_load %arg11[%get3A_626] {strides = array<i32>} : memref<1024xf32, #tpu.memory_space<vmem>>, vector<16xf32>,
          %get3A_628 = vector.shape_cast %get3A_627 : vector<16xf32> to vector<16xf32>
          %mul3A_629 = arith.mulf %mul3A_625, %get3A_628 : vector<16xf32>
          %get3A_630 = arith.index_cast %mul3A_617 : i32 to index
          %get3A_631 = tpu.vector_load %arg12[%get3A_630] {strides = array<i32>} : memref<1024xf32, #tpu.memory_space<vmem>>, vector<16xf32>,
          %get3A_632 = vector.shape_cast %get3A_631 : vector<16xf32> to vector<16xf32>
          %add3A_633 = arith.addf %mul3A_629, %get3A_632 : vector<16xf32>
          %swap3A = arith.constant 1 : i32
          %swap3A_634 = arith.index_cast %swap3A : i32 to index
          %swap3A_635 = arith.index_cast %add3A_447 : i32 to index
          %swap3A_636 = arith.index_cast %mul3A_617 : i32 to index
          %swap3A_637 = tpu.vector_load %arg10[%swap3A_634, %swap3A_635, %swap3A_636] {strides = array<i32>} : memref<2x16x1024xf32, #tpu.memory_space<vmem>>, vector<1x1x16xf32>,
          %swap3A_638 = vector.shape_cast %swap3A_637 : vector<1x1x16xf32> to vector<16xf32>
          %swap3A_639 = vector.shape_cast %add3A_633 : vector<16xf32> to vector<1x1x16xf32>
          tpu.vector_store %arg10[%swap3A_634, %swap3A_635, %swap3A_636], %swap3A_639 {strides = array<i32>} : memref<2x16x1024xf32, #tpu.memory_space<vmem>>, vector<1x1x16xf32>,
          %scan3A_640 = arith.constant 0 : i32
          %scan3A_641 = arith.constant 1 : i32
          %scan3A_642 = arith.addi %scan3A_614, %scan3A_641 : i32
          %mul3A_643 = arith.constant 16 : i32
          %mul3A_644 = arith.muli %scan3A_642, %mul3A_643 : i32
          %get3A_645 = arith.constant 1 : i32
          %get3A_646 = arith.index_cast %get3A_645 : i32 to index
          %get3A_647 = arith.index_cast %add3A_447 : i32 to index
          %get3A_648 = arith.index_cast %mul3A_644 : i32 to index
          %get3A_649 = tpu.vector_load %arg10[%get3A_646, %get3A_647, %get3A_648] {strides = array<i32>} : memref<2x16x1024xf32, #tpu.memory_space<vmem>>, vector<1x1x16xf32>,
          %get3A_650 = vector.shape_cast %get3A_649 : vector<1x1x16xf32> to vector<16xf32>
          %sub3A_651 = arith.subf %get3A_650, %mul3A_509 : vector<16xf32>
          %mul3A_652 = arith.mulf %sub3A_651, %mul3A_606 : vector<16xf32>
          %get3A_653 = arith.index_cast %mul3A_644 : i32 to index
          %get3A_654 = tpu.vector_load %arg11[%get3A_653] {strides = array<i32>} : memref<1024xf32, #tpu.memory_space<vmem>>, vector<16xf32>,
          %get3A_655 = vector.shape_cast %get3A_654 : vector<16xf32> to vector<16xf32>
          %mul3A_656 = arith.mulf %mul3A_652, %get3A_655 : vector<16xf32>
          %get3A_657 = arith.index_cast %mul3A_644 : i32 to index
          %get3A_658 = tpu.vector_load %arg12[%get3A_657] {strides = array<i32>} : memref<1024xf32, #tpu.memory_space<vmem>>, vector<16xf32>,
          %get3A_659 = vector.shape_cast %get3A_658 : vector<16xf32> to vector<16xf32>
          %add3A_660 = arith.addf %mul3A_656, %get3A_659 : vector<16xf32>
          %swap3A_661 = arith.constant 1 : i32
          %swap3A_662 = arith.index_cast %swap3A_661 : i32 to index
          %swap3A_663 = arith.index_cast %add3A_447 : i32 to index
          %swap3A_664 = arith.index_cast %mul3A_644 : i32 to index
          %swap3A_665 = tpu.vector_load %arg10[%swap3A_662, %swap3A_663, %swap3A_664] {strides = array<i32>} : memref<2x16x1024xf32, #tpu.memory_space<vmem>>, vector<1x1x16xf32>,
          %swap3A_666 = vector.shape_cast %swap3A_665 : vector<1x1x16xf32> to vector<16xf32>
          %swap3A_667 = vector.shape_cast %add3A_660 : vector<16xf32> to vector<1x1x16xf32>
          tpu.vector_store %arg10[%swap3A_662, %swap3A_663, %swap3A_664], %swap3A_667 {strides = array<i32>} : memref<2x16x1024xf32, #tpu.memory_space<vmem>>, vector<1x1x16xf32>,
          %scan3A_668 = arith.constant 0 : i32
          %scan3A_669 = arith.constant 2 : i32
          %scan3A_670 = arith.addi %scan3A_614, %scan3A_669 : i32
          %mul3A_671 = arith.constant 16 : i32
          %mul3A_672 = arith.muli %scan3A_670, %mul3A_671 : i32
          %get3A_673 = arith.constant 1 : i32
          %get3A_674 = arith.index_cast %get3A_673 : i32 to index
          %get3A_675 = arith.index_cast %add3A_447 : i32 to index
          %get3A_676 = arith.index_cast %mul3A_672 : i32 to index
          %get3A_677 = tpu.vector_load %arg10[%get3A_674, %get3A_675, %get3A_676] {strides = array<i32>} : memref<2x16x1024xf32, #tpu.memory_space<vmem>>, vector<1x1x16xf32>,
          %get3A_678 = vector.shape_cast %get3A_677 : vector<1x1x16xf32> to vector<16xf32>
          %sub3A_679 = arith.subf %get3A_678, %mul3A_509 : vector<16xf32>
          %mul3A_680 = arith.mulf %sub3A_679, %mul3A_606 : vector<16xf32>
          %get3A_681 = arith.index_cast %mul3A_672 : i32 to index
          %get3A_682 = tpu.vector_load %arg11[%get3A_681] {strides = array<i32>} : memref<1024xf32, #tpu.memory_space<vmem>>, vector<16xf32>,
          %get3A_683 = vector.shape_cast %get3A_682 : vector<16xf32> to vector<16xf32>
          %mul3A_684 = arith.mulf %mul3A_680, %get3A_683 : vector<16xf32>
          %get3A_685 = arith.index_cast %mul3A_672 : i32 to index
          %get3A_686 = tpu.vector_load %arg12[%get3A_685] {strides = array<i32>} : memref<1024xf32, #tpu.memory_space<vmem>>, vector<16xf32>,
          %get3A_687 = vector.shape_cast %get3A_686 : vector<16xf32> to vector<16xf32>
          %add3A_688 = arith.addf %mul3A_684, %get3A_687 : vector<16xf32>
          %swap3A_689 = arith.constant 1 : i32
          %swap3A_690 = arith.index_cast %swap3A_689 : i32 to index
          %swap3A_691 = arith.index_cast %add3A_447 : i32 to index
          %swap3A_692 = arith.index_cast %mul3A_672 : i32 to index
          %swap3A_693 = tpu.vector_load %arg10[%swap3A_690, %swap3A_691, %swap3A_692] {strides = array<i32>} : memref<2x16x1024xf32, #tpu.memory_space<vmem>>, vector<1x1x16xf32>,
          %swap3A_694 = vector.shape_cast %swap3A_693 : vector<1x1x16xf32> to vector<16xf32>
          %swap3A_695 = vector.shape_cast %add3A_688 : vector<16xf32> to vector<1x1x16xf32>
          tpu.vector_store %arg10[%swap3A_690, %swap3A_691, %swap3A_692], %swap3A_695 {strides = array<i32>} : memref<2x16x1024xf32, #tpu.memory_space<vmem>>, vector<1x1x16xf32>,
          %scan3A_696 = arith.constant 0 : i32
          %scan3A_697 = arith.constant 3 : i32
          %scan3A_698 = arith.addi %scan3A_614, %scan3A_697 : i32
          %mul3A_699 = arith.constant 16 : i32
          %mul3A_700 = arith.muli %scan3A_698, %mul3A_699 : i32
          %get3A_701 = arith.constant 1 : i32
          %get3A_702 = arith.index_cast %get3A_701 : i32 to index
          %get3A_703 = arith.index_cast %add3A_447 : i32 to index
          %get3A_704 = arith.index_cast %mul3A_700 : i32 to index
          %get3A_705 = tpu.vector_load %arg10[%get3A_702, %get3A_703, %get3A_704] {strides = array<i32>} : memref<2x16x1024xf32, #tpu.memory_space<vmem>>, vector<1x1x16xf32>,
          %get3A_706 = vector.shape_cast %get3A_705 : vector<1x1x16xf32> to vector<16xf32>
          %sub3A_707 = arith.subf %get3A_706, %mul3A_509 : vector<16xf32>
          %mul3A_708 = arith.mulf %sub3A_707, %mul3A_606 : vector<16xf32>
          %get3A_709 = arith.index_cast %mul3A_700 : i32 to index
          %get3A_710 = tpu.vector_load %arg11[%get3A_709] {strides = array<i32>} : memref<1024xf32, #tpu.memory_space<vmem>>, vector<16xf32>,
          %get3A_711 = vector.shape_cast %get3A_710 : vector<16xf32> to vector<16xf32>
          %mul3A_712 = arith.mulf %mul3A_708, %get3A_711 : vector<16xf32>
          %get3A_713 = arith.index_cast %mul3A_700 : i32 to index
          %get3A_714 = tpu.vector_load %arg12[%get3A_713] {strides = array<i32>} : memref<1024xf32, #tpu.memory_space<vmem>>, vector<16xf32>,
          %get3A_715 = vector.shape_cast %get3A_714 : vector<16xf32> to vector<16xf32>
          %add3A_716 = arith.addf %mul3A_712, %get3A_715 : vector<16xf32>
          %swap3A_717 = arith.constant 1 : i32
          %swap3A_718 = arith.index_cast %swap3A_717 : i32 to index
          %swap3A_719 = arith.index_cast %add3A_447 : i32 to index
          %swap3A_720 = arith.index_cast %mul3A_700 : i32 to index
          %swap3A_721 = tpu.vector_load %arg10[%swap3A_718, %swap3A_719, %swap3A_720] {strides = array<i32>} : memref<2x16x1024xf32, #tpu.memory_space<vmem>>, vector<1x1x16xf32>,
          %swap3A_722 = vector.shape_cast %swap3A_721 : vector<1x1x16xf32> to vector<16xf32>
          %swap3A_723 = vector.shape_cast %add3A_716 : vector<16xf32> to vector<1x1x16xf32>
          tpu.vector_store %arg10[%swap3A_718, %swap3A_719, %swap3A_720], %swap3A_723 {strides = array<i32>} : memref<2x16x1024xf32, #tpu.memory_space<vmem>>, vector<1x1x16xf32>,
          %scan3A_724 = arith.constant 0 : i32
          scf.yield %scan3A_724 : i32
        }
        %scan3A_613 = arith.constant 64 : i32
      }
      %scan3A_155 = arith.constant 16 : i32
      %add3A_156 = arith.constant 4096 : i32
      %add3A_157 = arith.addi %add3A_156, %mul3A_2 : i32
      %mul3A_158 = arith.constant 16 : i32
      %mul3A_159 = arith.muli %add3A_49, %mul3A_158 : i32
      %add3A_160 = arith.addi %add3A_157, %mul3A_159 : i32
      %run_scoped3A_161 = arith.constant 1 : i32
      "tpu.region"() ({
        %run_scoped3A_443 = tpu.sem_alloc : memref<!tpu.dma_semaphore, #tpu.memory_space<semaphore_mem>>
        %dma_start3A_444 = arith.constant 0 : i32
        %dma_start3A_445 = arith.constant 0 : i32
        %dma_start3A_446 = tpu.memref_slice %arg10[%run_scoped3A_161, %dma_start3A_444, %dma_start3A_445] : memref<2x16x1024xf32, #tpu.memory_space<vmem>> -> memref<1x16x1024xf32, #tpu.memory_space<vmem>>
        %dma_start3A_447 = tpu.memref_squeeze %dma_start3A_446 : memref<1x16x1024xf32, #tpu.memory_space<vmem>> -> memref<16x1024xf32, #tpu.memory_space<vmem>>
        %dma_start3A_448 = arith.constant 0 : i32
        %dma_start3A_449 = tpu.memref_slice %arg7[%add3A_160, %dma_start3A_448] : memref<16384x1024xf32, #tpu.memory_space<hbm>> -> memref<16x1024xf32, #tpu.memory_space<hbm>>
        %dma_start3A_450 = arith.constant 0 : i32
        %dma_start3A_451 = tpu.memref_slice %arg7[%add3A_160, %dma_start3A_450] : memref<16384x1024xf32, #tpu.memory_space<hbm>> -> memref<16x1024xf32, #tpu.memory_space<hbm>>
        %dma_start3A_452 = arith.constant 0 : i32
        %dma_start3A_453 = arith.constant 0 : i32
        %dma_start3A_454 = tpu.memref_slice %arg10[%run_scoped3A_161, %dma_start3A_452, %dma_start3A_453] : memref<2x16x1024xf32, #tpu.memory_space<vmem>> -> memref<1x16x1024xf32, #tpu.memory_space<vmem>>
        %dma_start3A_455 = tpu.memref_squeeze %dma_start3A_454 : memref<1x16x1024xf32, #tpu.memory_space<vmem>> -> memref<16x1024xf32, #tpu.memory_space<vmem>>
        tpu.enqueue_dma source(%dma_start3A_455 : memref<16x1024xf32, #tpu.memory_space<vmem>>) target(%dma_start3A_451 : memref<16x1024xf32, #tpu.memory_space<hbm>>) target_semaphore(%run_scoped3A_443 : memref<!tpu.dma_semaphore, #tpu.memory_space<semaphore_mem>>)
        %dma_wait3A_456 = arith.constant 0 : i32
        %dma_wait3A_457 = arith.constant 0 : i32
        %dma_wait3A_458 = tpu.memref_slice %arg10[%run_scoped3A_161, %dma_wait3A_456, %dma_wait3A_457] : memref<2x16x1024xf32, #tpu.memory_space<vmem>> -> memref<1x16x1024xf32, #tpu.memory_space<vmem>>
        %dma_wait3A_459 = tpu.memref_squeeze %dma_wait3A_458 : memref<1x16x1024xf32, #tpu.memory_space<vmem>> -> memref<16x1024xf32, #tpu.memory_space<vmem>>
        %dma_wait3A_460 = arith.constant 0 : i32
        %dma_wait3A_461 = tpu.memref_slice %arg7[%add3A_160, %dma_wait3A_460] : memref<16384x1024xf32, #tpu.memory_space<hbm>> -> memref<16x1024xf32, #tpu.memory_space<hbm>>
        %dma_wait3A_462 = arith.constant 0 : i32
        %dma_wait3A_463 = tpu.memref_slice %arg7[%add3A_160, %dma_wait3A_462] : memref<16384x1024xf32, #tpu.memory_space<hbm>> -> memref<16x1024xf32, #tpu.memory_space<hbm>>
        %dma_wait3A_464 = arith.constant 0 : i32
        %dma_wait3A_465 = arith.constant 0 : i32
        %dma_wait3A_466 = tpu.memref_slice %arg10[%run_scoped3A_161, %dma_wait3A_464, %dma_wait3A_465] : memref<2x16x1024xf32, #tpu.memory_space<vmem>> -> memref<1x16x1024xf32, #tpu.memory_space<vmem>>
        %dma_wait3A_467 = tpu.memref_squeeze %dma_wait3A_466 : memref<1x16x1024xf32, #tpu.memory_space<vmem>> -> memref<16x1024xf32, #tpu.memory_space<vmem>>
        tpu.wait_dma2 semaphore(%run_scoped3A_443 : memref<!tpu.dma_semaphore, #tpu.memory_space<semaphore_mem>>) src(%dma_wait3A_467 : memref<16x1024xf32, #tpu.memory_space<vmem>>) dst(%dma_wait3A_463 : memref<16x1024xf32, #tpu.memory_space<hbm>>)
        tpu.yield
      }) : () -> ()
      %mul3A_162 = arith.constant 16 : i32
      %mul3A_163 = arith.muli %add3A_49, %mul3A_162 : i32
      %add3A_164 = arith.constant 384 : i32
      %add3A_165 = arith.addi %add3A_164, %mul3A_163 : i32
      %get3A_166 = arith.index_cast %add3A_165 : i32 to index
      %get3A_167 = tpu.vector_load %arg8[%get3A_166] {strides = array<i32>} : memref<512xi32, #tpu.memory_space<vmem>>, vector<16xi32>,
      %get3A_168 = vector.shape_cast %get3A_167 : vector<16xi32> to vector<16xi32>
      %dma_start3A_169 = arith.constant 1 : i32
      %dma_start3A_170 = arith.constant 1 : i32
      %dma_start3A_171 = arith.constant 0 : i32
      %dma_start3A_172 = arith.constant 0 : i32
      %dma_start3A_173 = tpu.memref_slice %arg10[%dma_start3A_169, %dma_start3A_171, %dma_start3A_172] : memref<2x16x1024xf32, #tpu.memory_space<vmem>> -> memref<1x16x1024xf32, #tpu.memory_space<vmem>>
      %dma_start3A_174 = tpu.memref_squeeze %dma_start3A_173 : memref<1x16x1024xf32, #tpu.memory_space<vmem>> -> memref<16x1024xf32, #tpu.memory_space<vmem>>
      %dma_start3A_175 = arith.constant 0 : i32
      %dma_start3A_176 = arith.constant 0 : i32
      %dma_start3A_177 = tpu.memref_slice %arg3[%dma_start3A_175, %dma_start3A_176] : memref<100000x1024xf32, #tpu.memory_space<hbm>> -> memref<100000x1024xf32, #tpu.memory_space<hbm>>
      %dma_start3A_178 = tpu.memref_slice %arg13[%dma_start3A_170] : memref<2x!tpu.dma_semaphore, #tpu.memory_space<semaphore_mem>> -> memref<1x!tpu.dma_semaphore, #tpu.memory_space<semaphore_mem>>
      %dma_start3A_179 = tpu.memref_squeeze %dma_start3A_178 : memref<1x!tpu.dma_semaphore, #tpu.memory_space<semaphore_mem>> -> memref<!tpu.dma_semaphore, #tpu.memory_space<semaphore_mem>>
      tpu.enqueue_indirect_dma source(%dma_start3A_177 : memref<100000x1024xf32, #tpu.memory_space<hbm>>) target(%dma_start3A_174 : memref<16x1024xf32, #tpu.memory_space<vmem>>) offsets(%get3A_168 : vector<16xi32>) semaphore(%dma_start3A_179 : memref<!tpu.dma_semaphore, #tpu.memory_space<semaphore_mem>>)
      %dma_wait3A_180 = arith.constant 0 : i32
      %dma_wait3A_181 = arith.constant 0 : i32
      %dma_wait3A_182 = arith.constant 0 : i32
      %dma_wait3A_183 = arith.constant 0 : i32
      %dma_wait3A_184 = tpu.memref_slice %arg10[%dma_wait3A_180, %dma_wait3A_182, %dma_wait3A_183] : memref<2x16x1024xf32, #tpu.memory_space<vmem>> -> memref<1x16x1024xf32, #tpu.memory_space<vmem>>
      %dma_wait3A_185 = tpu.memref_squeeze %dma_wait3A_184 : memref<1x16x1024xf32, #tpu.memory_space<vmem>> -> memref<16x1024xf32, #tpu.memory_space<vmem>>
      %dma_wait3A_186 = arith.constant 0 : i32
      %dma_wait3A_187 = arith.constant 0 : i32
      %dma_wait3A_188 = tpu.memref_slice %arg7[%dma_wait3A_186, %dma_wait3A_187] : memref<16384x1024xf32, #tpu.memory_space<hbm>> -> memref<16x1024xf32, #tpu.memory_space<hbm>>
      %dma_wait3A_189 = tpu.memref_slice %arg13[%dma_wait3A_181] : memref<2x!tpu.dma_semaphore, #tpu.memory_space<semaphore_mem>> -> memref<1x!tpu.dma_semaphore, #tpu.memory_space<semaphore_mem>>
      %dma_wait3A_190 = tpu.memref_squeeze %dma_wait3A_189 : memref<1x!tpu.dma_semaphore, #tpu.memory_space<semaphore_mem>> -> memref<!tpu.dma_semaphore, #tpu.memory_space<semaphore_mem>>
      %dma_wait3A_191 = arith.constant 0 : i32
      %dma_wait3A_192 = arith.constant 0 : i32
      %dma_wait3A_193 = tpu.memref_slice %arg10[%dma_wait3A_180, %dma_wait3A_191, %dma_wait3A_192] : memref<2x16x1024xf32, #tpu.memory_space<vmem>> -> memref<1x16x1024xf32, #tpu.memory_space<vmem>>
      %dma_wait3A_194 = tpu.memref_squeeze %dma_wait3A_193 : memref<1x16x1024xf32, #tpu.memory_space<vmem>> -> memref<16x1024xf32, #tpu.memory_space<vmem>>
      %dma_wait3A_195 = arith.constant 0 : i32
      %dma_wait3A_196 = arith.constant 0 : i32
      %dma_wait3A_197 = tpu.memref_slice %arg7[%dma_wait3A_195, %dma_wait3A_196] : memref<16384x1024xf32, #tpu.memory_space<hbm>> -> memref<16x1024xf32, #tpu.memory_space<hbm>>
      tpu.wait_dma2 semaphore(%dma_wait3A_190 : memref<!tpu.dma_semaphore, #tpu.memory_space<semaphore_mem>>) src(%dma_wait3A_197 : memref<16x1024xf32, #tpu.memory_space<hbm>>) dst(%dma_wait3A_194 : memref<16x1024xf32, #tpu.memory_space<vmem>>)
      %scan3A_198 = arith.constant 0 : i32
      %scan3A_199 = arith.constant 16 : i32
      %scan3A_200 = arith.addi %scan3A_198, %scan3A_199 : i32
      %scan3A_201 = arith.constant 1 : i32
      scf.for %scan3A_443 = %scan3A_198 to %scan3A_200 step %scan3A_201  : i32 {
        %mul3A_444 = arith.constant 1 : i32
        %mul3A_445 = arith.muli %scan3A_443, %mul3A_444 : i32
        %add3A_446 = arith.constant 0 : i32
        %add3A_447 = arith.addi %add3A_446, %mul3A_445 : i32
        %broadcast_in_dim3A = arith.constant 0.000000e+00 : f32
        %broadcast_in_dim3A_448 = vector.broadcast %broadcast_in_dim3A : f32 to vector<16xf32>
        %scan3A_449 = arith.constant 0 : i32
        %scan3A_450 = arith.constant 64 : i32
        %scan3A_451 = arith.addi %scan3A_449, %scan3A_450 : i32
        %scan3A_452 = arith.constant 4 : i32
        %scan3A_453:2 = scf.for %scan3A_614 = %scan3A_449 to %scan3A_451 step %scan3A_452 iter_args(%scan3A_615 = %broadcast_in_dim3A_448, %scan3A_616 = %broadcast_in_dim3A_448) -> (vector<16xf32>, vector<16xf32>)  : i32 {
          %mul3A_617 = arith.constant 16 : i32
          %mul3A_618 = arith.muli %scan3A_614, %mul3A_617 : i32
          %get3A_619 = arith.constant 0 : i32
          %get3A_620 = arith.index_cast %get3A_619 : i32 to index
          %get3A_621 = arith.index_cast %add3A_447 : i32 to index
          %get3A_622 = arith.index_cast %mul3A_618 : i32 to index
          %get3A_623 = tpu.vector_load %arg10[%get3A_620, %get3A_621, %get3A_622] {strides = array<i32>} : memref<2x16x1024xf32, #tpu.memory_space<vmem>>, vector<1x1x16xf32>,
          %get3A_624 = vector.shape_cast %get3A_623 : vector<1x1x16xf32> to vector<16xf32>
          %get3A_625 = arith.constant 0 : i32
          %get3A_626 = arith.index_cast %get3A_625 : i32 to index
          %get3A_627 = arith.index_cast %add3A_447 : i32 to index
          %get3A_628 = arith.index_cast %mul3A_618 : i32 to index
          %get3A_629 = tpu.vector_load %arg9[%get3A_626, %get3A_627, %get3A_628] {strides = array<i32>} : memref<2x16x1024xf32, #tpu.memory_space<vmem>>, vector<1x1x16xf32>,
          %get3A_630 = vector.shape_cast %get3A_629 : vector<1x1x16xf32> to vector<16xf32>
          %add3A_631 = arith.addf %get3A_624, %get3A_630 : vector<16xf32>
          %swap3A = arith.constant 0 : i32
          %swap3A_632 = arith.index_cast %swap3A : i32 to index
          %swap3A_633 = arith.index_cast %add3A_447 : i32 to index
          %swap3A_634 = arith.index_cast %mul3A_618 : i32 to index
          %swap3A_635 = tpu.vector_load %arg10[%swap3A_632, %swap3A_633, %swap3A_634] {strides = array<i32>} : memref<2x16x1024xf32, #tpu.memory_space<vmem>>, vector<1x1x16xf32>,
          %swap3A_636 = vector.shape_cast %swap3A_635 : vector<1x1x16xf32> to vector<16xf32>
          %swap3A_637 = vector.shape_cast %add3A_631 : vector<16xf32> to vector<1x1x16xf32>
          tpu.vector_store %arg10[%swap3A_632, %swap3A_633, %swap3A_634], %swap3A_637 {strides = array<i32>} : memref<2x16x1024xf32, #tpu.memory_space<vmem>>, vector<1x1x16xf32>,
          %add3A_638 = arith.addf %scan3A_615, %add3A_631 : vector<16xf32>
          %mul3A_639 = arith.mulf %add3A_631, %add3A_631 : vector<16xf32>
          %add3A_640 = arith.addf %scan3A_616, %mul3A_639 : vector<16xf32>
          %scan3A_641 = arith.constant 1 : i32
          %scan3A_642 = arith.addi %scan3A_614, %scan3A_641 : i32
          %mul3A_643 = arith.constant 16 : i32
          %mul3A_644 = arith.muli %scan3A_642, %mul3A_643 : i32
          %get3A_645 = arith.constant 0 : i32
          %get3A_646 = arith.index_cast %get3A_645 : i32 to index
          %get3A_647 = arith.index_cast %add3A_447 : i32 to index
          %get3A_648 = arith.index_cast %mul3A_644 : i32 to index
          %get3A_649 = tpu.vector_load %arg10[%get3A_646, %get3A_647, %get3A_648] {strides = array<i32>} : memref<2x16x1024xf32, #tpu.memory_space<vmem>>, vector<1x1x16xf32>,
          %get3A_650 = vector.shape_cast %get3A_649 : vector<1x1x16xf32> to vector<16xf32>
          %get3A_651 = arith.constant 0 : i32
          %get3A_652 = arith.index_cast %get3A_651 : i32 to index
          %get3A_653 = arith.index_cast %add3A_447 : i32 to index
          %get3A_654 = arith.index_cast %mul3A_644 : i32 to index
          %get3A_655 = tpu.vector_load %arg9[%get3A_652, %get3A_653, %get3A_654] {strides = array<i32>} : memref<2x16x1024xf32, #tpu.memory_space<vmem>>, vector<1x1x16xf32>,
          %get3A_656 = vector.shape_cast %get3A_655 : vector<1x1x16xf32> to vector<16xf32>
          %add3A_657 = arith.addf %get3A_650, %get3A_656 : vector<16xf32>
          %swap3A_658 = arith.constant 0 : i32
          %swap3A_659 = arith.index_cast %swap3A_658 : i32 to index
          %swap3A_660 = arith.index_cast %add3A_447 : i32 to index
          %swap3A_661 = arith.index_cast %mul3A_644 : i32 to index
          %swap3A_662 = tpu.vector_load %arg10[%swap3A_659, %swap3A_660, %swap3A_661] {strides = array<i32>} : memref<2x16x1024xf32, #tpu.memory_space<vmem>>, vector<1x1x16xf32>,
          %swap3A_663 = vector.shape_cast %swap3A_662 : vector<1x1x16xf32> to vector<16xf32>
          %swap3A_664 = vector.shape_cast %add3A_657 : vector<16xf32> to vector<1x1x16xf32>
          tpu.vector_store %arg10[%swap3A_659, %swap3A_660, %swap3A_661], %swap3A_664 {strides = array<i32>} : memref<2x16x1024xf32, #tpu.memory_space<vmem>>, vector<1x1x16xf32>,
          %add3A_665 = arith.addf %add3A_638, %add3A_657 : vector<16xf32>
          %mul3A_666 = arith.mulf %add3A_657, %add3A_657 : vector<16xf32>
          %add3A_667 = arith.addf %add3A_640, %mul3A_666 : vector<16xf32>
          %scan3A_668 = arith.constant 2 : i32
          %scan3A_669 = arith.addi %scan3A_614, %scan3A_668 : i32
          %mul3A_670 = arith.constant 16 : i32
          %mul3A_671 = arith.muli %scan3A_669, %mul3A_670 : i32
          %get3A_672 = arith.constant 0 : i32
          %get3A_673 = arith.index_cast %get3A_672 : i32 to index
          %get3A_674 = arith.index_cast %add3A_447 : i32 to index
          %get3A_675 = arith.index_cast %mul3A_671 : i32 to index
          %get3A_676 = tpu.vector_load %arg10[%get3A_673, %get3A_674, %get3A_675] {strides = array<i32>} : memref<2x16x1024xf32, #tpu.memory_space<vmem>>, vector<1x1x16xf32>,
          %get3A_677 = vector.shape_cast %get3A_676 : vector<1x1x16xf32> to vector<16xf32>
          %get3A_678 = arith.constant 0 : i32
          %get3A_679 = arith.index_cast %get3A_678 : i32 to index
          %get3A_680 = arith.index_cast %add3A_447 : i32 to index
          %get3A_681 = arith.index_cast %mul3A_671 : i32 to index
          %get3A_682 = tpu.vector_load %arg9[%get3A_679, %get3A_680, %get3A_681] {strides = array<i32>} : memref<2x16x1024xf32, #tpu.memory_space<vmem>>, vector<1x1x16xf32>,
          %get3A_683 = vector.shape_cast %get3A_682 : vector<1x1x16xf32> to vector<16xf32>
          %add3A_684 = arith.addf %get3A_677, %get3A_683 : vector<16xf32>
          %swap3A_685 = arith.constant 0 : i32
          %swap3A_686 = arith.index_cast %swap3A_685 : i32 to index
          %swap3A_687 = arith.index_cast %add3A_447 : i32 to index
          %swap3A_688 = arith.index_cast %mul3A_671 : i32 to index
          %swap3A_689 = tpu.vector_load %arg10[%swap3A_686, %swap3A_687, %swap3A_688] {strides = array<i32>} : memref<2x16x1024xf32, #tpu.memory_space<vmem>>, vector<1x1x16xf32>,
          %swap3A_690 = vector.shape_cast %swap3A_689 : vector<1x1x16xf32> to vector<16xf32>
          %swap3A_691 = vector.shape_cast %add3A_684 : vector<16xf32> to vector<1x1x16xf32>
          tpu.vector_store %arg10[%swap3A_686, %swap3A_687, %swap3A_688], %swap3A_691 {strides = array<i32>} : memref<2x16x1024xf32, #tpu.memory_space<vmem>>, vector<1x1x16xf32>,
          %add3A_692 = arith.addf %add3A_665, %add3A_684 : vector<16xf32>
          %mul3A_693 = arith.mulf %add3A_684, %add3A_684 : vector<16xf32>
          %add3A_694 = arith.addf %add3A_667, %mul3A_693 : vector<16xf32>
          %scan3A_695 = arith.constant 3 : i32
          %scan3A_696 = arith.addi %scan3A_614, %scan3A_695 : i32
          %mul3A_697 = arith.constant 16 : i32
          %mul3A_698 = arith.muli %scan3A_696, %mul3A_697 : i32
          %get3A_699 = arith.constant 0 : i32
          %get3A_700 = arith.index_cast %get3A_699 : i32 to index
          %get3A_701 = arith.index_cast %add3A_447 : i32 to index
          %get3A_702 = arith.index_cast %mul3A_698 : i32 to index
          %get3A_703 = tpu.vector_load %arg10[%get3A_700, %get3A_701, %get3A_702] {strides = array<i32>} : memref<2x16x1024xf32, #tpu.memory_space<vmem>>, vector<1x1x16xf32>,
          %get3A_704 = vector.shape_cast %get3A_703 : vector<1x1x16xf32> to vector<16xf32>
          %get3A_705 = arith.constant 0 : i32
          %get3A_706 = arith.index_cast %get3A_705 : i32 to index
          %get3A_707 = arith.index_cast %add3A_447 : i32 to index
          %get3A_708 = arith.index_cast %mul3A_698 : i32 to index
          %get3A_709 = tpu.vector_load %arg9[%get3A_706, %get3A_707, %get3A_708] {strides = array<i32>} : memref<2x16x1024xf32, #tpu.memory_space<vmem>>, vector<1x1x16xf32>,
          %get3A_710 = vector.shape_cast %get3A_709 : vector<1x1x16xf32> to vector<16xf32>
          %add3A_711 = arith.addf %get3A_704, %get3A_710 : vector<16xf32>
          %swap3A_712 = arith.constant 0 : i32
          %swap3A_713 = arith.index_cast %swap3A_712 : i32 to index
          %swap3A_714 = arith.index_cast %add3A_447 : i32 to index
          %swap3A_715 = arith.index_cast %mul3A_698 : i32 to index
          %swap3A_716 = tpu.vector_load %arg10[%swap3A_713, %swap3A_714, %swap3A_715] {strides = array<i32>} : memref<2x16x1024xf32, #tpu.memory_space<vmem>>, vector<1x1x16xf32>,
          %swap3A_717 = vector.shape_cast %swap3A_716 : vector<1x1x16xf32> to vector<16xf32>
          %swap3A_718 = vector.shape_cast %add3A_711 : vector<16xf32> to vector<1x1x16xf32>
          tpu.vector_store %arg10[%swap3A_713, %swap3A_714, %swap3A_715], %swap3A_718 {strides = array<i32>} : memref<2x16x1024xf32, #tpu.memory_space<vmem>>, vector<1x1x16xf32>,
          %add3A_719 = arith.addf %add3A_692, %add3A_711 : vector<16xf32>
          %mul3A_720 = arith.mulf %add3A_711, %add3A_711 : vector<16xf32>
          %add3A_721 = arith.addf %add3A_694, %mul3A_720 : vector<16xf32>
          scf.yield %add3A_719, %add3A_721 : vector<16xf32>, vector<16xf32>
        }
        %scan3A_454 = arith.constant 64 : i32
        %iota3A = tpu.iota {dimensions = array<i32: 0>} : vector<16xi32>
        %xor3A = arith.constant 8 : i32
        %xor3A_455 = vector.broadcast %xor3A : i32 to vector<16xi32>
        %xor3A_456 = arith.xori %iota3A, %xor3A_455 : vector<16xi32>
        %lt3A_457 = arith.constant 0 : i32
        %lt3A_458 = vector.broadcast %lt3A_457 : i32 to vector<16xi32>
        %lt3A_459 = arith.cmpi slt, %xor3A_456, %lt3A_458 : vector<16xi32>
        %add3A_460 = arith.constant 16 : i32
        %add3A_461 = vector.broadcast %add3A_460 : i32 to vector<16xi32>
        %add3A_462 = arith.addi %xor3A_456, %add3A_461 : vector<16xi32>
        %select_n3A = arith.select %lt3A_459, %add3A_462, %xor3A_456 : vector<16xi1>, vector<16xi32>
        %reshape3A = vector.shape_cast %select_n3A : vector<16xi32> to vector<16x1xi32>
        %gather3A = vector.shape_cast %reshape3A : vector<16x1xi32> to vector<16xi32>
        %gather3A_463 = tpu.dynamic_gather %scan3A_453#0[%gather3A] in [0] : vector<16xf32>, vector<16xi32> -> vector<16xf32>
        %add3A_464 = arith.addf %scan3A_453#0, %gather3A_463 : vector<16xf32>
        %xor3A_465 = arith.constant 4 : i32
        %xor3A_466 = vector.broadcast %xor3A_465 : i32 to vector<16xi32>
        %xor3A_467 = arith.xori %iota3A, %xor3A_466 : vector<16xi32>
        %lt3A_468 = arith.constant 0 : i32
        %lt3A_469 = vector.broadcast %lt3A_468 : i32 to vector<16xi32>
        %lt3A_470 = arith.cmpi slt, %xor3A_467, %lt3A_469 : vector<16xi32>
        %add3A_471 = arith.constant 16 : i32
        %add3A_472 = vector.broadcast %add3A_471 : i32 to vector<16xi32>
        %add3A_473 = arith.addi %xor3A_467, %add3A_472 : vector<16xi32>
        %select_n3A_474 = arith.select %lt3A_470, %add3A_473, %xor3A_467 : vector<16xi1>, vector<16xi32>
        %reshape3A_475 = vector.shape_cast %select_n3A_474 : vector<16xi32> to vector<16x1xi32>
        %gather3A_476 = vector.shape_cast %reshape3A_475 : vector<16x1xi32> to vector<16xi32>
        %gather3A_477 = tpu.dynamic_gather %add3A_464[%gather3A_476] in [0] : vector<16xf32>, vector<16xi32> -> vector<16xf32>
        %add3A_478 = arith.addf %add3A_464, %gather3A_477 : vector<16xf32>
        %xor3A_479 = arith.constant 2 : i32
        %xor3A_480 = vector.broadcast %xor3A_479 : i32 to vector<16xi32>
        %xor3A_481 = arith.xori %iota3A, %xor3A_480 : vector<16xi32>
        %lt3A_482 = arith.constant 0 : i32
        %lt3A_483 = vector.broadcast %lt3A_482 : i32 to vector<16xi32>
        %lt3A_484 = arith.cmpi slt, %xor3A_481, %lt3A_483 : vector<16xi32>
        %add3A_485 = arith.constant 16 : i32
        %add3A_486 = vector.broadcast %add3A_485 : i32 to vector<16xi32>
        %add3A_487 = arith.addi %xor3A_481, %add3A_486 : vector<16xi32>
        %select_n3A_488 = arith.select %lt3A_484, %add3A_487, %xor3A_481 : vector<16xi1>, vector<16xi32>
        %reshape3A_489 = vector.shape_cast %select_n3A_488 : vector<16xi32> to vector<16x1xi32>
        %gather3A_490 = vector.shape_cast %reshape3A_489 : vector<16x1xi32> to vector<16xi32>
        %gather3A_491 = tpu.dynamic_gather %add3A_478[%gather3A_490] in [0] : vector<16xf32>, vector<16xi32> -> vector<16xf32>
        %add3A_492 = arith.addf %add3A_478, %gather3A_491 : vector<16xf32>
        %xor3A_493 = arith.constant 1 : i32
        %xor3A_494 = vector.broadcast %xor3A_493 : i32 to vector<16xi32>
        %xor3A_495 = arith.xori %iota3A, %xor3A_494 : vector<16xi32>
        %lt3A_496 = arith.constant 0 : i32
        %lt3A_497 = vector.broadcast %lt3A_496 : i32 to vector<16xi32>
        %lt3A_498 = arith.cmpi slt, %xor3A_495, %lt3A_497 : vector<16xi32>
        %add3A_499 = arith.constant 16 : i32
        %add3A_500 = vector.broadcast %add3A_499 : i32 to vector<16xi32>
        %add3A_501 = arith.addi %xor3A_495, %add3A_500 : vector<16xi32>
        %select_n3A_502 = arith.select %lt3A_498, %add3A_501, %xor3A_495 : vector<16xi1>, vector<16xi32>
        %reshape3A_503 = vector.shape_cast %select_n3A_502 : vector<16xi32> to vector<16x1xi32>
        %gather3A_504 = vector.shape_cast %reshape3A_503 : vector<16x1xi32> to vector<16xi32>
        %gather3A_505 = tpu.dynamic_gather %add3A_492[%gather3A_504] in [0] : vector<16xf32>, vector<16xi32> -> vector<16xf32>
        %add3A_506 = arith.addf %add3A_492, %gather3A_505 : vector<16xf32>
        %mul3A_507 = arith.constant 9.765625E-4 : f32
        %mul3A_508 = vector.broadcast %mul3A_507 : f32 to vector<16xf32>
        %mul3A_509 = arith.mulf %add3A_506, %mul3A_508 : vector<16xf32>
        %iota3A_510 = tpu.iota {dimensions = array<i32: 0>} : vector<16xi32>
        %xor3A_511 = arith.constant 8 : i32
        %xor3A_512 = vector.broadcast %xor3A_511 : i32 to vector<16xi32>
        %xor3A_513 = arith.xori %iota3A_510, %xor3A_512 : vector<16xi32>
        %lt3A_514 = arith.constant 0 : i32
        %lt3A_515 = vector.broadcast %lt3A_514 : i32 to vector<16xi32>
        %lt3A_516 = arith.cmpi slt, %xor3A_513, %lt3A_515 : vector<16xi32>
        %add3A_517 = arith.constant 16 : i32
        %add3A_518 = vector.broadcast %add3A_517 : i32 to vector<16xi32>
        %add3A_519 = arith.addi %xor3A_513, %add3A_518 : vector<16xi32>
        %select_n3A_520 = arith.select %lt3A_516, %add3A_519, %xor3A_513 : vector<16xi1>, vector<16xi32>
        %reshape3A_521 = vector.shape_cast %select_n3A_520 : vector<16xi32> to vector<16x1xi32>
        %gather3A_522 = vector.shape_cast %reshape3A_521 : vector<16x1xi32> to vector<16xi32>
        %gather3A_523 = tpu.dynamic_gather %scan3A_453#1[%gather3A_522] in [0] : vector<16xf32>, vector<16xi32> -> vector<16xf32>
        %add3A_524 = arith.addf %scan3A_453#1, %gather3A_523 : vector<16xf32>
        %xor3A_525 = arith.constant 4 : i32
        %xor3A_526 = vector.broadcast %xor3A_525 : i32 to vector<16xi32>
        %xor3A_527 = arith.xori %iota3A_510, %xor3A_526 : vector<16xi32>
        %lt3A_528 = arith.constant 0 : i32
        %lt3A_529 = vector.broadcast %lt3A_528 : i32 to vector<16xi32>
        %lt3A_530 = arith.cmpi slt, %xor3A_527, %lt3A_529 : vector<16xi32>
        %add3A_531 = arith.constant 16 : i32
        %add3A_532 = vector.broadcast %add3A_531 : i32 to vector<16xi32>
        %add3A_533 = arith.addi %xor3A_527, %add3A_532 : vector<16xi32>
        %select_n3A_534 = arith.select %lt3A_530, %add3A_533, %xor3A_527 : vector<16xi1>, vector<16xi32>
        %reshape3A_535 = vector.shape_cast %select_n3A_534 : vector<16xi32> to vector<16x1xi32>
        %gather3A_536 = vector.shape_cast %reshape3A_535 : vector<16x1xi32> to vector<16xi32>
        %gather3A_537 = tpu.dynamic_gather %add3A_524[%gather3A_536] in [0] : vector<16xf32>, vector<16xi32> -> vector<16xf32>
        %add3A_538 = arith.addf %add3A_524, %gather3A_537 : vector<16xf32>
        %xor3A_539 = arith.constant 2 : i32
        %xor3A_540 = vector.broadcast %xor3A_539 : i32 to vector<16xi32>
        %xor3A_541 = arith.xori %iota3A_510, %xor3A_540 : vector<16xi32>
        %lt3A_542 = arith.constant 0 : i32
        %lt3A_543 = vector.broadcast %lt3A_542 : i32 to vector<16xi32>
        %lt3A_544 = arith.cmpi slt, %xor3A_541, %lt3A_543 : vector<16xi32>
        %add3A_545 = arith.constant 16 : i32
        %add3A_546 = vector.broadcast %add3A_545 : i32 to vector<16xi32>
        %add3A_547 = arith.addi %xor3A_541, %add3A_546 : vector<16xi32>
        %select_n3A_548 = arith.select %lt3A_544, %add3A_547, %xor3A_541 : vector<16xi1>, vector<16xi32>
        %reshape3A_549 = vector.shape_cast %select_n3A_548 : vector<16xi32> to vector<16x1xi32>
        %gather3A_550 = vector.shape_cast %reshape3A_549 : vector<16x1xi32> to vector<16xi32>
        %gather3A_551 = tpu.dynamic_gather %add3A_538[%gather3A_550] in [0] : vector<16xf32>, vector<16xi32> -> vector<16xf32>
        %add3A_552 = arith.addf %add3A_538, %gather3A_551 : vector<16xf32>
        %xor3A_553 = arith.constant 1 : i32
        %xor3A_554 = vector.broadcast %xor3A_553 : i32 to vector<16xi32>
        %xor3A_555 = arith.xori %iota3A_510, %xor3A_554 : vector<16xi32>
        %lt3A_556 = arith.constant 0 : i32
        %lt3A_557 = vector.broadcast %lt3A_556 : i32 to vector<16xi32>
        %lt3A_558 = arith.cmpi slt, %xor3A_555, %lt3A_557 : vector<16xi32>
        %add3A_559 = arith.constant 16 : i32
        %add3A_560 = vector.broadcast %add3A_559 : i32 to vector<16xi32>
        %add3A_561 = arith.addi %xor3A_555, %add3A_560 : vector<16xi32>
        %select_n3A_562 = arith.select %lt3A_558, %add3A_561, %xor3A_555 : vector<16xi1>, vector<16xi32>
        %reshape3A_563 = vector.shape_cast %select_n3A_562 : vector<16xi32> to vector<16x1xi32>
        %gather3A_564 = vector.shape_cast %reshape3A_563 : vector<16x1xi32> to vector<16xi32>
        %gather3A_565 = tpu.dynamic_gather %add3A_552[%gather3A_564] in [0] : vector<16xf32>, vector<16xi32> -> vector<16xf32>
        %add3A_566 = arith.addf %add3A_552, %gather3A_565 : vector<16xf32>
        %mul3A_567 = arith.constant 9.765625E-4 : f32
        %mul3A_568 = vector.broadcast %mul3A_567 : f32 to vector<16xf32>
        %mul3A_569 = arith.mulf %add3A_566, %mul3A_568 : vector<16xf32>
        %mul3A_570 = arith.mulf %mul3A_509, %mul3A_509 : vector<16xf32>
        %sub3A = arith.subf %mul3A_569, %mul3A_570 : vector<16xf32>
        %add3A_571 = arith.constant 9.99999996E-13 : f32
        %add3A_572 = vector.broadcast %add3A_571 : f32 to vector<16xf32>
        %add3A_573 = arith.addf %sub3A, %add3A_572 : vector<16xf32>
        %bitcast_convert_type3A = tpu.bitcast %add3A_573 : vector<16xf32> -> vector<16xi32>
        %shift_right_logical3A = arith.constant 1 : i32
        %shift_right_logical3A_574 = vector.broadcast %shift_right_logical3A : i32 to vector<16xi32>
        %shift_right_logical3A_575 = arith.shrui %bitcast_convert_type3A, %shift_right_logical3A_574 : vector<16xi32>
        %sub3A_576 = arith.constant 1597463007 : i32
        %sub3A_577 = vector.broadcast %sub3A_576 : i32 to vector<16xi32>
        %sub3A_578 = arith.subi %sub3A_577, %shift_right_logical3A_575 : vector<16xi32>
        %bitcast_convert_type3A_579 = tpu.bitcast %sub3A_578 : vector<16xi32> -> vector<16xf32>
        %mul3A_580 = arith.constant 5.000000e-01 : f32
        %mul3A_581 = vector.broadcast %mul3A_580 : f32 to vector<16xf32>
        %mul3A_582 = arith.mulf %mul3A_581, %add3A_573 : vector<16xf32>
        %mul3A_583 = arith.mulf %mul3A_582, %bitcast_convert_type3A_579 : vector<16xf32>
        %mul3A_584 = arith.mulf %mul3A_583, %bitcast_convert_type3A_579 : vector<16xf32>
        %sub3A_585 = arith.constant 1.500000e+00 : f32
        %sub3A_586 = vector.broadcast %sub3A_585 : f32 to vector<16xf32>
        %sub3A_587 = arith.subf %sub3A_586, %mul3A_584 : vector<16xf32>
        %mul3A_588 = arith.mulf %bitcast_convert_type3A_579, %sub3A_587 : vector<16xf32>
        %mul3A_589 = arith.constant 5.000000e-01 : f32
        %mul3A_590 = vector.broadcast %mul3A_589 : f32 to vector<16xf32>
        %mul3A_591 = arith.mulf %mul3A_590, %add3A_573 : vector<16xf32>
        %mul3A_592 = arith.mulf %mul3A_591, %mul3A_588 : vector<16xf32>
        %mul3A_593 = arith.mulf %mul3A_592, %mul3A_588 : vector<16xf32>
        %sub3A_594 = arith.constant 1.500000e+00 : f32
        %sub3A_595 = vector.broadcast %sub3A_594 : f32 to vector<16xf32>
        %sub3A_596 = arith.subf %sub3A_595, %mul3A_593 : vector<16xf32>
        %mul3A_597 = arith.mulf %mul3A_588, %sub3A_596 : vector<16xf32>
        %mul3A_598 = arith.constant 5.000000e-01 : f32
        %mul3A_599 = vector.broadcast %mul3A_598 : f32 to vector<16xf32>
        %mul3A_600 = arith.mulf %mul3A_599, %add3A_573 : vector<16xf32>
        %mul3A_601 = arith.mulf %mul3A_600, %mul3A_597 : vector<16xf32>
        %mul3A_602 = arith.mulf %mul3A_601, %mul3A_597 : vector<16xf32>
        %sub3A_603 = arith.constant 1.500000e+00 : f32
        %sub3A_604 = vector.broadcast %sub3A_603 : f32 to vector<16xf32>
        %sub3A_605 = arith.subf %sub3A_604, %mul3A_602 : vector<16xf32>
        %mul3A_606 = arith.mulf %mul3A_597, %sub3A_605 : vector<16xf32>
        %scan3A_607 = arith.constant 0 : i32
        %scan3A_608 = arith.constant 0 : i32
        %scan3A_609 = arith.constant 64 : i32
        %scan3A_610 = arith.addi %scan3A_608, %scan3A_609 : i32
        %scan3A_611 = arith.constant 4 : i32
        %scan3A_612 = scf.for %scan3A_614 = %scan3A_608 to %scan3A_610 step %scan3A_611 iter_args(%scan3A_615 = %scan3A_607) -> (i32)  : i32 {
          %mul3A_616 = arith.constant 16 : i32
          %mul3A_617 = arith.muli %scan3A_614, %mul3A_616 : i32
          %get3A_618 = arith.constant 0 : i32
          %get3A_619 = arith.index_cast %get3A_618 : i32 to index
          %get3A_620 = arith.index_cast %add3A_447 : i32 to index
          %get3A_621 = arith.index_cast %mul3A_617 : i32 to index
          %get3A_622 = tpu.vector_load %arg10[%get3A_619, %get3A_620, %get3A_621] {strides = array<i32>} : memref<2x16x1024xf32, #tpu.memory_space<vmem>>, vector<1x1x16xf32>,
          %get3A_623 = vector.shape_cast %get3A_622 : vector<1x1x16xf32> to vector<16xf32>
          %sub3A_624 = arith.subf %get3A_623, %mul3A_509 : vector<16xf32>
          %mul3A_625 = arith.mulf %sub3A_624, %mul3A_606 : vector<16xf32>
          %get3A_626 = arith.index_cast %mul3A_617 : i32 to index
          %get3A_627 = tpu.vector_load %arg11[%get3A_626] {strides = array<i32>} : memref<1024xf32, #tpu.memory_space<vmem>>, vector<16xf32>,
          %get3A_628 = vector.shape_cast %get3A_627 : vector<16xf32> to vector<16xf32>
          %mul3A_629 = arith.mulf %mul3A_625, %get3A_628 : vector<16xf32>
          %get3A_630 = arith.index_cast %mul3A_617 : i32 to index
          %get3A_631 = tpu.vector_load %arg12[%get3A_630] {strides = array<i32>} : memref<1024xf32, #tpu.memory_space<vmem>>, vector<16xf32>,
          %get3A_632 = vector.shape_cast %get3A_631 : vector<16xf32> to vector<16xf32>
          %add3A_633 = arith.addf %mul3A_629, %get3A_632 : vector<16xf32>
          %swap3A = arith.constant 0 : i32
          %swap3A_634 = arith.index_cast %swap3A : i32 to index
          %swap3A_635 = arith.index_cast %add3A_447 : i32 to index
          %swap3A_636 = arith.index_cast %mul3A_617 : i32 to index
          %swap3A_637 = tpu.vector_load %arg10[%swap3A_634, %swap3A_635, %swap3A_636] {strides = array<i32>} : memref<2x16x1024xf32, #tpu.memory_space<vmem>>, vector<1x1x16xf32>,
          %swap3A_638 = vector.shape_cast %swap3A_637 : vector<1x1x16xf32> to vector<16xf32>
          %swap3A_639 = vector.shape_cast %add3A_633 : vector<16xf32> to vector<1x1x16xf32>
          tpu.vector_store %arg10[%swap3A_634, %swap3A_635, %swap3A_636], %swap3A_639 {strides = array<i32>} : memref<2x16x1024xf32, #tpu.memory_space<vmem>>, vector<1x1x16xf32>,
          %scan3A_640 = arith.constant 0 : i32
          %scan3A_641 = arith.constant 1 : i32
          %scan3A_642 = arith.addi %scan3A_614, %scan3A_641 : i32
          %mul3A_643 = arith.constant 16 : i32
          %mul3A_644 = arith.muli %scan3A_642, %mul3A_643 : i32
          %get3A_645 = arith.constant 0 : i32
          %get3A_646 = arith.index_cast %get3A_645 : i32 to index
          %get3A_647 = arith.index_cast %add3A_447 : i32 to index
          %get3A_648 = arith.index_cast %mul3A_644 : i32 to index
          %get3A_649 = tpu.vector_load %arg10[%get3A_646, %get3A_647, %get3A_648] {strides = array<i32>} : memref<2x16x1024xf32, #tpu.memory_space<vmem>>, vector<1x1x16xf32>,
          %get3A_650 = vector.shape_cast %get3A_649 : vector<1x1x16xf32> to vector<16xf32>
          %sub3A_651 = arith.subf %get3A_650, %mul3A_509 : vector<16xf32>
          %mul3A_652 = arith.mulf %sub3A_651, %mul3A_606 : vector<16xf32>
          %get3A_653 = arith.index_cast %mul3A_644 : i32 to index
          %get3A_654 = tpu.vector_load %arg11[%get3A_653] {strides = array<i32>} : memref<1024xf32, #tpu.memory_space<vmem>>, vector<16xf32>,
          %get3A_655 = vector.shape_cast %get3A_654 : vector<16xf32> to vector<16xf32>
          %mul3A_656 = arith.mulf %mul3A_652, %get3A_655 : vector<16xf32>
          %get3A_657 = arith.index_cast %mul3A_644 : i32 to index
          %get3A_658 = tpu.vector_load %arg12[%get3A_657] {strides = array<i32>} : memref<1024xf32, #tpu.memory_space<vmem>>, vector<16xf32>,
          %get3A_659 = vector.shape_cast %get3A_658 : vector<16xf32> to vector<16xf32>
          %add3A_660 = arith.addf %mul3A_656, %get3A_659 : vector<16xf32>
          %swap3A_661 = arith.constant 0 : i32
          %swap3A_662 = arith.index_cast %swap3A_661 : i32 to index
          %swap3A_663 = arith.index_cast %add3A_447 : i32 to index
          %swap3A_664 = arith.index_cast %mul3A_644 : i32 to index
          %swap3A_665 = tpu.vector_load %arg10[%swap3A_662, %swap3A_663, %swap3A_664] {strides = array<i32>} : memref<2x16x1024xf32, #tpu.memory_space<vmem>>, vector<1x1x16xf32>,
          %swap3A_666 = vector.shape_cast %swap3A_665 : vector<1x1x16xf32> to vector<16xf32>
          %swap3A_667 = vector.shape_cast %add3A_660 : vector<16xf32> to vector<1x1x16xf32>
          tpu.vector_store %arg10[%swap3A_662, %swap3A_663, %swap3A_664], %swap3A_667 {strides = array<i32>} : memref<2x16x1024xf32, #tpu.memory_space<vmem>>, vector<1x1x16xf32>,
          %scan3A_668 = arith.constant 0 : i32
          %scan3A_669 = arith.constant 2 : i32
          %scan3A_670 = arith.addi %scan3A_614, %scan3A_669 : i32
          %mul3A_671 = arith.constant 16 : i32
          %mul3A_672 = arith.muli %scan3A_670, %mul3A_671 : i32
          %get3A_673 = arith.constant 0 : i32
          %get3A_674 = arith.index_cast %get3A_673 : i32 to index
          %get3A_675 = arith.index_cast %add3A_447 : i32 to index
          %get3A_676 = arith.index_cast %mul3A_672 : i32 to index
          %get3A_677 = tpu.vector_load %arg10[%get3A_674, %get3A_675, %get3A_676] {strides = array<i32>} : memref<2x16x1024xf32, #tpu.memory_space<vmem>>, vector<1x1x16xf32>,
          %get3A_678 = vector.shape_cast %get3A_677 : vector<1x1x16xf32> to vector<16xf32>
          %sub3A_679 = arith.subf %get3A_678, %mul3A_509 : vector<16xf32>
          %mul3A_680 = arith.mulf %sub3A_679, %mul3A_606 : vector<16xf32>
          %get3A_681 = arith.index_cast %mul3A_672 : i32 to index
          %get3A_682 = tpu.vector_load %arg11[%get3A_681] {strides = array<i32>} : memref<1024xf32, #tpu.memory_space<vmem>>, vector<16xf32>,
          %get3A_683 = vector.shape_cast %get3A_682 : vector<16xf32> to vector<16xf32>
          %mul3A_684 = arith.mulf %mul3A_680, %get3A_683 : vector<16xf32>
          %get3A_685 = arith.index_cast %mul3A_672 : i32 to index
          %get3A_686 = tpu.vector_load %arg12[%get3A_685] {strides = array<i32>} : memref<1024xf32, #tpu.memory_space<vmem>>, vector<16xf32>,
          %get3A_687 = vector.shape_cast %get3A_686 : vector<16xf32> to vector<16xf32>
          %add3A_688 = arith.addf %mul3A_684, %get3A_687 : vector<16xf32>
          %swap3A_689 = arith.constant 0 : i32
          %swap3A_690 = arith.index_cast %swap3A_689 : i32 to index
          %swap3A_691 = arith.index_cast %add3A_447 : i32 to index
          %swap3A_692 = arith.index_cast %mul3A_672 : i32 to index
          %swap3A_693 = tpu.vector_load %arg10[%swap3A_690, %swap3A_691, %swap3A_692] {strides = array<i32>} : memref<2x16x1024xf32, #tpu.memory_space<vmem>>, vector<1x1x16xf32>,
          %swap3A_694 = vector.shape_cast %swap3A_693 : vector<1x1x16xf32> to vector<16xf32>
          %swap3A_695 = vector.shape_cast %add3A_688 : vector<16xf32> to vector<1x1x16xf32>
          tpu.vector_store %arg10[%swap3A_690, %swap3A_691, %swap3A_692], %swap3A_695 {strides = array<i32>} : memref<2x16x1024xf32, #tpu.memory_space<vmem>>, vector<1x1x16xf32>,
          %scan3A_696 = arith.constant 0 : i32
          %scan3A_697 = arith.constant 3 : i32
          %scan3A_698 = arith.addi %scan3A_614, %scan3A_697 : i32
          %mul3A_699 = arith.constant 16 : i32
          %mul3A_700 = arith.muli %scan3A_698, %mul3A_699 : i32
          %get3A_701 = arith.constant 0 : i32
          %get3A_702 = arith.index_cast %get3A_701 : i32 to index
          %get3A_703 = arith.index_cast %add3A_447 : i32 to index
          %get3A_704 = arith.index_cast %mul3A_700 : i32 to index
          %get3A_705 = tpu.vector_load %arg10[%get3A_702, %get3A_703, %get3A_704] {strides = array<i32>} : memref<2x16x1024xf32, #tpu.memory_space<vmem>>, vector<1x1x16xf32>,
          %get3A_706 = vector.shape_cast %get3A_705 : vector<1x1x16xf32> to vector<16xf32>
          %sub3A_707 = arith.subf %get3A_706, %mul3A_509 : vector<16xf32>
          %mul3A_708 = arith.mulf %sub3A_707, %mul3A_606 : vector<16xf32>
          %get3A_709 = arith.index_cast %mul3A_700 : i32 to index
          %get3A_710 = tpu.vector_load %arg11[%get3A_709] {strides = array<i32>} : memref<1024xf32, #tpu.memory_space<vmem>>, vector<16xf32>,
          %get3A_711 = vector.shape_cast %get3A_710 : vector<16xf32> to vector<16xf32>
          %mul3A_712 = arith.mulf %mul3A_708, %get3A_711 : vector<16xf32>
          %get3A_713 = arith.index_cast %mul3A_700 : i32 to index
          %get3A_714 = tpu.vector_load %arg12[%get3A_713] {strides = array<i32>} : memref<1024xf32, #tpu.memory_space<vmem>>, vector<16xf32>,
          %get3A_715 = vector.shape_cast %get3A_714 : vector<16xf32> to vector<16xf32>
          %add3A_716 = arith.addf %mul3A_712, %get3A_715 : vector<16xf32>
          %swap3A_717 = arith.constant 0 : i32
          %swap3A_718 = arith.index_cast %swap3A_717 : i32 to index
          %swap3A_719 = arith.index_cast %add3A_447 : i32 to index
          %swap3A_720 = arith.index_cast %mul3A_700 : i32 to index
          %swap3A_721 = tpu.vector_load %arg10[%swap3A_718, %swap3A_719, %swap3A_720] {strides = array<i32>} : memref<2x16x1024xf32, #tpu.memory_space<vmem>>, vector<1x1x16xf32>,
          %swap3A_722 = vector.shape_cast %swap3A_721 : vector<1x1x16xf32> to vector<16xf32>
          %swap3A_723 = vector.shape_cast %add3A_716 : vector<16xf32> to vector<1x1x16xf32>
          tpu.vector_store %arg10[%swap3A_718, %swap3A_719, %swap3A_720], %swap3A_723 {strides = array<i32>} : memref<2x16x1024xf32, #tpu.memory_space<vmem>>, vector<1x1x16xf32>,
          %scan3A_724 = arith.constant 0 : i32
          scf.yield %scan3A_724 : i32
        }
        %scan3A_613 = arith.constant 64 : i32
      }
      %scan3A_202 = arith.constant 16 : i32
      %add3A_203 = arith.constant 8192 : i32
      %add3A_204 = arith.addi %add3A_203, %mul3A_2 : i32
      %mul3A_205 = arith.constant 16 : i32
      %mul3A_206 = arith.muli %add3A_49, %mul3A_205 : i32
      %add3A_207 = arith.addi %add3A_204, %mul3A_206 : i32
      %run_scoped3A_208 = arith.constant 0 : i32
      "tpu.region"() ({
        %run_scoped3A_443 = tpu.sem_alloc : memref<!tpu.dma_semaphore, #tpu.memory_space<semaphore_mem>>
        %dma_start3A_444 = arith.constant 0 : i32
        %dma_start3A_445 = arith.constant 0 : i32
        %dma_start3A_446 = tpu.memref_slice %arg10[%run_scoped3A_208, %dma_start3A_444, %dma_start3A_445] : memref<2x16x1024xf32, #tpu.memory_space<vmem>> -> memref<1x16x1024xf32, #tpu.memory_space<vmem>>
        %dma_start3A_447 = tpu.memref_squeeze %dma_start3A_446 : memref<1x16x1024xf32, #tpu.memory_space<vmem>> -> memref<16x1024xf32, #tpu.memory_space<vmem>>
        %dma_start3A_448 = arith.constant 0 : i32
        %dma_start3A_449 = tpu.memref_slice %arg7[%add3A_207, %dma_start3A_448] : memref<16384x1024xf32, #tpu.memory_space<hbm>> -> memref<16x1024xf32, #tpu.memory_space<hbm>>
        %dma_start3A_450 = arith.constant 0 : i32
        %dma_start3A_451 = tpu.memref_slice %arg7[%add3A_207, %dma_start3A_450] : memref<16384x1024xf32, #tpu.memory_space<hbm>> -> memref<16x1024xf32, #tpu.memory_space<hbm>>
        %dma_start3A_452 = arith.constant 0 : i32
        %dma_start3A_453 = arith.constant 0 : i32
        %dma_start3A_454 = tpu.memref_slice %arg10[%run_scoped3A_208, %dma_start3A_452, %dma_start3A_453] : memref<2x16x1024xf32, #tpu.memory_space<vmem>> -> memref<1x16x1024xf32, #tpu.memory_space<vmem>>
        %dma_start3A_455 = tpu.memref_squeeze %dma_start3A_454 : memref<1x16x1024xf32, #tpu.memory_space<vmem>> -> memref<16x1024xf32, #tpu.memory_space<vmem>>
        tpu.enqueue_dma source(%dma_start3A_455 : memref<16x1024xf32, #tpu.memory_space<vmem>>) target(%dma_start3A_451 : memref<16x1024xf32, #tpu.memory_space<hbm>>) target_semaphore(%run_scoped3A_443 : memref<!tpu.dma_semaphore, #tpu.memory_space<semaphore_mem>>)
        %dma_wait3A_456 = arith.constant 0 : i32
        %dma_wait3A_457 = arith.constant 0 : i32
        %dma_wait3A_458 = tpu.memref_slice %arg10[%run_scoped3A_208, %dma_wait3A_456, %dma_wait3A_457] : memref<2x16x1024xf32, #tpu.memory_space<vmem>> -> memref<1x16x1024xf32, #tpu.memory_space<vmem>>
        %dma_wait3A_459 = tpu.memref_squeeze %dma_wait3A_458 : memref<1x16x1024xf32, #tpu.memory_space<vmem>> -> memref<16x1024xf32, #tpu.memory_space<vmem>>
        %dma_wait3A_460 = arith.constant 0 : i32
        %dma_wait3A_461 = tpu.memref_slice %arg7[%add3A_207, %dma_wait3A_460] : memref<16384x1024xf32, #tpu.memory_space<hbm>> -> memref<16x1024xf32, #tpu.memory_space<hbm>>
        %dma_wait3A_462 = arith.constant 0 : i32
        %dma_wait3A_463 = tpu.memref_slice %arg7[%add3A_207, %dma_wait3A_462] : memref<16384x1024xf32, #tpu.memory_space<hbm>> -> memref<16x1024xf32, #tpu.memory_space<hbm>>
        %dma_wait3A_464 = arith.constant 0 : i32
        %dma_wait3A_465 = arith.constant 0 : i32
        %dma_wait3A_466 = tpu.memref_slice %arg10[%run_scoped3A_208, %dma_wait3A_464, %dma_wait3A_465] : memref<2x16x1024xf32, #tpu.memory_space<vmem>> -> memref<1x16x1024xf32, #tpu.memory_space<vmem>>
        %dma_wait3A_467 = tpu.memref_squeeze %dma_wait3A_466 : memref<1x16x1024xf32, #tpu.memory_space<vmem>> -> memref<16x1024xf32, #tpu.memory_space<vmem>>
        tpu.wait_dma2 semaphore(%run_scoped3A_443 : memref<!tpu.dma_semaphore, #tpu.memory_space<semaphore_mem>>) src(%dma_wait3A_467 : memref<16x1024xf32, #tpu.memory_space<vmem>>) dst(%dma_wait3A_463 : memref<16x1024xf32, #tpu.memory_space<hbm>>)
        tpu.yield
      }) : () -> ()
      %lt3A_209 = arith.constant 7 : i32
      %lt3A_210 = arith.cmpi slt, %add3A_49, %lt3A_209 : i32
      %convert_element_type3A_211 = arith.extui %lt3A_210 : i1 to i32
      %cond3A_212 = arith.constant 0 : i32
      %cond3A_213 = arith.cmpi ne, %convert_element_type3A_211, %cond3A_212 : i32
      scf.if %cond3A_213 {
        %add3A_443 = arith.constant 1 : i32
        %add3A_444 = arith.addi %add3A_49, %add3A_443 : i32
        %mul3A_445 = arith.constant 16 : i32
        %mul3A_446 = arith.muli %add3A_444, %mul3A_445 : i32
        %get3A_447 = arith.index_cast %mul3A_446 : i32 to index
        %get3A_448 = tpu.vector_load %arg8[%get3A_447] {strides = array<i32>} : memref<512xi32, #tpu.memory_space<vmem>>, vector<16xi32>,
        %get3A_449 = vector.shape_cast %get3A_448 : vector<16xi32> to vector<16xi32>
        %dma_start3A_450 = arith.constant 0 : i32
        %dma_start3A_451 = arith.constant 0 : i32
        %dma_start3A_452 = arith.constant 0 : i32
        %dma_start3A_453 = arith.constant 0 : i32
        %dma_start3A_454 = tpu.memref_slice %arg10[%dma_start3A_450, %dma_start3A_452, %dma_start3A_453] : memref<2x16x1024xf32, #tpu.memory_space<vmem>> -> memref<1x16x1024xf32, #tpu.memory_space<vmem>>
        %dma_start3A_455 = tpu.memref_squeeze %dma_start3A_454 : memref<1x16x1024xf32, #tpu.memory_space<vmem>> -> memref<16x1024xf32, #tpu.memory_space<vmem>>
        %dma_start3A_456 = arith.constant 0 : i32
        %dma_start3A_457 = arith.constant 0 : i32
        %dma_start3A_458 = tpu.memref_slice %arg3[%dma_start3A_456, %dma_start3A_457] : memref<100000x1024xf32, #tpu.memory_space<hbm>> -> memref<100000x1024xf32, #tpu.memory_space<hbm>>
        %dma_start3A_459 = tpu.memref_slice %arg13[%dma_start3A_451] : memref<2x!tpu.dma_semaphore, #tpu.memory_space<semaphore_mem>> -> memref<1x!tpu.dma_semaphore, #tpu.memory_space<semaphore_mem>>
        %dma_start3A_460 = tpu.memref_squeeze %dma_start3A_459 : memref<1x!tpu.dma_semaphore, #tpu.memory_space<semaphore_mem>> -> memref<!tpu.dma_semaphore, #tpu.memory_space<semaphore_mem>>
        tpu.enqueue_indirect_dma source(%dma_start3A_458 : memref<100000x1024xf32, #tpu.memory_space<hbm>>) target(%dma_start3A_455 : memref<16x1024xf32, #tpu.memory_space<vmem>>) offsets(%get3A_449 : vector<16xi32>) semaphore(%dma_start3A_460 : memref<!tpu.dma_semaphore, #tpu.memory_space<semaphore_mem>>)
      } else {
      }
      %dma_wait3A_214 = arith.constant 1 : i32
      %dma_wait3A_215 = arith.constant 1 : i32
      %dma_wait3A_216 = arith.constant 0 : i32
      %dma_wait3A_217 = arith.constant 0 : i32
      %dma_wait3A_218 = tpu.memref_slice %arg10[%dma_wait3A_214, %dma_wait3A_216, %dma_wait3A_217] : memref<2x16x1024xf32, #tpu.memory_space<vmem>> -> memref<1x16x1024xf32, #tpu.memory_space<vmem>>
      %dma_wait3A_219 = tpu.memref_squeeze %dma_wait3A_218 : memref<1x16x1024xf32, #tpu.memory_space<vmem>> -> memref<16x1024xf32, #tpu.memory_space<vmem>>
      %dma_wait3A_220 = arith.constant 0 : i32
      %dma_wait3A_221 = arith.constant 0 : i32
      %dma_wait3A_222 = tpu.memref_slice %arg7[%dma_wait3A_220, %dma_wait3A_221] : memref<16384x1024xf32, #tpu.memory_space<hbm>> -> memref<16x1024xf32, #tpu.memory_space<hbm>>
      %dma_wait3A_223 = tpu.memref_slice %arg13[%dma_wait3A_215] : memref<2x!tpu.dma_semaphore, #tpu.memory_space<semaphore_mem>> -> memref<1x!tpu.dma_semaphore, #tpu.memory_space<semaphore_mem>>
      %dma_wait3A_224 = tpu.memref_squeeze %dma_wait3A_223 : memref<1x!tpu.dma_semaphore, #tpu.memory_space<semaphore_mem>> -> memref<!tpu.dma_semaphore, #tpu.memory_space<semaphore_mem>>
      %dma_wait3A_225 = arith.constant 0 : i32
      %dma_wait3A_226 = arith.constant 0 : i32
      %dma_wait3A_227 = tpu.memref_slice %arg10[%dma_wait3A_214, %dma_wait3A_225, %dma_wait3A_226] : memref<2x16x1024xf32, #tpu.memory_space<vmem>> -> memref<1x16x1024xf32, #tpu.memory_space<vmem>>
      %dma_wait3A_228 = tpu.memref_squeeze %dma_wait3A_227 : memref<1x16x1024xf32, #tpu.memory_space<vmem>> -> memref<16x1024xf32, #tpu.memory_space<vmem>>
      %dma_wait3A_229 = arith.constant 0 : i32
      %dma_wait3A_230 = arith.constant 0 : i32
      %dma_wait3A_231 = tpu.memref_slice %arg7[%dma_wait3A_229, %dma_wait3A_230] : memref<16384x1024xf32, #tpu.memory_space<hbm>> -> memref<16x1024xf32, #tpu.memory_space<hbm>>
      tpu.wait_dma2 semaphore(%dma_wait3A_224 : memref<!tpu.dma_semaphore, #tpu.memory_space<semaphore_mem>>) src(%dma_wait3A_231 : memref<16x1024xf32, #tpu.memory_space<hbm>>) dst(%dma_wait3A_228 : memref<16x1024xf32, #tpu.memory_space<vmem>>)
      %scan3A_232 = arith.constant 0 : i32
      %scan3A_233 = arith.constant 16 : i32
      %scan3A_234 = arith.addi %scan3A_232, %scan3A_233 : i32
      %scan3A_235 = arith.constant 1 : i32
      scf.for %scan3A_443 = %scan3A_232 to %scan3A_234 step %scan3A_235  : i32 {
        %mul3A_444 = arith.constant 1 : i32
        %mul3A_445 = arith.muli %scan3A_443, %mul3A_444 : i32
        %add3A_446 = arith.constant 0 : i32
        %add3A_447 = arith.addi %add3A_446, %mul3A_445 : i32
        %broadcast_in_dim3A = arith.constant 0.000000e+00 : f32
        %broadcast_in_dim3A_448 = vector.broadcast %broadcast_in_dim3A : f32 to vector<16xf32>
        %scan3A_449 = arith.constant 0 : i32
        %scan3A_450 = arith.constant 64 : i32
        %scan3A_451 = arith.addi %scan3A_449, %scan3A_450 : i32
        %scan3A_452 = arith.constant 4 : i32
        %scan3A_453:2 = scf.for %scan3A_614 = %scan3A_449 to %scan3A_451 step %scan3A_452 iter_args(%scan3A_615 = %broadcast_in_dim3A_448, %scan3A_616 = %broadcast_in_dim3A_448) -> (vector<16xf32>, vector<16xf32>)  : i32 {
          %mul3A_617 = arith.constant 16 : i32
          %mul3A_618 = arith.muli %scan3A_614, %mul3A_617 : i32
          %get3A_619 = arith.constant 1 : i32
          %get3A_620 = arith.index_cast %get3A_619 : i32 to index
          %get3A_621 = arith.index_cast %add3A_447 : i32 to index
          %get3A_622 = arith.index_cast %mul3A_618 : i32 to index
          %get3A_623 = tpu.vector_load %arg10[%get3A_620, %get3A_621, %get3A_622] {strides = array<i32>} : memref<2x16x1024xf32, #tpu.memory_space<vmem>>, vector<1x1x16xf32>,
          %get3A_624 = vector.shape_cast %get3A_623 : vector<1x1x16xf32> to vector<16xf32>
          %get3A_625 = arith.constant 0 : i32
          %get3A_626 = arith.index_cast %get3A_625 : i32 to index
          %get3A_627 = arith.index_cast %add3A_447 : i32 to index
          %get3A_628 = arith.index_cast %mul3A_618 : i32 to index
          %get3A_629 = tpu.vector_load %arg9[%get3A_626, %get3A_627, %get3A_628] {strides = array<i32>} : memref<2x16x1024xf32, #tpu.memory_space<vmem>>, vector<1x1x16xf32>,
          %get3A_630 = vector.shape_cast %get3A_629 : vector<1x1x16xf32> to vector<16xf32>
          %add3A_631 = arith.addf %get3A_624, %get3A_630 : vector<16xf32>
          %swap3A = arith.constant 1 : i32
          %swap3A_632 = arith.index_cast %swap3A : i32 to index
          %swap3A_633 = arith.index_cast %add3A_447 : i32 to index
          %swap3A_634 = arith.index_cast %mul3A_618 : i32 to index
          %swap3A_635 = tpu.vector_load %arg10[%swap3A_632, %swap3A_633, %swap3A_634] {strides = array<i32>} : memref<2x16x1024xf32, #tpu.memory_space<vmem>>, vector<1x1x16xf32>,
          %swap3A_636 = vector.shape_cast %swap3A_635 : vector<1x1x16xf32> to vector<16xf32>
          %swap3A_637 = vector.shape_cast %add3A_631 : vector<16xf32> to vector<1x1x16xf32>
          tpu.vector_store %arg10[%swap3A_632, %swap3A_633, %swap3A_634], %swap3A_637 {strides = array<i32>} : memref<2x16x1024xf32, #tpu.memory_space<vmem>>, vector<1x1x16xf32>,
          %add3A_638 = arith.addf %scan3A_615, %add3A_631 : vector<16xf32>
          %mul3A_639 = arith.mulf %add3A_631, %add3A_631 : vector<16xf32>
          %add3A_640 = arith.addf %scan3A_616, %mul3A_639 : vector<16xf32>
          %scan3A_641 = arith.constant 1 : i32
          %scan3A_642 = arith.addi %scan3A_614, %scan3A_641 : i32
          %mul3A_643 = arith.constant 16 : i32
          %mul3A_644 = arith.muli %scan3A_642, %mul3A_643 : i32
          %get3A_645 = arith.constant 1 : i32
          %get3A_646 = arith.index_cast %get3A_645 : i32 to index
          %get3A_647 = arith.index_cast %add3A_447 : i32 to index
          %get3A_648 = arith.index_cast %mul3A_644 : i32 to index
          %get3A_649 = tpu.vector_load %arg10[%get3A_646, %get3A_647, %get3A_648] {strides = array<i32>} : memref<2x16x1024xf32, #tpu.memory_space<vmem>>, vector<1x1x16xf32>,
          %get3A_650 = vector.shape_cast %get3A_649 : vector<1x1x16xf32> to vector<16xf32>
          %get3A_651 = arith.constant 0 : i32
          %get3A_652 = arith.index_cast %get3A_651 : i32 to index
          %get3A_653 = arith.index_cast %add3A_447 : i32 to index
          %get3A_654 = arith.index_cast %mul3A_644 : i32 to index
          %get3A_655 = tpu.vector_load %arg9[%get3A_652, %get3A_653, %get3A_654] {strides = array<i32>} : memref<2x16x1024xf32, #tpu.memory_space<vmem>>, vector<1x1x16xf32>,
          %get3A_656 = vector.shape_cast %get3A_655 : vector<1x1x16xf32> to vector<16xf32>
          %add3A_657 = arith.addf %get3A_650, %get3A_656 : vector<16xf32>
          %swap3A_658 = arith.constant 1 : i32
          %swap3A_659 = arith.index_cast %swap3A_658 : i32 to index
          %swap3A_660 = arith.index_cast %add3A_447 : i32 to index
          %swap3A_661 = arith.index_cast %mul3A_644 : i32 to index
          %swap3A_662 = tpu.vector_load %arg10[%swap3A_659, %swap3A_660, %swap3A_661] {strides = array<i32>} : memref<2x16x1024xf32, #tpu.memory_space<vmem>>, vector<1x1x16xf32>,
          %swap3A_663 = vector.shape_cast %swap3A_662 : vector<1x1x16xf32> to vector<16xf32>
          %swap3A_664 = vector.shape_cast %add3A_657 : vector<16xf32> to vector<1x1x16xf32>
          tpu.vector_store %arg10[%swap3A_659, %swap3A_660, %swap3A_661], %swap3A_664 {strides = array<i32>} : memref<2x16x1024xf32, #tpu.memory_space<vmem>>, vector<1x1x16xf32>,
          %add3A_665 = arith.addf %add3A_638, %add3A_657 : vector<16xf32>
          %mul3A_666 = arith.mulf %add3A_657, %add3A_657 : vector<16xf32>
          %add3A_667 = arith.addf %add3A_640, %mul3A_666 : vector<16xf32>
          %scan3A_668 = arith.constant 2 : i32
          %scan3A_669 = arith.addi %scan3A_614, %scan3A_668 : i32
          %mul3A_670 = arith.constant 16 : i32
          %mul3A_671 = arith.muli %scan3A_669, %mul3A_670 : i32
          %get3A_672 = arith.constant 1 : i32
          %get3A_673 = arith.index_cast %get3A_672 : i32 to index
          %get3A_674 = arith.index_cast %add3A_447 : i32 to index
          %get3A_675 = arith.index_cast %mul3A_671 : i32 to index
          %get3A_676 = tpu.vector_load %arg10[%get3A_673, %get3A_674, %get3A_675] {strides = array<i32>} : memref<2x16x1024xf32, #tpu.memory_space<vmem>>, vector<1x1x16xf32>,
          %get3A_677 = vector.shape_cast %get3A_676 : vector<1x1x16xf32> to vector<16xf32>
          %get3A_678 = arith.constant 0 : i32
          %get3A_679 = arith.index_cast %get3A_678 : i32 to index
          %get3A_680 = arith.index_cast %add3A_447 : i32 to index
          %get3A_681 = arith.index_cast %mul3A_671 : i32 to index
          %get3A_682 = tpu.vector_load %arg9[%get3A_679, %get3A_680, %get3A_681] {strides = array<i32>} : memref<2x16x1024xf32, #tpu.memory_space<vmem>>, vector<1x1x16xf32>,
          %get3A_683 = vector.shape_cast %get3A_682 : vector<1x1x16xf32> to vector<16xf32>
          %add3A_684 = arith.addf %get3A_677, %get3A_683 : vector<16xf32>
          %swap3A_685 = arith.constant 1 : i32
          %swap3A_686 = arith.index_cast %swap3A_685 : i32 to index
          %swap3A_687 = arith.index_cast %add3A_447 : i32 to index
          %swap3A_688 = arith.index_cast %mul3A_671 : i32 to index
          %swap3A_689 = tpu.vector_load %arg10[%swap3A_686, %swap3A_687, %swap3A_688] {strides = array<i32>} : memref<2x16x1024xf32, #tpu.memory_space<vmem>>, vector<1x1x16xf32>,
          %swap3A_690 = vector.shape_cast %swap3A_689 : vector<1x1x16xf32> to vector<16xf32>
          %swap3A_691 = vector.shape_cast %add3A_684 : vector<16xf32> to vector<1x1x16xf32>
          tpu.vector_store %arg10[%swap3A_686, %swap3A_687, %swap3A_688], %swap3A_691 {strides = array<i32>} : memref<2x16x1024xf32, #tpu.memory_space<vmem>>, vector<1x1x16xf32>,
          %add3A_692 = arith.addf %add3A_665, %add3A_684 : vector<16xf32>
          %mul3A_693 = arith.mulf %add3A_684, %add3A_684 : vector<16xf32>
          %add3A_694 = arith.addf %add3A_667, %mul3A_693 : vector<16xf32>
          %scan3A_695 = arith.constant 3 : i32
          %scan3A_696 = arith.addi %scan3A_614, %scan3A_695 : i32
          %mul3A_697 = arith.constant 16 : i32
          %mul3A_698 = arith.muli %scan3A_696, %mul3A_697 : i32
          %get3A_699 = arith.constant 1 : i32
          %get3A_700 = arith.index_cast %get3A_699 : i32 to index
          %get3A_701 = arith.index_cast %add3A_447 : i32 to index
          %get3A_702 = arith.index_cast %mul3A_698 : i32 to index
          %get3A_703 = tpu.vector_load %arg10[%get3A_700, %get3A_701, %get3A_702] {strides = array<i32>} : memref<2x16x1024xf32, #tpu.memory_space<vmem>>, vector<1x1x16xf32>,
          %get3A_704 = vector.shape_cast %get3A_703 : vector<1x1x16xf32> to vector<16xf32>
          %get3A_705 = arith.constant 0 : i32
          %get3A_706 = arith.index_cast %get3A_705 : i32 to index
          %get3A_707 = arith.index_cast %add3A_447 : i32 to index
          %get3A_708 = arith.index_cast %mul3A_698 : i32 to index
          %get3A_709 = tpu.vector_load %arg9[%get3A_706, %get3A_707, %get3A_708] {strides = array<i32>} : memref<2x16x1024xf32, #tpu.memory_space<vmem>>, vector<1x1x16xf32>,
          %get3A_710 = vector.shape_cast %get3A_709 : vector<1x1x16xf32> to vector<16xf32>
          %add3A_711 = arith.addf %get3A_704, %get3A_710 : vector<16xf32>
          %swap3A_712 = arith.constant 1 : i32
          %swap3A_713 = arith.index_cast %swap3A_712 : i32 to index
          %swap3A_714 = arith.index_cast %add3A_447 : i32 to index
          %swap3A_715 = arith.index_cast %mul3A_698 : i32 to index
          %swap3A_716 = tpu.vector_load %arg10[%swap3A_713, %swap3A_714, %swap3A_715] {strides = array<i32>} : memref<2x16x1024xf32, #tpu.memory_space<vmem>>, vector<1x1x16xf32>,
          %swap3A_717 = vector.shape_cast %swap3A_716 : vector<1x1x16xf32> to vector<16xf32>
          %swap3A_718 = vector.shape_cast %add3A_711 : vector<16xf32> to vector<1x1x16xf32>
          tpu.vector_store %arg10[%swap3A_713, %swap3A_714, %swap3A_715], %swap3A_718 {strides = array<i32>} : memref<2x16x1024xf32, #tpu.memory_space<vmem>>, vector<1x1x16xf32>,
          %add3A_719 = arith.addf %add3A_692, %add3A_711 : vector<16xf32>
          %mul3A_720 = arith.mulf %add3A_711, %add3A_711 : vector<16xf32>
          %add3A_721 = arith.addf %add3A_694, %mul3A_720 : vector<16xf32>
          scf.yield %add3A_719, %add3A_721 : vector<16xf32>, vector<16xf32>
        }
        %scan3A_454 = arith.constant 64 : i32
        %iota3A = tpu.iota {dimensions = array<i32: 0>} : vector<16xi32>
        %xor3A = arith.constant 8 : i32
        %xor3A_455 = vector.broadcast %xor3A : i32 to vector<16xi32>
        %xor3A_456 = arith.xori %iota3A, %xor3A_455 : vector<16xi32>
        %lt3A_457 = arith.constant 0 : i32
        %lt3A_458 = vector.broadcast %lt3A_457 : i32 to vector<16xi32>
        %lt3A_459 = arith.cmpi slt, %xor3A_456, %lt3A_458 : vector<16xi32>
        %add3A_460 = arith.constant 16 : i32
        %add3A_461 = vector.broadcast %add3A_460 : i32 to vector<16xi32>
        %add3A_462 = arith.addi %xor3A_456, %add3A_461 : vector<16xi32>
        %select_n3A = arith.select %lt3A_459, %add3A_462, %xor3A_456 : vector<16xi1>, vector<16xi32>
        %reshape3A = vector.shape_cast %select_n3A : vector<16xi32> to vector<16x1xi32>
        %gather3A = vector.shape_cast %reshape3A : vector<16x1xi32> to vector<16xi32>
        %gather3A_463 = tpu.dynamic_gather %scan3A_453#0[%gather3A] in [0] : vector<16xf32>, vector<16xi32> -> vector<16xf32>
        %add3A_464 = arith.addf %scan3A_453#0, %gather3A_463 : vector<16xf32>
        %xor3A_465 = arith.constant 4 : i32
        %xor3A_466 = vector.broadcast %xor3A_465 : i32 to vector<16xi32>
        %xor3A_467 = arith.xori %iota3A, %xor3A_466 : vector<16xi32>
        %lt3A_468 = arith.constant 0 : i32
        %lt3A_469 = vector.broadcast %lt3A_468 : i32 to vector<16xi32>
        %lt3A_470 = arith.cmpi slt, %xor3A_467, %lt3A_469 : vector<16xi32>
        %add3A_471 = arith.constant 16 : i32
        %add3A_472 = vector.broadcast %add3A_471 : i32 to vector<16xi32>
        %add3A_473 = arith.addi %xor3A_467, %add3A_472 : vector<16xi32>
        %select_n3A_474 = arith.select %lt3A_470, %add3A_473, %xor3A_467 : vector<16xi1>, vector<16xi32>
        %reshape3A_475 = vector.shape_cast %select_n3A_474 : vector<16xi32> to vector<16x1xi32>
        %gather3A_476 = vector.shape_cast %reshape3A_475 : vector<16x1xi32> to vector<16xi32>
        %gather3A_477 = tpu.dynamic_gather %add3A_464[%gather3A_476] in [0] : vector<16xf32>, vector<16xi32> -> vector<16xf32>
        %add3A_478 = arith.addf %add3A_464, %gather3A_477 : vector<16xf32>
        %xor3A_479 = arith.constant 2 : i32
        %xor3A_480 = vector.broadcast %xor3A_479 : i32 to vector<16xi32>
        %xor3A_481 = arith.xori %iota3A, %xor3A_480 : vector<16xi32>
        %lt3A_482 = arith.constant 0 : i32
        %lt3A_483 = vector.broadcast %lt3A_482 : i32 to vector<16xi32>
        %lt3A_484 = arith.cmpi slt, %xor3A_481, %lt3A_483 : vector<16xi32>
        %add3A_485 = arith.constant 16 : i32
        %add3A_486 = vector.broadcast %add3A_485 : i32 to vector<16xi32>
        %add3A_487 = arith.addi %xor3A_481, %add3A_486 : vector<16xi32>
        %select_n3A_488 = arith.select %lt3A_484, %add3A_487, %xor3A_481 : vector<16xi1>, vector<16xi32>
        %reshape3A_489 = vector.shape_cast %select_n3A_488 : vector<16xi32> to vector<16x1xi32>
        %gather3A_490 = vector.shape_cast %reshape3A_489 : vector<16x1xi32> to vector<16xi32>
        %gather3A_491 = tpu.dynamic_gather %add3A_478[%gather3A_490] in [0] : vector<16xf32>, vector<16xi32> -> vector<16xf32>
        %add3A_492 = arith.addf %add3A_478, %gather3A_491 : vector<16xf32>
        %xor3A_493 = arith.constant 1 : i32
        %xor3A_494 = vector.broadcast %xor3A_493 : i32 to vector<16xi32>
        %xor3A_495 = arith.xori %iota3A, %xor3A_494 : vector<16xi32>
        %lt3A_496 = arith.constant 0 : i32
        %lt3A_497 = vector.broadcast %lt3A_496 : i32 to vector<16xi32>
        %lt3A_498 = arith.cmpi slt, %xor3A_495, %lt3A_497 : vector<16xi32>
        %add3A_499 = arith.constant 16 : i32
        %add3A_500 = vector.broadcast %add3A_499 : i32 to vector<16xi32>
        %add3A_501 = arith.addi %xor3A_495, %add3A_500 : vector<16xi32>
        %select_n3A_502 = arith.select %lt3A_498, %add3A_501, %xor3A_495 : vector<16xi1>, vector<16xi32>
        %reshape3A_503 = vector.shape_cast %select_n3A_502 : vector<16xi32> to vector<16x1xi32>
        %gather3A_504 = vector.shape_cast %reshape3A_503 : vector<16x1xi32> to vector<16xi32>
        %gather3A_505 = tpu.dynamic_gather %add3A_492[%gather3A_504] in [0] : vector<16xf32>, vector<16xi32> -> vector<16xf32>
        %add3A_506 = arith.addf %add3A_492, %gather3A_505 : vector<16xf32>
        %mul3A_507 = arith.constant 9.765625E-4 : f32
        %mul3A_508 = vector.broadcast %mul3A_507 : f32 to vector<16xf32>
        %mul3A_509 = arith.mulf %add3A_506, %mul3A_508 : vector<16xf32>
        %iota3A_510 = tpu.iota {dimensions = array<i32: 0>} : vector<16xi32>
        %xor3A_511 = arith.constant 8 : i32
        %xor3A_512 = vector.broadcast %xor3A_511 : i32 to vector<16xi32>
        %xor3A_513 = arith.xori %iota3A_510, %xor3A_512 : vector<16xi32>
        %lt3A_514 = arith.constant 0 : i32
        %lt3A_515 = vector.broadcast %lt3A_514 : i32 to vector<16xi32>
        %lt3A_516 = arith.cmpi slt, %xor3A_513, %lt3A_515 : vector<16xi32>
        %add3A_517 = arith.constant 16 : i32
        %add3A_518 = vector.broadcast %add3A_517 : i32 to vector<16xi32>
        %add3A_519 = arith.addi %xor3A_513, %add3A_518 : vector<16xi32>
        %select_n3A_520 = arith.select %lt3A_516, %add3A_519, %xor3A_513 : vector<16xi1>, vector<16xi32>
        %reshape3A_521 = vector.shape_cast %select_n3A_520 : vector<16xi32> to vector<16x1xi32>
        %gather3A_522 = vector.shape_cast %reshape3A_521 : vector<16x1xi32> to vector<16xi32>
        %gather3A_523 = tpu.dynamic_gather %scan3A_453#1[%gather3A_522] in [0] : vector<16xf32>, vector<16xi32> -> vector<16xf32>
        %add3A_524 = arith.addf %scan3A_453#1, %gather3A_523 : vector<16xf32>
        %xor3A_525 = arith.constant 4 : i32
        %xor3A_526 = vector.broadcast %xor3A_525 : i32 to vector<16xi32>
        %xor3A_527 = arith.xori %iota3A_510, %xor3A_526 : vector<16xi32>
        %lt3A_528 = arith.constant 0 : i32
        %lt3A_529 = vector.broadcast %lt3A_528 : i32 to vector<16xi32>
        %lt3A_530 = arith.cmpi slt, %xor3A_527, %lt3A_529 : vector<16xi32>
        %add3A_531 = arith.constant 16 : i32
        %add3A_532 = vector.broadcast %add3A_531 : i32 to vector<16xi32>
        %add3A_533 = arith.addi %xor3A_527, %add3A_532 : vector<16xi32>
        %select_n3A_534 = arith.select %lt3A_530, %add3A_533, %xor3A_527 : vector<16xi1>, vector<16xi32>
        %reshape3A_535 = vector.shape_cast %select_n3A_534 : vector<16xi32> to vector<16x1xi32>
        %gather3A_536 = vector.shape_cast %reshape3A_535 : vector<16x1xi32> to vector<16xi32>
        %gather3A_537 = tpu.dynamic_gather %add3A_524[%gather3A_536] in [0] : vector<16xf32>, vector<16xi32> -> vector<16xf32>
        %add3A_538 = arith.addf %add3A_524, %gather3A_537 : vector<16xf32>
        %xor3A_539 = arith.constant 2 : i32
        %xor3A_540 = vector.broadcast %xor3A_539 : i32 to vector<16xi32>
        %xor3A_541 = arith.xori %iota3A_510, %xor3A_540 : vector<16xi32>
        %lt3A_542 = arith.constant 0 : i32
        %lt3A_543 = vector.broadcast %lt3A_542 : i32 to vector<16xi32>
        %lt3A_544 = arith.cmpi slt, %xor3A_541, %lt3A_543 : vector<16xi32>
        %add3A_545 = arith.constant 16 : i32
        %add3A_546 = vector.broadcast %add3A_545 : i32 to vector<16xi32>
        %add3A_547 = arith.addi %xor3A_541, %add3A_546 : vector<16xi32>
        %select_n3A_548 = arith.select %lt3A_544, %add3A_547, %xor3A_541 : vector<16xi1>, vector<16xi32>
        %reshape3A_549 = vector.shape_cast %select_n3A_548 : vector<16xi32> to vector<16x1xi32>
        %gather3A_550 = vector.shape_cast %reshape3A_549 : vector<16x1xi32> to vector<16xi32>
        %gather3A_551 = tpu.dynamic_gather %add3A_538[%gather3A_550] in [0] : vector<16xf32>, vector<16xi32> -> vector<16xf32>
        %add3A_552 = arith.addf %add3A_538, %gather3A_551 : vector<16xf32>
        %xor3A_553 = arith.constant 1 : i32
        %xor3A_554 = vector.broadcast %xor3A_553 : i32 to vector<16xi32>
        %xor3A_555 = arith.xori %iota3A_510, %xor3A_554 : vector<16xi32>
        %lt3A_556 = arith.constant 0 : i32
        %lt3A_557 = vector.broadcast %lt3A_556 : i32 to vector<16xi32>
        %lt3A_558 = arith.cmpi slt, %xor3A_555, %lt3A_557 : vector<16xi32>
        %add3A_559 = arith.constant 16 : i32
        %add3A_560 = vector.broadcast %add3A_559 : i32 to vector<16xi32>
        %add3A_561 = arith.addi %xor3A_555, %add3A_560 : vector<16xi32>
        %select_n3A_562 = arith.select %lt3A_558, %add3A_561, %xor3A_555 : vector<16xi1>, vector<16xi32>
        %reshape3A_563 = vector.shape_cast %select_n3A_562 : vector<16xi32> to vector<16x1xi32>
        %gather3A_564 = vector.shape_cast %reshape3A_563 : vector<16x1xi32> to vector<16xi32>
        %gather3A_565 = tpu.dynamic_gather %add3A_552[%gather3A_564] in [0] : vector<16xf32>, vector<16xi32> -> vector<16xf32>
        %add3A_566 = arith.addf %add3A_552, %gather3A_565 : vector<16xf32>
        %mul3A_567 = arith.constant 9.765625E-4 : f32
        %mul3A_568 = vector.broadcast %mul3A_567 : f32 to vector<16xf32>
        %mul3A_569 = arith.mulf %add3A_566, %mul3A_568 : vector<16xf32>
        %mul3A_570 = arith.mulf %mul3A_509, %mul3A_509 : vector<16xf32>
        %sub3A = arith.subf %mul3A_569, %mul3A_570 : vector<16xf32>
        %add3A_571 = arith.constant 9.99999996E-13 : f32
        %add3A_572 = vector.broadcast %add3A_571 : f32 to vector<16xf32>
        %add3A_573 = arith.addf %sub3A, %add3A_572 : vector<16xf32>
        %bitcast_convert_type3A = tpu.bitcast %add3A_573 : vector<16xf32> -> vector<16xi32>
        %shift_right_logical3A = arith.constant 1 : i32
        %shift_right_logical3A_574 = vector.broadcast %shift_right_logical3A : i32 to vector<16xi32>
        %shift_right_logical3A_575 = arith.shrui %bitcast_convert_type3A, %shift_right_logical3A_574 : vector<16xi32>
        %sub3A_576 = arith.constant 1597463007 : i32
        %sub3A_577 = vector.broadcast %sub3A_576 : i32 to vector<16xi32>
        %sub3A_578 = arith.subi %sub3A_577, %shift_right_logical3A_575 : vector<16xi32>
        %bitcast_convert_type3A_579 = tpu.bitcast %sub3A_578 : vector<16xi32> -> vector<16xf32>
        %mul3A_580 = arith.constant 5.000000e-01 : f32
        %mul3A_581 = vector.broadcast %mul3A_580 : f32 to vector<16xf32>
        %mul3A_582 = arith.mulf %mul3A_581, %add3A_573 : vector<16xf32>
        %mul3A_583 = arith.mulf %mul3A_582, %bitcast_convert_type3A_579 : vector<16xf32>
        %mul3A_584 = arith.mulf %mul3A_583, %bitcast_convert_type3A_579 : vector<16xf32>
        %sub3A_585 = arith.constant 1.500000e+00 : f32
        %sub3A_586 = vector.broadcast %sub3A_585 : f32 to vector<16xf32>
        %sub3A_587 = arith.subf %sub3A_586, %mul3A_584 : vector<16xf32>
        %mul3A_588 = arith.mulf %bitcast_convert_type3A_579, %sub3A_587 : vector<16xf32>
        %mul3A_589 = arith.constant 5.000000e-01 : f32
        %mul3A_590 = vector.broadcast %mul3A_589 : f32 to vector<16xf32>
        %mul3A_591 = arith.mulf %mul3A_590, %add3A_573 : vector<16xf32>
        %mul3A_592 = arith.mulf %mul3A_591, %mul3A_588 : vector<16xf32>
        %mul3A_593 = arith.mulf %mul3A_592, %mul3A_588 : vector<16xf32>
        %sub3A_594 = arith.constant 1.500000e+00 : f32
        %sub3A_595 = vector.broadcast %sub3A_594 : f32 to vector<16xf32>
        %sub3A_596 = arith.subf %sub3A_595, %mul3A_593 : vector<16xf32>
        %mul3A_597 = arith.mulf %mul3A_588, %sub3A_596 : vector<16xf32>
        %mul3A_598 = arith.constant 5.000000e-01 : f32
        %mul3A_599 = vector.broadcast %mul3A_598 : f32 to vector<16xf32>
        %mul3A_600 = arith.mulf %mul3A_599, %add3A_573 : vector<16xf32>
        %mul3A_601 = arith.mulf %mul3A_600, %mul3A_597 : vector<16xf32>
        %mul3A_602 = arith.mulf %mul3A_601, %mul3A_597 : vector<16xf32>
        %sub3A_603 = arith.constant 1.500000e+00 : f32
        %sub3A_604 = vector.broadcast %sub3A_603 : f32 to vector<16xf32>
        %sub3A_605 = arith.subf %sub3A_604, %mul3A_602 : vector<16xf32>
        %mul3A_606 = arith.mulf %mul3A_597, %sub3A_605 : vector<16xf32>
        %scan3A_607 = arith.constant 0 : i32
        %scan3A_608 = arith.constant 0 : i32
        %scan3A_609 = arith.constant 64 : i32
        %scan3A_610 = arith.addi %scan3A_608, %scan3A_609 : i32
        %scan3A_611 = arith.constant 4 : i32
        %scan3A_612 = scf.for %scan3A_614 = %scan3A_608 to %scan3A_610 step %scan3A_611 iter_args(%scan3A_615 = %scan3A_607) -> (i32)  : i32 {
          %mul3A_616 = arith.constant 16 : i32
          %mul3A_617 = arith.muli %scan3A_614, %mul3A_616 : i32
          %get3A_618 = arith.constant 1 : i32
          %get3A_619 = arith.index_cast %get3A_618 : i32 to index
          %get3A_620 = arith.index_cast %add3A_447 : i32 to index
          %get3A_621 = arith.index_cast %mul3A_617 : i32 to index
          %get3A_622 = tpu.vector_load %arg10[%get3A_619, %get3A_620, %get3A_621] {strides = array<i32>} : memref<2x16x1024xf32, #tpu.memory_space<vmem>>, vector<1x1x16xf32>,
          %get3A_623 = vector.shape_cast %get3A_622 : vector<1x1x16xf32> to vector<16xf32>
          %sub3A_624 = arith.subf %get3A_623, %mul3A_509 : vector<16xf32>
          %mul3A_625 = arith.mulf %sub3A_624, %mul3A_606 : vector<16xf32>
          %get3A_626 = arith.index_cast %mul3A_617 : i32 to index
          %get3A_627 = tpu.vector_load %arg11[%get3A_626] {strides = array<i32>} : memref<1024xf32, #tpu.memory_space<vmem>>, vector<16xf32>,
          %get3A_628 = vector.shape_cast %get3A_627 : vector<16xf32> to vector<16xf32>
          %mul3A_629 = arith.mulf %mul3A_625, %get3A_628 : vector<16xf32>
          %get3A_630 = arith.index_cast %mul3A_617 : i32 to index
          %get3A_631 = tpu.vector_load %arg12[%get3A_630] {strides = array<i32>} : memref<1024xf32, #tpu.memory_space<vmem>>, vector<16xf32>,
          %get3A_632 = vector.shape_cast %get3A_631 : vector<16xf32> to vector<16xf32>
          %add3A_633 = arith.addf %mul3A_629, %get3A_632 : vector<16xf32>
          %swap3A = arith.constant 1 : i32
          %swap3A_634 = arith.index_cast %swap3A : i32 to index
          %swap3A_635 = arith.index_cast %add3A_447 : i32 to index
          %swap3A_636 = arith.index_cast %mul3A_617 : i32 to index
          %swap3A_637 = tpu.vector_load %arg10[%swap3A_634, %swap3A_635, %swap3A_636] {strides = array<i32>} : memref<2x16x1024xf32, #tpu.memory_space<vmem>>, vector<1x1x16xf32>,
          %swap3A_638 = vector.shape_cast %swap3A_637 : vector<1x1x16xf32> to vector<16xf32>
          %swap3A_639 = vector.shape_cast %add3A_633 : vector<16xf32> to vector<1x1x16xf32>
          tpu.vector_store %arg10[%swap3A_634, %swap3A_635, %swap3A_636], %swap3A_639 {strides = array<i32>} : memref<2x16x1024xf32, #tpu.memory_space<vmem>>, vector<1x1x16xf32>,
          %scan3A_640 = arith.constant 0 : i32
          %scan3A_641 = arith.constant 1 : i32
          %scan3A_642 = arith.addi %scan3A_614, %scan3A_641 : i32
          %mul3A_643 = arith.constant 16 : i32
          %mul3A_644 = arith.muli %scan3A_642, %mul3A_643 : i32
          %get3A_645 = arith.constant 1 : i32
          %get3A_646 = arith.index_cast %get3A_645 : i32 to index
          %get3A_647 = arith.index_cast %add3A_447 : i32 to index
          %get3A_648 = arith.index_cast %mul3A_644 : i32 to index
          %get3A_649 = tpu.vector_load %arg10[%get3A_646, %get3A_647, %get3A_648] {strides = array<i32>} : memref<2x16x1024xf32, #tpu.memory_space<vmem>>, vector<1x1x16xf32>,
          %get3A_650 = vector.shape_cast %get3A_649 : vector<1x1x16xf32> to vector<16xf32>
          %sub3A_651 = arith.subf %get3A_650, %mul3A_509 : vector<16xf32>
          %mul3A_652 = arith.mulf %sub3A_651, %mul3A_606 : vector<16xf32>
          %get3A_653 = arith.index_cast %mul3A_644 : i32 to index
          %get3A_654 = tpu.vector_load %arg11[%get3A_653] {strides = array<i32>} : memref<1024xf32, #tpu.memory_space<vmem>>, vector<16xf32>,
          %get3A_655 = vector.shape_cast %get3A_654 : vector<16xf32> to vector<16xf32>
          %mul3A_656 = arith.mulf %mul3A_652, %get3A_655 : vector<16xf32>
          %get3A_657 = arith.index_cast %mul3A_644 : i32 to index
          %get3A_658 = tpu.vector_load %arg12[%get3A_657] {strides = array<i32>} : memref<1024xf32, #tpu.memory_space<vmem>>, vector<16xf32>,
          %get3A_659 = vector.shape_cast %get3A_658 : vector<16xf32> to vector<16xf32>
          %add3A_660 = arith.addf %mul3A_656, %get3A_659 : vector<16xf32>
          %swap3A_661 = arith.constant 1 : i32
          %swap3A_662 = arith.index_cast %swap3A_661 : i32 to index
          %swap3A_663 = arith.index_cast %add3A_447 : i32 to index
          %swap3A_664 = arith.index_cast %mul3A_644 : i32 to index
          %swap3A_665 = tpu.vector_load %arg10[%swap3A_662, %swap3A_663, %swap3A_664] {strides = array<i32>} : memref<2x16x1024xf32, #tpu.memory_space<vmem>>, vector<1x1x16xf32>,
          %swap3A_666 = vector.shape_cast %swap3A_665 : vector<1x1x16xf32> to vector<16xf32>
          %swap3A_667 = vector.shape_cast %add3A_660 : vector<16xf32> to vector<1x1x16xf32>
          tpu.vector_store %arg10[%swap3A_662, %swap3A_663, %swap3A_664], %swap3A_667 {strides = array<i32>} : memref<2x16x1024xf32, #tpu.memory_space<vmem>>, vector<1x1x16xf32>,
          %scan3A_668 = arith.constant 0 : i32
          %scan3A_669 = arith.constant 2 : i32
          %scan3A_670 = arith.addi %scan3A_614, %scan3A_669 : i32
          %mul3A_671 = arith.constant 16 : i32
          %mul3A_672 = arith.muli %scan3A_670, %mul3A_671 : i32
          %get3A_673 = arith.constant 1 : i32
          %get3A_674 = arith.index_cast %get3A_673 : i32 to index
          %get3A_675 = arith.index_cast %add3A_447 : i32 to index
          %get3A_676 = arith.index_cast %mul3A_672 : i32 to index
          %get3A_677 = tpu.vector_load %arg10[%get3A_674, %get3A_675, %get3A_676] {strides = array<i32>} : memref<2x16x1024xf32, #tpu.memory_space<vmem>>, vector<1x1x16xf32>,
          %get3A_678 = vector.shape_cast %get3A_677 : vector<1x1x16xf32> to vector<16xf32>
          %sub3A_679 = arith.subf %get3A_678, %mul3A_509 : vector<16xf32>
          %mul3A_680 = arith.mulf %sub3A_679, %mul3A_606 : vector<16xf32>
          %get3A_681 = arith.index_cast %mul3A_672 : i32 to index
          %get3A_682 = tpu.vector_load %arg11[%get3A_681] {strides = array<i32>} : memref<1024xf32, #tpu.memory_space<vmem>>, vector<16xf32>,
          %get3A_683 = vector.shape_cast %get3A_682 : vector<16xf32> to vector<16xf32>
          %mul3A_684 = arith.mulf %mul3A_680, %get3A_683 : vector<16xf32>
          %get3A_685 = arith.index_cast %mul3A_672 : i32 to index
          %get3A_686 = tpu.vector_load %arg12[%get3A_685] {strides = array<i32>} : memref<1024xf32, #tpu.memory_space<vmem>>, vector<16xf32>,
          %get3A_687 = vector.shape_cast %get3A_686 : vector<16xf32> to vector<16xf32>
          %add3A_688 = arith.addf %mul3A_684, %get3A_687 : vector<16xf32>
          %swap3A_689 = arith.constant 1 : i32
          %swap3A_690 = arith.index_cast %swap3A_689 : i32 to index
          %swap3A_691 = arith.index_cast %add3A_447 : i32 to index
          %swap3A_692 = arith.index_cast %mul3A_672 : i32 to index
          %swap3A_693 = tpu.vector_load %arg10[%swap3A_690, %swap3A_691, %swap3A_692] {strides = array<i32>} : memref<2x16x1024xf32, #tpu.memory_space<vmem>>, vector<1x1x16xf32>,
          %swap3A_694 = vector.shape_cast %swap3A_693 : vector<1x1x16xf32> to vector<16xf32>
          %swap3A_695 = vector.shape_cast %add3A_688 : vector<16xf32> to vector<1x1x16xf32>
          tpu.vector_store %arg10[%swap3A_690, %swap3A_691, %swap3A_692], %swap3A_695 {strides = array<i32>} : memref<2x16x1024xf32, #tpu.memory_space<vmem>>, vector<1x1x16xf32>,
          %scan3A_696 = arith.constant 0 : i32
          %scan3A_697 = arith.constant 3 : i32
          %scan3A_698 = arith.addi %scan3A_614, %scan3A_697 : i32
          %mul3A_699 = arith.constant 16 : i32
          %mul3A_700 = arith.muli %scan3A_698, %mul3A_699 : i32
          %get3A_701 = arith.constant 1 : i32
          %get3A_702 = arith.index_cast %get3A_701 : i32 to index
          %get3A_703 = arith.index_cast %add3A_447 : i32 to index
          %get3A_704 = arith.index_cast %mul3A_700 : i32 to index
          %get3A_705 = tpu.vector_load %arg10[%get3A_702, %get3A_703, %get3A_704] {strides = array<i32>} : memref<2x16x1024xf32, #tpu.memory_space<vmem>>, vector<1x1x16xf32>,
          %get3A_706 = vector.shape_cast %get3A_705 : vector<1x1x16xf32> to vector<16xf32>
          %sub3A_707 = arith.subf %get3A_706, %mul3A_509 : vector<16xf32>
          %mul3A_708 = arith.mulf %sub3A_707, %mul3A_606 : vector<16xf32>
          %get3A_709 = arith.index_cast %mul3A_700 : i32 to index
          %get3A_710 = tpu.vector_load %arg11[%get3A_709] {strides = array<i32>} : memref<1024xf32, #tpu.memory_space<vmem>>, vector<16xf32>,
          %get3A_711 = vector.shape_cast %get3A_710 : vector<16xf32> to vector<16xf32>
          %mul3A_712 = arith.mulf %mul3A_708, %get3A_711 : vector<16xf32>
          %get3A_713 = arith.index_cast %mul3A_700 : i32 to index
          %get3A_714 = tpu.vector_load %arg12[%get3A_713] {strides = array<i32>} : memref<1024xf32, #tpu.memory_space<vmem>>, vector<16xf32>,
          %get3A_715 = vector.shape_cast %get3A_714 : vector<16xf32> to vector<16xf32>
          %add3A_716 = arith.addf %mul3A_712, %get3A_715 : vector<16xf32>
          %swap3A_717 = arith.constant 1 : i32
          %swap3A_718 = arith.index_cast %swap3A_717 : i32 to index
          %swap3A_719 = arith.index_cast %add3A_447 : i32 to index
          %swap3A_720 = arith.index_cast %mul3A_700 : i32 to index
          %swap3A_721 = tpu.vector_load %arg10[%swap3A_718, %swap3A_719, %swap3A_720] {strides = array<i32>} : memref<2x16x1024xf32, #tpu.memory_space<vmem>>, vector<1x1x16xf32>,
          %swap3A_722 = vector.shape_cast %swap3A_721 : vector<1x1x16xf32> to vector<16xf32>
          %swap3A_723 = vector.shape_cast %add3A_716 : vector<16xf32> to vector<1x1x16xf32>
          tpu.vector_store %arg10[%swap3A_718, %swap3A_719, %swap3A_720], %swap3A_723 {strides = array<i32>} : memref<2x16x1024xf32, #tpu.memory_space<vmem>>, vector<1x1x16xf32>,
          %scan3A_724 = arith.constant 0 : i32
          scf.yield %scan3A_724 : i32
        }
        %scan3A_613 = arith.constant 64 : i32
      }
      %scan3A_236 = arith.constant 16 : i32
      %add3A_237 = arith.constant 12288 : i32
      %add3A_238 = arith.addi %add3A_237, %mul3A_2 : i32
      %mul3A_239 = arith.constant 16 : i32
      %mul3A_240 = arith.muli %add3A_49, %mul3A_239 : i32
      %add3A_241 = arith.addi %add3A_238, %mul3A_240 : i32
      %run_scoped3A_242 = arith.constant 1 : i32
      "tpu.region"() ({
        %run_scoped3A_443 = tpu.sem_alloc : memref<!tpu.dma_semaphore, #tpu.memory_space<semaphore_mem>>
        %dma_start3A_444 = arith.constant 0 : i32
        %dma_start3A_445 = arith.constant 0 : i32
        %dma_start3A_446 = tpu.memref_slice %arg10[%run_scoped3A_242, %dma_start3A_444, %dma_start3A_445] : memref<2x16x1024xf32, #tpu.memory_space<vmem>> -> memref<1x16x1024xf32, #tpu.memory_space<vmem>>
        %dma_start3A_447 = tpu.memref_squeeze %dma_start3A_446 : memref<1x16x1024xf32, #tpu.memory_space<vmem>> -> memref<16x1024xf32, #tpu.memory_space<vmem>>
        %dma_start3A_448 = arith.constant 0 : i32
        %dma_start3A_449 = tpu.memref_slice %arg7[%add3A_241, %dma_start3A_448] : memref<16384x1024xf32, #tpu.memory_space<hbm>> -> memref<16x1024xf32, #tpu.memory_space<hbm>>
        %dma_start3A_450 = arith.constant 0 : i32
        %dma_start3A_451 = tpu.memref_slice %arg7[%add3A_241, %dma_start3A_450] : memref<16384x1024xf32, #tpu.memory_space<hbm>> -> memref<16x1024xf32, #tpu.memory_space<hbm>>
        %dma_start3A_452 = arith.constant 0 : i32
        %dma_start3A_453 = arith.constant 0 : i32
        %dma_start3A_454 = tpu.memref_slice %arg10[%run_scoped3A_242, %dma_start3A_452, %dma_start3A_453] : memref<2x16x1024xf32, #tpu.memory_space<vmem>> -> memref<1x16x1024xf32, #tpu.memory_space<vmem>>
        %dma_start3A_455 = tpu.memref_squeeze %dma_start3A_454 : memref<1x16x1024xf32, #tpu.memory_space<vmem>> -> memref<16x1024xf32, #tpu.memory_space<vmem>>
        tpu.enqueue_dma source(%dma_start3A_455 : memref<16x1024xf32, #tpu.memory_space<vmem>>) target(%dma_start3A_451 : memref<16x1024xf32, #tpu.memory_space<hbm>>) target_semaphore(%run_scoped3A_443 : memref<!tpu.dma_semaphore, #tpu.memory_space<semaphore_mem>>)
        %dma_wait3A_456 = arith.constant 0 : i32
        %dma_wait3A_457 = arith.constant 0 : i32
        %dma_wait3A_458 = tpu.memref_slice %arg10[%run_scoped3A_242, %dma_wait3A_456, %dma_wait3A_457] : memref<2x16x1024xf32, #tpu.memory_space<vmem>> -> memref<1x16x1024xf32, #tpu.memory_space<vmem>>
        %dma_wait3A_459 = tpu.memref_squeeze %dma_wait3A_458 : memref<1x16x1024xf32, #tpu.memory_space<vmem>> -> memref<16x1024xf32, #tpu.memory_space<vmem>>
        %dma_wait3A_460 = arith.constant 0 : i32
        %dma_wait3A_461 = tpu.memref_slice %arg7[%add3A_241, %dma_wait3A_460] : memref<16384x1024xf32, #tpu.memory_space<hbm>> -> memref<16x1024xf32, #tpu.memory_space<hbm>>
        %dma_wait3A_462 = arith.constant 0 : i32
        %dma_wait3A_463 = tpu.memref_slice %arg7[%add3A_241, %dma_wait3A_462] : memref<16384x1024xf32, #tpu.memory_space<hbm>> -> memref<16x1024xf32, #tpu.memory_space<hbm>>
        %dma_wait3A_464 = arith.constant 0 : i32
        %dma_wait3A_465 = arith.constant 0 : i32
        %dma_wait3A_466 = tpu.memref_slice %arg10[%run_scoped3A_242, %dma_wait3A_464, %dma_wait3A_465] : memref<2x16x1024xf32, #tpu.memory_space<vmem>> -> memref<1x16x1024xf32, #tpu.memory_space<vmem>>
        %dma_wait3A_467 = tpu.memref_squeeze %dma_wait3A_466 : memref<1x16x1024xf32, #tpu.memory_space<vmem>> -> memref<16x1024xf32, #tpu.memory_space<vmem>>
        tpu.wait_dma2 semaphore(%run_scoped3A_443 : memref<!tpu.dma_semaphore, #tpu.memory_space<semaphore_mem>>) src(%dma_wait3A_467 : memref<16x1024xf32, #tpu.memory_space<vmem>>) dst(%dma_wait3A_463 : memref<16x1024xf32, #tpu.memory_space<hbm>>)
        tpu.yield
      }) : () -> ()
      %add3A_243 = arith.constant 1 : i32
      %add3A_244 = arith.addi %add3A_47, %add3A_243 : i32
      %dma_wait3A_245 = arith.constant 1 : i32
      %dma_wait3A_246 = arith.constant 1 : i32
      %dma_wait3A_247 = arith.constant 0 : i32
      %dma_wait3A_248 = arith.constant 0 : i32
      %dma_wait3A_249 = tpu.memref_slice %arg9[%dma_wait3A_245, %dma_wait3A_247, %dma_wait3A_248] : memref<2x16x1024xf32, #tpu.memory_space<vmem>> -> memref<1x16x1024xf32, #tpu.memory_space<vmem>>
      %dma_wait3A_250 = tpu.memref_squeeze %dma_wait3A_249 : memref<1x16x1024xf32, #tpu.memory_space<vmem>> -> memref<16x1024xf32, #tpu.memory_space<vmem>>
      %dma_wait3A_251 = arith.constant 0 : i32
      %dma_wait3A_252 = arith.constant 0 : i32
      %dma_wait3A_253 = tpu.memref_slice %arg7[%dma_wait3A_251, %dma_wait3A_252] : memref<16384x1024xf32, #tpu.memory_space<hbm>> -> memref<16x1024xf32, #tpu.memory_space<hbm>>
      %dma_wait3A_254 = tpu.memref_slice %arg14[%dma_wait3A_246] : memref<2x!tpu.dma_semaphore, #tpu.memory_space<semaphore_mem>> -> memref<1x!tpu.dma_semaphore, #tpu.memory_space<semaphore_mem>>
      %dma_wait3A_255 = tpu.memref_squeeze %dma_wait3A_254 : memref<1x!tpu.dma_semaphore, #tpu.memory_space<semaphore_mem>> -> memref<!tpu.dma_semaphore, #tpu.memory_space<semaphore_mem>>
      %dma_wait3A_256 = arith.constant 0 : i32
      %dma_wait3A_257 = arith.constant 0 : i32
      %dma_wait3A_258 = tpu.memref_slice %arg9[%dma_wait3A_245, %dma_wait3A_256, %dma_wait3A_257] : memref<2x16x1024xf32, #tpu.memory_space<vmem>> -> memref<1x16x1024xf32, #tpu.memory_space<vmem>>
      %dma_wait3A_259 = tpu.memref_squeeze %dma_wait3A_258 : memref<1x16x1024xf32, #tpu.memory_space<vmem>> -> memref<16x1024xf32, #tpu.memory_space<vmem>>
      %dma_wait3A_260 = arith.constant 0 : i32
      %dma_wait3A_261 = arith.constant 0 : i32
      %dma_wait3A_262 = tpu.memref_slice %arg7[%dma_wait3A_260, %dma_wait3A_261] : memref<16384x1024xf32, #tpu.memory_space<hbm>> -> memref<16x1024xf32, #tpu.memory_space<hbm>>
      tpu.wait_dma2 semaphore(%dma_wait3A_255 : memref<!tpu.dma_semaphore, #tpu.memory_space<semaphore_mem>>) src(%dma_wait3A_262 : memref<16x1024xf32, #tpu.memory_space<hbm>>) dst(%dma_wait3A_259 : memref<16x1024xf32, #tpu.memory_space<vmem>>)
      %lt3A_263 = arith.constant 7 : i32
      %lt3A_264 = arith.cmpi slt, %add3A_244, %lt3A_263 : i32
      %convert_element_type3A_265 = arith.extui %lt3A_264 : i1 to i32
      %cond3A_266 = arith.constant 0 : i32
      %cond3A_267 = arith.cmpi ne, %convert_element_type3A_265, %cond3A_266 : i32
      scf.if %cond3A_267 {
        %add3A_443 = arith.constant 1 : i32
        %add3A_444 = arith.addi %add3A_244, %add3A_443 : i32
        %mul3A_445 = arith.constant 16 : i32
        %mul3A_446 = arith.muli %add3A_444, %mul3A_445 : i32
        %add3A_447 = arith.addi %mul3A_2, %mul3A_446 : i32
        %dma_start3A_448 = arith.constant 0 : i32
        %dma_start3A_449 = arith.constant 0 : i32
        %dma_start3A_450 = arith.constant 0 : i32
        %dma_start3A_451 = arith.constant 0 : i32
        %dma_start3A_452 = tpu.memref_slice %arg9[%dma_start3A_448, %dma_start3A_450, %dma_start3A_451] : memref<2x16x1024xf32, #tpu.memory_space<vmem>> -> memref<1x16x1024xf32, #tpu.memory_space<vmem>>
        %dma_start3A_453 = tpu.memref_squeeze %dma_start3A_452 : memref<1x16x1024xf32, #tpu.memory_space<vmem>> -> memref<16x1024xf32, #tpu.memory_space<vmem>>
        %dma_start3A_454 = arith.constant 0 : i32
        %dma_start3A_455 = tpu.memref_slice %arg4[%add3A_447, %dma_start3A_454] : memref<8192x1024xf32, #tpu.memory_space<hbm>> -> memref<16x1024xf32, #tpu.memory_space<hbm>>
        %dma_start3A_456 = tpu.memref_slice %arg14[%dma_start3A_449] : memref<2x!tpu.dma_semaphore, #tpu.memory_space<semaphore_mem>> -> memref<1x!tpu.dma_semaphore, #tpu.memory_space<semaphore_mem>>
        %dma_start3A_457 = tpu.memref_squeeze %dma_start3A_456 : memref<1x!tpu.dma_semaphore, #tpu.memory_space<semaphore_mem>> -> memref<!tpu.dma_semaphore, #tpu.memory_space<semaphore_mem>>
        %dma_start3A_458 = arith.constant 0 : i32
        %dma_start3A_459 = arith.constant 0 : i32
        %dma_start3A_460 = tpu.memref_slice %arg9[%dma_start3A_448, %dma_start3A_458, %dma_start3A_459] : memref<2x16x1024xf32, #tpu.memory_space<vmem>> -> memref<1x16x1024xf32, #tpu.memory_space<vmem>>
        %dma_start3A_461 = tpu.memref_squeeze %dma_start3A_460 : memref<1x16x1024xf32, #tpu.memory_space<vmem>> -> memref<16x1024xf32, #tpu.memory_space<vmem>>
        %dma_start3A_462 = arith.constant 0 : i32
        %dma_start3A_463 = tpu.memref_slice %arg4[%add3A_447, %dma_start3A_462] : memref<8192x1024xf32, #tpu.memory_space<hbm>> -> memref<16x1024xf32, #tpu.memory_space<hbm>>
        tpu.enqueue_dma source(%dma_start3A_463 : memref<16x1024xf32, #tpu.memory_space<hbm>>) target(%dma_start3A_461 : memref<16x1024xf32, #tpu.memory_space<vmem>>) target_semaphore(%dma_start3A_457 : memref<!tpu.dma_semaphore, #tpu.memory_space<semaphore_mem>>)
      } else {
      }
      %mul3A_268 = arith.constant 16 : i32
      %mul3A_269 = arith.muli %add3A_244, %mul3A_268 : i32
      %add3A_270 = arith.constant 128 : i32
      %add3A_271 = arith.addi %add3A_270, %mul3A_269 : i32
      %get3A_272 = arith.index_cast %add3A_271 : i32 to index
      %get3A_273 = tpu.vector_load %arg8[%get3A_272] {strides = array<i32>} : memref<512xi32, #tpu.memory_space<vmem>>, vector<16xi32>,
      %get3A_274 = vector.shape_cast %get3A_273 : vector<16xi32> to vector<16xi32>
      %dma_start3A_275 = arith.constant 1 : i32
      %dma_start3A_276 = arith.constant 1 : i32
      %dma_start3A_277 = arith.constant 0 : i32
      %dma_start3A_278 = arith.constant 0 : i32
      %dma_start3A_279 = tpu.memref_slice %arg10[%dma_start3A_275, %dma_start3A_277, %dma_start3A_278] : memref<2x16x1024xf32, #tpu.memory_space<vmem>> -> memref<1x16x1024xf32, #tpu.memory_space<vmem>>
      %dma_start3A_280 = tpu.memref_squeeze %dma_start3A_279 : memref<1x16x1024xf32, #tpu.memory_space<vmem>> -> memref<16x1024xf32, #tpu.memory_space<vmem>>
      %dma_start3A_281 = arith.constant 0 : i32
      %dma_start3A_282 = arith.constant 0 : i32
      %dma_start3A_283 = tpu.memref_slice %arg3[%dma_start3A_281, %dma_start3A_282] : memref<100000x1024xf32, #tpu.memory_space<hbm>> -> memref<100000x1024xf32, #tpu.memory_space<hbm>>
      %dma_start3A_284 = tpu.memref_slice %arg13[%dma_start3A_276] : memref<2x!tpu.dma_semaphore, #tpu.memory_space<semaphore_mem>> -> memref<1x!tpu.dma_semaphore, #tpu.memory_space<semaphore_mem>>
      %dma_start3A_285 = tpu.memref_squeeze %dma_start3A_284 : memref<1x!tpu.dma_semaphore, #tpu.memory_space<semaphore_mem>> -> memref<!tpu.dma_semaphore, #tpu.memory_space<semaphore_mem>>
      tpu.enqueue_indirect_dma source(%dma_start3A_283 : memref<100000x1024xf32, #tpu.memory_space<hbm>>) target(%dma_start3A_280 : memref<16x1024xf32, #tpu.memory_space<vmem>>) offsets(%get3A_274 : vector<16xi32>) semaphore(%dma_start3A_285 : memref<!tpu.dma_semaphore, #tpu.memory_space<semaphore_mem>>)
      %dma_wait3A_286 = arith.constant 0 : i32
      %dma_wait3A_287 = arith.constant 0 : i32
      %dma_wait3A_288 = arith.constant 0 : i32
      %dma_wait3A_289 = arith.constant 0 : i32
      %dma_wait3A_290 = tpu.memref_slice %arg10[%dma_wait3A_286, %dma_wait3A_288, %dma_wait3A_289] : memref<2x16x1024xf32, #tpu.memory_space<vmem>> -> memref<1x16x1024xf32, #tpu.memory_space<vmem>>
      %dma_wait3A_291 = tpu.memref_squeeze %dma_wait3A_290 : memref<1x16x1024xf32, #tpu.memory_space<vmem>> -> memref<16x1024xf32, #tpu.memory_space<vmem>>
      %dma_wait3A_292 = arith.constant 0 : i32
      %dma_wait3A_293 = arith.constant 0 : i32
      %dma_wait3A_294 = tpu.memref_slice %arg7[%dma_wait3A_292, %dma_wait3A_293] : memref<16384x1024xf32, #tpu.memory_space<hbm>> -> memref<16x1024xf32, #tpu.memory_space<hbm>>
      %dma_wait3A_295 = tpu.memref_slice %arg13[%dma_wait3A_287] : memref<2x!tpu.dma_semaphore, #tpu.memory_space<semaphore_mem>> -> memref<1x!tpu.dma_semaphore, #tpu.memory_space<semaphore_mem>>
      %dma_wait3A_296 = tpu.memref_squeeze %dma_wait3A_295 : memref<1x!tpu.dma_semaphore, #tpu.memory_space<semaphore_mem>> -> memref<!tpu.dma_semaphore, #tpu.memory_space<semaphore_mem>>
      %dma_wait3A_297 = arith.constant 0 : i32
      %dma_wait3A_298 = arith.constant 0 : i32
      %dma_wait3A_299 = tpu.memref_slice %arg10[%dma_wait3A_286, %dma_wait3A_297, %dma_wait3A_298] : memref<2x16x1024xf32, #tpu.memory_space<vmem>> -> memref<1x16x1024xf32, #tpu.memory_space<vmem>>
      %dma_wait3A_300 = tpu.memref_squeeze %dma_wait3A_299 : memref<1x16x1024xf32, #tpu.memory_space<vmem>> -> memref<16x1024xf32, #tpu.memory_space<vmem>>
      %dma_wait3A_301 = arith.constant 0 : i32
      %dma_wait3A_302 = arith.constant 0 : i32
      %dma_wait3A_303 = tpu.memref_slice %arg7[%dma_wait3A_301, %dma_wait3A_302] : memref<16384x1024xf32, #tpu.memory_space<hbm>> -> memref<16x1024xf32, #tpu.memory_space<hbm>>
      tpu.wait_dma2 semaphore(%dma_wait3A_296 : memref<!tpu.dma_semaphore, #tpu.memory_space<semaphore_mem>>) src(%dma_wait3A_303 : memref<16x1024xf32, #tpu.memory_space<hbm>>) dst(%dma_wait3A_300 : memref<16x1024xf32, #tpu.memory_space<vmem>>)
      %scan3A_304 = arith.constant 0 : i32
      %scan3A_305 = arith.constant 16 : i32
      %scan3A_306 = arith.addi %scan3A_304, %scan3A_305 : i32
      %scan3A_307 = arith.constant 1 : i32
      scf.for %scan3A_443 = %scan3A_304 to %scan3A_306 step %scan3A_307  : i32 {
        %mul3A_444 = arith.constant 1 : i32
        %mul3A_445 = arith.muli %scan3A_443, %mul3A_444 : i32
        %add3A_446 = arith.constant 0 : i32
        %add3A_447 = arith.addi %add3A_446, %mul3A_445 : i32
        %broadcast_in_dim3A = arith.constant 0.000000e+00 : f32
        %broadcast_in_dim3A_448 = vector.broadcast %broadcast_in_dim3A : f32 to vector<16xf32>
        %scan3A_449 = arith.constant 0 : i32
        %scan3A_450 = arith.constant 64 : i32
        %scan3A_451 = arith.addi %scan3A_449, %scan3A_450 : i32
        %scan3A_452 = arith.constant 4 : i32
        %scan3A_453:2 = scf.for %scan3A_614 = %scan3A_449 to %scan3A_451 step %scan3A_452 iter_args(%scan3A_615 = %broadcast_in_dim3A_448, %scan3A_616 = %broadcast_in_dim3A_448) -> (vector<16xf32>, vector<16xf32>)  : i32 {
          %mul3A_617 = arith.constant 16 : i32
          %mul3A_618 = arith.muli %scan3A_614, %mul3A_617 : i32
          %get3A_619 = arith.constant 0 : i32
          %get3A_620 = arith.index_cast %get3A_619 : i32 to index
          %get3A_621 = arith.index_cast %add3A_447 : i32 to index
          %get3A_622 = arith.index_cast %mul3A_618 : i32 to index
          %get3A_623 = tpu.vector_load %arg10[%get3A_620, %get3A_621, %get3A_622] {strides = array<i32>} : memref<2x16x1024xf32, #tpu.memory_space<vmem>>, vector<1x1x16xf32>,
          %get3A_624 = vector.shape_cast %get3A_623 : vector<1x1x16xf32> to vector<16xf32>
          %get3A_625 = arith.constant 1 : i32
          %get3A_626 = arith.index_cast %get3A_625 : i32 to index
          %get3A_627 = arith.index_cast %add3A_447 : i32 to index
          %get3A_628 = arith.index_cast %mul3A_618 : i32 to index
          %get3A_629 = tpu.vector_load %arg9[%get3A_626, %get3A_627, %get3A_628] {strides = array<i32>} : memref<2x16x1024xf32, #tpu.memory_space<vmem>>, vector<1x1x16xf32>,
          %get3A_630 = vector.shape_cast %get3A_629 : vector<1x1x16xf32> to vector<16xf32>
          %add3A_631 = arith.addf %get3A_624, %get3A_630 : vector<16xf32>
          %swap3A = arith.constant 0 : i32
          %swap3A_632 = arith.index_cast %swap3A : i32 to index
          %swap3A_633 = arith.index_cast %add3A_447 : i32 to index
          %swap3A_634 = arith.index_cast %mul3A_618 : i32 to index
          %swap3A_635 = tpu.vector_load %arg10[%swap3A_632, %swap3A_633, %swap3A_634] {strides = array<i32>} : memref<2x16x1024xf32, #tpu.memory_space<vmem>>, vector<1x1x16xf32>,
          %swap3A_636 = vector.shape_cast %swap3A_635 : vector<1x1x16xf32> to vector<16xf32>
          %swap3A_637 = vector.shape_cast %add3A_631 : vector<16xf32> to vector<1x1x16xf32>
          tpu.vector_store %arg10[%swap3A_632, %swap3A_633, %swap3A_634], %swap3A_637 {strides = array<i32>} : memref<2x16x1024xf32, #tpu.memory_space<vmem>>, vector<1x1x16xf32>,
          %add3A_638 = arith.addf %scan3A_615, %add3A_631 : vector<16xf32>
          %mul3A_639 = arith.mulf %add3A_631, %add3A_631 : vector<16xf32>
          %add3A_640 = arith.addf %scan3A_616, %mul3A_639 : vector<16xf32>
          %scan3A_641 = arith.constant 1 : i32
          %scan3A_642 = arith.addi %scan3A_614, %scan3A_641 : i32
          %mul3A_643 = arith.constant 16 : i32
          %mul3A_644 = arith.muli %scan3A_642, %mul3A_643 : i32
          %get3A_645 = arith.constant 0 : i32
          %get3A_646 = arith.index_cast %get3A_645 : i32 to index
          %get3A_647 = arith.index_cast %add3A_447 : i32 to index
          %get3A_648 = arith.index_cast %mul3A_644 : i32 to index
          %get3A_649 = tpu.vector_load %arg10[%get3A_646, %get3A_647, %get3A_648] {strides = array<i32>} : memref<2x16x1024xf32, #tpu.memory_space<vmem>>, vector<1x1x16xf32>,
          %get3A_650 = vector.shape_cast %get3A_649 : vector<1x1x16xf32> to vector<16xf32>
          %get3A_651 = arith.constant 1 : i32
          %get3A_652 = arith.index_cast %get3A_651 : i32 to index
          %get3A_653 = arith.index_cast %add3A_447 : i32 to index
          %get3A_654 = arith.index_cast %mul3A_644 : i32 to index
          %get3A_655 = tpu.vector_load %arg9[%get3A_652, %get3A_653, %get3A_654] {strides = array<i32>} : memref<2x16x1024xf32, #tpu.memory_space<vmem>>, vector<1x1x16xf32>,
          %get3A_656 = vector.shape_cast %get3A_655 : vector<1x1x16xf32> to vector<16xf32>
          %add3A_657 = arith.addf %get3A_650, %get3A_656 : vector<16xf32>
          %swap3A_658 = arith.constant 0 : i32
          %swap3A_659 = arith.index_cast %swap3A_658 : i32 to index
          %swap3A_660 = arith.index_cast %add3A_447 : i32 to index
          %swap3A_661 = arith.index_cast %mul3A_644 : i32 to index
          %swap3A_662 = tpu.vector_load %arg10[%swap3A_659, %swap3A_660, %swap3A_661] {strides = array<i32>} : memref<2x16x1024xf32, #tpu.memory_space<vmem>>, vector<1x1x16xf32>,
          %swap3A_663 = vector.shape_cast %swap3A_662 : vector<1x1x16xf32> to vector<16xf32>
          %swap3A_664 = vector.shape_cast %add3A_657 : vector<16xf32> to vector<1x1x16xf32>
          tpu.vector_store %arg10[%swap3A_659, %swap3A_660, %swap3A_661], %swap3A_664 {strides = array<i32>} : memref<2x16x1024xf32, #tpu.memory_space<vmem>>, vector<1x1x16xf32>,
          %add3A_665 = arith.addf %add3A_638, %add3A_657 : vector<16xf32>
          %mul3A_666 = arith.mulf %add3A_657, %add3A_657 : vector<16xf32>
          %add3A_667 = arith.addf %add3A_640, %mul3A_666 : vector<16xf32>
          %scan3A_668 = arith.constant 2 : i32
          %scan3A_669 = arith.addi %scan3A_614, %scan3A_668 : i32
          %mul3A_670 = arith.constant 16 : i32
          %mul3A_671 = arith.muli %scan3A_669, %mul3A_670 : i32
          %get3A_672 = arith.constant 0 : i32
          %get3A_673 = arith.index_cast %get3A_672 : i32 to index
          %get3A_674 = arith.index_cast %add3A_447 : i32 to index
          %get3A_675 = arith.index_cast %mul3A_671 : i32 to index
          %get3A_676 = tpu.vector_load %arg10[%get3A_673, %get3A_674, %get3A_675] {strides = array<i32>} : memref<2x16x1024xf32, #tpu.memory_space<vmem>>, vector<1x1x16xf32>,
          %get3A_677 = vector.shape_cast %get3A_676 : vector<1x1x16xf32> to vector<16xf32>
          %get3A_678 = arith.constant 1 : i32
          %get3A_679 = arith.index_cast %get3A_678 : i32 to index
          %get3A_680 = arith.index_cast %add3A_447 : i32 to index
          %get3A_681 = arith.index_cast %mul3A_671 : i32 to index
          %get3A_682 = tpu.vector_load %arg9[%get3A_679, %get3A_680, %get3A_681] {strides = array<i32>} : memref<2x16x1024xf32, #tpu.memory_space<vmem>>, vector<1x1x16xf32>,
          %get3A_683 = vector.shape_cast %get3A_682 : vector<1x1x16xf32> to vector<16xf32>
          %add3A_684 = arith.addf %get3A_677, %get3A_683 : vector<16xf32>
          %swap3A_685 = arith.constant 0 : i32
          %swap3A_686 = arith.index_cast %swap3A_685 : i32 to index
          %swap3A_687 = arith.index_cast %add3A_447 : i32 to index
          %swap3A_688 = arith.index_cast %mul3A_671 : i32 to index
          %swap3A_689 = tpu.vector_load %arg10[%swap3A_686, %swap3A_687, %swap3A_688] {strides = array<i32>} : memref<2x16x1024xf32, #tpu.memory_space<vmem>>, vector<1x1x16xf32>,
          %swap3A_690 = vector.shape_cast %swap3A_689 : vector<1x1x16xf32> to vector<16xf32>
          %swap3A_691 = vector.shape_cast %add3A_684 : vector<16xf32> to vector<1x1x16xf32>
          tpu.vector_store %arg10[%swap3A_686, %swap3A_687, %swap3A_688], %swap3A_691 {strides = array<i32>} : memref<2x16x1024xf32, #tpu.memory_space<vmem>>, vector<1x1x16xf32>,
          %add3A_692 = arith.addf %add3A_665, %add3A_684 : vector<16xf32>
          %mul3A_693 = arith.mulf %add3A_684, %add3A_684 : vector<16xf32>
          %add3A_694 = arith.addf %add3A_667, %mul3A_693 : vector<16xf32>
          %scan3A_695 = arith.constant 3 : i32
          %scan3A_696 = arith.addi %scan3A_614, %scan3A_695 : i32
          %mul3A_697 = arith.constant 16 : i32
          %mul3A_698 = arith.muli %scan3A_696, %mul3A_697 : i32
          %get3A_699 = arith.constant 0 : i32
          %get3A_700 = arith.index_cast %get3A_699 : i32 to index
          %get3A_701 = arith.index_cast %add3A_447 : i32 to index
          %get3A_702 = arith.index_cast %mul3A_698 : i32 to index
          %get3A_703 = tpu.vector_load %arg10[%get3A_700, %get3A_701, %get3A_702] {strides = array<i32>} : memref<2x16x1024xf32, #tpu.memory_space<vmem>>, vector<1x1x16xf32>,
          %get3A_704 = vector.shape_cast %get3A_703 : vector<1x1x16xf32> to vector<16xf32>
          %get3A_705 = arith.constant 1 : i32
          %get3A_706 = arith.index_cast %get3A_705 : i32 to index
          %get3A_707 = arith.index_cast %add3A_447 : i32 to index
          %get3A_708 = arith.index_cast %mul3A_698 : i32 to index
          %get3A_709 = tpu.vector_load %arg9[%get3A_706, %get3A_707, %get3A_708] {strides = array<i32>} : memref<2x16x1024xf32, #tpu.memory_space<vmem>>, vector<1x1x16xf32>,
          %get3A_710 = vector.shape_cast %get3A_709 : vector<1x1x16xf32> to vector<16xf32>
          %add3A_711 = arith.addf %get3A_704, %get3A_710 : vector<16xf32>
          %swap3A_712 = arith.constant 0 : i32
          %swap3A_713 = arith.index_cast %swap3A_712 : i32 to index
          %swap3A_714 = arith.index_cast %add3A_447 : i32 to index
          %swap3A_715 = arith.index_cast %mul3A_698 : i32 to index
          %swap3A_716 = tpu.vector_load %arg10[%swap3A_713, %swap3A_714, %swap3A_715] {strides = array<i32>} : memref<2x16x1024xf32, #tpu.memory_space<vmem>>, vector<1x1x16xf32>,
          %swap3A_717 = vector.shape_cast %swap3A_716 : vector<1x1x16xf32> to vector<16xf32>
          %swap3A_718 = vector.shape_cast %add3A_711 : vector<16xf32> to vector<1x1x16xf32>
          tpu.vector_store %arg10[%swap3A_713, %swap3A_714, %swap3A_715], %swap3A_718 {strides = array<i32>} : memref<2x16x1024xf32, #tpu.memory_space<vmem>>, vector<1x1x16xf32>,
          %add3A_719 = arith.addf %add3A_692, %add3A_711 : vector<16xf32>
          %mul3A_720 = arith.mulf %add3A_711, %add3A_711 : vector<16xf32>
          %add3A_721 = arith.addf %add3A_694, %mul3A_720 : vector<16xf32>
          scf.yield %add3A_719, %add3A_721 : vector<16xf32>, vector<16xf32>
        }
        %scan3A_454 = arith.constant 64 : i32
        %iota3A = tpu.iota {dimensions = array<i32: 0>} : vector<16xi32>
        %xor3A = arith.constant 8 : i32
        %xor3A_455 = vector.broadcast %xor3A : i32 to vector<16xi32>
        %xor3A_456 = arith.xori %iota3A, %xor3A_455 : vector<16xi32>
        %lt3A_457 = arith.constant 0 : i32
        %lt3A_458 = vector.broadcast %lt3A_457 : i32 to vector<16xi32>
        %lt3A_459 = arith.cmpi slt, %xor3A_456, %lt3A_458 : vector<16xi32>
        %add3A_460 = arith.constant 16 : i32
        %add3A_461 = vector.broadcast %add3A_460 : i32 to vector<16xi32>
        %add3A_462 = arith.addi %xor3A_456, %add3A_461 : vector<16xi32>
        %select_n3A = arith.select %lt3A_459, %add3A_462, %xor3A_456 : vector<16xi1>, vector<16xi32>
        %reshape3A = vector.shape_cast %select_n3A : vector<16xi32> to vector<16x1xi32>
        %gather3A = vector.shape_cast %reshape3A : vector<16x1xi32> to vector<16xi32>
        %gather3A_463 = tpu.dynamic_gather %scan3A_453#0[%gather3A] in [0] : vector<16xf32>, vector<16xi32> -> vector<16xf32>
        %add3A_464 = arith.addf %scan3A_453#0, %gather3A_463 : vector<16xf32>
        %xor3A_465 = arith.constant 4 : i32
        %xor3A_466 = vector.broadcast %xor3A_465 : i32 to vector<16xi32>
        %xor3A_467 = arith.xori %iota3A, %xor3A_466 : vector<16xi32>
        %lt3A_468 = arith.constant 0 : i32
        %lt3A_469 = vector.broadcast %lt3A_468 : i32 to vector<16xi32>
        %lt3A_470 = arith.cmpi slt, %xor3A_467, %lt3A_469 : vector<16xi32>
        %add3A_471 = arith.constant 16 : i32
        %add3A_472 = vector.broadcast %add3A_471 : i32 to vector<16xi32>
        %add3A_473 = arith.addi %xor3A_467, %add3A_472 : vector<16xi32>
        %select_n3A_474 = arith.select %lt3A_470, %add3A_473, %xor3A_467 : vector<16xi1>, vector<16xi32>
        %reshape3A_475 = vector.shape_cast %select_n3A_474 : vector<16xi32> to vector<16x1xi32>
        %gather3A_476 = vector.shape_cast %reshape3A_475 : vector<16x1xi32> to vector<16xi32>
        %gather3A_477 = tpu.dynamic_gather %add3A_464[%gather3A_476] in [0] : vector<16xf32>, vector<16xi32> -> vector<16xf32>
        %add3A_478 = arith.addf %add3A_464, %gather3A_477 : vector<16xf32>
        %xor3A_479 = arith.constant 2 : i32
        %xor3A_480 = vector.broadcast %xor3A_479 : i32 to vector<16xi32>
        %xor3A_481 = arith.xori %iota3A, %xor3A_480 : vector<16xi32>
        %lt3A_482 = arith.constant 0 : i32
        %lt3A_483 = vector.broadcast %lt3A_482 : i32 to vector<16xi32>
        %lt3A_484 = arith.cmpi slt, %xor3A_481, %lt3A_483 : vector<16xi32>
        %add3A_485 = arith.constant 16 : i32
        %add3A_486 = vector.broadcast %add3A_485 : i32 to vector<16xi32>
        %add3A_487 = arith.addi %xor3A_481, %add3A_486 : vector<16xi32>
        %select_n3A_488 = arith.select %lt3A_484, %add3A_487, %xor3A_481 : vector<16xi1>, vector<16xi32>
        %reshape3A_489 = vector.shape_cast %select_n3A_488 : vector<16xi32> to vector<16x1xi32>
        %gather3A_490 = vector.shape_cast %reshape3A_489 : vector<16x1xi32> to vector<16xi32>
        %gather3A_491 = tpu.dynamic_gather %add3A_478[%gather3A_490] in [0] : vector<16xf32>, vector<16xi32> -> vector<16xf32>
        %add3A_492 = arith.addf %add3A_478, %gather3A_491 : vector<16xf32>
        %xor3A_493 = arith.constant 1 : i32
        %xor3A_494 = vector.broadcast %xor3A_493 : i32 to vector<16xi32>
        %xor3A_495 = arith.xori %iota3A, %xor3A_494 : vector<16xi32>
        %lt3A_496 = arith.constant 0 : i32
        %lt3A_497 = vector.broadcast %lt3A_496 : i32 to vector<16xi32>
        %lt3A_498 = arith.cmpi slt, %xor3A_495, %lt3A_497 : vector<16xi32>
        %add3A_499 = arith.constant 16 : i32
        %add3A_500 = vector.broadcast %add3A_499 : i32 to vector<16xi32>
        %add3A_501 = arith.addi %xor3A_495, %add3A_500 : vector<16xi32>
        %select_n3A_502 = arith.select %lt3A_498, %add3A_501, %xor3A_495 : vector<16xi1>, vector<16xi32>
        %reshape3A_503 = vector.shape_cast %select_n3A_502 : vector<16xi32> to vector<16x1xi32>
        %gather3A_504 = vector.shape_cast %reshape3A_503 : vector<16x1xi32> to vector<16xi32>
        %gather3A_505 = tpu.dynamic_gather %add3A_492[%gather3A_504] in [0] : vector<16xf32>, vector<16xi32> -> vector<16xf32>
        %add3A_506 = arith.addf %add3A_492, %gather3A_505 : vector<16xf32>
        %mul3A_507 = arith.constant 9.765625E-4 : f32
        %mul3A_508 = vector.broadcast %mul3A_507 : f32 to vector<16xf32>
        %mul3A_509 = arith.mulf %add3A_506, %mul3A_508 : vector<16xf32>
        %iota3A_510 = tpu.iota {dimensions = array<i32: 0>} : vector<16xi32>
        %xor3A_511 = arith.constant 8 : i32
        %xor3A_512 = vector.broadcast %xor3A_511 : i32 to vector<16xi32>
        %xor3A_513 = arith.xori %iota3A_510, %xor3A_512 : vector<16xi32>
        %lt3A_514 = arith.constant 0 : i32
        %lt3A_515 = vector.broadcast %lt3A_514 : i32 to vector<16xi32>
        %lt3A_516 = arith.cmpi slt, %xor3A_513, %lt3A_515 : vector<16xi32>
        %add3A_517 = arith.constant 16 : i32
        %add3A_518 = vector.broadcast %add3A_517 : i32 to vector<16xi32>
        %add3A_519 = arith.addi %xor3A_513, %add3A_518 : vector<16xi32>
        %select_n3A_520 = arith.select %lt3A_516, %add3A_519, %xor3A_513 : vector<16xi1>, vector<16xi32>
        %reshape3A_521 = vector.shape_cast %select_n3A_520 : vector<16xi32> to vector<16x1xi32>
        %gather3A_522 = vector.shape_cast %reshape3A_521 : vector<16x1xi32> to vector<16xi32>
        %gather3A_523 = tpu.dynamic_gather %scan3A_453#1[%gather3A_522] in [0] : vector<16xf32>, vector<16xi32> -> vector<16xf32>
        %add3A_524 = arith.addf %scan3A_453#1, %gather3A_523 : vector<16xf32>
        %xor3A_525 = arith.constant 4 : i32
        %xor3A_526 = vector.broadcast %xor3A_525 : i32 to vector<16xi32>
        %xor3A_527 = arith.xori %iota3A_510, %xor3A_526 : vector<16xi32>
        %lt3A_528 = arith.constant 0 : i32
        %lt3A_529 = vector.broadcast %lt3A_528 : i32 to vector<16xi32>
        %lt3A_530 = arith.cmpi slt, %xor3A_527, %lt3A_529 : vector<16xi32>
        %add3A_531 = arith.constant 16 : i32
        %add3A_532 = vector.broadcast %add3A_531 : i32 to vector<16xi32>
        %add3A_533 = arith.addi %xor3A_527, %add3A_532 : vector<16xi32>
        %select_n3A_534 = arith.select %lt3A_530, %add3A_533, %xor3A_527 : vector<16xi1>, vector<16xi32>
        %reshape3A_535 = vector.shape_cast %select_n3A_534 : vector<16xi32> to vector<16x1xi32>
        %gather3A_536 = vector.shape_cast %reshape3A_535 : vector<16x1xi32> to vector<16xi32>
        %gather3A_537 = tpu.dynamic_gather %add3A_524[%gather3A_536] in [0] : vector<16xf32>, vector<16xi32> -> vector<16xf32>
        %add3A_538 = arith.addf %add3A_524, %gather3A_537 : vector<16xf32>
        %xor3A_539 = arith.constant 2 : i32
        %xor3A_540 = vector.broadcast %xor3A_539 : i32 to vector<16xi32>
        %xor3A_541 = arith.xori %iota3A_510, %xor3A_540 : vector<16xi32>
        %lt3A_542 = arith.constant 0 : i32
        %lt3A_543 = vector.broadcast %lt3A_542 : i32 to vector<16xi32>
        %lt3A_544 = arith.cmpi slt, %xor3A_541, %lt3A_543 : vector<16xi32>
        %add3A_545 = arith.constant 16 : i32
        %add3A_546 = vector.broadcast %add3A_545 : i32 to vector<16xi32>
        %add3A_547 = arith.addi %xor3A_541, %add3A_546 : vector<16xi32>
        %select_n3A_548 = arith.select %lt3A_544, %add3A_547, %xor3A_541 : vector<16xi1>, vector<16xi32>
        %reshape3A_549 = vector.shape_cast %select_n3A_548 : vector<16xi32> to vector<16x1xi32>
        %gather3A_550 = vector.shape_cast %reshape3A_549 : vector<16x1xi32> to vector<16xi32>
        %gather3A_551 = tpu.dynamic_gather %add3A_538[%gather3A_550] in [0] : vector<16xf32>, vector<16xi32> -> vector<16xf32>
        %add3A_552 = arith.addf %add3A_538, %gather3A_551 : vector<16xf32>
        %xor3A_553 = arith.constant 1 : i32
        %xor3A_554 = vector.broadcast %xor3A_553 : i32 to vector<16xi32>
        %xor3A_555 = arith.xori %iota3A_510, %xor3A_554 : vector<16xi32>
        %lt3A_556 = arith.constant 0 : i32
        %lt3A_557 = vector.broadcast %lt3A_556 : i32 to vector<16xi32>
        %lt3A_558 = arith.cmpi slt, %xor3A_555, %lt3A_557 : vector<16xi32>
        %add3A_559 = arith.constant 16 : i32
        %add3A_560 = vector.broadcast %add3A_559 : i32 to vector<16xi32>
        %add3A_561 = arith.addi %xor3A_555, %add3A_560 : vector<16xi32>
        %select_n3A_562 = arith.select %lt3A_558, %add3A_561, %xor3A_555 : vector<16xi1>, vector<16xi32>
        %reshape3A_563 = vector.shape_cast %select_n3A_562 : vector<16xi32> to vector<16x1xi32>
        %gather3A_564 = vector.shape_cast %reshape3A_563 : vector<16x1xi32> to vector<16xi32>
        %gather3A_565 = tpu.dynamic_gather %add3A_552[%gather3A_564] in [0] : vector<16xf32>, vector<16xi32> -> vector<16xf32>
        %add3A_566 = arith.addf %add3A_552, %gather3A_565 : vector<16xf32>
        %mul3A_567 = arith.constant 9.765625E-4 : f32
        %mul3A_568 = vector.broadcast %mul3A_567 : f32 to vector<16xf32>
        %mul3A_569 = arith.mulf %add3A_566, %mul3A_568 : vector<16xf32>
        %mul3A_570 = arith.mulf %mul3A_509, %mul3A_509 : vector<16xf32>
        %sub3A = arith.subf %mul3A_569, %mul3A_570 : vector<16xf32>
        %add3A_571 = arith.constant 9.99999996E-13 : f32
        %add3A_572 = vector.broadcast %add3A_571 : f32 to vector<16xf32>
        %add3A_573 = arith.addf %sub3A, %add3A_572 : vector<16xf32>
        %bitcast_convert_type3A = tpu.bitcast %add3A_573 : vector<16xf32> -> vector<16xi32>
        %shift_right_logical3A = arith.constant 1 : i32
        %shift_right_logical3A_574 = vector.broadcast %shift_right_logical3A : i32 to vector<16xi32>
        %shift_right_logical3A_575 = arith.shrui %bitcast_convert_type3A, %shift_right_logical3A_574 : vector<16xi32>
        %sub3A_576 = arith.constant 1597463007 : i32
        %sub3A_577 = vector.broadcast %sub3A_576 : i32 to vector<16xi32>
        %sub3A_578 = arith.subi %sub3A_577, %shift_right_logical3A_575 : vector<16xi32>
        %bitcast_convert_type3A_579 = tpu.bitcast %sub3A_578 : vector<16xi32> -> vector<16xf32>
        %mul3A_580 = arith.constant 5.000000e-01 : f32
        %mul3A_581 = vector.broadcast %mul3A_580 : f32 to vector<16xf32>
        %mul3A_582 = arith.mulf %mul3A_581, %add3A_573 : vector<16xf32>
        %mul3A_583 = arith.mulf %mul3A_582, %bitcast_convert_type3A_579 : vector<16xf32>
        %mul3A_584 = arith.mulf %mul3A_583, %bitcast_convert_type3A_579 : vector<16xf32>
        %sub3A_585 = arith.constant 1.500000e+00 : f32
        %sub3A_586 = vector.broadcast %sub3A_585 : f32 to vector<16xf32>
        %sub3A_587 = arith.subf %sub3A_586, %mul3A_584 : vector<16xf32>
        %mul3A_588 = arith.mulf %bitcast_convert_type3A_579, %sub3A_587 : vector<16xf32>
        %mul3A_589 = arith.constant 5.000000e-01 : f32
        %mul3A_590 = vector.broadcast %mul3A_589 : f32 to vector<16xf32>
        %mul3A_591 = arith.mulf %mul3A_590, %add3A_573 : vector<16xf32>
        %mul3A_592 = arith.mulf %mul3A_591, %mul3A_588 : vector<16xf32>
        %mul3A_593 = arith.mulf %mul3A_592, %mul3A_588 : vector<16xf32>
        %sub3A_594 = arith.constant 1.500000e+00 : f32
        %sub3A_595 = vector.broadcast %sub3A_594 : f32 to vector<16xf32>
        %sub3A_596 = arith.subf %sub3A_595, %mul3A_593 : vector<16xf32>
        %mul3A_597 = arith.mulf %mul3A_588, %sub3A_596 : vector<16xf32>
        %mul3A_598 = arith.constant 5.000000e-01 : f32
        %mul3A_599 = vector.broadcast %mul3A_598 : f32 to vector<16xf32>
        %mul3A_600 = arith.mulf %mul3A_599, %add3A_573 : vector<16xf32>
        %mul3A_601 = arith.mulf %mul3A_600, %mul3A_597 : vector<16xf32>
        %mul3A_602 = arith.mulf %mul3A_601, %mul3A_597 : vector<16xf32>
        %sub3A_603 = arith.constant 1.500000e+00 : f32
        %sub3A_604 = vector.broadcast %sub3A_603 : f32 to vector<16xf32>
        %sub3A_605 = arith.subf %sub3A_604, %mul3A_602 : vector<16xf32>
        %mul3A_606 = arith.mulf %mul3A_597, %sub3A_605 : vector<16xf32>
        %scan3A_607 = arith.constant 0 : i32
        %scan3A_608 = arith.constant 0 : i32
        %scan3A_609 = arith.constant 64 : i32
        %scan3A_610 = arith.addi %scan3A_608, %scan3A_609 : i32
        %scan3A_611 = arith.constant 4 : i32
        %scan3A_612 = scf.for %scan3A_614 = %scan3A_608 to %scan3A_610 step %scan3A_611 iter_args(%scan3A_615 = %scan3A_607) -> (i32)  : i32 {
          %mul3A_616 = arith.constant 16 : i32
          %mul3A_617 = arith.muli %scan3A_614, %mul3A_616 : i32
          %get3A_618 = arith.constant 0 : i32
          %get3A_619 = arith.index_cast %get3A_618 : i32 to index
          %get3A_620 = arith.index_cast %add3A_447 : i32 to index
          %get3A_621 = arith.index_cast %mul3A_617 : i32 to index
          %get3A_622 = tpu.vector_load %arg10[%get3A_619, %get3A_620, %get3A_621] {strides = array<i32>} : memref<2x16x1024xf32, #tpu.memory_space<vmem>>, vector<1x1x16xf32>,
          %get3A_623 = vector.shape_cast %get3A_622 : vector<1x1x16xf32> to vector<16xf32>
          %sub3A_624 = arith.subf %get3A_623, %mul3A_509 : vector<16xf32>
          %mul3A_625 = arith.mulf %sub3A_624, %mul3A_606 : vector<16xf32>
          %get3A_626 = arith.index_cast %mul3A_617 : i32 to index
          %get3A_627 = tpu.vector_load %arg11[%get3A_626] {strides = array<i32>} : memref<1024xf32, #tpu.memory_space<vmem>>, vector<16xf32>,
          %get3A_628 = vector.shape_cast %get3A_627 : vector<16xf32> to vector<16xf32>
          %mul3A_629 = arith.mulf %mul3A_625, %get3A_628 : vector<16xf32>
          %get3A_630 = arith.index_cast %mul3A_617 : i32 to index
          %get3A_631 = tpu.vector_load %arg12[%get3A_630] {strides = array<i32>} : memref<1024xf32, #tpu.memory_space<vmem>>, vector<16xf32>,
          %get3A_632 = vector.shape_cast %get3A_631 : vector<16xf32> to vector<16xf32>
          %add3A_633 = arith.addf %mul3A_629, %get3A_632 : vector<16xf32>
          %swap3A = arith.constant 0 : i32
          %swap3A_634 = arith.index_cast %swap3A : i32 to index
          %swap3A_635 = arith.index_cast %add3A_447 : i32 to index
          %swap3A_636 = arith.index_cast %mul3A_617 : i32 to index
          %swap3A_637 = tpu.vector_load %arg10[%swap3A_634, %swap3A_635, %swap3A_636] {strides = array<i32>} : memref<2x16x1024xf32, #tpu.memory_space<vmem>>, vector<1x1x16xf32>,
          %swap3A_638 = vector.shape_cast %swap3A_637 : vector<1x1x16xf32> to vector<16xf32>
          %swap3A_639 = vector.shape_cast %add3A_633 : vector<16xf32> to vector<1x1x16xf32>
          tpu.vector_store %arg10[%swap3A_634, %swap3A_635, %swap3A_636], %swap3A_639 {strides = array<i32>} : memref<2x16x1024xf32, #tpu.memory_space<vmem>>, vector<1x1x16xf32>,
          %scan3A_640 = arith.constant 0 : i32
          %scan3A_641 = arith.constant 1 : i32
          %scan3A_642 = arith.addi %scan3A_614, %scan3A_641 : i32
          %mul3A_643 = arith.constant 16 : i32
          %mul3A_644 = arith.muli %scan3A_642, %mul3A_643 : i32
          %get3A_645 = arith.constant 0 : i32
          %get3A_646 = arith.index_cast %get3A_645 : i32 to index
          %get3A_647 = arith.index_cast %add3A_447 : i32 to index
          %get3A_648 = arith.index_cast %mul3A_644 : i32 to index
          %get3A_649 = tpu.vector_load %arg10[%get3A_646, %get3A_647, %get3A_648] {strides = array<i32>} : memref<2x16x1024xf32, #tpu.memory_space<vmem>>, vector<1x1x16xf32>,
          %get3A_650 = vector.shape_cast %get3A_649 : vector<1x1x16xf32> to vector<16xf32>
          %sub3A_651 = arith.subf %get3A_650, %mul3A_509 : vector<16xf32>
          %mul3A_652 = arith.mulf %sub3A_651, %mul3A_606 : vector<16xf32>
          %get3A_653 = arith.index_cast %mul3A_644 : i32 to index
          %get3A_654 = tpu.vector_load %arg11[%get3A_653] {strides = array<i32>} : memref<1024xf32, #tpu.memory_space<vmem>>, vector<16xf32>,
          %get3A_655 = vector.shape_cast %get3A_654 : vector<16xf32> to vector<16xf32>
          %mul3A_656 = arith.mulf %mul3A_652, %get3A_655 : vector<16xf32>
          %get3A_657 = arith.index_cast %mul3A_644 : i32 to index
          %get3A_658 = tpu.vector_load %arg12[%get3A_657] {strides = array<i32>} : memref<1024xf32, #tpu.memory_space<vmem>>, vector<16xf32>,
          %get3A_659 = vector.shape_cast %get3A_658 : vector<16xf32> to vector<16xf32>
          %add3A_660 = arith.addf %mul3A_656, %get3A_659 : vector<16xf32>
          %swap3A_661 = arith.constant 0 : i32
          %swap3A_662 = arith.index_cast %swap3A_661 : i32 to index
          %swap3A_663 = arith.index_cast %add3A_447 : i32 to index
          %swap3A_664 = arith.index_cast %mul3A_644 : i32 to index
          %swap3A_665 = tpu.vector_load %arg10[%swap3A_662, %swap3A_663, %swap3A_664] {strides = array<i32>} : memref<2x16x1024xf32, #tpu.memory_space<vmem>>, vector<1x1x16xf32>,
          %swap3A_666 = vector.shape_cast %swap3A_665 : vector<1x1x16xf32> to vector<16xf32>
          %swap3A_667 = vector.shape_cast %add3A_660 : vector<16xf32> to vector<1x1x16xf32>
          tpu.vector_store %arg10[%swap3A_662, %swap3A_663, %swap3A_664], %swap3A_667 {strides = array<i32>} : memref<2x16x1024xf32, #tpu.memory_space<vmem>>, vector<1x1x16xf32>,
          %scan3A_668 = arith.constant 0 : i32
          %scan3A_669 = arith.constant 2 : i32
          %scan3A_670 = arith.addi %scan3A_614, %scan3A_669 : i32
          %mul3A_671 = arith.constant 16 : i32
          %mul3A_672 = arith.muli %scan3A_670, %mul3A_671 : i32
          %get3A_673 = arith.constant 0 : i32
          %get3A_674 = arith.index_cast %get3A_673 : i32 to index
          %get3A_675 = arith.index_cast %add3A_447 : i32 to index
          %get3A_676 = arith.index_cast %mul3A_672 : i32 to index
          %get3A_677 = tpu.vector_load %arg10[%get3A_674, %get3A_675, %get3A_676] {strides = array<i32>} : memref<2x16x1024xf32, #tpu.memory_space<vmem>>, vector<1x1x16xf32>,
          %get3A_678 = vector.shape_cast %get3A_677 : vector<1x1x16xf32> to vector<16xf32>
          %sub3A_679 = arith.subf %get3A_678, %mul3A_509 : vector<16xf32>
          %mul3A_680 = arith.mulf %sub3A_679, %mul3A_606 : vector<16xf32>
          %get3A_681 = arith.index_cast %mul3A_672 : i32 to index
          %get3A_682 = tpu.vector_load %arg11[%get3A_681] {strides = array<i32>} : memref<1024xf32, #tpu.memory_space<vmem>>, vector<16xf32>,
          %get3A_683 = vector.shape_cast %get3A_682 : vector<16xf32> to vector<16xf32>
          %mul3A_684 = arith.mulf %mul3A_680, %get3A_683 : vector<16xf32>
          %get3A_685 = arith.index_cast %mul3A_672 : i32 to index
          %get3A_686 = tpu.vector_load %arg12[%get3A_685] {strides = array<i32>} : memref<1024xf32, #tpu.memory_space<vmem>>, vector<16xf32>,
          %get3A_687 = vector.shape_cast %get3A_686 : vector<16xf32> to vector<16xf32>
          %add3A_688 = arith.addf %mul3A_684, %get3A_687 : vector<16xf32>
          %swap3A_689 = arith.constant 0 : i32
          %swap3A_690 = arith.index_cast %swap3A_689 : i32 to index
          %swap3A_691 = arith.index_cast %add3A_447 : i32 to index
          %swap3A_692 = arith.index_cast %mul3A_672 : i32 to index
          %swap3A_693 = tpu.vector_load %arg10[%swap3A_690, %swap3A_691, %swap3A_692] {strides = array<i32>} : memref<2x16x1024xf32, #tpu.memory_space<vmem>>, vector<1x1x16xf32>,
          %swap3A_694 = vector.shape_cast %swap3A_693 : vector<1x1x16xf32> to vector<16xf32>
          %swap3A_695 = vector.shape_cast %add3A_688 : vector<16xf32> to vector<1x1x16xf32>
          tpu.vector_store %arg10[%swap3A_690, %swap3A_691, %swap3A_692], %swap3A_695 {strides = array<i32>} : memref<2x16x1024xf32, #tpu.memory_space<vmem>>, vector<1x1x16xf32>,
          %scan3A_696 = arith.constant 0 : i32
          %scan3A_697 = arith.constant 3 : i32
          %scan3A_698 = arith.addi %scan3A_614, %scan3A_697 : i32
          %mul3A_699 = arith.constant 16 : i32
          %mul3A_700 = arith.muli %scan3A_698, %mul3A_699 : i32
          %get3A_701 = arith.constant 0 : i32
          %get3A_702 = arith.index_cast %get3A_701 : i32 to index
          %get3A_703 = arith.index_cast %add3A_447 : i32 to index
          %get3A_704 = arith.index_cast %mul3A_700 : i32 to index
          %get3A_705 = tpu.vector_load %arg10[%get3A_702, %get3A_703, %get3A_704] {strides = array<i32>} : memref<2x16x1024xf32, #tpu.memory_space<vmem>>, vector<1x1x16xf32>,
          %get3A_706 = vector.shape_cast %get3A_705 : vector<1x1x16xf32> to vector<16xf32>
          %sub3A_707 = arith.subf %get3A_706, %mul3A_509 : vector<16xf32>
          %mul3A_708 = arith.mulf %sub3A_707, %mul3A_606 : vector<16xf32>
          %get3A_709 = arith.index_cast %mul3A_700 : i32 to index
          %get3A_710 = tpu.vector_load %arg11[%get3A_709] {strides = array<i32>} : memref<1024xf32, #tpu.memory_space<vmem>>, vector<16xf32>,
          %get3A_711 = vector.shape_cast %get3A_710 : vector<16xf32> to vector<16xf32>
          %mul3A_712 = arith.mulf %mul3A_708, %get3A_711 : vector<16xf32>
          %get3A_713 = arith.index_cast %mul3A_700 : i32 to index
          %get3A_714 = tpu.vector_load %arg12[%get3A_713] {strides = array<i32>} : memref<1024xf32, #tpu.memory_space<vmem>>, vector<16xf32>,
          %get3A_715 = vector.shape_cast %get3A_714 : vector<16xf32> to vector<16xf32>
          %add3A_716 = arith.addf %mul3A_712, %get3A_715 : vector<16xf32>
          %swap3A_717 = arith.constant 0 : i32
          %swap3A_718 = arith.index_cast %swap3A_717 : i32 to index
          %swap3A_719 = arith.index_cast %add3A_447 : i32 to index
          %swap3A_720 = arith.index_cast %mul3A_700 : i32 to index
          %swap3A_721 = tpu.vector_load %arg10[%swap3A_718, %swap3A_719, %swap3A_720] {strides = array<i32>} : memref<2x16x1024xf32, #tpu.memory_space<vmem>>, vector<1x1x16xf32>,
          %swap3A_722 = vector.shape_cast %swap3A_721 : vector<1x1x16xf32> to vector<16xf32>
          %swap3A_723 = vector.shape_cast %add3A_716 : vector<16xf32> to vector<1x1x16xf32>
          tpu.vector_store %arg10[%swap3A_718, %swap3A_719, %swap3A_720], %swap3A_723 {strides = array<i32>} : memref<2x16x1024xf32, #tpu.memory_space<vmem>>, vector<1x1x16xf32>,
          %scan3A_724 = arith.constant 0 : i32
          scf.yield %scan3A_724 : i32
        }
        %scan3A_613 = arith.constant 64 : i32
      }
      %scan3A_308 = arith.constant 16 : i32
      %add3A_309 = arith.constant 0 : i32
      %add3A_310 = arith.addi %add3A_309, %mul3A_2 : i32
      %mul3A_311 = arith.constant 16 : i32
      %mul3A_312 = arith.muli %add3A_244, %mul3A_311 : i32
      %add3A_313 = arith.addi %add3A_310, %mul3A_312 : i32
      %run_scoped3A_314 = arith.constant 0 : i32
      "tpu.region"() ({
        %run_scoped3A_443 = tpu.sem_alloc : memref<!tpu.dma_semaphore, #tpu.memory_space<semaphore_mem>>
        %dma_start3A_444 = arith.constant 0 : i32
        %dma_start3A_445 = arith.constant 0 : i32
        %dma_start3A_446 = tpu.memref_slice %arg10[%run_scoped3A_314, %dma_start3A_444, %dma_start3A_445] : memref<2x16x1024xf32, #tpu.memory_space<vmem>> -> memref<1x16x1024xf32, #tpu.memory_space<vmem>>
        %dma_start3A_447 = tpu.memref_squeeze %dma_start3A_446 : memref<1x16x1024xf32, #tpu.memory_space<vmem>> -> memref<16x1024xf32, #tpu.memory_space<vmem>>
        %dma_start3A_448 = arith.constant 0 : i32
        %dma_start3A_449 = tpu.memref_slice %arg7[%add3A_313, %dma_start3A_448] : memref<16384x1024xf32, #tpu.memory_space<hbm>> -> memref<16x1024xf32, #tpu.memory_space<hbm>>
        %dma_start3A_450 = arith.constant 0 : i32
        %dma_start3A_451 = tpu.memref_slice %arg7[%add3A_313, %dma_start3A_450] : memref<16384x1024xf32, #tpu.memory_space<hbm>> -> memref<16x1024xf32, #tpu.memory_space<hbm>>
        %dma_start3A_452 = arith.constant 0 : i32
        %dma_start3A_453 = arith.constant 0 : i32
        %dma_start3A_454 = tpu.memref_slice %arg10[%run_scoped3A_314, %dma_start3A_452, %dma_start3A_453] : memref<2x16x1024xf32, #tpu.memory_space<vmem>> -> memref<1x16x1024xf32, #tpu.memory_space<vmem>>
        %dma_start3A_455 = tpu.memref_squeeze %dma_start3A_454 : memref<1x16x1024xf32, #tpu.memory_space<vmem>> -> memref<16x1024xf32, #tpu.memory_space<vmem>>
        tpu.enqueue_dma source(%dma_start3A_455 : memref<16x1024xf32, #tpu.memory_space<vmem>>) target(%dma_start3A_451 : memref<16x1024xf32, #tpu.memory_space<hbm>>) target_semaphore(%run_scoped3A_443 : memref<!tpu.dma_semaphore, #tpu.memory_space<semaphore_mem>>)
        %dma_wait3A_456 = arith.constant 0 : i32
        %dma_wait3A_457 = arith.constant 0 : i32
        %dma_wait3A_458 = tpu.memref_slice %arg10[%run_scoped3A_314, %dma_wait3A_456, %dma_wait3A_457] : memref<2x16x1024xf32, #tpu.memory_space<vmem>> -> memref<1x16x1024xf32, #tpu.memory_space<vmem>>
        %dma_wait3A_459 = tpu.memref_squeeze %dma_wait3A_458 : memref<1x16x1024xf32, #tpu.memory_space<vmem>> -> memref<16x1024xf32, #tpu.memory_space<vmem>>
        %dma_wait3A_460 = arith.constant 0 : i32
        %dma_wait3A_461 = tpu.memref_slice %arg7[%add3A_313, %dma_wait3A_460] : memref<16384x1024xf32, #tpu.memory_space<hbm>> -> memref<16x1024xf32, #tpu.memory_space<hbm>>
        %dma_wait3A_462 = arith.constant 0 : i32
        %dma_wait3A_463 = tpu.memref_slice %arg7[%add3A_313, %dma_wait3A_462] : memref<16384x1024xf32, #tpu.memory_space<hbm>> -> memref<16x1024xf32, #tpu.memory_space<hbm>>
        %dma_wait3A_464 = arith.constant 0 : i32
        %dma_wait3A_465 = arith.constant 0 : i32
        %dma_wait3A_466 = tpu.memref_slice %arg10[%run_scoped3A_314, %dma_wait3A_464, %dma_wait3A_465] : memref<2x16x1024xf32, #tpu.memory_space<vmem>> -> memref<1x16x1024xf32, #tpu.memory_space<vmem>>
        %dma_wait3A_467 = tpu.memref_squeeze %dma_wait3A_466 : memref<1x16x1024xf32, #tpu.memory_space<vmem>> -> memref<16x1024xf32, #tpu.memory_space<vmem>>
        tpu.wait_dma2 semaphore(%run_scoped3A_443 : memref<!tpu.dma_semaphore, #tpu.memory_space<semaphore_mem>>) src(%dma_wait3A_467 : memref<16x1024xf32, #tpu.memory_space<vmem>>) dst(%dma_wait3A_463 : memref<16x1024xf32, #tpu.memory_space<hbm>>)
        tpu.yield
      }) : () -> ()
      %mul3A_315 = arith.constant 16 : i32
      %mul3A_316 = arith.muli %add3A_244, %mul3A_315 : i32
      %add3A_317 = arith.constant 256 : i32
      %add3A_318 = arith.addi %add3A_317, %mul3A_316 : i32
      %get3A_319 = arith.index_cast %add3A_318 : i32 to index
      %get3A_320 = tpu.vector_load %arg8[%get3A_319] {strides = array<i32>} : memref<512xi32, #tpu.memory_space<vmem>>, vector<16xi32>,
      %get3A_321 = vector.shape_cast %get3A_320 : vector<16xi32> to vector<16xi32>
      %dma_start3A_322 = arith.constant 0 : i32
      %dma_start3A_323 = arith.constant 0 : i32
      %dma_start3A_324 = arith.constant 0 : i32
      %dma_start3A_325 = arith.constant 0 : i32
      %dma_start3A_326 = tpu.memref_slice %arg10[%dma_start3A_322, %dma_start3A_324, %dma_start3A_325] : memref<2x16x1024xf32, #tpu.memory_space<vmem>> -> memref<1x16x1024xf32, #tpu.memory_space<vmem>>
      %dma_start3A_327 = tpu.memref_squeeze %dma_start3A_326 : memref<1x16x1024xf32, #tpu.memory_space<vmem>> -> memref<16x1024xf32, #tpu.memory_space<vmem>>
      %dma_start3A_328 = arith.constant 0 : i32
      %dma_start3A_329 = arith.constant 0 : i32
      %dma_start3A_330 = tpu.memref_slice %arg3[%dma_start3A_328, %dma_start3A_329] : memref<100000x1024xf32, #tpu.memory_space<hbm>> -> memref<100000x1024xf32, #tpu.memory_space<hbm>>
      %dma_start3A_331 = tpu.memref_slice %arg13[%dma_start3A_323] : memref<2x!tpu.dma_semaphore, #tpu.memory_space<semaphore_mem>> -> memref<1x!tpu.dma_semaphore, #tpu.memory_space<semaphore_mem>>
      %dma_start3A_332 = tpu.memref_squeeze %dma_start3A_331 : memref<1x!tpu.dma_semaphore, #tpu.memory_space<semaphore_mem>> -> memref<!tpu.dma_semaphore, #tpu.memory_space<semaphore_mem>>
      tpu.enqueue_indirect_dma source(%dma_start3A_330 : memref<100000x1024xf32, #tpu.memory_space<hbm>>) target(%dma_start3A_327 : memref<16x1024xf32, #tpu.memory_space<vmem>>) offsets(%get3A_321 : vector<16xi32>) semaphore(%dma_start3A_332 : memref<!tpu.dma_semaphore, #tpu.memory_space<semaphore_mem>>)
      %dma_wait3A_333 = arith.constant 1 : i32
      %dma_wait3A_334 = arith.constant 1 : i32
      %dma_wait3A_335 = arith.constant 0 : i32
      %dma_wait3A_336 = arith.constant 0 : i32
      %dma_wait3A_337 = tpu.memref_slice %arg10[%dma_wait3A_333, %dma_wait3A_335, %dma_wait3A_336] : memref<2x16x1024xf32, #tpu.memory_space<vmem>> -> memref<1x16x1024xf32, #tpu.memory_space<vmem>>
      %dma_wait3A_338 = tpu.memref_squeeze %dma_wait3A_337 : memref<1x16x1024xf32, #tpu.memory_space<vmem>> -> memref<16x1024xf32, #tpu.memory_space<vmem>>
      %dma_wait3A_339 = arith.constant 0 : i32
      %dma_wait3A_340 = arith.constant 0 : i32
      %dma_wait3A_341 = tpu.memref_slice %arg7[%dma_wait3A_339, %dma_wait3A_340] : memref<16384x1024xf32, #tpu.memory_space<hbm>> -> memref<16x1024xf32, #tpu.memory_space<hbm>>
      %dma_wait3A_342 = tpu.memref_slice %arg13[%dma_wait3A_334] : memref<2x!tpu.dma_semaphore, #tpu.memory_space<semaphore_mem>> -> memref<1x!tpu.dma_semaphore, #tpu.memory_space<semaphore_mem>>
      %dma_wait3A_343 = tpu.memref_squeeze %dma_wait3A_342 : memref<1x!tpu.dma_semaphore, #tpu.memory_space<semaphore_mem>> -> memref<!tpu.dma_semaphore, #tpu.memory_space<semaphore_mem>>
      %dma_wait3A_344 = arith.constant 0 : i32
      %dma_wait3A_345 = arith.constant 0 : i32
      %dma_wait3A_346 = tpu.memref_slice %arg10[%dma_wait3A_333, %dma_wait3A_344, %dma_wait3A_345] : memref<2x16x1024xf32, #tpu.memory_space<vmem>> -> memref<1x16x1024xf32, #tpu.memory_space<vmem>>
      %dma_wait3A_347 = tpu.memref_squeeze %dma_wait3A_346 : memref<1x16x1024xf32, #tpu.memory_space<vmem>> -> memref<16x1024xf32, #tpu.memory_space<vmem>>
      %dma_wait3A_348 = arith.constant 0 : i32
      %dma_wait3A_349 = arith.constant 0 : i32
      %dma_wait3A_350 = tpu.memref_slice %arg7[%dma_wait3A_348, %dma_wait3A_349] : memref<16384x1024xf32, #tpu.memory_space<hbm>> -> memref<16x1024xf32, #tpu.memory_space<hbm>>
      tpu.wait_dma2 semaphore(%dma_wait3A_343 : memref<!tpu.dma_semaphore, #tpu.memory_space<semaphore_mem>>) src(%dma_wait3A_350 : memref<16x1024xf32, #tpu.memory_space<hbm>>) dst(%dma_wait3A_347 : memref<16x1024xf32, #tpu.memory_space<vmem>>)
      %scan3A_351 = arith.constant 0 : i32
      %scan3A_352 = arith.constant 16 : i32
      %scan3A_353 = arith.addi %scan3A_351, %scan3A_352 : i32
      %scan3A_354 = arith.constant 1 : i32
      scf.for %scan3A_443 = %scan3A_351 to %scan3A_353 step %scan3A_354  : i32 {
        %mul3A_444 = arith.constant 1 : i32
        %mul3A_445 = arith.muli %scan3A_443, %mul3A_444 : i32
        %add3A_446 = arith.constant 0 : i32
        %add3A_447 = arith.addi %add3A_446, %mul3A_445 : i32
        %broadcast_in_dim3A = arith.constant 0.000000e+00 : f32
        %broadcast_in_dim3A_448 = vector.broadcast %broadcast_in_dim3A : f32 to vector<16xf32>
        %scan3A_449 = arith.constant 0 : i32
        %scan3A_450 = arith.constant 64 : i32
        %scan3A_451 = arith.addi %scan3A_449, %scan3A_450 : i32
        %scan3A_452 = arith.constant 4 : i32
        %scan3A_453:2 = scf.for %scan3A_614 = %scan3A_449 to %scan3A_451 step %scan3A_452 iter_args(%scan3A_615 = %broadcast_in_dim3A_448, %scan3A_616 = %broadcast_in_dim3A_448) -> (vector<16xf32>, vector<16xf32>)  : i32 {
          %mul3A_617 = arith.constant 16 : i32
          %mul3A_618 = arith.muli %scan3A_614, %mul3A_617 : i32
          %get3A_619 = arith.constant 1 : i32
          %get3A_620 = arith.index_cast %get3A_619 : i32 to index
          %get3A_621 = arith.index_cast %add3A_447 : i32 to index
          %get3A_622 = arith.index_cast %mul3A_618 : i32 to index
          %get3A_623 = tpu.vector_load %arg10[%get3A_620, %get3A_621, %get3A_622] {strides = array<i32>} : memref<2x16x1024xf32, #tpu.memory_space<vmem>>, vector<1x1x16xf32>,
          %get3A_624 = vector.shape_cast %get3A_623 : vector<1x1x16xf32> to vector<16xf32>
          %get3A_625 = arith.constant 1 : i32
          %get3A_626 = arith.index_cast %get3A_625 : i32 to index
          %get3A_627 = arith.index_cast %add3A_447 : i32 to index
          %get3A_628 = arith.index_cast %mul3A_618 : i32 to index
          %get3A_629 = tpu.vector_load %arg9[%get3A_626, %get3A_627, %get3A_628] {strides = array<i32>} : memref<2x16x1024xf32, #tpu.memory_space<vmem>>, vector<1x1x16xf32>,
          %get3A_630 = vector.shape_cast %get3A_629 : vector<1x1x16xf32> to vector<16xf32>
          %add3A_631 = arith.addf %get3A_624, %get3A_630 : vector<16xf32>
          %swap3A = arith.constant 1 : i32
          %swap3A_632 = arith.index_cast %swap3A : i32 to index
          %swap3A_633 = arith.index_cast %add3A_447 : i32 to index
          %swap3A_634 = arith.index_cast %mul3A_618 : i32 to index
          %swap3A_635 = tpu.vector_load %arg10[%swap3A_632, %swap3A_633, %swap3A_634] {strides = array<i32>} : memref<2x16x1024xf32, #tpu.memory_space<vmem>>, vector<1x1x16xf32>,
          %swap3A_636 = vector.shape_cast %swap3A_635 : vector<1x1x16xf32> to vector<16xf32>
          %swap3A_637 = vector.shape_cast %add3A_631 : vector<16xf32> to vector<1x1x16xf32>
          tpu.vector_store %arg10[%swap3A_632, %swap3A_633, %swap3A_634], %swap3A_637 {strides = array<i32>} : memref<2x16x1024xf32, #tpu.memory_space<vmem>>, vector<1x1x16xf32>,
          %add3A_638 = arith.addf %scan3A_615, %add3A_631 : vector<16xf32>
          %mul3A_639 = arith.mulf %add3A_631, %add3A_631 : vector<16xf32>
          %add3A_640 = arith.addf %scan3A_616, %mul3A_639 : vector<16xf32>
          %scan3A_641 = arith.constant 1 : i32
          %scan3A_642 = arith.addi %scan3A_614, %scan3A_641 : i32
          %mul3A_643 = arith.constant 16 : i32
          %mul3A_644 = arith.muli %scan3A_642, %mul3A_643 : i32
          %get3A_645 = arith.constant 1 : i32
          %get3A_646 = arith.index_cast %get3A_645 : i32 to index
          %get3A_647 = arith.index_cast %add3A_447 : i32 to index
          %get3A_648 = arith.index_cast %mul3A_644 : i32 to index
          %get3A_649 = tpu.vector_load %arg10[%get3A_646, %get3A_647, %get3A_648] {strides = array<i32>} : memref<2x16x1024xf32, #tpu.memory_space<vmem>>, vector<1x1x16xf32>,
          %get3A_650 = vector.shape_cast %get3A_649 : vector<1x1x16xf32> to vector<16xf32>
          %get3A_651 = arith.constant 1 : i32
          %get3A_652 = arith.index_cast %get3A_651 : i32 to index
          %get3A_653 = arith.index_cast %add3A_447 : i32 to index
          %get3A_654 = arith.index_cast %mul3A_644 : i32 to index
          %get3A_655 = tpu.vector_load %arg9[%get3A_652, %get3A_653, %get3A_654] {strides = array<i32>} : memref<2x16x1024xf32, #tpu.memory_space<vmem>>, vector<1x1x16xf32>,
          %get3A_656 = vector.shape_cast %get3A_655 : vector<1x1x16xf32> to vector<16xf32>
          %add3A_657 = arith.addf %get3A_650, %get3A_656 : vector<16xf32>
          %swap3A_658 = arith.constant 1 : i32
          %swap3A_659 = arith.index_cast %swap3A_658 : i32 to index
          %swap3A_660 = arith.index_cast %add3A_447 : i32 to index
          %swap3A_661 = arith.index_cast %mul3A_644 : i32 to index
          %swap3A_662 = tpu.vector_load %arg10[%swap3A_659, %swap3A_660, %swap3A_661] {strides = array<i32>} : memref<2x16x1024xf32, #tpu.memory_space<vmem>>, vector<1x1x16xf32>,
          %swap3A_663 = vector.shape_cast %swap3A_662 : vector<1x1x16xf32> to vector<16xf32>
          %swap3A_664 = vector.shape_cast %add3A_657 : vector<16xf32> to vector<1x1x16xf32>
          tpu.vector_store %arg10[%swap3A_659, %swap3A_660, %swap3A_661], %swap3A_664 {strides = array<i32>} : memref<2x16x1024xf32, #tpu.memory_space<vmem>>, vector<1x1x16xf32>,
          %add3A_665 = arith.addf %add3A_638, %add3A_657 : vector<16xf32>
          %mul3A_666 = arith.mulf %add3A_657, %add3A_657 : vector<16xf32>
          %add3A_667 = arith.addf %add3A_640, %mul3A_666 : vector<16xf32>
          %scan3A_668 = arith.constant 2 : i32
          %scan3A_669 = arith.addi %scan3A_614, %scan3A_668 : i32
          %mul3A_670 = arith.constant 16 : i32
          %mul3A_671 = arith.muli %scan3A_669, %mul3A_670 : i32
          %get3A_672 = arith.constant 1 : i32
          %get3A_673 = arith.index_cast %get3A_672 : i32 to index
          %get3A_674 = arith.index_cast %add3A_447 : i32 to index
          %get3A_675 = arith.index_cast %mul3A_671 : i32 to index
          %get3A_676 = tpu.vector_load %arg10[%get3A_673, %get3A_674, %get3A_675] {strides = array<i32>} : memref<2x16x1024xf32, #tpu.memory_space<vmem>>, vector<1x1x16xf32>,
          %get3A_677 = vector.shape_cast %get3A_676 : vector<1x1x16xf32> to vector<16xf32>
          %get3A_678 = arith.constant 1 : i32
          %get3A_679 = arith.index_cast %get3A_678 : i32 to index
          %get3A_680 = arith.index_cast %add3A_447 : i32 to index
          %get3A_681 = arith.index_cast %mul3A_671 : i32 to index
          %get3A_682 = tpu.vector_load %arg9[%get3A_679, %get3A_680, %get3A_681] {strides = array<i32>} : memref<2x16x1024xf32, #tpu.memory_space<vmem>>, vector<1x1x16xf32>,
          %get3A_683 = vector.shape_cast %get3A_682 : vector<1x1x16xf32> to vector<16xf32>
          %add3A_684 = arith.addf %get3A_677, %get3A_683 : vector<16xf32>
          %swap3A_685 = arith.constant 1 : i32
          %swap3A_686 = arith.index_cast %swap3A_685 : i32 to index
          %swap3A_687 = arith.index_cast %add3A_447 : i32 to index
          %swap3A_688 = arith.index_cast %mul3A_671 : i32 to index
          %swap3A_689 = tpu.vector_load %arg10[%swap3A_686, %swap3A_687, %swap3A_688] {strides = array<i32>} : memref<2x16x1024xf32, #tpu.memory_space<vmem>>, vector<1x1x16xf32>,
          %swap3A_690 = vector.shape_cast %swap3A_689 : vector<1x1x16xf32> to vector<16xf32>
          %swap3A_691 = vector.shape_cast %add3A_684 : vector<16xf32> to vector<1x1x16xf32>
          tpu.vector_store %arg10[%swap3A_686, %swap3A_687, %swap3A_688], %swap3A_691 {strides = array<i32>} : memref<2x16x1024xf32, #tpu.memory_space<vmem>>, vector<1x1x16xf32>,
          %add3A_692 = arith.addf %add3A_665, %add3A_684 : vector<16xf32>
          %mul3A_693 = arith.mulf %add3A_684, %add3A_684 : vector<16xf32>
          %add3A_694 = arith.addf %add3A_667, %mul3A_693 : vector<16xf32>
          %scan3A_695 = arith.constant 3 : i32
          %scan3A_696 = arith.addi %scan3A_614, %scan3A_695 : i32
          %mul3A_697 = arith.constant 16 : i32
          %mul3A_698 = arith.muli %scan3A_696, %mul3A_697 : i32
          %get3A_699 = arith.constant 1 : i32
          %get3A_700 = arith.index_cast %get3A_699 : i32 to index
          %get3A_701 = arith.index_cast %add3A_447 : i32 to index
          %get3A_702 = arith.index_cast %mul3A_698 : i32 to index
          %get3A_703 = tpu.vector_load %arg10[%get3A_700, %get3A_701, %get3A_702] {strides = array<i32>} : memref<2x16x1024xf32, #tpu.memory_space<vmem>>, vector<1x1x16xf32>,
          %get3A_704 = vector.shape_cast %get3A_703 : vector<1x1x16xf32> to vector<16xf32>
          %get3A_705 = arith.constant 1 : i32
          %get3A_706 = arith.index_cast %get3A_705 : i32 to index
          %get3A_707 = arith.index_cast %add3A_447 : i32 to index
          %get3A_708 = arith.index_cast %mul3A_698 : i32 to index
          %get3A_709 = tpu.vector_load %arg9[%get3A_706, %get3A_707, %get3A_708] {strides = array<i32>} : memref<2x16x1024xf32, #tpu.memory_space<vmem>>, vector<1x1x16xf32>,
          %get3A_710 = vector.shape_cast %get3A_709 : vector<1x1x16xf32> to vector<16xf32>
          %add3A_711 = arith.addf %get3A_704, %get3A_710 : vector<16xf32>
          %swap3A_712 = arith.constant 1 : i32
          %swap3A_713 = arith.index_cast %swap3A_712 : i32 to index
          %swap3A_714 = arith.index_cast %add3A_447 : i32 to index
          %swap3A_715 = arith.index_cast %mul3A_698 : i32 to index
          %swap3A_716 = tpu.vector_load %arg10[%swap3A_713, %swap3A_714, %swap3A_715] {strides = array<i32>} : memref<2x16x1024xf32, #tpu.memory_space<vmem>>, vector<1x1x16xf32>,
          %swap3A_717 = vector.shape_cast %swap3A_716 : vector<1x1x16xf32> to vector<16xf32>
          %swap3A_718 = vector.shape_cast %add3A_711 : vector<16xf32> to vector<1x1x16xf32>
          tpu.vector_store %arg10[%swap3A_713, %swap3A_714, %swap3A_715], %swap3A_718 {strides = array<i32>} : memref<2x16x1024xf32, #tpu.memory_space<vmem>>, vector<1x1x16xf32>,
          %add3A_719 = arith.addf %add3A_692, %add3A_711 : vector<16xf32>
          %mul3A_720 = arith.mulf %add3A_711, %add3A_711 : vector<16xf32>
          %add3A_721 = arith.addf %add3A_694, %mul3A_720 : vector<16xf32>
          scf.yield %add3A_719, %add3A_721 : vector<16xf32>, vector<16xf32>
        }
        %scan3A_454 = arith.constant 64 : i32
        %iota3A = tpu.iota {dimensions = array<i32: 0>} : vector<16xi32>
        %xor3A = arith.constant 8 : i32
        %xor3A_455 = vector.broadcast %xor3A : i32 to vector<16xi32>
        %xor3A_456 = arith.xori %iota3A, %xor3A_455 : vector<16xi32>
        %lt3A_457 = arith.constant 0 : i32
        %lt3A_458 = vector.broadcast %lt3A_457 : i32 to vector<16xi32>
        %lt3A_459 = arith.cmpi slt, %xor3A_456, %lt3A_458 : vector<16xi32>
        %add3A_460 = arith.constant 16 : i32
        %add3A_461 = vector.broadcast %add3A_460 : i32 to vector<16xi32>
        %add3A_462 = arith.addi %xor3A_456, %add3A_461 : vector<16xi32>
        %select_n3A = arith.select %lt3A_459, %add3A_462, %xor3A_456 : vector<16xi1>, vector<16xi32>
        %reshape3A = vector.shape_cast %select_n3A : vector<16xi32> to vector<16x1xi32>
        %gather3A = vector.shape_cast %reshape3A : vector<16x1xi32> to vector<16xi32>
        %gather3A_463 = tpu.dynamic_gather %scan3A_453#0[%gather3A] in [0] : vector<16xf32>, vector<16xi32> -> vector<16xf32>
        %add3A_464 = arith.addf %scan3A_453#0, %gather3A_463 : vector<16xf32>
        %xor3A_465 = arith.constant 4 : i32
        %xor3A_466 = vector.broadcast %xor3A_465 : i32 to vector<16xi32>
        %xor3A_467 = arith.xori %iota3A, %xor3A_466 : vector<16xi32>
        %lt3A_468 = arith.constant 0 : i32
        %lt3A_469 = vector.broadcast %lt3A_468 : i32 to vector<16xi32>
        %lt3A_470 = arith.cmpi slt, %xor3A_467, %lt3A_469 : vector<16xi32>
        %add3A_471 = arith.constant 16 : i32
        %add3A_472 = vector.broadcast %add3A_471 : i32 to vector<16xi32>
        %add3A_473 = arith.addi %xor3A_467, %add3A_472 : vector<16xi32>
        %select_n3A_474 = arith.select %lt3A_470, %add3A_473, %xor3A_467 : vector<16xi1>, vector<16xi32>
        %reshape3A_475 = vector.shape_cast %select_n3A_474 : vector<16xi32> to vector<16x1xi32>
        %gather3A_476 = vector.shape_cast %reshape3A_475 : vector<16x1xi32> to vector<16xi32>
        %gather3A_477 = tpu.dynamic_gather %add3A_464[%gather3A_476] in [0] : vector<16xf32>, vector<16xi32> -> vector<16xf32>
        %add3A_478 = arith.addf %add3A_464, %gather3A_477 : vector<16xf32>
        %xor3A_479 = arith.constant 2 : i32
        %xor3A_480 = vector.broadcast %xor3A_479 : i32 to vector<16xi32>
        %xor3A_481 = arith.xori %iota3A, %xor3A_480 : vector<16xi32>
        %lt3A_482 = arith.constant 0 : i32
        %lt3A_483 = vector.broadcast %lt3A_482 : i32 to vector<16xi32>
        %lt3A_484 = arith.cmpi slt, %xor3A_481, %lt3A_483 : vector<16xi32>
        %add3A_485 = arith.constant 16 : i32
        %add3A_486 = vector.broadcast %add3A_485 : i32 to vector<16xi32>
        %add3A_487 = arith.addi %xor3A_481, %add3A_486 : vector<16xi32>
        %select_n3A_488 = arith.select %lt3A_484, %add3A_487, %xor3A_481 : vector<16xi1>, vector<16xi32>
        %reshape3A_489 = vector.shape_cast %select_n3A_488 : vector<16xi32> to vector<16x1xi32>
        %gather3A_490 = vector.shape_cast %reshape3A_489 : vector<16x1xi32> to vector<16xi32>
        %gather3A_491 = tpu.dynamic_gather %add3A_478[%gather3A_490] in [0] : vector<16xf32>, vector<16xi32> -> vector<16xf32>
        %add3A_492 = arith.addf %add3A_478, %gather3A_491 : vector<16xf32>
        %xor3A_493 = arith.constant 1 : i32
        %xor3A_494 = vector.broadcast %xor3A_493 : i32 to vector<16xi32>
        %xor3A_495 = arith.xori %iota3A, %xor3A_494 : vector<16xi32>
        %lt3A_496 = arith.constant 0 : i32
        %lt3A_497 = vector.broadcast %lt3A_496 : i32 to vector<16xi32>
        %lt3A_498 = arith.cmpi slt, %xor3A_495, %lt3A_497 : vector<16xi32>
        %add3A_499 = arith.constant 16 : i32
        %add3A_500 = vector.broadcast %add3A_499 : i32 to vector<16xi32>
        %add3A_501 = arith.addi %xor3A_495, %add3A_500 : vector<16xi32>
        %select_n3A_502 = arith.select %lt3A_498, %add3A_501, %xor3A_495 : vector<16xi1>, vector<16xi32>
        %reshape3A_503 = vector.shape_cast %select_n3A_502 : vector<16xi32> to vector<16x1xi32>
        %gather3A_504 = vector.shape_cast %reshape3A_503 : vector<16x1xi32> to vector<16xi32>
        %gather3A_505 = tpu.dynamic_gather %add3A_492[%gather3A_504] in [0] : vector<16xf32>, vector<16xi32> -> vector<16xf32>
        %add3A_506 = arith.addf %add3A_492, %gather3A_505 : vector<16xf32>
        %mul3A_507 = arith.constant 9.765625E-4 : f32
        %mul3A_508 = vector.broadcast %mul3A_507 : f32 to vector<16xf32>
        %mul3A_509 = arith.mulf %add3A_506, %mul3A_508 : vector<16xf32>
        %iota3A_510 = tpu.iota {dimensions = array<i32: 0>} : vector<16xi32>
        %xor3A_511 = arith.constant 8 : i32
        %xor3A_512 = vector.broadcast %xor3A_511 : i32 to vector<16xi32>
        %xor3A_513 = arith.xori %iota3A_510, %xor3A_512 : vector<16xi32>
        %lt3A_514 = arith.constant 0 : i32
        %lt3A_515 = vector.broadcast %lt3A_514 : i32 to vector<16xi32>
        %lt3A_516 = arith.cmpi slt, %xor3A_513, %lt3A_515 : vector<16xi32>
        %add3A_517 = arith.constant 16 : i32
        %add3A_518 = vector.broadcast %add3A_517 : i32 to vector<16xi32>
        %add3A_519 = arith.addi %xor3A_513, %add3A_518 : vector<16xi32>
        %select_n3A_520 = arith.select %lt3A_516, %add3A_519, %xor3A_513 : vector<16xi1>, vector<16xi32>
        %reshape3A_521 = vector.shape_cast %select_n3A_520 : vector<16xi32> to vector<16x1xi32>
        %gather3A_522 = vector.shape_cast %reshape3A_521 : vector<16x1xi32> to vector<16xi32>
        %gather3A_523 = tpu.dynamic_gather %scan3A_453#1[%gather3A_522] in [0] : vector<16xf32>, vector<16xi32> -> vector<16xf32>
        %add3A_524 = arith.addf %scan3A_453#1, %gather3A_523 : vector<16xf32>
        %xor3A_525 = arith.constant 4 : i32
        %xor3A_526 = vector.broadcast %xor3A_525 : i32 to vector<16xi32>
        %xor3A_527 = arith.xori %iota3A_510, %xor3A_526 : vector<16xi32>
        %lt3A_528 = arith.constant 0 : i32
        %lt3A_529 = vector.broadcast %lt3A_528 : i32 to vector<16xi32>
        %lt3A_530 = arith.cmpi slt, %xor3A_527, %lt3A_529 : vector<16xi32>
        %add3A_531 = arith.constant 16 : i32
        %add3A_532 = vector.broadcast %add3A_531 : i32 to vector<16xi32>
        %add3A_533 = arith.addi %xor3A_527, %add3A_532 : vector<16xi32>
        %select_n3A_534 = arith.select %lt3A_530, %add3A_533, %xor3A_527 : vector<16xi1>, vector<16xi32>
        %reshape3A_535 = vector.shape_cast %select_n3A_534 : vector<16xi32> to vector<16x1xi32>
        %gather3A_536 = vector.shape_cast %reshape3A_535 : vector<16x1xi32> to vector<16xi32>
        %gather3A_537 = tpu.dynamic_gather %add3A_524[%gather3A_536] in [0] : vector<16xf32>, vector<16xi32> -> vector<16xf32>
        %add3A_538 = arith.addf %add3A_524, %gather3A_537 : vector<16xf32>
        %xor3A_539 = arith.constant 2 : i32
        %xor3A_540 = vector.broadcast %xor3A_539 : i32 to vector<16xi32>
        %xor3A_541 = arith.xori %iota3A_510, %xor3A_540 : vector<16xi32>
        %lt3A_542 = arith.constant 0 : i32
        %lt3A_543 = vector.broadcast %lt3A_542 : i32 to vector<16xi32>
        %lt3A_544 = arith.cmpi slt, %xor3A_541, %lt3A_543 : vector<16xi32>
        %add3A_545 = arith.constant 16 : i32
        %add3A_546 = vector.broadcast %add3A_545 : i32 to vector<16xi32>
        %add3A_547 = arith.addi %xor3A_541, %add3A_546 : vector<16xi32>
        %select_n3A_548 = arith.select %lt3A_544, %add3A_547, %xor3A_541 : vector<16xi1>, vector<16xi32>
        %reshape3A_549 = vector.shape_cast %select_n3A_548 : vector<16xi32> to vector<16x1xi32>
        %gather3A_550 = vector.shape_cast %reshape3A_549 : vector<16x1xi32> to vector<16xi32>
        %gather3A_551 = tpu.dynamic_gather %add3A_538[%gather3A_550] in [0] : vector<16xf32>, vector<16xi32> -> vector<16xf32>
        %add3A_552 = arith.addf %add3A_538, %gather3A_551 : vector<16xf32>
        %xor3A_553 = arith.constant 1 : i32
        %xor3A_554 = vector.broadcast %xor3A_553 : i32 to vector<16xi32>
        %xor3A_555 = arith.xori %iota3A_510, %xor3A_554 : vector<16xi32>
        %lt3A_556 = arith.constant 0 : i32
        %lt3A_557 = vector.broadcast %lt3A_556 : i32 to vector<16xi32>
        %lt3A_558 = arith.cmpi slt, %xor3A_555, %lt3A_557 : vector<16xi32>
        %add3A_559 = arith.constant 16 : i32
        %add3A_560 = vector.broadcast %add3A_559 : i32 to vector<16xi32>
        %add3A_561 = arith.addi %xor3A_555, %add3A_560 : vector<16xi32>
        %select_n3A_562 = arith.select %lt3A_558, %add3A_561, %xor3A_555 : vector<16xi1>, vector<16xi32>
        %reshape3A_563 = vector.shape_cast %select_n3A_562 : vector<16xi32> to vector<16x1xi32>
        %gather3A_564 = vector.shape_cast %reshape3A_563 : vector<16x1xi32> to vector<16xi32>
        %gather3A_565 = tpu.dynamic_gather %add3A_552[%gather3A_564] in [0] : vector<16xf32>, vector<16xi32> -> vector<16xf32>
        %add3A_566 = arith.addf %add3A_552, %gather3A_565 : vector<16xf32>
        %mul3A_567 = arith.constant 9.765625E-4 : f32
        %mul3A_568 = vector.broadcast %mul3A_567 : f32 to vector<16xf32>
        %mul3A_569 = arith.mulf %add3A_566, %mul3A_568 : vector<16xf32>
        %mul3A_570 = arith.mulf %mul3A_509, %mul3A_509 : vector<16xf32>
        %sub3A = arith.subf %mul3A_569, %mul3A_570 : vector<16xf32>
        %add3A_571 = arith.constant 9.99999996E-13 : f32
        %add3A_572 = vector.broadcast %add3A_571 : f32 to vector<16xf32>
        %add3A_573 = arith.addf %sub3A, %add3A_572 : vector<16xf32>
        %bitcast_convert_type3A = tpu.bitcast %add3A_573 : vector<16xf32> -> vector<16xi32>
        %shift_right_logical3A = arith.constant 1 : i32
        %shift_right_logical3A_574 = vector.broadcast %shift_right_logical3A : i32 to vector<16xi32>
        %shift_right_logical3A_575 = arith.shrui %bitcast_convert_type3A, %shift_right_logical3A_574 : vector<16xi32>
        %sub3A_576 = arith.constant 1597463007 : i32
        %sub3A_577 = vector.broadcast %sub3A_576 : i32 to vector<16xi32>
        %sub3A_578 = arith.subi %sub3A_577, %shift_right_logical3A_575 : vector<16xi32>
        %bitcast_convert_type3A_579 = tpu.bitcast %sub3A_578 : vector<16xi32> -> vector<16xf32>
        %mul3A_580 = arith.constant 5.000000e-01 : f32
        %mul3A_581 = vector.broadcast %mul3A_580 : f32 to vector<16xf32>
        %mul3A_582 = arith.mulf %mul3A_581, %add3A_573 : vector<16xf32>
        %mul3A_583 = arith.mulf %mul3A_582, %bitcast_convert_type3A_579 : vector<16xf32>
        %mul3A_584 = arith.mulf %mul3A_583, %bitcast_convert_type3A_579 : vector<16xf32>
        %sub3A_585 = arith.constant 1.500000e+00 : f32
        %sub3A_586 = vector.broadcast %sub3A_585 : f32 to vector<16xf32>
        %sub3A_587 = arith.subf %sub3A_586, %mul3A_584 : vector<16xf32>
        %mul3A_588 = arith.mulf %bitcast_convert_type3A_579, %sub3A_587 : vector<16xf32>
        %mul3A_589 = arith.constant 5.000000e-01 : f32
        %mul3A_590 = vector.broadcast %mul3A_589 : f32 to vector<16xf32>
        %mul3A_591 = arith.mulf %mul3A_590, %add3A_573 : vector<16xf32>
        %mul3A_592 = arith.mulf %mul3A_591, %mul3A_588 : vector<16xf32>
        %mul3A_593 = arith.mulf %mul3A_592, %mul3A_588 : vector<16xf32>
        %sub3A_594 = arith.constant 1.500000e+00 : f32
        %sub3A_595 = vector.broadcast %sub3A_594 : f32 to vector<16xf32>
        %sub3A_596 = arith.subf %sub3A_595, %mul3A_593 : vector<16xf32>
        %mul3A_597 = arith.mulf %mul3A_588, %sub3A_596 : vector<16xf32>
        %mul3A_598 = arith.constant 5.000000e-01 : f32
        %mul3A_599 = vector.broadcast %mul3A_598 : f32 to vector<16xf32>
        %mul3A_600 = arith.mulf %mul3A_599, %add3A_573 : vector<16xf32>
        %mul3A_601 = arith.mulf %mul3A_600, %mul3A_597 : vector<16xf32>
        %mul3A_602 = arith.mulf %mul3A_601, %mul3A_597 : vector<16xf32>
        %sub3A_603 = arith.constant 1.500000e+00 : f32
        %sub3A_604 = vector.broadcast %sub3A_603 : f32 to vector<16xf32>
        %sub3A_605 = arith.subf %sub3A_604, %mul3A_602 : vector<16xf32>
        %mul3A_606 = arith.mulf %mul3A_597, %sub3A_605 : vector<16xf32>
        %scan3A_607 = arith.constant 0 : i32
        %scan3A_608 = arith.constant 0 : i32
        %scan3A_609 = arith.constant 64 : i32
        %scan3A_610 = arith.addi %scan3A_608, %scan3A_609 : i32
        %scan3A_611 = arith.constant 4 : i32
        %scan3A_612 = scf.for %scan3A_614 = %scan3A_608 to %scan3A_610 step %scan3A_611 iter_args(%scan3A_615 = %scan3A_607) -> (i32)  : i32 {
          %mul3A_616 = arith.constant 16 : i32
          %mul3A_617 = arith.muli %scan3A_614, %mul3A_616 : i32
          %get3A_618 = arith.constant 1 : i32
          %get3A_619 = arith.index_cast %get3A_618 : i32 to index
          %get3A_620 = arith.index_cast %add3A_447 : i32 to index
          %get3A_621 = arith.index_cast %mul3A_617 : i32 to index
          %get3A_622 = tpu.vector_load %arg10[%get3A_619, %get3A_620, %get3A_621] {strides = array<i32>} : memref<2x16x1024xf32, #tpu.memory_space<vmem>>, vector<1x1x16xf32>,
          %get3A_623 = vector.shape_cast %get3A_622 : vector<1x1x16xf32> to vector<16xf32>
          %sub3A_624 = arith.subf %get3A_623, %mul3A_509 : vector<16xf32>
          %mul3A_625 = arith.mulf %sub3A_624, %mul3A_606 : vector<16xf32>
          %get3A_626 = arith.index_cast %mul3A_617 : i32 to index
          %get3A_627 = tpu.vector_load %arg11[%get3A_626] {strides = array<i32>} : memref<1024xf32, #tpu.memory_space<vmem>>, vector<16xf32>,
          %get3A_628 = vector.shape_cast %get3A_627 : vector<16xf32> to vector<16xf32>
          %mul3A_629 = arith.mulf %mul3A_625, %get3A_628 : vector<16xf32>
          %get3A_630 = arith.index_cast %mul3A_617 : i32 to index
          %get3A_631 = tpu.vector_load %arg12[%get3A_630] {strides = array<i32>} : memref<1024xf32, #tpu.memory_space<vmem>>, vector<16xf32>,
          %get3A_632 = vector.shape_cast %get3A_631 : vector<16xf32> to vector<16xf32>
          %add3A_633 = arith.addf %mul3A_629, %get3A_632 : vector<16xf32>
          %swap3A = arith.constant 1 : i32
          %swap3A_634 = arith.index_cast %swap3A : i32 to index
          %swap3A_635 = arith.index_cast %add3A_447 : i32 to index
          %swap3A_636 = arith.index_cast %mul3A_617 : i32 to index
          %swap3A_637 = tpu.vector_load %arg10[%swap3A_634, %swap3A_635, %swap3A_636] {strides = array<i32>} : memref<2x16x1024xf32, #tpu.memory_space<vmem>>, vector<1x1x16xf32>,
          %swap3A_638 = vector.shape_cast %swap3A_637 : vector<1x1x16xf32> to vector<16xf32>
          %swap3A_639 = vector.shape_cast %add3A_633 : vector<16xf32> to vector<1x1x16xf32>
          tpu.vector_store %arg10[%swap3A_634, %swap3A_635, %swap3A_636], %swap3A_639 {strides = array<i32>} : memref<2x16x1024xf32, #tpu.memory_space<vmem>>, vector<1x1x16xf32>,
          %scan3A_640 = arith.constant 0 : i32
          %scan3A_641 = arith.constant 1 : i32
          %scan3A_642 = arith.addi %scan3A_614, %scan3A_641 : i32
          %mul3A_643 = arith.constant 16 : i32
          %mul3A_644 = arith.muli %scan3A_642, %mul3A_643 : i32
          %get3A_645 = arith.constant 1 : i32
          %get3A_646 = arith.index_cast %get3A_645 : i32 to index
          %get3A_647 = arith.index_cast %add3A_447 : i32 to index
          %get3A_648 = arith.index_cast %mul3A_644 : i32 to index
          %get3A_649 = tpu.vector_load %arg10[%get3A_646, %get3A_647, %get3A_648] {strides = array<i32>} : memref<2x16x1024xf32, #tpu.memory_space<vmem>>, vector<1x1x16xf32>,
          %get3A_650 = vector.shape_cast %get3A_649 : vector<1x1x16xf32> to vector<16xf32>
          %sub3A_651 = arith.subf %get3A_650, %mul3A_509 : vector<16xf32>
          %mul3A_652 = arith.mulf %sub3A_651, %mul3A_606 : vector<16xf32>
          %get3A_653 = arith.index_cast %mul3A_644 : i32 to index
          %get3A_654 = tpu.vector_load %arg11[%get3A_653] {strides = array<i32>} : memref<1024xf32, #tpu.memory_space<vmem>>, vector<16xf32>,
          %get3A_655 = vector.shape_cast %get3A_654 : vector<16xf32> to vector<16xf32>
          %mul3A_656 = arith.mulf %mul3A_652, %get3A_655 : vector<16xf32>
          %get3A_657 = arith.index_cast %mul3A_644 : i32 to index
          %get3A_658 = tpu.vector_load %arg12[%get3A_657] {strides = array<i32>} : memref<1024xf32, #tpu.memory_space<vmem>>, vector<16xf32>,
          %get3A_659 = vector.shape_cast %get3A_658 : vector<16xf32> to vector<16xf32>
          %add3A_660 = arith.addf %mul3A_656, %get3A_659 : vector<16xf32>
          %swap3A_661 = arith.constant 1 : i32
          %swap3A_662 = arith.index_cast %swap3A_661 : i32 to index
          %swap3A_663 = arith.index_cast %add3A_447 : i32 to index
          %swap3A_664 = arith.index_cast %mul3A_644 : i32 to index
          %swap3A_665 = tpu.vector_load %arg10[%swap3A_662, %swap3A_663, %swap3A_664] {strides = array<i32>} : memref<2x16x1024xf32, #tpu.memory_space<vmem>>, vector<1x1x16xf32>,
          %swap3A_666 = vector.shape_cast %swap3A_665 : vector<1x1x16xf32> to vector<16xf32>
          %swap3A_667 = vector.shape_cast %add3A_660 : vector<16xf32> to vector<1x1x16xf32>
          tpu.vector_store %arg10[%swap3A_662, %swap3A_663, %swap3A_664], %swap3A_667 {strides = array<i32>} : memref<2x16x1024xf32, #tpu.memory_space<vmem>>, vector<1x1x16xf32>,
          %scan3A_668 = arith.constant 0 : i32
          %scan3A_669 = arith.constant 2 : i32
          %scan3A_670 = arith.addi %scan3A_614, %scan3A_669 : i32
          %mul3A_671 = arith.constant 16 : i32
          %mul3A_672 = arith.muli %scan3A_670, %mul3A_671 : i32
          %get3A_673 = arith.constant 1 : i32
          %get3A_674 = arith.index_cast %get3A_673 : i32 to index
          %get3A_675 = arith.index_cast %add3A_447 : i32 to index
          %get3A_676 = arith.index_cast %mul3A_672 : i32 to index
          %get3A_677 = tpu.vector_load %arg10[%get3A_674, %get3A_675, %get3A_676] {strides = array<i32>} : memref<2x16x1024xf32, #tpu.memory_space<vmem>>, vector<1x1x16xf32>,
          %get3A_678 = vector.shape_cast %get3A_677 : vector<1x1x16xf32> to vector<16xf32>
          %sub3A_679 = arith.subf %get3A_678, %mul3A_509 : vector<16xf32>
          %mul3A_680 = arith.mulf %sub3A_679, %mul3A_606 : vector<16xf32>
          %get3A_681 = arith.index_cast %mul3A_672 : i32 to index
          %get3A_682 = tpu.vector_load %arg11[%get3A_681] {strides = array<i32>} : memref<1024xf32, #tpu.memory_space<vmem>>, vector<16xf32>,
          %get3A_683 = vector.shape_cast %get3A_682 : vector<16xf32> to vector<16xf32>
          %mul3A_684 = arith.mulf %mul3A_680, %get3A_683 : vector<16xf32>
          %get3A_685 = arith.index_cast %mul3A_672 : i32 to index
          %get3A_686 = tpu.vector_load %arg12[%get3A_685] {strides = array<i32>} : memref<1024xf32, #tpu.memory_space<vmem>>, vector<16xf32>,
          %get3A_687 = vector.shape_cast %get3A_686 : vector<16xf32> to vector<16xf32>
          %add3A_688 = arith.addf %mul3A_684, %get3A_687 : vector<16xf32>
          %swap3A_689 = arith.constant 1 : i32
          %swap3A_690 = arith.index_cast %swap3A_689 : i32 to index
          %swap3A_691 = arith.index_cast %add3A_447 : i32 to index
          %swap3A_692 = arith.index_cast %mul3A_672 : i32 to index
          %swap3A_693 = tpu.vector_load %arg10[%swap3A_690, %swap3A_691, %swap3A_692] {strides = array<i32>} : memref<2x16x1024xf32, #tpu.memory_space<vmem>>, vector<1x1x16xf32>,
          %swap3A_694 = vector.shape_cast %swap3A_693 : vector<1x1x16xf32> to vector<16xf32>
          %swap3A_695 = vector.shape_cast %add3A_688 : vector<16xf32> to vector<1x1x16xf32>
          tpu.vector_store %arg10[%swap3A_690, %swap3A_691, %swap3A_692], %swap3A_695 {strides = array<i32>} : memref<2x16x1024xf32, #tpu.memory_space<vmem>>, vector<1x1x16xf32>,
          %scan3A_696 = arith.constant 0 : i32
          %scan3A_697 = arith.constant 3 : i32
          %scan3A_698 = arith.addi %scan3A_614, %scan3A_697 : i32
          %mul3A_699 = arith.constant 16 : i32
          %mul3A_700 = arith.muli %scan3A_698, %mul3A_699 : i32
          %get3A_701 = arith.constant 1 : i32
          %get3A_702 = arith.index_cast %get3A_701 : i32 to index
          %get3A_703 = arith.index_cast %add3A_447 : i32 to index
          %get3A_704 = arith.index_cast %mul3A_700 : i32 to index
          %get3A_705 = tpu.vector_load %arg10[%get3A_702, %get3A_703, %get3A_704] {strides = array<i32>} : memref<2x16x1024xf32, #tpu.memory_space<vmem>>, vector<1x1x16xf32>,
          %get3A_706 = vector.shape_cast %get3A_705 : vector<1x1x16xf32> to vector<16xf32>
          %sub3A_707 = arith.subf %get3A_706, %mul3A_509 : vector<16xf32>
          %mul3A_708 = arith.mulf %sub3A_707, %mul3A_606 : vector<16xf32>
          %get3A_709 = arith.index_cast %mul3A_700 : i32 to index
          %get3A_710 = tpu.vector_load %arg11[%get3A_709] {strides = array<i32>} : memref<1024xf32, #tpu.memory_space<vmem>>, vector<16xf32>,
          %get3A_711 = vector.shape_cast %get3A_710 : vector<16xf32> to vector<16xf32>
          %mul3A_712 = arith.mulf %mul3A_708, %get3A_711 : vector<16xf32>
          %get3A_713 = arith.index_cast %mul3A_700 : i32 to index
          %get3A_714 = tpu.vector_load %arg12[%get3A_713] {strides = array<i32>} : memref<1024xf32, #tpu.memory_space<vmem>>, vector<16xf32>,
          %get3A_715 = vector.shape_cast %get3A_714 : vector<16xf32> to vector<16xf32>
          %add3A_716 = arith.addf %mul3A_712, %get3A_715 : vector<16xf32>
          %swap3A_717 = arith.constant 1 : i32
          %swap3A_718 = arith.index_cast %swap3A_717 : i32 to index
          %swap3A_719 = arith.index_cast %add3A_447 : i32 to index
          %swap3A_720 = arith.index_cast %mul3A_700 : i32 to index
          %swap3A_721 = tpu.vector_load %arg10[%swap3A_718, %swap3A_719, %swap3A_720] {strides = array<i32>} : memref<2x16x1024xf32, #tpu.memory_space<vmem>>, vector<1x1x16xf32>,
          %swap3A_722 = vector.shape_cast %swap3A_721 : vector<1x1x16xf32> to vector<16xf32>
          %swap3A_723 = vector.shape_cast %add3A_716 : vector<16xf32> to vector<1x1x16xf32>
          tpu.vector_store %arg10[%swap3A_718, %swap3A_719, %swap3A_720], %swap3A_723 {strides = array<i32>} : memref<2x16x1024xf32, #tpu.memory_space<vmem>>, vector<1x1x16xf32>,
          %scan3A_724 = arith.constant 0 : i32
          scf.yield %scan3A_724 : i32
        }
        %scan3A_613 = arith.constant 64 : i32
      }
      %scan3A_355 = arith.constant 16 : i32
      %add3A_356 = arith.constant 4096 : i32
      %add3A_357 = arith.addi %add3A_356, %mul3A_2 : i32
      %mul3A_358 = arith.constant 16 : i32
      %mul3A_359 = arith.muli %add3A_244, %mul3A_358 : i32
      %add3A_360 = arith.addi %add3A_357, %mul3A_359 : i32
      %run_scoped3A_361 = arith.constant 1 : i32
      "tpu.region"() ({
        %run_scoped3A_443 = tpu.sem_alloc : memref<!tpu.dma_semaphore, #tpu.memory_space<semaphore_mem>>
        %dma_start3A_444 = arith.constant 0 : i32
        %dma_start3A_445 = arith.constant 0 : i32
        %dma_start3A_446 = tpu.memref_slice %arg10[%run_scoped3A_361, %dma_start3A_444, %dma_start3A_445] : memref<2x16x1024xf32, #tpu.memory_space<vmem>> -> memref<1x16x1024xf32, #tpu.memory_space<vmem>>
        %dma_start3A_447 = tpu.memref_squeeze %dma_start3A_446 : memref<1x16x1024xf32, #tpu.memory_space<vmem>> -> memref<16x1024xf32, #tpu.memory_space<vmem>>
        %dma_start3A_448 = arith.constant 0 : i32
        %dma_start3A_449 = tpu.memref_slice %arg7[%add3A_360, %dma_start3A_448] : memref<16384x1024xf32, #tpu.memory_space<hbm>> -> memref<16x1024xf32, #tpu.memory_space<hbm>>
        %dma_start3A_450 = arith.constant 0 : i32
        %dma_start3A_451 = tpu.memref_slice %arg7[%add3A_360, %dma_start3A_450] : memref<16384x1024xf32, #tpu.memory_space<hbm>> -> memref<16x1024xf32, #tpu.memory_space<hbm>>
        %dma_start3A_452 = arith.constant 0 : i32
        %dma_start3A_453 = arith.constant 0 : i32
        %dma_start3A_454 = tpu.memref_slice %arg10[%run_scoped3A_361, %dma_start3A_452, %dma_start3A_453] : memref<2x16x1024xf32, #tpu.memory_space<vmem>> -> memref<1x16x1024xf32, #tpu.memory_space<vmem>>
        %dma_start3A_455 = tpu.memref_squeeze %dma_start3A_454 : memref<1x16x1024xf32, #tpu.memory_space<vmem>> -> memref<16x1024xf32, #tpu.memory_space<vmem>>
        tpu.enqueue_dma source(%dma_start3A_455 : memref<16x1024xf32, #tpu.memory_space<vmem>>) target(%dma_start3A_451 : memref<16x1024xf32, #tpu.memory_space<hbm>>) target_semaphore(%run_scoped3A_443 : memref<!tpu.dma_semaphore, #tpu.memory_space<semaphore_mem>>)
        %dma_wait3A_456 = arith.constant 0 : i32
        %dma_wait3A_457 = arith.constant 0 : i32
        %dma_wait3A_458 = tpu.memref_slice %arg10[%run_scoped3A_361, %dma_wait3A_456, %dma_wait3A_457] : memref<2x16x1024xf32, #tpu.memory_space<vmem>> -> memref<1x16x1024xf32, #tpu.memory_space<vmem>>
        %dma_wait3A_459 = tpu.memref_squeeze %dma_wait3A_458 : memref<1x16x1024xf32, #tpu.memory_space<vmem>> -> memref<16x1024xf32, #tpu.memory_space<vmem>>
        %dma_wait3A_460 = arith.constant 0 : i32
        %dma_wait3A_461 = tpu.memref_slice %arg7[%add3A_360, %dma_wait3A_460] : memref<16384x1024xf32, #tpu.memory_space<hbm>> -> memref<16x1024xf32, #tpu.memory_space<hbm>>
        %dma_wait3A_462 = arith.constant 0 : i32
        %dma_wait3A_463 = tpu.memref_slice %arg7[%add3A_360, %dma_wait3A_462] : memref<16384x1024xf32, #tpu.memory_space<hbm>> -> memref<16x1024xf32, #tpu.memory_space<hbm>>
        %dma_wait3A_464 = arith.constant 0 : i32
        %dma_wait3A_465 = arith.constant 0 : i32
        %dma_wait3A_466 = tpu.memref_slice %arg10[%run_scoped3A_361, %dma_wait3A_464, %dma_wait3A_465] : memref<2x16x1024xf32, #tpu.memory_space<vmem>> -> memref<1x16x1024xf32, #tpu.memory_space<vmem>>
        %dma_wait3A_467 = tpu.memref_squeeze %dma_wait3A_466 : memref<1x16x1024xf32, #tpu.memory_space<vmem>> -> memref<16x1024xf32, #tpu.memory_space<vmem>>
        tpu.wait_dma2 semaphore(%run_scoped3A_443 : memref<!tpu.dma_semaphore, #tpu.memory_space<semaphore_mem>>) src(%dma_wait3A_467 : memref<16x1024xf32, #tpu.memory_space<vmem>>) dst(%dma_wait3A_463 : memref<16x1024xf32, #tpu.memory_space<hbm>>)
        tpu.yield
      }) : () -> ()
      %mul3A_362 = arith.constant 16 : i32
      %mul3A_363 = arith.muli %add3A_244, %mul3A_362 : i32
      %add3A_364 = arith.constant 384 : i32
      %add3A_365 = arith.addi %add3A_364, %mul3A_363 : i32
      %get3A_366 = arith.index_cast %add3A_365 : i32 to index
      %get3A_367 = tpu.vector_load %arg8[%get3A_366] {strides = array<i32>} : memref<512xi32, #tpu.memory_space<vmem>>, vector<16xi32>,
      %get3A_368 = vector.shape_cast %get3A_367 : vector<16xi32> to vector<16xi32>
      %dma_start3A_369 = arith.constant 1 : i32
      %dma_start3A_370 = arith.constant 1 : i32
      %dma_start3A_371 = arith.constant 0 : i32
      %dma_start3A_372 = arith.constant 0 : i32
      %dma_start3A_373 = tpu.memref_slice %arg10[%dma_start3A_369, %dma_start3A_371, %dma_start3A_372] : memref<2x16x1024xf32, #tpu.memory_space<vmem>> -> memref<1x16x1024xf32, #tpu.memory_space<vmem>>
      %dma_start3A_374 = tpu.memref_squeeze %dma_start3A_373 : memref<1x16x1024xf32, #tpu.memory_space<vmem>> -> memref<16x1024xf32, #tpu.memory_space<vmem>>
      %dma_start3A_375 = arith.constant 0 : i32
      %dma_start3A_376 = arith.constant 0 : i32
      %dma_start3A_377 = tpu.memref_slice %arg3[%dma_start3A_375, %dma_start3A_376] : memref<100000x1024xf32, #tpu.memory_space<hbm>> -> memref<100000x1024xf32, #tpu.memory_space<hbm>>
      %dma_start3A_378 = tpu.memref_slice %arg13[%dma_start3A_370] : memref<2x!tpu.dma_semaphore, #tpu.memory_space<semaphore_mem>> -> memref<1x!tpu.dma_semaphore, #tpu.memory_space<semaphore_mem>>
      %dma_start3A_379 = tpu.memref_squeeze %dma_start3A_378 : memref<1x!tpu.dma_semaphore, #tpu.memory_space<semaphore_mem>> -> memref<!tpu.dma_semaphore, #tpu.memory_space<semaphore_mem>>
      tpu.enqueue_indirect_dma source(%dma_start3A_377 : memref<100000x1024xf32, #tpu.memory_space<hbm>>) target(%dma_start3A_374 : memref<16x1024xf32, #tpu.memory_space<vmem>>) offsets(%get3A_368 : vector<16xi32>) semaphore(%dma_start3A_379 : memref<!tpu.dma_semaphore, #tpu.memory_space<semaphore_mem>>)
      %dma_wait3A_380 = arith.constant 0 : i32
      %dma_wait3A_381 = arith.constant 0 : i32
      %dma_wait3A_382 = arith.constant 0 : i32
      %dma_wait3A_383 = arith.constant 0 : i32
      %dma_wait3A_384 = tpu.memref_slice %arg10[%dma_wait3A_380, %dma_wait3A_382, %dma_wait3A_383] : memref<2x16x1024xf32, #tpu.memory_space<vmem>> -> memref<1x16x1024xf32, #tpu.memory_space<vmem>>
      %dma_wait3A_385 = tpu.memref_squeeze %dma_wait3A_384 : memref<1x16x1024xf32, #tpu.memory_space<vmem>> -> memref<16x1024xf32, #tpu.memory_space<vmem>>
      %dma_wait3A_386 = arith.constant 0 : i32
      %dma_wait3A_387 = arith.constant 0 : i32
      %dma_wait3A_388 = tpu.memref_slice %arg7[%dma_wait3A_386, %dma_wait3A_387] : memref<16384x1024xf32, #tpu.memory_space<hbm>> -> memref<16x1024xf32, #tpu.memory_space<hbm>>
      %dma_wait3A_389 = tpu.memref_slice %arg13[%dma_wait3A_381] : memref<2x!tpu.dma_semaphore, #tpu.memory_space<semaphore_mem>> -> memref<1x!tpu.dma_semaphore, #tpu.memory_space<semaphore_mem>>
      %dma_wait3A_390 = tpu.memref_squeeze %dma_wait3A_389 : memref<1x!tpu.dma_semaphore, #tpu.memory_space<semaphore_mem>> -> memref<!tpu.dma_semaphore, #tpu.memory_space<semaphore_mem>>
      %dma_wait3A_391 = arith.constant 0 : i32
      %dma_wait3A_392 = arith.constant 0 : i32
      %dma_wait3A_393 = tpu.memref_slice %arg10[%dma_wait3A_380, %dma_wait3A_391, %dma_wait3A_392] : memref<2x16x1024xf32, #tpu.memory_space<vmem>> -> memref<1x16x1024xf32, #tpu.memory_space<vmem>>
      %dma_wait3A_394 = tpu.memref_squeeze %dma_wait3A_393 : memref<1x16x1024xf32, #tpu.memory_space<vmem>> -> memref<16x1024xf32, #tpu.memory_space<vmem>>
      %dma_wait3A_395 = arith.constant 0 : i32
      %dma_wait3A_396 = arith.constant 0 : i32
      %dma_wait3A_397 = tpu.memref_slice %arg7[%dma_wait3A_395, %dma_wait3A_396] : memref<16384x1024xf32, #tpu.memory_space<hbm>> -> memref<16x1024xf32, #tpu.memory_space<hbm>>
      tpu.wait_dma2 semaphore(%dma_wait3A_390 : memref<!tpu.dma_semaphore, #tpu.memory_space<semaphore_mem>>) src(%dma_wait3A_397 : memref<16x1024xf32, #tpu.memory_space<hbm>>) dst(%dma_wait3A_394 : memref<16x1024xf32, #tpu.memory_space<vmem>>)
      %scan3A_398 = arith.constant 0 : i32
      %scan3A_399 = arith.constant 16 : i32
      %scan3A_400 = arith.addi %scan3A_398, %scan3A_399 : i32
      %scan3A_401 = arith.constant 1 : i32
      scf.for %scan3A_443 = %scan3A_398 to %scan3A_400 step %scan3A_401  : i32 {
        %mul3A_444 = arith.constant 1 : i32
        %mul3A_445 = arith.muli %scan3A_443, %mul3A_444 : i32
        %add3A_446 = arith.constant 0 : i32
        %add3A_447 = arith.addi %add3A_446, %mul3A_445 : i32
        %broadcast_in_dim3A = arith.constant 0.000000e+00 : f32
        %broadcast_in_dim3A_448 = vector.broadcast %broadcast_in_dim3A : f32 to vector<16xf32>
        %scan3A_449 = arith.constant 0 : i32
        %scan3A_450 = arith.constant 64 : i32
        %scan3A_451 = arith.addi %scan3A_449, %scan3A_450 : i32
        %scan3A_452 = arith.constant 4 : i32
        %scan3A_453:2 = scf.for %scan3A_614 = %scan3A_449 to %scan3A_451 step %scan3A_452 iter_args(%scan3A_615 = %broadcast_in_dim3A_448, %scan3A_616 = %broadcast_in_dim3A_448) -> (vector<16xf32>, vector<16xf32>)  : i32 {
          %mul3A_617 = arith.constant 16 : i32
          %mul3A_618 = arith.muli %scan3A_614, %mul3A_617 : i32
          %get3A_619 = arith.constant 0 : i32
          %get3A_620 = arith.index_cast %get3A_619 : i32 to index
          %get3A_621 = arith.index_cast %add3A_447 : i32 to index
          %get3A_622 = arith.index_cast %mul3A_618 : i32 to index
          %get3A_623 = tpu.vector_load %arg10[%get3A_620, %get3A_621, %get3A_622] {strides = array<i32>} : memref<2x16x1024xf32, #tpu.memory_space<vmem>>, vector<1x1x16xf32>,
          %get3A_624 = vector.shape_cast %get3A_623 : vector<1x1x16xf32> to vector<16xf32>
          %get3A_625 = arith.constant 1 : i32
          %get3A_626 = arith.index_cast %get3A_625 : i32 to index
          %get3A_627 = arith.index_cast %add3A_447 : i32 to index
          %get3A_628 = arith.index_cast %mul3A_618 : i32 to index
          %get3A_629 = tpu.vector_load %arg9[%get3A_626, %get3A_627, %get3A_628] {strides = array<i32>} : memref<2x16x1024xf32, #tpu.memory_space<vmem>>, vector<1x1x16xf32>,
          %get3A_630 = vector.shape_cast %get3A_629 : vector<1x1x16xf32> to vector<16xf32>
          %add3A_631 = arith.addf %get3A_624, %get3A_630 : vector<16xf32>
          %swap3A = arith.constant 0 : i32
          %swap3A_632 = arith.index_cast %swap3A : i32 to index
          %swap3A_633 = arith.index_cast %add3A_447 : i32 to index
          %swap3A_634 = arith.index_cast %mul3A_618 : i32 to index
          %swap3A_635 = tpu.vector_load %arg10[%swap3A_632, %swap3A_633, %swap3A_634] {strides = array<i32>} : memref<2x16x1024xf32, #tpu.memory_space<vmem>>, vector<1x1x16xf32>,
          %swap3A_636 = vector.shape_cast %swap3A_635 : vector<1x1x16xf32> to vector<16xf32>
          %swap3A_637 = vector.shape_cast %add3A_631 : vector<16xf32> to vector<1x1x16xf32>
          tpu.vector_store %arg10[%swap3A_632, %swap3A_633, %swap3A_634], %swap3A_637 {strides = array<i32>} : memref<2x16x1024xf32, #tpu.memory_space<vmem>>, vector<1x1x16xf32>,
          %add3A_638 = arith.addf %scan3A_615, %add3A_631 : vector<16xf32>
          %mul3A_639 = arith.mulf %add3A_631, %add3A_631 : vector<16xf32>
          %add3A_640 = arith.addf %scan3A_616, %mul3A_639 : vector<16xf32>
          %scan3A_641 = arith.constant 1 : i32
          %scan3A_642 = arith.addi %scan3A_614, %scan3A_641 : i32
          %mul3A_643 = arith.constant 16 : i32
          %mul3A_644 = arith.muli %scan3A_642, %mul3A_643 : i32
          %get3A_645 = arith.constant 0 : i32
          %get3A_646 = arith.index_cast %get3A_645 : i32 to index
          %get3A_647 = arith.index_cast %add3A_447 : i32 to index
          %get3A_648 = arith.index_cast %mul3A_644 : i32 to index
          %get3A_649 = tpu.vector_load %arg10[%get3A_646, %get3A_647, %get3A_648] {strides = array<i32>} : memref<2x16x1024xf32, #tpu.memory_space<vmem>>, vector<1x1x16xf32>,
          %get3A_650 = vector.shape_cast %get3A_649 : vector<1x1x16xf32> to vector<16xf32>
          %get3A_651 = arith.constant 1 : i32
          %get3A_652 = arith.index_cast %get3A_651 : i32 to index
          %get3A_653 = arith.index_cast %add3A_447 : i32 to index
          %get3A_654 = arith.index_cast %mul3A_644 : i32 to index
          %get3A_655 = tpu.vector_load %arg9[%get3A_652, %get3A_653, %get3A_654] {strides = array<i32>} : memref<2x16x1024xf32, #tpu.memory_space<vmem>>, vector<1x1x16xf32>,
          %get3A_656 = vector.shape_cast %get3A_655 : vector<1x1x16xf32> to vector<16xf32>
          %add3A_657 = arith.addf %get3A_650, %get3A_656 : vector<16xf32>
          %swap3A_658 = arith.constant 0 : i32
          %swap3A_659 = arith.index_cast %swap3A_658 : i32 to index
          %swap3A_660 = arith.index_cast %add3A_447 : i32 to index
          %swap3A_661 = arith.index_cast %mul3A_644 : i32 to index
          %swap3A_662 = tpu.vector_load %arg10[%swap3A_659, %swap3A_660, %swap3A_661] {strides = array<i32>} : memref<2x16x1024xf32, #tpu.memory_space<vmem>>, vector<1x1x16xf32>,
          %swap3A_663 = vector.shape_cast %swap3A_662 : vector<1x1x16xf32> to vector<16xf32>
          %swap3A_664 = vector.shape_cast %add3A_657 : vector<16xf32> to vector<1x1x16xf32>
          tpu.vector_store %arg10[%swap3A_659, %swap3A_660, %swap3A_661], %swap3A_664 {strides = array<i32>} : memref<2x16x1024xf32, #tpu.memory_space<vmem>>, vector<1x1x16xf32>,
          %add3A_665 = arith.addf %add3A_638, %add3A_657 : vector<16xf32>
          %mul3A_666 = arith.mulf %add3A_657, %add3A_657 : vector<16xf32>
          %add3A_667 = arith.addf %add3A_640, %mul3A_666 : vector<16xf32>
          %scan3A_668 = arith.constant 2 : i32
          %scan3A_669 = arith.addi %scan3A_614, %scan3A_668 : i32
          %mul3A_670 = arith.constant 16 : i32
          %mul3A_671 = arith.muli %scan3A_669, %mul3A_670 : i32
          %get3A_672 = arith.constant 0 : i32
          %get3A_673 = arith.index_cast %get3A_672 : i32 to index
          %get3A_674 = arith.index_cast %add3A_447 : i32 to index
          %get3A_675 = arith.index_cast %mul3A_671 : i32 to index
          %get3A_676 = tpu.vector_load %arg10[%get3A_673, %get3A_674, %get3A_675] {strides = array<i32>} : memref<2x16x1024xf32, #tpu.memory_space<vmem>>, vector<1x1x16xf32>,
          %get3A_677 = vector.shape_cast %get3A_676 : vector<1x1x16xf32> to vector<16xf32>
          %get3A_678 = arith.constant 1 : i32
          %get3A_679 = arith.index_cast %get3A_678 : i32 to index
          %get3A_680 = arith.index_cast %add3A_447 : i32 to index
          %get3A_681 = arith.index_cast %mul3A_671 : i32 to index
          %get3A_682 = tpu.vector_load %arg9[%get3A_679, %get3A_680, %get3A_681] {strides = array<i32>} : memref<2x16x1024xf32, #tpu.memory_space<vmem>>, vector<1x1x16xf32>,
          %get3A_683 = vector.shape_cast %get3A_682 : vector<1x1x16xf32> to vector<16xf32>
          %add3A_684 = arith.addf %get3A_677, %get3A_683 : vector<16xf32>
          %swap3A_685 = arith.constant 0 : i32
          %swap3A_686 = arith.index_cast %swap3A_685 : i32 to index
          %swap3A_687 = arith.index_cast %add3A_447 : i32 to index
          %swap3A_688 = arith.index_cast %mul3A_671 : i32 to index
          %swap3A_689 = tpu.vector_load %arg10[%swap3A_686, %swap3A_687, %swap3A_688] {strides = array<i32>} : memref<2x16x1024xf32, #tpu.memory_space<vmem>>, vector<1x1x16xf32>,
          %swap3A_690 = vector.shape_cast %swap3A_689 : vector<1x1x16xf32> to vector<16xf32>
          %swap3A_691 = vector.shape_cast %add3A_684 : vector<16xf32> to vector<1x1x16xf32>
          tpu.vector_store %arg10[%swap3A_686, %swap3A_687, %swap3A_688], %swap3A_691 {strides = array<i32>} : memref<2x16x1024xf32, #tpu.memory_space<vmem>>, vector<1x1x16xf32>,
          %add3A_692 = arith.addf %add3A_665, %add3A_684 : vector<16xf32>
          %mul3A_693 = arith.mulf %add3A_684, %add3A_684 : vector<16xf32>
          %add3A_694 = arith.addf %add3A_667, %mul3A_693 : vector<16xf32>
          %scan3A_695 = arith.constant 3 : i32
          %scan3A_696 = arith.addi %scan3A_614, %scan3A_695 : i32
          %mul3A_697 = arith.constant 16 : i32
          %mul3A_698 = arith.muli %scan3A_696, %mul3A_697 : i32
          %get3A_699 = arith.constant 0 : i32
          %get3A_700 = arith.index_cast %get3A_699 : i32 to index
          %get3A_701 = arith.index_cast %add3A_447 : i32 to index
          %get3A_702 = arith.index_cast %mul3A_698 : i32 to index
          %get3A_703 = tpu.vector_load %arg10[%get3A_700, %get3A_701, %get3A_702] {strides = array<i32>} : memref<2x16x1024xf32, #tpu.memory_space<vmem>>, vector<1x1x16xf32>,
          %get3A_704 = vector.shape_cast %get3A_703 : vector<1x1x16xf32> to vector<16xf32>
          %get3A_705 = arith.constant 1 : i32
          %get3A_706 = arith.index_cast %get3A_705 : i32 to index
          %get3A_707 = arith.index_cast %add3A_447 : i32 to index
          %get3A_708 = arith.index_cast %mul3A_698 : i32 to index
          %get3A_709 = tpu.vector_load %arg9[%get3A_706, %get3A_707, %get3A_708] {strides = array<i32>} : memref<2x16x1024xf32, #tpu.memory_space<vmem>>, vector<1x1x16xf32>,
          %get3A_710 = vector.shape_cast %get3A_709 : vector<1x1x16xf32> to vector<16xf32>
          %add3A_711 = arith.addf %get3A_704, %get3A_710 : vector<16xf32>
          %swap3A_712 = arith.constant 0 : i32
          %swap3A_713 = arith.index_cast %swap3A_712 : i32 to index
          %swap3A_714 = arith.index_cast %add3A_447 : i32 to index
          %swap3A_715 = arith.index_cast %mul3A_698 : i32 to index
          %swap3A_716 = tpu.vector_load %arg10[%swap3A_713, %swap3A_714, %swap3A_715] {strides = array<i32>} : memref<2x16x1024xf32, #tpu.memory_space<vmem>>, vector<1x1x16xf32>,
          %swap3A_717 = vector.shape_cast %swap3A_716 : vector<1x1x16xf32> to vector<16xf32>
          %swap3A_718 = vector.shape_cast %add3A_711 : vector<16xf32> to vector<1x1x16xf32>
          tpu.vector_store %arg10[%swap3A_713, %swap3A_714, %swap3A_715], %swap3A_718 {strides = array<i32>} : memref<2x16x1024xf32, #tpu.memory_space<vmem>>, vector<1x1x16xf32>,
          %add3A_719 = arith.addf %add3A_692, %add3A_711 : vector<16xf32>
          %mul3A_720 = arith.mulf %add3A_711, %add3A_711 : vector<16xf32>
          %add3A_721 = arith.addf %add3A_694, %mul3A_720 : vector<16xf32>
          scf.yield %add3A_719, %add3A_721 : vector<16xf32>, vector<16xf32>
        }
        %scan3A_454 = arith.constant 64 : i32
        %iota3A = tpu.iota {dimensions = array<i32: 0>} : vector<16xi32>
        %xor3A = arith.constant 8 : i32
        %xor3A_455 = vector.broadcast %xor3A : i32 to vector<16xi32>
        %xor3A_456 = arith.xori %iota3A, %xor3A_455 : vector<16xi32>
        %lt3A_457 = arith.constant 0 : i32
        %lt3A_458 = vector.broadcast %lt3A_457 : i32 to vector<16xi32>
        %lt3A_459 = arith.cmpi slt, %xor3A_456, %lt3A_458 : vector<16xi32>
        %add3A_460 = arith.constant 16 : i32
        %add3A_461 = vector.broadcast %add3A_460 : i32 to vector<16xi32>
        %add3A_462 = arith.addi %xor3A_456, %add3A_461 : vector<16xi32>
        %select_n3A = arith.select %lt3A_459, %add3A_462, %xor3A_456 : vector<16xi1>, vector<16xi32>
        %reshape3A = vector.shape_cast %select_n3A : vector<16xi32> to vector<16x1xi32>
        %gather3A = vector.shape_cast %reshape3A : vector<16x1xi32> to vector<16xi32>
        %gather3A_463 = tpu.dynamic_gather %scan3A_453#0[%gather3A] in [0] : vector<16xf32>, vector<16xi32> -> vector<16xf32>
        %add3A_464 = arith.addf %scan3A_453#0, %gather3A_463 : vector<16xf32>
        %xor3A_465 = arith.constant 4 : i32
        %xor3A_466 = vector.broadcast %xor3A_465 : i32 to vector<16xi32>
        %xor3A_467 = arith.xori %iota3A, %xor3A_466 : vector<16xi32>
        %lt3A_468 = arith.constant 0 : i32
        %lt3A_469 = vector.broadcast %lt3A_468 : i32 to vector<16xi32>
        %lt3A_470 = arith.cmpi slt, %xor3A_467, %lt3A_469 : vector<16xi32>
        %add3A_471 = arith.constant 16 : i32
        %add3A_472 = vector.broadcast %add3A_471 : i32 to vector<16xi32>
        %add3A_473 = arith.addi %xor3A_467, %add3A_472 : vector<16xi32>
        %select_n3A_474 = arith.select %lt3A_470, %add3A_473, %xor3A_467 : vector<16xi1>, vector<16xi32>
        %reshape3A_475 = vector.shape_cast %select_n3A_474 : vector<16xi32> to vector<16x1xi32>
        %gather3A_476 = vector.shape_cast %reshape3A_475 : vector<16x1xi32> to vector<16xi32>
        %gather3A_477 = tpu.dynamic_gather %add3A_464[%gather3A_476] in [0] : vector<16xf32>, vector<16xi32> -> vector<16xf32>
        %add3A_478 = arith.addf %add3A_464, %gather3A_477 : vector<16xf32>
        %xor3A_479 = arith.constant 2 : i32
        %xor3A_480 = vector.broadcast %xor3A_479 : i32 to vector<16xi32>
        %xor3A_481 = arith.xori %iota3A, %xor3A_480 : vector<16xi32>
        %lt3A_482 = arith.constant 0 : i32
        %lt3A_483 = vector.broadcast %lt3A_482 : i32 to vector<16xi32>
        %lt3A_484 = arith.cmpi slt, %xor3A_481, %lt3A_483 : vector<16xi32>
        %add3A_485 = arith.constant 16 : i32
        %add3A_486 = vector.broadcast %add3A_485 : i32 to vector<16xi32>
        %add3A_487 = arith.addi %xor3A_481, %add3A_486 : vector<16xi32>
        %select_n3A_488 = arith.select %lt3A_484, %add3A_487, %xor3A_481 : vector<16xi1>, vector<16xi32>
        %reshape3A_489 = vector.shape_cast %select_n3A_488 : vector<16xi32> to vector<16x1xi32>
        %gather3A_490 = vector.shape_cast %reshape3A_489 : vector<16x1xi32> to vector<16xi32>
        %gather3A_491 = tpu.dynamic_gather %add3A_478[%gather3A_490] in [0] : vector<16xf32>, vector<16xi32> -> vector<16xf32>
        %add3A_492 = arith.addf %add3A_478, %gather3A_491 : vector<16xf32>
        %xor3A_493 = arith.constant 1 : i32
        %xor3A_494 = vector.broadcast %xor3A_493 : i32 to vector<16xi32>
        %xor3A_495 = arith.xori %iota3A, %xor3A_494 : vector<16xi32>
        %lt3A_496 = arith.constant 0 : i32
        %lt3A_497 = vector.broadcast %lt3A_496 : i32 to vector<16xi32>
        %lt3A_498 = arith.cmpi slt, %xor3A_495, %lt3A_497 : vector<16xi32>
        %add3A_499 = arith.constant 16 : i32
        %add3A_500 = vector.broadcast %add3A_499 : i32 to vector<16xi32>
        %add3A_501 = arith.addi %xor3A_495, %add3A_500 : vector<16xi32>
        %select_n3A_502 = arith.select %lt3A_498, %add3A_501, %xor3A_495 : vector<16xi1>, vector<16xi32>
        %reshape3A_503 = vector.shape_cast %select_n3A_502 : vector<16xi32> to vector<16x1xi32>
        %gather3A_504 = vector.shape_cast %reshape3A_503 : vector<16x1xi32> to vector<16xi32>
        %gather3A_505 = tpu.dynamic_gather %add3A_492[%gather3A_504] in [0] : vector<16xf32>, vector<16xi32> -> vector<16xf32>
        %add3A_506 = arith.addf %add3A_492, %gather3A_505 : vector<16xf32>
        %mul3A_507 = arith.constant 9.765625E-4 : f32
        %mul3A_508 = vector.broadcast %mul3A_507 : f32 to vector<16xf32>
        %mul3A_509 = arith.mulf %add3A_506, %mul3A_508 : vector<16xf32>
        %iota3A_510 = tpu.iota {dimensions = array<i32: 0>} : vector<16xi32>
        %xor3A_511 = arith.constant 8 : i32
        %xor3A_512 = vector.broadcast %xor3A_511 : i32 to vector<16xi32>
        %xor3A_513 = arith.xori %iota3A_510, %xor3A_512 : vector<16xi32>
        %lt3A_514 = arith.constant 0 : i32
        %lt3A_515 = vector.broadcast %lt3A_514 : i32 to vector<16xi32>
        %lt3A_516 = arith.cmpi slt, %xor3A_513, %lt3A_515 : vector<16xi32>
        %add3A_517 = arith.constant 16 : i32
        %add3A_518 = vector.broadcast %add3A_517 : i32 to vector<16xi32>
        %add3A_519 = arith.addi %xor3A_513, %add3A_518 : vector<16xi32>
        %select_n3A_520 = arith.select %lt3A_516, %add3A_519, %xor3A_513 : vector<16xi1>, vector<16xi32>
        %reshape3A_521 = vector.shape_cast %select_n3A_520 : vector<16xi32> to vector<16x1xi32>
        %gather3A_522 = vector.shape_cast %reshape3A_521 : vector<16x1xi32> to vector<16xi32>
        %gather3A_523 = tpu.dynamic_gather %scan3A_453#1[%gather3A_522] in [0] : vector<16xf32>, vector<16xi32> -> vector<16xf32>
        %add3A_524 = arith.addf %scan3A_453#1, %gather3A_523 : vector<16xf32>
        %xor3A_525 = arith.constant 4 : i32
        %xor3A_526 = vector.broadcast %xor3A_525 : i32 to vector<16xi32>
        %xor3A_527 = arith.xori %iota3A_510, %xor3A_526 : vector<16xi32>
        %lt3A_528 = arith.constant 0 : i32
        %lt3A_529 = vector.broadcast %lt3A_528 : i32 to vector<16xi32>
        %lt3A_530 = arith.cmpi slt, %xor3A_527, %lt3A_529 : vector<16xi32>
        %add3A_531 = arith.constant 16 : i32
        %add3A_532 = vector.broadcast %add3A_531 : i32 to vector<16xi32>
        %add3A_533 = arith.addi %xor3A_527, %add3A_532 : vector<16xi32>
        %select_n3A_534 = arith.select %lt3A_530, %add3A_533, %xor3A_527 : vector<16xi1>, vector<16xi32>
        %reshape3A_535 = vector.shape_cast %select_n3A_534 : vector<16xi32> to vector<16x1xi32>
        %gather3A_536 = vector.shape_cast %reshape3A_535 : vector<16x1xi32> to vector<16xi32>
        %gather3A_537 = tpu.dynamic_gather %add3A_524[%gather3A_536] in [0] : vector<16xf32>, vector<16xi32> -> vector<16xf32>
        %add3A_538 = arith.addf %add3A_524, %gather3A_537 : vector<16xf32>
        %xor3A_539 = arith.constant 2 : i32
        %xor3A_540 = vector.broadcast %xor3A_539 : i32 to vector<16xi32>
        %xor3A_541 = arith.xori %iota3A_510, %xor3A_540 : vector<16xi32>
        %lt3A_542 = arith.constant 0 : i32
        %lt3A_543 = vector.broadcast %lt3A_542 : i32 to vector<16xi32>
        %lt3A_544 = arith.cmpi slt, %xor3A_541, %lt3A_543 : vector<16xi32>
        %add3A_545 = arith.constant 16 : i32
        %add3A_546 = vector.broadcast %add3A_545 : i32 to vector<16xi32>
        %add3A_547 = arith.addi %xor3A_541, %add3A_546 : vector<16xi32>
        %select_n3A_548 = arith.select %lt3A_544, %add3A_547, %xor3A_541 : vector<16xi1>, vector<16xi32>
        %reshape3A_549 = vector.shape_cast %select_n3A_548 : vector<16xi32> to vector<16x1xi32>
        %gather3A_550 = vector.shape_cast %reshape3A_549 : vector<16x1xi32> to vector<16xi32>
        %gather3A_551 = tpu.dynamic_gather %add3A_538[%gather3A_550] in [0] : vector<16xf32>, vector<16xi32> -> vector<16xf32>
        %add3A_552 = arith.addf %add3A_538, %gather3A_551 : vector<16xf32>
        %xor3A_553 = arith.constant 1 : i32
        %xor3A_554 = vector.broadcast %xor3A_553 : i32 to vector<16xi32>
        %xor3A_555 = arith.xori %iota3A_510, %xor3A_554 : vector<16xi32>
        %lt3A_556 = arith.constant 0 : i32
        %lt3A_557 = vector.broadcast %lt3A_556 : i32 to vector<16xi32>
        %lt3A_558 = arith.cmpi slt, %xor3A_555, %lt3A_557 : vector<16xi32>
        %add3A_559 = arith.constant 16 : i32
        %add3A_560 = vector.broadcast %add3A_559 : i32 to vector<16xi32>
        %add3A_561 = arith.addi %xor3A_555, %add3A_560 : vector<16xi32>
        %select_n3A_562 = arith.select %lt3A_558, %add3A_561, %xor3A_555 : vector<16xi1>, vector<16xi32>
        %reshape3A_563 = vector.shape_cast %select_n3A_562 : vector<16xi32> to vector<16x1xi32>
        %gather3A_564 = vector.shape_cast %reshape3A_563 : vector<16x1xi32> to vector<16xi32>
        %gather3A_565 = tpu.dynamic_gather %add3A_552[%gather3A_564] in [0] : vector<16xf32>, vector<16xi32> -> vector<16xf32>
        %add3A_566 = arith.addf %add3A_552, %gather3A_565 : vector<16xf32>
        %mul3A_567 = arith.constant 9.765625E-4 : f32
        %mul3A_568 = vector.broadcast %mul3A_567 : f32 to vector<16xf32>
        %mul3A_569 = arith.mulf %add3A_566, %mul3A_568 : vector<16xf32>
        %mul3A_570 = arith.mulf %mul3A_509, %mul3A_509 : vector<16xf32>
        %sub3A = arith.subf %mul3A_569, %mul3A_570 : vector<16xf32>
        %add3A_571 = arith.constant 9.99999996E-13 : f32
        %add3A_572 = vector.broadcast %add3A_571 : f32 to vector<16xf32>
        %add3A_573 = arith.addf %sub3A, %add3A_572 : vector<16xf32>
        %bitcast_convert_type3A = tpu.bitcast %add3A_573 : vector<16xf32> -> vector<16xi32>
        %shift_right_logical3A = arith.constant 1 : i32
        %shift_right_logical3A_574 = vector.broadcast %shift_right_logical3A : i32 to vector<16xi32>
        %shift_right_logical3A_575 = arith.shrui %bitcast_convert_type3A, %shift_right_logical3A_574 : vector<16xi32>
        %sub3A_576 = arith.constant 1597463007 : i32
        %sub3A_577 = vector.broadcast %sub3A_576 : i32 to vector<16xi32>
        %sub3A_578 = arith.subi %sub3A_577, %shift_right_logical3A_575 : vector<16xi32>
        %bitcast_convert_type3A_579 = tpu.bitcast %sub3A_578 : vector<16xi32> -> vector<16xf32>
        %mul3A_580 = arith.constant 5.000000e-01 : f32
        %mul3A_581 = vector.broadcast %mul3A_580 : f32 to vector<16xf32>
        %mul3A_582 = arith.mulf %mul3A_581, %add3A_573 : vector<16xf32>
        %mul3A_583 = arith.mulf %mul3A_582, %bitcast_convert_type3A_579 : vector<16xf32>
        %mul3A_584 = arith.mulf %mul3A_583, %bitcast_convert_type3A_579 : vector<16xf32>
        %sub3A_585 = arith.constant 1.500000e+00 : f32
        %sub3A_586 = vector.broadcast %sub3A_585 : f32 to vector<16xf32>
        %sub3A_587 = arith.subf %sub3A_586, %mul3A_584 : vector<16xf32>
        %mul3A_588 = arith.mulf %bitcast_convert_type3A_579, %sub3A_587 : vector<16xf32>
        %mul3A_589 = arith.constant 5.000000e-01 : f32
        %mul3A_590 = vector.broadcast %mul3A_589 : f32 to vector<16xf32>
        %mul3A_591 = arith.mulf %mul3A_590, %add3A_573 : vector<16xf32>
        %mul3A_592 = arith.mulf %mul3A_591, %mul3A_588 : vector<16xf32>
        %mul3A_593 = arith.mulf %mul3A_592, %mul3A_588 : vector<16xf32>
        %sub3A_594 = arith.constant 1.500000e+00 : f32
        %sub3A_595 = vector.broadcast %sub3A_594 : f32 to vector<16xf32>
        %sub3A_596 = arith.subf %sub3A_595, %mul3A_593 : vector<16xf32>
        %mul3A_597 = arith.mulf %mul3A_588, %sub3A_596 : vector<16xf32>
        %mul3A_598 = arith.constant 5.000000e-01 : f32
        %mul3A_599 = vector.broadcast %mul3A_598 : f32 to vector<16xf32>
        %mul3A_600 = arith.mulf %mul3A_599, %add3A_573 : vector<16xf32>
        %mul3A_601 = arith.mulf %mul3A_600, %mul3A_597 : vector<16xf32>
        %mul3A_602 = arith.mulf %mul3A_601, %mul3A_597 : vector<16xf32>
        %sub3A_603 = arith.constant 1.500000e+00 : f32
        %sub3A_604 = vector.broadcast %sub3A_603 : f32 to vector<16xf32>
        %sub3A_605 = arith.subf %sub3A_604, %mul3A_602 : vector<16xf32>
        %mul3A_606 = arith.mulf %mul3A_597, %sub3A_605 : vector<16xf32>
        %scan3A_607 = arith.constant 0 : i32
        %scan3A_608 = arith.constant 0 : i32
        %scan3A_609 = arith.constant 64 : i32
        %scan3A_610 = arith.addi %scan3A_608, %scan3A_609 : i32
        %scan3A_611 = arith.constant 4 : i32
        %scan3A_612 = scf.for %scan3A_614 = %scan3A_608 to %scan3A_610 step %scan3A_611 iter_args(%scan3A_615 = %scan3A_607) -> (i32)  : i32 {
          %mul3A_616 = arith.constant 16 : i32
          %mul3A_617 = arith.muli %scan3A_614, %mul3A_616 : i32
          %get3A_618 = arith.constant 0 : i32
          %get3A_619 = arith.index_cast %get3A_618 : i32 to index
          %get3A_620 = arith.index_cast %add3A_447 : i32 to index
          %get3A_621 = arith.index_cast %mul3A_617 : i32 to index
          %get3A_622 = tpu.vector_load %arg10[%get3A_619, %get3A_620, %get3A_621] {strides = array<i32>} : memref<2x16x1024xf32, #tpu.memory_space<vmem>>, vector<1x1x16xf32>,
          %get3A_623 = vector.shape_cast %get3A_622 : vector<1x1x16xf32> to vector<16xf32>
          %sub3A_624 = arith.subf %get3A_623, %mul3A_509 : vector<16xf32>
          %mul3A_625 = arith.mulf %sub3A_624, %mul3A_606 : vector<16xf32>
          %get3A_626 = arith.index_cast %mul3A_617 : i32 to index
          %get3A_627 = tpu.vector_load %arg11[%get3A_626] {strides = array<i32>} : memref<1024xf32, #tpu.memory_space<vmem>>, vector<16xf32>,
          %get3A_628 = vector.shape_cast %get3A_627 : vector<16xf32> to vector<16xf32>
          %mul3A_629 = arith.mulf %mul3A_625, %get3A_628 : vector<16xf32>
          %get3A_630 = arith.index_cast %mul3A_617 : i32 to index
          %get3A_631 = tpu.vector_load %arg12[%get3A_630] {strides = array<i32>} : memref<1024xf32, #tpu.memory_space<vmem>>, vector<16xf32>,
          %get3A_632 = vector.shape_cast %get3A_631 : vector<16xf32> to vector<16xf32>
          %add3A_633 = arith.addf %mul3A_629, %get3A_632 : vector<16xf32>
          %swap3A = arith.constant 0 : i32
          %swap3A_634 = arith.index_cast %swap3A : i32 to index
          %swap3A_635 = arith.index_cast %add3A_447 : i32 to index
          %swap3A_636 = arith.index_cast %mul3A_617 : i32 to index
          %swap3A_637 = tpu.vector_load %arg10[%swap3A_634, %swap3A_635, %swap3A_636] {strides = array<i32>} : memref<2x16x1024xf32, #tpu.memory_space<vmem>>, vector<1x1x16xf32>,
          %swap3A_638 = vector.shape_cast %swap3A_637 : vector<1x1x16xf32> to vector<16xf32>
          %swap3A_639 = vector.shape_cast %add3A_633 : vector<16xf32> to vector<1x1x16xf32>
          tpu.vector_store %arg10[%swap3A_634, %swap3A_635, %swap3A_636], %swap3A_639 {strides = array<i32>} : memref<2x16x1024xf32, #tpu.memory_space<vmem>>, vector<1x1x16xf32>,
          %scan3A_640 = arith.constant 0 : i32
          %scan3A_641 = arith.constant 1 : i32
          %scan3A_642 = arith.addi %scan3A_614, %scan3A_641 : i32
          %mul3A_643 = arith.constant 16 : i32
          %mul3A_644 = arith.muli %scan3A_642, %mul3A_643 : i32
          %get3A_645 = arith.constant 0 : i32
          %get3A_646 = arith.index_cast %get3A_645 : i32 to index
          %get3A_647 = arith.index_cast %add3A_447 : i32 to index
          %get3A_648 = arith.index_cast %mul3A_644 : i32 to index
          %get3A_649 = tpu.vector_load %arg10[%get3A_646, %get3A_647, %get3A_648] {strides = array<i32>} : memref<2x16x1024xf32, #tpu.memory_space<vmem>>, vector<1x1x16xf32>,
          %get3A_650 = vector.shape_cast %get3A_649 : vector<1x1x16xf32> to vector<16xf32>
          %sub3A_651 = arith.subf %get3A_650, %mul3A_509 : vector<16xf32>
          %mul3A_652 = arith.mulf %sub3A_651, %mul3A_606 : vector<16xf32>
          %get3A_653 = arith.index_cast %mul3A_644 : i32 to index
          %get3A_654 = tpu.vector_load %arg11[%get3A_653] {strides = array<i32>} : memref<1024xf32, #tpu.memory_space<vmem>>, vector<16xf32>,
          %get3A_655 = vector.shape_cast %get3A_654 : vector<16xf32> to vector<16xf32>
          %mul3A_656 = arith.mulf %mul3A_652, %get3A_655 : vector<16xf32>
          %get3A_657 = arith.index_cast %mul3A_644 : i32 to index
          %get3A_658 = tpu.vector_load %arg12[%get3A_657] {strides = array<i32>} : memref<1024xf32, #tpu.memory_space<vmem>>, vector<16xf32>,
          %get3A_659 = vector.shape_cast %get3A_658 : vector<16xf32> to vector<16xf32>
          %add3A_660 = arith.addf %mul3A_656, %get3A_659 : vector<16xf32>
          %swap3A_661 = arith.constant 0 : i32
          %swap3A_662 = arith.index_cast %swap3A_661 : i32 to index
          %swap3A_663 = arith.index_cast %add3A_447 : i32 to index
          %swap3A_664 = arith.index_cast %mul3A_644 : i32 to index
          %swap3A_665 = tpu.vector_load %arg10[%swap3A_662, %swap3A_663, %swap3A_664] {strides = array<i32>} : memref<2x16x1024xf32, #tpu.memory_space<vmem>>, vector<1x1x16xf32>,
          %swap3A_666 = vector.shape_cast %swap3A_665 : vector<1x1x16xf32> to vector<16xf32>
          %swap3A_667 = vector.shape_cast %add3A_660 : vector<16xf32> to vector<1x1x16xf32>
          tpu.vector_store %arg10[%swap3A_662, %swap3A_663, %swap3A_664], %swap3A_667 {strides = array<i32>} : memref<2x16x1024xf32, #tpu.memory_space<vmem>>, vector<1x1x16xf32>,
          %scan3A_668 = arith.constant 0 : i32
          %scan3A_669 = arith.constant 2 : i32
          %scan3A_670 = arith.addi %scan3A_614, %scan3A_669 : i32
          %mul3A_671 = arith.constant 16 : i32
          %mul3A_672 = arith.muli %scan3A_670, %mul3A_671 : i32
          %get3A_673 = arith.constant 0 : i32
          %get3A_674 = arith.index_cast %get3A_673 : i32 to index
          %get3A_675 = arith.index_cast %add3A_447 : i32 to index
          %get3A_676 = arith.index_cast %mul3A_672 : i32 to index
          %get3A_677 = tpu.vector_load %arg10[%get3A_674, %get3A_675, %get3A_676] {strides = array<i32>} : memref<2x16x1024xf32, #tpu.memory_space<vmem>>, vector<1x1x16xf32>,
          %get3A_678 = vector.shape_cast %get3A_677 : vector<1x1x16xf32> to vector<16xf32>
          %sub3A_679 = arith.subf %get3A_678, %mul3A_509 : vector<16xf32>
          %mul3A_680 = arith.mulf %sub3A_679, %mul3A_606 : vector<16xf32>
          %get3A_681 = arith.index_cast %mul3A_672 : i32 to index
          %get3A_682 = tpu.vector_load %arg11[%get3A_681] {strides = array<i32>} : memref<1024xf32, #tpu.memory_space<vmem>>, vector<16xf32>,
          %get3A_683 = vector.shape_cast %get3A_682 : vector<16xf32> to vector<16xf32>
          %mul3A_684 = arith.mulf %mul3A_680, %get3A_683 : vector<16xf32>
          %get3A_685 = arith.index_cast %mul3A_672 : i32 to index
          %get3A_686 = tpu.vector_load %arg12[%get3A_685] {strides = array<i32>} : memref<1024xf32, #tpu.memory_space<vmem>>, vector<16xf32>,
          %get3A_687 = vector.shape_cast %get3A_686 : vector<16xf32> to vector<16xf32>
          %add3A_688 = arith.addf %mul3A_684, %get3A_687 : vector<16xf32>
          %swap3A_689 = arith.constant 0 : i32
          %swap3A_690 = arith.index_cast %swap3A_689 : i32 to index
          %swap3A_691 = arith.index_cast %add3A_447 : i32 to index
          %swap3A_692 = arith.index_cast %mul3A_672 : i32 to index
          %swap3A_693 = tpu.vector_load %arg10[%swap3A_690, %swap3A_691, %swap3A_692] {strides = array<i32>} : memref<2x16x1024xf32, #tpu.memory_space<vmem>>, vector<1x1x16xf32>,
          %swap3A_694 = vector.shape_cast %swap3A_693 : vector<1x1x16xf32> to vector<16xf32>
          %swap3A_695 = vector.shape_cast %add3A_688 : vector<16xf32> to vector<1x1x16xf32>
          tpu.vector_store %arg10[%swap3A_690, %swap3A_691, %swap3A_692], %swap3A_695 {strides = array<i32>} : memref<2x16x1024xf32, #tpu.memory_space<vmem>>, vector<1x1x16xf32>,
          %scan3A_696 = arith.constant 0 : i32
          %scan3A_697 = arith.constant 3 : i32
          %scan3A_698 = arith.addi %scan3A_614, %scan3A_697 : i32
          %mul3A_699 = arith.constant 16 : i32
          %mul3A_700 = arith.muli %scan3A_698, %mul3A_699 : i32
          %get3A_701 = arith.constant 0 : i32
          %get3A_702 = arith.index_cast %get3A_701 : i32 to index
          %get3A_703 = arith.index_cast %add3A_447 : i32 to index
          %get3A_704 = arith.index_cast %mul3A_700 : i32 to index
          %get3A_705 = tpu.vector_load %arg10[%get3A_702, %get3A_703, %get3A_704] {strides = array<i32>} : memref<2x16x1024xf32, #tpu.memory_space<vmem>>, vector<1x1x16xf32>,
          %get3A_706 = vector.shape_cast %get3A_705 : vector<1x1x16xf32> to vector<16xf32>
          %sub3A_707 = arith.subf %get3A_706, %mul3A_509 : vector<16xf32>
          %mul3A_708 = arith.mulf %sub3A_707, %mul3A_606 : vector<16xf32>
          %get3A_709 = arith.index_cast %mul3A_700 : i32 to index
          %get3A_710 = tpu.vector_load %arg11[%get3A_709] {strides = array<i32>} : memref<1024xf32, #tpu.memory_space<vmem>>, vector<16xf32>,
          %get3A_711 = vector.shape_cast %get3A_710 : vector<16xf32> to vector<16xf32>
          %mul3A_712 = arith.mulf %mul3A_708, %get3A_711 : vector<16xf32>
          %get3A_713 = arith.index_cast %mul3A_700 : i32 to index
          %get3A_714 = tpu.vector_load %arg12[%get3A_713] {strides = array<i32>} : memref<1024xf32, #tpu.memory_space<vmem>>, vector<16xf32>,
          %get3A_715 = vector.shape_cast %get3A_714 : vector<16xf32> to vector<16xf32>
          %add3A_716 = arith.addf %mul3A_712, %get3A_715 : vector<16xf32>
          %swap3A_717 = arith.constant 0 : i32
          %swap3A_718 = arith.index_cast %swap3A_717 : i32 to index
          %swap3A_719 = arith.index_cast %add3A_447 : i32 to index
          %swap3A_720 = arith.index_cast %mul3A_700 : i32 to index
          %swap3A_721 = tpu.vector_load %arg10[%swap3A_718, %swap3A_719, %swap3A_720] {strides = array<i32>} : memref<2x16x1024xf32, #tpu.memory_space<vmem>>, vector<1x1x16xf32>,
          %swap3A_722 = vector.shape_cast %swap3A_721 : vector<1x1x16xf32> to vector<16xf32>
          %swap3A_723 = vector.shape_cast %add3A_716 : vector<16xf32> to vector<1x1x16xf32>
          tpu.vector_store %arg10[%swap3A_718, %swap3A_719, %swap3A_720], %swap3A_723 {strides = array<i32>} : memref<2x16x1024xf32, #tpu.memory_space<vmem>>, vector<1x1x16xf32>,
          %scan3A_724 = arith.constant 0 : i32
          scf.yield %scan3A_724 : i32
        }
        %scan3A_613 = arith.constant 64 : i32
      }
      %scan3A_402 = arith.constant 16 : i32
      %add3A_403 = arith.constant 8192 : i32
      %add3A_404 = arith.addi %add3A_403, %mul3A_2 : i32
      %mul3A_405 = arith.constant 16 : i32
      %mul3A_406 = arith.muli %add3A_244, %mul3A_405 : i32
      %add3A_407 = arith.addi %add3A_404, %mul3A_406 : i32
      %run_scoped3A_408 = arith.constant 0 : i32
      "tpu.region"() ({
        %run_scoped3A_443 = tpu.sem_alloc : memref<!tpu.dma_semaphore, #tpu.memory_space<semaphore_mem>>
        %dma_start3A_444 = arith.constant 0 : i32
        %dma_start3A_445 = arith.constant 0 : i32
        %dma_start3A_446 = tpu.memref_slice %arg10[%run_scoped3A_408, %dma_start3A_444, %dma_start3A_445] : memref<2x16x1024xf32, #tpu.memory_space<vmem>> -> memref<1x16x1024xf32, #tpu.memory_space<vmem>>
        %dma_start3A_447 = tpu.memref_squeeze %dma_start3A_446 : memref<1x16x1024xf32, #tpu.memory_space<vmem>> -> memref<16x1024xf32, #tpu.memory_space<vmem>>
        %dma_start3A_448 = arith.constant 0 : i32
        %dma_start3A_449 = tpu.memref_slice %arg7[%add3A_407, %dma_start3A_448] : memref<16384x1024xf32, #tpu.memory_space<hbm>> -> memref<16x1024xf32, #tpu.memory_space<hbm>>
        %dma_start3A_450 = arith.constant 0 : i32
        %dma_start3A_451 = tpu.memref_slice %arg7[%add3A_407, %dma_start3A_450] : memref<16384x1024xf32, #tpu.memory_space<hbm>> -> memref<16x1024xf32, #tpu.memory_space<hbm>>
        %dma_start3A_452 = arith.constant 0 : i32
        %dma_start3A_453 = arith.constant 0 : i32
        %dma_start3A_454 = tpu.memref_slice %arg10[%run_scoped3A_408, %dma_start3A_452, %dma_start3A_453] : memref<2x16x1024xf32, #tpu.memory_space<vmem>> -> memref<1x16x1024xf32, #tpu.memory_space<vmem>>
        %dma_start3A_455 = tpu.memref_squeeze %dma_start3A_454 : memref<1x16x1024xf32, #tpu.memory_space<vmem>> -> memref<16x1024xf32, #tpu.memory_space<vmem>>
        tpu.enqueue_dma source(%dma_start3A_455 : memref<16x1024xf32, #tpu.memory_space<vmem>>) target(%dma_start3A_451 : memref<16x1024xf32, #tpu.memory_space<hbm>>) target_semaphore(%run_scoped3A_443 : memref<!tpu.dma_semaphore, #tpu.memory_space<semaphore_mem>>)
        %dma_wait3A_456 = arith.constant 0 : i32
        %dma_wait3A_457 = arith.constant 0 : i32
        %dma_wait3A_458 = tpu.memref_slice %arg10[%run_scoped3A_408, %dma_wait3A_456, %dma_wait3A_457] : memref<2x16x1024xf32, #tpu.memory_space<vmem>> -> memref<1x16x1024xf32, #tpu.memory_space<vmem>>
        %dma_wait3A_459 = tpu.memref_squeeze %dma_wait3A_458 : memref<1x16x1024xf32, #tpu.memory_space<vmem>> -> memref<16x1024xf32, #tpu.memory_space<vmem>>
        %dma_wait3A_460 = arith.constant 0 : i32
        %dma_wait3A_461 = tpu.memref_slice %arg7[%add3A_407, %dma_wait3A_460] : memref<16384x1024xf32, #tpu.memory_space<hbm>> -> memref<16x1024xf32, #tpu.memory_space<hbm>>
        %dma_wait3A_462 = arith.constant 0 : i32
        %dma_wait3A_463 = tpu.memref_slice %arg7[%add3A_407, %dma_wait3A_462] : memref<16384x1024xf32, #tpu.memory_space<hbm>> -> memref<16x1024xf32, #tpu.memory_space<hbm>>
        %dma_wait3A_464 = arith.constant 0 : i32
        %dma_wait3A_465 = arith.constant 0 : i32
        %dma_wait3A_466 = tpu.memref_slice %arg10[%run_scoped3A_408, %dma_wait3A_464, %dma_wait3A_465] : memref<2x16x1024xf32, #tpu.memory_space<vmem>> -> memref<1x16x1024xf32, #tpu.memory_space<vmem>>
        %dma_wait3A_467 = tpu.memref_squeeze %dma_wait3A_466 : memref<1x16x1024xf32, #tpu.memory_space<vmem>> -> memref<16x1024xf32, #tpu.memory_space<vmem>>
        tpu.wait_dma2 semaphore(%run_scoped3A_443 : memref<!tpu.dma_semaphore, #tpu.memory_space<semaphore_mem>>) src(%dma_wait3A_467 : memref<16x1024xf32, #tpu.memory_space<vmem>>) dst(%dma_wait3A_463 : memref<16x1024xf32, #tpu.memory_space<hbm>>)
        tpu.yield
      }) : () -> ()
      %lt3A_409 = arith.constant 7 : i32
      %lt3A_410 = arith.cmpi slt, %add3A_244, %lt3A_409 : i32
      %convert_element_type3A_411 = arith.extui %lt3A_410 : i1 to i32
      %cond3A_412 = arith.constant 0 : i32
      %cond3A_413 = arith.cmpi ne, %convert_element_type3A_411, %cond3A_412 : i32
      scf.if %cond3A_413 {
        %add3A_443 = arith.constant 1 : i32
        %add3A_444 = arith.addi %add3A_244, %add3A_443 : i32
        %mul3A_445 = arith.constant 16 : i32
        %mul3A_446 = arith.muli %add3A_444, %mul3A_445 : i32
        %get3A_447 = arith.index_cast %mul3A_446 : i32 to index
        %get3A_448 = tpu.vector_load %arg8[%get3A_447] {strides = array<i32>} : memref<512xi32, #tpu.memory_space<vmem>>, vector<16xi32>,
        %get3A_449 = vector.shape_cast %get3A_448 : vector<16xi32> to vector<16xi32>
        %dma_start3A_450 = arith.constant 0 : i32
        %dma_start3A_451 = arith.constant 0 : i32
        %dma_start3A_452 = arith.constant 0 : i32
        %dma_start3A_453 = arith.constant 0 : i32
        %dma_start3A_454 = tpu.memref_slice %arg10[%dma_start3A_450, %dma_start3A_452, %dma_start3A_453] : memref<2x16x1024xf32, #tpu.memory_space<vmem>> -> memref<1x16x1024xf32, #tpu.memory_space<vmem>>
        %dma_start3A_455 = tpu.memref_squeeze %dma_start3A_454 : memref<1x16x1024xf32, #tpu.memory_space<vmem>> -> memref<16x1024xf32, #tpu.memory_space<vmem>>
        %dma_start3A_456 = arith.constant 0 : i32
        %dma_start3A_457 = arith.constant 0 : i32
        %dma_start3A_458 = tpu.memref_slice %arg3[%dma_start3A_456, %dma_start3A_457] : memref<100000x1024xf32, #tpu.memory_space<hbm>> -> memref<100000x1024xf32, #tpu.memory_space<hbm>>
        %dma_start3A_459 = tpu.memref_slice %arg13[%dma_start3A_451] : memref<2x!tpu.dma_semaphore, #tpu.memory_space<semaphore_mem>> -> memref<1x!tpu.dma_semaphore, #tpu.memory_space<semaphore_mem>>
        %dma_start3A_460 = tpu.memref_squeeze %dma_start3A_459 : memref<1x!tpu.dma_semaphore, #tpu.memory_space<semaphore_mem>> -> memref<!tpu.dma_semaphore, #tpu.memory_space<semaphore_mem>>
        tpu.enqueue_indirect_dma source(%dma_start3A_458 : memref<100000x1024xf32, #tpu.memory_space<hbm>>) target(%dma_start3A_455 : memref<16x1024xf32, #tpu.memory_space<vmem>>) offsets(%get3A_449 : vector<16xi32>) semaphore(%dma_start3A_460 : memref<!tpu.dma_semaphore, #tpu.memory_space<semaphore_mem>>)
      } else {
      }
      %dma_wait3A_414 = arith.constant 1 : i32
      %dma_wait3A_415 = arith.constant 1 : i32
      %dma_wait3A_416 = arith.constant 0 : i32
      %dma_wait3A_417 = arith.constant 0 : i32
      %dma_wait3A_418 = tpu.memref_slice %arg10[%dma_wait3A_414, %dma_wait3A_416, %dma_wait3A_417] : memref<2x16x1024xf32, #tpu.memory_space<vmem>> -> memref<1x16x1024xf32, #tpu.memory_space<vmem>>
      %dma_wait3A_419 = tpu.memref_squeeze %dma_wait3A_418 : memref<1x16x1024xf32, #tpu.memory_space<vmem>> -> memref<16x1024xf32, #tpu.memory_space<vmem>>
      %dma_wait3A_420 = arith.constant 0 : i32
      %dma_wait3A_421 = arith.constant 0 : i32
      %dma_wait3A_422 = tpu.memref_slice %arg7[%dma_wait3A_420, %dma_wait3A_421] : memref<16384x1024xf32, #tpu.memory_space<hbm>> -> memref<16x1024xf32, #tpu.memory_space<hbm>>
      %dma_wait3A_423 = tpu.memref_slice %arg13[%dma_wait3A_415] : memref<2x!tpu.dma_semaphore, #tpu.memory_space<semaphore_mem>> -> memref<1x!tpu.dma_semaphore, #tpu.memory_space<semaphore_mem>>
      %dma_wait3A_424 = tpu.memref_squeeze %dma_wait3A_423 : memref<1x!tpu.dma_semaphore, #tpu.memory_space<semaphore_mem>> -> memref<!tpu.dma_semaphore, #tpu.memory_space<semaphore_mem>>
      %dma_wait3A_425 = arith.constant 0 : i32
      %dma_wait3A_426 = arith.constant 0 : i32
      %dma_wait3A_427 = tpu.memref_slice %arg10[%dma_wait3A_414, %dma_wait3A_425, %dma_wait3A_426] : memref<2x16x1024xf32, #tpu.memory_space<vmem>> -> memref<1x16x1024xf32, #tpu.memory_space<vmem>>
      %dma_wait3A_428 = tpu.memref_squeeze %dma_wait3A_427 : memref<1x16x1024xf32, #tpu.memory_space<vmem>> -> memref<16x1024xf32, #tpu.memory_space<vmem>>
      %dma_wait3A_429 = arith.constant 0 : i32
      %dma_wait3A_430 = arith.constant 0 : i32
      %dma_wait3A_431 = tpu.memref_slice %arg7[%dma_wait3A_429, %dma_wait3A_430] : memref<16384x1024xf32, #tpu.memory_space<hbm>> -> memref<16x1024xf32, #tpu.memory_space<hbm>>
      tpu.wait_dma2 semaphore(%dma_wait3A_424 : memref<!tpu.dma_semaphore, #tpu.memory_space<semaphore_mem>>) src(%dma_wait3A_431 : memref<16x1024xf32, #tpu.memory_space<hbm>>) dst(%dma_wait3A_428 : memref<16x1024xf32, #tpu.memory_space<vmem>>)
      %scan3A_432 = arith.constant 0 : i32
      %scan3A_433 = arith.constant 16 : i32
      %scan3A_434 = arith.addi %scan3A_432, %scan3A_433 : i32
      %scan3A_435 = arith.constant 1 : i32
      scf.for %scan3A_443 = %scan3A_432 to %scan3A_434 step %scan3A_435  : i32 {
        %mul3A_444 = arith.constant 1 : i32
        %mul3A_445 = arith.muli %scan3A_443, %mul3A_444 : i32
        %add3A_446 = arith.constant 0 : i32
        %add3A_447 = arith.addi %add3A_446, %mul3A_445 : i32
        %broadcast_in_dim3A = arith.constant 0.000000e+00 : f32
        %broadcast_in_dim3A_448 = vector.broadcast %broadcast_in_dim3A : f32 to vector<16xf32>
        %scan3A_449 = arith.constant 0 : i32
        %scan3A_450 = arith.constant 64 : i32
        %scan3A_451 = arith.addi %scan3A_449, %scan3A_450 : i32
        %scan3A_452 = arith.constant 4 : i32
        %scan3A_453:2 = scf.for %scan3A_614 = %scan3A_449 to %scan3A_451 step %scan3A_452 iter_args(%scan3A_615 = %broadcast_in_dim3A_448, %scan3A_616 = %broadcast_in_dim3A_448) -> (vector<16xf32>, vector<16xf32>)  : i32 {
          %mul3A_617 = arith.constant 16 : i32
          %mul3A_618 = arith.muli %scan3A_614, %mul3A_617 : i32
          %get3A_619 = arith.constant 1 : i32
          %get3A_620 = arith.index_cast %get3A_619 : i32 to index
          %get3A_621 = arith.index_cast %add3A_447 : i32 to index
          %get3A_622 = arith.index_cast %mul3A_618 : i32 to index
          %get3A_623 = tpu.vector_load %arg10[%get3A_620, %get3A_621, %get3A_622] {strides = array<i32>} : memref<2x16x1024xf32, #tpu.memory_space<vmem>>, vector<1x1x16xf32>,
          %get3A_624 = vector.shape_cast %get3A_623 : vector<1x1x16xf32> to vector<16xf32>
          %get3A_625 = arith.constant 1 : i32
          %get3A_626 = arith.index_cast %get3A_625 : i32 to index
          %get3A_627 = arith.index_cast %add3A_447 : i32 to index
          %get3A_628 = arith.index_cast %mul3A_618 : i32 to index
          %get3A_629 = tpu.vector_load %arg9[%get3A_626, %get3A_627, %get3A_628] {strides = array<i32>} : memref<2x16x1024xf32, #tpu.memory_space<vmem>>, vector<1x1x16xf32>,
          %get3A_630 = vector.shape_cast %get3A_629 : vector<1x1x16xf32> to vector<16xf32>
          %add3A_631 = arith.addf %get3A_624, %get3A_630 : vector<16xf32>
          %swap3A = arith.constant 1 : i32
          %swap3A_632 = arith.index_cast %swap3A : i32 to index
          %swap3A_633 = arith.index_cast %add3A_447 : i32 to index
          %swap3A_634 = arith.index_cast %mul3A_618 : i32 to index
          %swap3A_635 = tpu.vector_load %arg10[%swap3A_632, %swap3A_633, %swap3A_634] {strides = array<i32>} : memref<2x16x1024xf32, #tpu.memory_space<vmem>>, vector<1x1x16xf32>,
          %swap3A_636 = vector.shape_cast %swap3A_635 : vector<1x1x16xf32> to vector<16xf32>
          %swap3A_637 = vector.shape_cast %add3A_631 : vector<16xf32> to vector<1x1x16xf32>
          tpu.vector_store %arg10[%swap3A_632, %swap3A_633, %swap3A_634], %swap3A_637 {strides = array<i32>} : memref<2x16x1024xf32, #tpu.memory_space<vmem>>, vector<1x1x16xf32>,
          %add3A_638 = arith.addf %scan3A_615, %add3A_631 : vector<16xf32>
          %mul3A_639 = arith.mulf %add3A_631, %add3A_631 : vector<16xf32>
          %add3A_640 = arith.addf %scan3A_616, %mul3A_639 : vector<16xf32>
          %scan3A_641 = arith.constant 1 : i32
          %scan3A_642 = arith.addi %scan3A_614, %scan3A_641 : i32
          %mul3A_643 = arith.constant 16 : i32
          %mul3A_644 = arith.muli %scan3A_642, %mul3A_643 : i32
          %get3A_645 = arith.constant 1 : i32
          %get3A_646 = arith.index_cast %get3A_645 : i32 to index
          %get3A_647 = arith.index_cast %add3A_447 : i32 to index
          %get3A_648 = arith.index_cast %mul3A_644 : i32 to index
          %get3A_649 = tpu.vector_load %arg10[%get3A_646, %get3A_647, %get3A_648] {strides = array<i32>} : memref<2x16x1024xf32, #tpu.memory_space<vmem>>, vector<1x1x16xf32>,
          %get3A_650 = vector.shape_cast %get3A_649 : vector<1x1x16xf32> to vector<16xf32>
          %get3A_651 = arith.constant 1 : i32
          %get3A_652 = arith.index_cast %get3A_651 : i32 to index
          %get3A_653 = arith.index_cast %add3A_447 : i32 to index
          %get3A_654 = arith.index_cast %mul3A_644 : i32 to index
          %get3A_655 = tpu.vector_load %arg9[%get3A_652, %get3A_653, %get3A_654] {strides = array<i32>} : memref<2x16x1024xf32, #tpu.memory_space<vmem>>, vector<1x1x16xf32>,
          %get3A_656 = vector.shape_cast %get3A_655 : vector<1x1x16xf32> to vector<16xf32>
          %add3A_657 = arith.addf %get3A_650, %get3A_656 : vector<16xf32>
          %swap3A_658 = arith.constant 1 : i32
          %swap3A_659 = arith.index_cast %swap3A_658 : i32 to index
          %swap3A_660 = arith.index_cast %add3A_447 : i32 to index
          %swap3A_661 = arith.index_cast %mul3A_644 : i32 to index
          %swap3A_662 = tpu.vector_load %arg10[%swap3A_659, %swap3A_660, %swap3A_661] {strides = array<i32>} : memref<2x16x1024xf32, #tpu.memory_space<vmem>>, vector<1x1x16xf32>,
          %swap3A_663 = vector.shape_cast %swap3A_662 : vector<1x1x16xf32> to vector<16xf32>
          %swap3A_664 = vector.shape_cast %add3A_657 : vector<16xf32> to vector<1x1x16xf32>
          tpu.vector_store %arg10[%swap3A_659, %swap3A_660, %swap3A_661], %swap3A_664 {strides = array<i32>} : memref<2x16x1024xf32, #tpu.memory_space<vmem>>, vector<1x1x16xf32>,
          %add3A_665 = arith.addf %add3A_638, %add3A_657 : vector<16xf32>
          %mul3A_666 = arith.mulf %add3A_657, %add3A_657 : vector<16xf32>
          %add3A_667 = arith.addf %add3A_640, %mul3A_666 : vector<16xf32>
          %scan3A_668 = arith.constant 2 : i32
          %scan3A_669 = arith.addi %scan3A_614, %scan3A_668 : i32
          %mul3A_670 = arith.constant 16 : i32
          %mul3A_671 = arith.muli %scan3A_669, %mul3A_670 : i32
          %get3A_672 = arith.constant 1 : i32
          %get3A_673 = arith.index_cast %get3A_672 : i32 to index
          %get3A_674 = arith.index_cast %add3A_447 : i32 to index
          %get3A_675 = arith.index_cast %mul3A_671 : i32 to index
          %get3A_676 = tpu.vector_load %arg10[%get3A_673, %get3A_674, %get3A_675] {strides = array<i32>} : memref<2x16x1024xf32, #tpu.memory_space<vmem>>, vector<1x1x16xf32>,
          %get3A_677 = vector.shape_cast %get3A_676 : vector<1x1x16xf32> to vector<16xf32>
          %get3A_678 = arith.constant 1 : i32
          %get3A_679 = arith.index_cast %get3A_678 : i32 to index
          %get3A_680 = arith.index_cast %add3A_447 : i32 to index
          %get3A_681 = arith.index_cast %mul3A_671 : i32 to index
          %get3A_682 = tpu.vector_load %arg9[%get3A_679, %get3A_680, %get3A_681] {strides = array<i32>} : memref<2x16x1024xf32, #tpu.memory_space<vmem>>, vector<1x1x16xf32>,
          %get3A_683 = vector.shape_cast %get3A_682 : vector<1x1x16xf32> to vector<16xf32>
          %add3A_684 = arith.addf %get3A_677, %get3A_683 : vector<16xf32>
          %swap3A_685 = arith.constant 1 : i32
          %swap3A_686 = arith.index_cast %swap3A_685 : i32 to index
          %swap3A_687 = arith.index_cast %add3A_447 : i32 to index
          %swap3A_688 = arith.index_cast %mul3A_671 : i32 to index
          %swap3A_689 = tpu.vector_load %arg10[%swap3A_686, %swap3A_687, %swap3A_688] {strides = array<i32>} : memref<2x16x1024xf32, #tpu.memory_space<vmem>>, vector<1x1x16xf32>,
          %swap3A_690 = vector.shape_cast %swap3A_689 : vector<1x1x16xf32> to vector<16xf32>
          %swap3A_691 = vector.shape_cast %add3A_684 : vector<16xf32> to vector<1x1x16xf32>
          tpu.vector_store %arg10[%swap3A_686, %swap3A_687, %swap3A_688], %swap3A_691 {strides = array<i32>} : memref<2x16x1024xf32, #tpu.memory_space<vmem>>, vector<1x1x16xf32>,
          %add3A_692 = arith.addf %add3A_665, %add3A_684 : vector<16xf32>
          %mul3A_693 = arith.mulf %add3A_684, %add3A_684 : vector<16xf32>
          %add3A_694 = arith.addf %add3A_667, %mul3A_693 : vector<16xf32>
          %scan3A_695 = arith.constant 3 : i32
          %scan3A_696 = arith.addi %scan3A_614, %scan3A_695 : i32
          %mul3A_697 = arith.constant 16 : i32
          %mul3A_698 = arith.muli %scan3A_696, %mul3A_697 : i32
          %get3A_699 = arith.constant 1 : i32
          %get3A_700 = arith.index_cast %get3A_699 : i32 to index
          %get3A_701 = arith.index_cast %add3A_447 : i32 to index
          %get3A_702 = arith.index_cast %mul3A_698 : i32 to index
          %get3A_703 = tpu.vector_load %arg10[%get3A_700, %get3A_701, %get3A_702] {strides = array<i32>} : memref<2x16x1024xf32, #tpu.memory_space<vmem>>, vector<1x1x16xf32>,
          %get3A_704 = vector.shape_cast %get3A_703 : vector<1x1x16xf32> to vector<16xf32>
          %get3A_705 = arith.constant 1 : i32
          %get3A_706 = arith.index_cast %get3A_705 : i32 to index
          %get3A_707 = arith.index_cast %add3A_447 : i32 to index
          %get3A_708 = arith.index_cast %mul3A_698 : i32 to index
          %get3A_709 = tpu.vector_load %arg9[%get3A_706, %get3A_707, %get3A_708] {strides = array<i32>} : memref<2x16x1024xf32, #tpu.memory_space<vmem>>, vector<1x1x16xf32>,
          %get3A_710 = vector.shape_cast %get3A_709 : vector<1x1x16xf32> to vector<16xf32>
          %add3A_711 = arith.addf %get3A_704, %get3A_710 : vector<16xf32>
          %swap3A_712 = arith.constant 1 : i32
          %swap3A_713 = arith.index_cast %swap3A_712 : i32 to index
          %swap3A_714 = arith.index_cast %add3A_447 : i32 to index
          %swap3A_715 = arith.index_cast %mul3A_698 : i32 to index
          %swap3A_716 = tpu.vector_load %arg10[%swap3A_713, %swap3A_714, %swap3A_715] {strides = array<i32>} : memref<2x16x1024xf32, #tpu.memory_space<vmem>>, vector<1x1x16xf32>,
          %swap3A_717 = vector.shape_cast %swap3A_716 : vector<1x1x16xf32> to vector<16xf32>
          %swap3A_718 = vector.shape_cast %add3A_711 : vector<16xf32> to vector<1x1x16xf32>
          tpu.vector_store %arg10[%swap3A_713, %swap3A_714, %swap3A_715], %swap3A_718 {strides = array<i32>} : memref<2x16x1024xf32, #tpu.memory_space<vmem>>, vector<1x1x16xf32>,
          %add3A_719 = arith.addf %add3A_692, %add3A_711 : vector<16xf32>
          %mul3A_720 = arith.mulf %add3A_711, %add3A_711 : vector<16xf32>
          %add3A_721 = arith.addf %add3A_694, %mul3A_720 : vector<16xf32>
          scf.yield %add3A_719, %add3A_721 : vector<16xf32>, vector<16xf32>
        }
        %scan3A_454 = arith.constant 64 : i32
        %iota3A = tpu.iota {dimensions = array<i32: 0>} : vector<16xi32>
        %xor3A = arith.constant 8 : i32
        %xor3A_455 = vector.broadcast %xor3A : i32 to vector<16xi32>
        %xor3A_456 = arith.xori %iota3A, %xor3A_455 : vector<16xi32>
        %lt3A_457 = arith.constant 0 : i32
        %lt3A_458 = vector.broadcast %lt3A_457 : i32 to vector<16xi32>
        %lt3A_459 = arith.cmpi slt, %xor3A_456, %lt3A_458 : vector<16xi32>
        %add3A_460 = arith.constant 16 : i32
        %add3A_461 = vector.broadcast %add3A_460 : i32 to vector<16xi32>
        %add3A_462 = arith.addi %xor3A_456, %add3A_461 : vector<16xi32>
        %select_n3A = arith.select %lt3A_459, %add3A_462, %xor3A_456 : vector<16xi1>, vector<16xi32>
        %reshape3A = vector.shape_cast %select_n3A : vector<16xi32> to vector<16x1xi32>
        %gather3A = vector.shape_cast %reshape3A : vector<16x1xi32> to vector<16xi32>
        %gather3A_463 = tpu.dynamic_gather %scan3A_453#0[%gather3A] in [0] : vector<16xf32>, vector<16xi32> -> vector<16xf32>
        %add3A_464 = arith.addf %scan3A_453#0, %gather3A_463 : vector<16xf32>
        %xor3A_465 = arith.constant 4 : i32
        %xor3A_466 = vector.broadcast %xor3A_465 : i32 to vector<16xi32>
        %xor3A_467 = arith.xori %iota3A, %xor3A_466 : vector<16xi32>
        %lt3A_468 = arith.constant 0 : i32
        %lt3A_469 = vector.broadcast %lt3A_468 : i32 to vector<16xi32>
        %lt3A_470 = arith.cmpi slt, %xor3A_467, %lt3A_469 : vector<16xi32>
        %add3A_471 = arith.constant 16 : i32
        %add3A_472 = vector.broadcast %add3A_471 : i32 to vector<16xi32>
        %add3A_473 = arith.addi %xor3A_467, %add3A_472 : vector<16xi32>
        %select_n3A_474 = arith.select %lt3A_470, %add3A_473, %xor3A_467 : vector<16xi1>, vector<16xi32>
        %reshape3A_475 = vector.shape_cast %select_n3A_474 : vector<16xi32> to vector<16x1xi32>
        %gather3A_476 = vector.shape_cast %reshape3A_475 : vector<16x1xi32> to vector<16xi32>
        %gather3A_477 = tpu.dynamic_gather %add3A_464[%gather3A_476] in [0] : vector<16xf32>, vector<16xi32> -> vector<16xf32>
        %add3A_478 = arith.addf %add3A_464, %gather3A_477 : vector<16xf32>
        %xor3A_479 = arith.constant 2 : i32
        %xor3A_480 = vector.broadcast %xor3A_479 : i32 to vector<16xi32>
        %xor3A_481 = arith.xori %iota3A, %xor3A_480 : vector<16xi32>
        %lt3A_482 = arith.constant 0 : i32
        %lt3A_483 = vector.broadcast %lt3A_482 : i32 to vector<16xi32>
        %lt3A_484 = arith.cmpi slt, %xor3A_481, %lt3A_483 : vector<16xi32>
        %add3A_485 = arith.constant 16 : i32
        %add3A_486 = vector.broadcast %add3A_485 : i32 to vector<16xi32>
        %add3A_487 = arith.addi %xor3A_481, %add3A_486 : vector<16xi32>
        %select_n3A_488 = arith.select %lt3A_484, %add3A_487, %xor3A_481 : vector<16xi1>, vector<16xi32>
        %reshape3A_489 = vector.shape_cast %select_n3A_488 : vector<16xi32> to vector<16x1xi32>
        %gather3A_490 = vector.shape_cast %reshape3A_489 : vector<16x1xi32> to vector<16xi32>
        %gather3A_491 = tpu.dynamic_gather %add3A_478[%gather3A_490] in [0] : vector<16xf32>, vector<16xi32> -> vector<16xf32>
        %add3A_492 = arith.addf %add3A_478, %gather3A_491 : vector<16xf32>
        %xor3A_493 = arith.constant 1 : i32
        %xor3A_494 = vector.broadcast %xor3A_493 : i32 to vector<16xi32>
        %xor3A_495 = arith.xori %iota3A, %xor3A_494 : vector<16xi32>
        %lt3A_496 = arith.constant 0 : i32
        %lt3A_497 = vector.broadcast %lt3A_496 : i32 to vector<16xi32>
        %lt3A_498 = arith.cmpi slt, %xor3A_495, %lt3A_497 : vector<16xi32>
        %add3A_499 = arith.constant 16 : i32
        %add3A_500 = vector.broadcast %add3A_499 : i32 to vector<16xi32>
        %add3A_501 = arith.addi %xor3A_495, %add3A_500 : vector<16xi32>
        %select_n3A_502 = arith.select %lt3A_498, %add3A_501, %xor3A_495 : vector<16xi1>, vector<16xi32>
        %reshape3A_503 = vector.shape_cast %select_n3A_502 : vector<16xi32> to vector<16x1xi32>
        %gather3A_504 = vector.shape_cast %reshape3A_503 : vector<16x1xi32> to vector<16xi32>
        %gather3A_505 = tpu.dynamic_gather %add3A_492[%gather3A_504] in [0] : vector<16xf32>, vector<16xi32> -> vector<16xf32>
        %add3A_506 = arith.addf %add3A_492, %gather3A_505 : vector<16xf32>
        %mul3A_507 = arith.constant 9.765625E-4 : f32
        %mul3A_508 = vector.broadcast %mul3A_507 : f32 to vector<16xf32>
        %mul3A_509 = arith.mulf %add3A_506, %mul3A_508 : vector<16xf32>
        %iota3A_510 = tpu.iota {dimensions = array<i32: 0>} : vector<16xi32>
        %xor3A_511 = arith.constant 8 : i32
        %xor3A_512 = vector.broadcast %xor3A_511 : i32 to vector<16xi32>
        %xor3A_513 = arith.xori %iota3A_510, %xor3A_512 : vector<16xi32>
        %lt3A_514 = arith.constant 0 : i32
        %lt3A_515 = vector.broadcast %lt3A_514 : i32 to vector<16xi32>
        %lt3A_516 = arith.cmpi slt, %xor3A_513, %lt3A_515 : vector<16xi32>
        %add3A_517 = arith.constant 16 : i32
        %add3A_518 = vector.broadcast %add3A_517 : i32 to vector<16xi32>
        %add3A_519 = arith.addi %xor3A_513, %add3A_518 : vector<16xi32>
        %select_n3A_520 = arith.select %lt3A_516, %add3A_519, %xor3A_513 : vector<16xi1>, vector<16xi32>
        %reshape3A_521 = vector.shape_cast %select_n3A_520 : vector<16xi32> to vector<16x1xi32>
        %gather3A_522 = vector.shape_cast %reshape3A_521 : vector<16x1xi32> to vector<16xi32>
        %gather3A_523 = tpu.dynamic_gather %scan3A_453#1[%gather3A_522] in [0] : vector<16xf32>, vector<16xi32> -> vector<16xf32>
        %add3A_524 = arith.addf %scan3A_453#1, %gather3A_523 : vector<16xf32>
        %xor3A_525 = arith.constant 4 : i32
        %xor3A_526 = vector.broadcast %xor3A_525 : i32 to vector<16xi32>
        %xor3A_527 = arith.xori %iota3A_510, %xor3A_526 : vector<16xi32>
        %lt3A_528 = arith.constant 0 : i32
        %lt3A_529 = vector.broadcast %lt3A_528 : i32 to vector<16xi32>
        %lt3A_530 = arith.cmpi slt, %xor3A_527, %lt3A_529 : vector<16xi32>
        %add3A_531 = arith.constant 16 : i32
        %add3A_532 = vector.broadcast %add3A_531 : i32 to vector<16xi32>
        %add3A_533 = arith.addi %xor3A_527, %add3A_532 : vector<16xi32>
        %select_n3A_534 = arith.select %lt3A_530, %add3A_533, %xor3A_527 : vector<16xi1>, vector<16xi32>
        %reshape3A_535 = vector.shape_cast %select_n3A_534 : vector<16xi32> to vector<16x1xi32>
        %gather3A_536 = vector.shape_cast %reshape3A_535 : vector<16x1xi32> to vector<16xi32>
        %gather3A_537 = tpu.dynamic_gather %add3A_524[%gather3A_536] in [0] : vector<16xf32>, vector<16xi32> -> vector<16xf32>
        %add3A_538 = arith.addf %add3A_524, %gather3A_537 : vector<16xf32>
        %xor3A_539 = arith.constant 2 : i32
        %xor3A_540 = vector.broadcast %xor3A_539 : i32 to vector<16xi32>
        %xor3A_541 = arith.xori %iota3A_510, %xor3A_540 : vector<16xi32>
        %lt3A_542 = arith.constant 0 : i32
        %lt3A_543 = vector.broadcast %lt3A_542 : i32 to vector<16xi32>
        %lt3A_544 = arith.cmpi slt, %xor3A_541, %lt3A_543 : vector<16xi32>
        %add3A_545 = arith.constant 16 : i32
        %add3A_546 = vector.broadcast %add3A_545 : i32 to vector<16xi32>
        %add3A_547 = arith.addi %xor3A_541, %add3A_546 : vector<16xi32>
        %select_n3A_548 = arith.select %lt3A_544, %add3A_547, %xor3A_541 : vector<16xi1>, vector<16xi32>
        %reshape3A_549 = vector.shape_cast %select_n3A_548 : vector<16xi32> to vector<16x1xi32>
        %gather3A_550 = vector.shape_cast %reshape3A_549 : vector<16x1xi32> to vector<16xi32>
        %gather3A_551 = tpu.dynamic_gather %add3A_538[%gather3A_550] in [0] : vector<16xf32>, vector<16xi32> -> vector<16xf32>
        %add3A_552 = arith.addf %add3A_538, %gather3A_551 : vector<16xf32>
        %xor3A_553 = arith.constant 1 : i32
        %xor3A_554 = vector.broadcast %xor3A_553 : i32 to vector<16xi32>
        %xor3A_555 = arith.xori %iota3A_510, %xor3A_554 : vector<16xi32>
        %lt3A_556 = arith.constant 0 : i32
        %lt3A_557 = vector.broadcast %lt3A_556 : i32 to vector<16xi32>
        %lt3A_558 = arith.cmpi slt, %xor3A_555, %lt3A_557 : vector<16xi32>
        %add3A_559 = arith.constant 16 : i32
        %add3A_560 = vector.broadcast %add3A_559 : i32 to vector<16xi32>
        %add3A_561 = arith.addi %xor3A_555, %add3A_560 : vector<16xi32>
        %select_n3A_562 = arith.select %lt3A_558, %add3A_561, %xor3A_555 : vector<16xi1>, vector<16xi32>
        %reshape3A_563 = vector.shape_cast %select_n3A_562 : vector<16xi32> to vector<16x1xi32>
        %gather3A_564 = vector.shape_cast %reshape3A_563 : vector<16x1xi32> to vector<16xi32>
        %gather3A_565 = tpu.dynamic_gather %add3A_552[%gather3A_564] in [0] : vector<16xf32>, vector<16xi32> -> vector<16xf32>
        %add3A_566 = arith.addf %add3A_552, %gather3A_565 : vector<16xf32>
        %mul3A_567 = arith.constant 9.765625E-4 : f32
        %mul3A_568 = vector.broadcast %mul3A_567 : f32 to vector<16xf32>
        %mul3A_569 = arith.mulf %add3A_566, %mul3A_568 : vector<16xf32>
        %mul3A_570 = arith.mulf %mul3A_509, %mul3A_509 : vector<16xf32>
        %sub3A = arith.subf %mul3A_569, %mul3A_570 : vector<16xf32>
        %add3A_571 = arith.constant 9.99999996E-13 : f32
        %add3A_572 = vector.broadcast %add3A_571 : f32 to vector<16xf32>
        %add3A_573 = arith.addf %sub3A, %add3A_572 : vector<16xf32>
        %bitcast_convert_type3A = tpu.bitcast %add3A_573 : vector<16xf32> -> vector<16xi32>
        %shift_right_logical3A = arith.constant 1 : i32
        %shift_right_logical3A_574 = vector.broadcast %shift_right_logical3A : i32 to vector<16xi32>
        %shift_right_logical3A_575 = arith.shrui %bitcast_convert_type3A, %shift_right_logical3A_574 : vector<16xi32>
        %sub3A_576 = arith.constant 1597463007 : i32
        %sub3A_577 = vector.broadcast %sub3A_576 : i32 to vector<16xi32>
        %sub3A_578 = arith.subi %sub3A_577, %shift_right_logical3A_575 : vector<16xi32>
        %bitcast_convert_type3A_579 = tpu.bitcast %sub3A_578 : vector<16xi32> -> vector<16xf32>
        %mul3A_580 = arith.constant 5.000000e-01 : f32
        %mul3A_581 = vector.broadcast %mul3A_580 : f32 to vector<16xf32>
        %mul3A_582 = arith.mulf %mul3A_581, %add3A_573 : vector<16xf32>
        %mul3A_583 = arith.mulf %mul3A_582, %bitcast_convert_type3A_579 : vector<16xf32>
        %mul3A_584 = arith.mulf %mul3A_583, %bitcast_convert_type3A_579 : vector<16xf32>
        %sub3A_585 = arith.constant 1.500000e+00 : f32
        %sub3A_586 = vector.broadcast %sub3A_585 : f32 to vector<16xf32>
        %sub3A_587 = arith.subf %sub3A_586, %mul3A_584 : vector<16xf32>
        %mul3A_588 = arith.mulf %bitcast_convert_type3A_579, %sub3A_587 : vector<16xf32>
        %mul3A_589 = arith.constant 5.000000e-01 : f32
        %mul3A_590 = vector.broadcast %mul3A_589 : f32 to vector<16xf32>
        %mul3A_591 = arith.mulf %mul3A_590, %add3A_573 : vector<16xf32>
        %mul3A_592 = arith.mulf %mul3A_591, %mul3A_588 : vector<16xf32>
        %mul3A_593 = arith.mulf %mul3A_592, %mul3A_588 : vector<16xf32>
        %sub3A_594 = arith.constant 1.500000e+00 : f32
        %sub3A_595 = vector.broadcast %sub3A_594 : f32 to vector<16xf32>
        %sub3A_596 = arith.subf %sub3A_595, %mul3A_593 : vector<16xf32>
        %mul3A_597 = arith.mulf %mul3A_588, %sub3A_596 : vector<16xf32>
        %mul3A_598 = arith.constant 5.000000e-01 : f32
        %mul3A_599 = vector.broadcast %mul3A_598 : f32 to vector<16xf32>
        %mul3A_600 = arith.mulf %mul3A_599, %add3A_573 : vector<16xf32>
        %mul3A_601 = arith.mulf %mul3A_600, %mul3A_597 : vector<16xf32>
        %mul3A_602 = arith.mulf %mul3A_601, %mul3A_597 : vector<16xf32>
        %sub3A_603 = arith.constant 1.500000e+00 : f32
        %sub3A_604 = vector.broadcast %sub3A_603 : f32 to vector<16xf32>
        %sub3A_605 = arith.subf %sub3A_604, %mul3A_602 : vector<16xf32>
        %mul3A_606 = arith.mulf %mul3A_597, %sub3A_605 : vector<16xf32>
        %scan3A_607 = arith.constant 0 : i32
        %scan3A_608 = arith.constant 0 : i32
        %scan3A_609 = arith.constant 64 : i32
        %scan3A_610 = arith.addi %scan3A_608, %scan3A_609 : i32
        %scan3A_611 = arith.constant 4 : i32
        %scan3A_612 = scf.for %scan3A_614 = %scan3A_608 to %scan3A_610 step %scan3A_611 iter_args(%scan3A_615 = %scan3A_607) -> (i32)  : i32 {
          %mul3A_616 = arith.constant 16 : i32
          %mul3A_617 = arith.muli %scan3A_614, %mul3A_616 : i32
          %get3A_618 = arith.constant 1 : i32
          %get3A_619 = arith.index_cast %get3A_618 : i32 to index
          %get3A_620 = arith.index_cast %add3A_447 : i32 to index
          %get3A_621 = arith.index_cast %mul3A_617 : i32 to index
          %get3A_622 = tpu.vector_load %arg10[%get3A_619, %get3A_620, %get3A_621] {strides = array<i32>} : memref<2x16x1024xf32, #tpu.memory_space<vmem>>, vector<1x1x16xf32>,
          %get3A_623 = vector.shape_cast %get3A_622 : vector<1x1x16xf32> to vector<16xf32>
          %sub3A_624 = arith.subf %get3A_623, %mul3A_509 : vector<16xf32>
          %mul3A_625 = arith.mulf %sub3A_624, %mul3A_606 : vector<16xf32>
          %get3A_626 = arith.index_cast %mul3A_617 : i32 to index
          %get3A_627 = tpu.vector_load %arg11[%get3A_626] {strides = array<i32>} : memref<1024xf32, #tpu.memory_space<vmem>>, vector<16xf32>,
          %get3A_628 = vector.shape_cast %get3A_627 : vector<16xf32> to vector<16xf32>
          %mul3A_629 = arith.mulf %mul3A_625, %get3A_628 : vector<16xf32>
          %get3A_630 = arith.index_cast %mul3A_617 : i32 to index
          %get3A_631 = tpu.vector_load %arg12[%get3A_630] {strides = array<i32>} : memref<1024xf32, #tpu.memory_space<vmem>>, vector<16xf32>,
          %get3A_632 = vector.shape_cast %get3A_631 : vector<16xf32> to vector<16xf32>
          %add3A_633 = arith.addf %mul3A_629, %get3A_632 : vector<16xf32>
          %swap3A = arith.constant 1 : i32
          %swap3A_634 = arith.index_cast %swap3A : i32 to index
          %swap3A_635 = arith.index_cast %add3A_447 : i32 to index
          %swap3A_636 = arith.index_cast %mul3A_617 : i32 to index
          %swap3A_637 = tpu.vector_load %arg10[%swap3A_634, %swap3A_635, %swap3A_636] {strides = array<i32>} : memref<2x16x1024xf32, #tpu.memory_space<vmem>>, vector<1x1x16xf32>,
          %swap3A_638 = vector.shape_cast %swap3A_637 : vector<1x1x16xf32> to vector<16xf32>
          %swap3A_639 = vector.shape_cast %add3A_633 : vector<16xf32> to vector<1x1x16xf32>
          tpu.vector_store %arg10[%swap3A_634, %swap3A_635, %swap3A_636], %swap3A_639 {strides = array<i32>} : memref<2x16x1024xf32, #tpu.memory_space<vmem>>, vector<1x1x16xf32>,
          %scan3A_640 = arith.constant 0 : i32
          %scan3A_641 = arith.constant 1 : i32
          %scan3A_642 = arith.addi %scan3A_614, %scan3A_641 : i32
          %mul3A_643 = arith.constant 16 : i32
          %mul3A_644 = arith.muli %scan3A_642, %mul3A_643 : i32
          %get3A_645 = arith.constant 1 : i32
          %get3A_646 = arith.index_cast %get3A_645 : i32 to index
          %get3A_647 = arith.index_cast %add3A_447 : i32 to index
          %get3A_648 = arith.index_cast %mul3A_644 : i32 to index
          %get3A_649 = tpu.vector_load %arg10[%get3A_646, %get3A_647, %get3A_648] {strides = array<i32>} : memref<2x16x1024xf32, #tpu.memory_space<vmem>>, vector<1x1x16xf32>,
          %get3A_650 = vector.shape_cast %get3A_649 : vector<1x1x16xf32> to vector<16xf32>
          %sub3A_651 = arith.subf %get3A_650, %mul3A_509 : vector<16xf32>
          %mul3A_652 = arith.mulf %sub3A_651, %mul3A_606 : vector<16xf32>
          %get3A_653 = arith.index_cast %mul3A_644 : i32 to index
          %get3A_654 = tpu.vector_load %arg11[%get3A_653] {strides = array<i32>} : memref<1024xf32, #tpu.memory_space<vmem>>, vector<16xf32>,
          %get3A_655 = vector.shape_cast %get3A_654 : vector<16xf32> to vector<16xf32>
          %mul3A_656 = arith.mulf %mul3A_652, %get3A_655 : vector<16xf32>
          %get3A_657 = arith.index_cast %mul3A_644 : i32 to index
          %get3A_658 = tpu.vector_load %arg12[%get3A_657] {strides = array<i32>} : memref<1024xf32, #tpu.memory_space<vmem>>, vector<16xf32>,
          %get3A_659 = vector.shape_cast %get3A_658 : vector<16xf32> to vector<16xf32>
          %add3A_660 = arith.addf %mul3A_656, %get3A_659 : vector<16xf32>
          %swap3A_661 = arith.constant 1 : i32
          %swap3A_662 = arith.index_cast %swap3A_661 : i32 to index
          %swap3A_663 = arith.index_cast %add3A_447 : i32 to index
          %swap3A_664 = arith.index_cast %mul3A_644 : i32 to index
          %swap3A_665 = tpu.vector_load %arg10[%swap3A_662, %swap3A_663, %swap3A_664] {strides = array<i32>} : memref<2x16x1024xf32, #tpu.memory_space<vmem>>, vector<1x1x16xf32>,
          %swap3A_666 = vector.shape_cast %swap3A_665 : vector<1x1x16xf32> to vector<16xf32>
          %swap3A_667 = vector.shape_cast %add3A_660 : vector<16xf32> to vector<1x1x16xf32>
          tpu.vector_store %arg10[%swap3A_662, %swap3A_663, %swap3A_664], %swap3A_667 {strides = array<i32>} : memref<2x16x1024xf32, #tpu.memory_space<vmem>>, vector<1x1x16xf32>,
          %scan3A_668 = arith.constant 0 : i32
          %scan3A_669 = arith.constant 2 : i32
          %scan3A_670 = arith.addi %scan3A_614, %scan3A_669 : i32
          %mul3A_671 = arith.constant 16 : i32
          %mul3A_672 = arith.muli %scan3A_670, %mul3A_671 : i32
          %get3A_673 = arith.constant 1 : i32
          %get3A_674 = arith.index_cast %get3A_673 : i32 to index
          %get3A_675 = arith.index_cast %add3A_447 : i32 to index
          %get3A_676 = arith.index_cast %mul3A_672 : i32 to index
          %get3A_677 = tpu.vector_load %arg10[%get3A_674, %get3A_675, %get3A_676] {strides = array<i32>} : memref<2x16x1024xf32, #tpu.memory_space<vmem>>, vector<1x1x16xf32>,
          %get3A_678 = vector.shape_cast %get3A_677 : vector<1x1x16xf32> to vector<16xf32>
          %sub3A_679 = arith.subf %get3A_678, %mul3A_509 : vector<16xf32>
          %mul3A_680 = arith.mulf %sub3A_679, %mul3A_606 : vector<16xf32>
          %get3A_681 = arith.index_cast %mul3A_672 : i32 to index
          %get3A_682 = tpu.vector_load %arg11[%get3A_681] {strides = array<i32>} : memref<1024xf32, #tpu.memory_space<vmem>>, vector<16xf32>,
          %get3A_683 = vector.shape_cast %get3A_682 : vector<16xf32> to vector<16xf32>
          %mul3A_684 = arith.mulf %mul3A_680, %get3A_683 : vector<16xf32>
          %get3A_685 = arith.index_cast %mul3A_672 : i32 to index
          %get3A_686 = tpu.vector_load %arg12[%get3A_685] {strides = array<i32>} : memref<1024xf32, #tpu.memory_space<vmem>>, vector<16xf32>,
          %get3A_687 = vector.shape_cast %get3A_686 : vector<16xf32> to vector<16xf32>
          %add3A_688 = arith.addf %mul3A_684, %get3A_687 : vector<16xf32>
          %swap3A_689 = arith.constant 1 : i32
          %swap3A_690 = arith.index_cast %swap3A_689 : i32 to index
          %swap3A_691 = arith.index_cast %add3A_447 : i32 to index
          %swap3A_692 = arith.index_cast %mul3A_672 : i32 to index
          %swap3A_693 = tpu.vector_load %arg10[%swap3A_690, %swap3A_691, %swap3A_692] {strides = array<i32>} : memref<2x16x1024xf32, #tpu.memory_space<vmem>>, vector<1x1x16xf32>,
          %swap3A_694 = vector.shape_cast %swap3A_693 : vector<1x1x16xf32> to vector<16xf32>
          %swap3A_695 = vector.shape_cast %add3A_688 : vector<16xf32> to vector<1x1x16xf32>
          tpu.vector_store %arg10[%swap3A_690, %swap3A_691, %swap3A_692], %swap3A_695 {strides = array<i32>} : memref<2x16x1024xf32, #tpu.memory_space<vmem>>, vector<1x1x16xf32>,
          %scan3A_696 = arith.constant 0 : i32
          %scan3A_697 = arith.constant 3 : i32
          %scan3A_698 = arith.addi %scan3A_614, %scan3A_697 : i32
          %mul3A_699 = arith.constant 16 : i32
          %mul3A_700 = arith.muli %scan3A_698, %mul3A_699 : i32
          %get3A_701 = arith.constant 1 : i32
          %get3A_702 = arith.index_cast %get3A_701 : i32 to index
          %get3A_703 = arith.index_cast %add3A_447 : i32 to index
          %get3A_704 = arith.index_cast %mul3A_700 : i32 to index
          %get3A_705 = tpu.vector_load %arg10[%get3A_702, %get3A_703, %get3A_704] {strides = array<i32>} : memref<2x16x1024xf32, #tpu.memory_space<vmem>>, vector<1x1x16xf32>,
          %get3A_706 = vector.shape_cast %get3A_705 : vector<1x1x16xf32> to vector<16xf32>
          %sub3A_707 = arith.subf %get3A_706, %mul3A_509 : vector<16xf32>
          %mul3A_708 = arith.mulf %sub3A_707, %mul3A_606 : vector<16xf32>
          %get3A_709 = arith.index_cast %mul3A_700 : i32 to index
          %get3A_710 = tpu.vector_load %arg11[%get3A_709] {strides = array<i32>} : memref<1024xf32, #tpu.memory_space<vmem>>, vector<16xf32>,
          %get3A_711 = vector.shape_cast %get3A_710 : vector<16xf32> to vector<16xf32>
          %mul3A_712 = arith.mulf %mul3A_708, %get3A_711 : vector<16xf32>
          %get3A_713 = arith.index_cast %mul3A_700 : i32 to index
          %get3A_714 = tpu.vector_load %arg12[%get3A_713] {strides = array<i32>} : memref<1024xf32, #tpu.memory_space<vmem>>, vector<16xf32>,
          %get3A_715 = vector.shape_cast %get3A_714 : vector<16xf32> to vector<16xf32>
          %add3A_716 = arith.addf %mul3A_712, %get3A_715 : vector<16xf32>
          %swap3A_717 = arith.constant 1 : i32
          %swap3A_718 = arith.index_cast %swap3A_717 : i32 to index
          %swap3A_719 = arith.index_cast %add3A_447 : i32 to index
          %swap3A_720 = arith.index_cast %mul3A_700 : i32 to index
          %swap3A_721 = tpu.vector_load %arg10[%swap3A_718, %swap3A_719, %swap3A_720] {strides = array<i32>} : memref<2x16x1024xf32, #tpu.memory_space<vmem>>, vector<1x1x16xf32>,
          %swap3A_722 = vector.shape_cast %swap3A_721 : vector<1x1x16xf32> to vector<16xf32>
          %swap3A_723 = vector.shape_cast %add3A_716 : vector<16xf32> to vector<1x1x16xf32>
          tpu.vector_store %arg10[%swap3A_718, %swap3A_719, %swap3A_720], %swap3A_723 {strides = array<i32>} : memref<2x16x1024xf32, #tpu.memory_space<vmem>>, vector<1x1x16xf32>,
          %scan3A_724 = arith.constant 0 : i32
          scf.yield %scan3A_724 : i32
        }
        %scan3A_613 = arith.constant 64 : i32
      }
      %scan3A_436 = arith.constant 16 : i32
      %add3A_437 = arith.constant 12288 : i32
      %add3A_438 = arith.addi %add3A_437, %mul3A_2 : i32
      %mul3A_439 = arith.constant 16 : i32
      %mul3A_440 = arith.muli %add3A_244, %mul3A_439 : i32
      %add3A_441 = arith.addi %add3A_438, %mul3A_440 : i32
      %run_scoped3A_442 = arith.constant 1 : i32
      "tpu.region"() ({
        %run_scoped3A_443 = tpu.sem_alloc : memref<!tpu.dma_semaphore, #tpu.memory_space<semaphore_mem>>
        %dma_start3A_444 = arith.constant 0 : i32
        %dma_start3A_445 = arith.constant 0 : i32
        %dma_start3A_446 = tpu.memref_slice %arg10[%run_scoped3A_442, %dma_start3A_444, %dma_start3A_445] : memref<2x16x1024xf32, #tpu.memory_space<vmem>> -> memref<1x16x1024xf32, #tpu.memory_space<vmem>>
        %dma_start3A_447 = tpu.memref_squeeze %dma_start3A_446 : memref<1x16x1024xf32, #tpu.memory_space<vmem>> -> memref<16x1024xf32, #tpu.memory_space<vmem>>
        %dma_start3A_448 = arith.constant 0 : i32
        %dma_start3A_449 = tpu.memref_slice %arg7[%add3A_441, %dma_start3A_448] : memref<16384x1024xf32, #tpu.memory_space<hbm>> -> memref<16x1024xf32, #tpu.memory_space<hbm>>
        %dma_start3A_450 = arith.constant 0 : i32
        %dma_start3A_451 = tpu.memref_slice %arg7[%add3A_441, %dma_start3A_450] : memref<16384x1024xf32, #tpu.memory_space<hbm>> -> memref<16x1024xf32, #tpu.memory_space<hbm>>
        %dma_start3A_452 = arith.constant 0 : i32
        %dma_start3A_453 = arith.constant 0 : i32
        %dma_start3A_454 = tpu.memref_slice %arg10[%run_scoped3A_442, %dma_start3A_452, %dma_start3A_453] : memref<2x16x1024xf32, #tpu.memory_space<vmem>> -> memref<1x16x1024xf32, #tpu.memory_space<vmem>>
        %dma_start3A_455 = tpu.memref_squeeze %dma_start3A_454 : memref<1x16x1024xf32, #tpu.memory_space<vmem>> -> memref<16x1024xf32, #tpu.memory_space<vmem>>
        tpu.enqueue_dma source(%dma_start3A_455 : memref<16x1024xf32, #tpu.memory_space<vmem>>) target(%dma_start3A_451 : memref<16x1024xf32, #tpu.memory_space<hbm>>) target_semaphore(%run_scoped3A_443 : memref<!tpu.dma_semaphore, #tpu.memory_space<semaphore_mem>>)
        %dma_wait3A_456 = arith.constant 0 : i32
        %dma_wait3A_457 = arith.constant 0 : i32
        %dma_wait3A_458 = tpu.memref_slice %arg10[%run_scoped3A_442, %dma_wait3A_456, %dma_wait3A_457] : memref<2x16x1024xf32, #tpu.memory_space<vmem>> -> memref<1x16x1024xf32, #tpu.memory_space<vmem>>
        %dma_wait3A_459 = tpu.memref_squeeze %dma_wait3A_458 : memref<1x16x1024xf32, #tpu.memory_space<vmem>> -> memref<16x1024xf32, #tpu.memory_space<vmem>>
        %dma_wait3A_460 = arith.constant 0 : i32
        %dma_wait3A_461 = tpu.memref_slice %arg7[%add3A_441, %dma_wait3A_460] : memref<16384x1024xf32, #tpu.memory_space<hbm>> -> memref<16x1024xf32, #tpu.memory_space<hbm>>
        %dma_wait3A_462 = arith.constant 0 : i32
        %dma_wait3A_463 = tpu.memref_slice %arg7[%add3A_441, %dma_wait3A_462] : memref<16384x1024xf32, #tpu.memory_space<hbm>> -> memref<16x1024xf32, #tpu.memory_space<hbm>>
        %dma_wait3A_464 = arith.constant 0 : i32
        %dma_wait3A_465 = arith.constant 0 : i32
        %dma_wait3A_466 = tpu.memref_slice %arg10[%run_scoped3A_442, %dma_wait3A_464, %dma_wait3A_465] : memref<2x16x1024xf32, #tpu.memory_space<vmem>> -> memref<1x16x1024xf32, #tpu.memory_space<vmem>>
        %dma_wait3A_467 = tpu.memref_squeeze %dma_wait3A_466 : memref<1x16x1024xf32, #tpu.memory_space<vmem>> -> memref<16x1024xf32, #tpu.memory_space<vmem>>
        tpu.wait_dma2 semaphore(%run_scoped3A_443 : memref<!tpu.dma_semaphore, #tpu.memory_space<semaphore_mem>>) src(%dma_wait3A_467 : memref<16x1024xf32, #tpu.memory_space<vmem>>) dst(%dma_wait3A_463 : memref<16x1024xf32, #tpu.memory_space<hbm>>)
        tpu.yield
      }) : () -> ()
    }
    %scan3A_42 = arith.constant 4 : i32
    return
  }
}

</mosaic_0001>

<sc_bundles>
// kernel: _emb.3.cloned.1.call-start
scs
__scs_entry_jumppad:
0x0: {  	(pc) =	sbr.rel $0x88, $3  }
0x1: {  	(tag) =	ssettag $0x0;
	lr =	simm.s32 $0x1  }
0x2: {  	[smem:$0x3F9C] =	sst lr;
	_ =	strace $0xD0000000  }
0x3: {  	_ = 	snop  }
0x4: {  	_ = 	snop  }
0x5: {  	_ = 	snop  }
0x6: {  	_ = 	snop  }
0x7: {  	_ = 	snop  }
__scs_overlays_trampoline_lowered:
0x8: {  	[smem:$0x3FAB] =	sst s0  }
0x9: {  	[smem:$0x3FAC] =	sst s1  }
0xa: {  	[smem:$0x3FAD] =	sst s2  }
0xb: {  	[smem:$0x3FAE] =	sst s3  }
0xc: {  	[smem:$0x3FAF] =	sst s4  }
0xd: {  	[smem:$0x3FB0] =	sst s5  }
0xe: {  	[smem:$0x3FB1] =	sst s6  }
0xf: {  	[smem:$0x3FB2] =	sst s7  }
0x10: {  	[smem:$0x3FB3] =	sst s8  }
0x11: {  	[smem:$0x3FB4] =	sst s9;
	s0 =	simm.s32 @!p0 $0x0  }
0x12: {  	s1 =	sld [smem:$0x3F9A];
	s0 =	simm.s32 @p0 $0x1  }
0x13: {  	[smem:$0x3FB5] =	sst s0;
	s0 =	simm.s32 @!p1 $0x0  }
0x14: {  	s2 =	sld [smem:$0x3F99];
	s0 =	simm.s32 @p1 $0x1  }
0x15: {  	[smem:$0x3FB6] =	sst s0;
	s0 =	simm.s32 @!p2 $0x0  }
0x16: {  	s3 =	sld [smem:$0x3FDB];
	s0 =	simm.s32 @p2 $0x1  }
0x17: {  	s4 =	simm.s32 $0x1BF5;
	[smem:$0x3FB8] =	sst s0  }
0x18: {  	s0 =	sld [smem:$0x3F9B];
	_ =	swait.ge [sflag:s4], $0x0  }
0x19: {  	s7 =	sld [smem:$0x3F9C]  }
0x1a: {  	s8 =	sadd.s32 $0xFFFFE003, lr  }
0x1b: {  	s9 =	sadd.s32 $0xFFFFFEF7, lr;
	s5 =	simm.s32 $0xFFFFFFFF;
	p2 =	slt.u32 s8, $0xFFFFF086  }
0x1c: {  	p1 =	slt.u32 s9, $0xF7A;
	s5 =	simm.s32 @!p2 $0x0  }
0x1d: {  	s5 =	simm.s32 @p1 $0x1;
	p0 =	seq.s32 s7, s2  }
0x1e: {  	s7 =	smul.u32 @!p0 $0xF7A, s2;
	p2 =	seq.s32 @!p0 s5, $0x0  }
0x1f: {  	s9 =	smul.u32 $0xF7A, s1;
	s8 =	simm.s32 @!p0 $0x1BF5;
	p2 =	por !p2, p0  }
0x20: {  	[sflag:s8] =	ssyncset.s32 @!p0 $0xFFFFF086;
	s6 =	sadd.s32 @!p0 s3, s7;
	s7 =	simm.s32 @!p0 $0x108  }
0x21: {  	s3 =	sadd.s32 s3, s9;
	s6 =	sadd.s32 @!p0 $0x88, s6;
	s7 =	simm.s32 @p2 $0x1082  }
0x22: {  	[simem:s7], [sflag:s8] =	dma.local @!p0 [hbm:s6], $0xF7A  }
0x23: {  	s9 =	sor.u32 $0xD0000000, s2;
	s6 =	simm.s32 $0x108;
	_ =	swait.ge @!p0 [sflag:s8], $0x0  }
0x24: {  	s3 =	sadd.s32 $0x88, s3;
	s6 =	simm.s32 @!p1 $0x1082;
	[sflag:s4] =	ssyncset.s32 $0xFFFFF086  }
0x25: {  	[simem:s6], [sflag:s4] =	dma.local [hbm:s3], $0xF7A  }
0x26: {  	[smem:$0x3F9C] =	sst s1;
	(tag) =	ssettag s2;
	_ =	strace s9  }
0x27: {  	s1 =	sld [smem:$0x3FAC]  }
0x28: {  	s2 =	sld [smem:$0x3FAD]  }
0x29: {  	s4 =	sld [smem:$0x3FAF]  }
0x2a: {  	p0 =	seq.s32 s5, $0x0;
	s5 =	sld [smem:$0x3FB0]  }
0x2b: {  	s6 =	sld [smem:$0x3FB1]  }
0x2c: {  	s7 =	sld [smem:$0x3FB2]  }
0x2d: {  	s3 =	simm.s32 $0x108;
	s8 =	sld [smem:$0x3FB3]  }
0x2e: {  	s3 =	simm.s32 @!p0 $0x1082;
	s9 =	sld [smem:$0x3FB4]  }
0x2f: {  	lr =	sadd.s32 s0, s3;
	s0 =	sld [smem:$0x3FAB]  }
0x30: {  	s3 =	sld [smem:$0x3FAE]  }
0x31: {  	[smem:$0x3FB7] =	sst s10  }
0x32: {  	s10 =	sld [smem:$0x3FB5];
	_ =	sdelay $0x3  }
0x33: {  	p0 =	seq.s32 s10, $0x1;
	s10 =	sld [smem:$0x3FB7];
	_ =	sdelay $0x3  }
0x34: {  	[smem:$0x3FB7] =	sst s10  }
0x35: {  	s10 =	sld [smem:$0x3FB6];
	_ =	sdelay $0x3  }
0x36: {  	p1 =	seq.s32 s10, $0x1;
	s10 =	sld [smem:$0x3FB7];
	_ =	sdelay $0x3  }
0x37: {  	[smem:$0x3FB7] =	sst s10  }
0x38: {  	s10 =	sld [smem:$0x3FB8]  }
0x39: {  	_ = 	snop;
	(pc) =	sbr.ind lr, $3  }
0x3a: {  	_ = 	snop  }
0x3b: {  	_ = 	snop  }
0x3c: {  	p2 =	seq.s32 s10, $0x1;
	s10 =	sld [smem:$0x3FB7]  }
0x3d: {  	_ =	shalt  }
0x3e: {  	_ =	shalt  }
0x3f: {  	_ =	shalt  }
0x40: {  	_ =	shalt  }
0x41: {  	_ =	shalt  }
0x42: {  	_ =	shalt  }
0x43: {  	_ =	shalt  }
0x44: {  	_ =	shalt  }
0x45: {  	_ =	shalt  }
0x46: {  	_ =	shalt  }
0x47: {  	_ =	shalt  }
0x48: {  	_ =	shalt  }
0x49: {  	_ =	shalt  }
0x4a: {  	_ =	shalt  }
0x4b: {  	_ =	shalt  }
0x4c: {  	_ =	shalt  }
0x4d: {  	_ =	shalt  }
0x4e: {  	_ =	shalt  }
0x4f: {  	_ =	shalt  }
0x50: {  	_ =	shalt  }
0x51: {  	_ =	shalt  }
0x52: {  	_ =	shalt  }
0x53: {  	_ =	shalt  }
0x54: {  	_ =	shalt  }
0x55: {  	_ =	shalt  }
0x56: {  	_ =	shalt  }
0x57: {  	_ =	shalt  }
0x58: {  	_ =	shalt  }
0x59: {  	_ =	shalt  }
0x5a: {  	_ =	shalt  }
0x5b: {  	_ =	shalt  }
0x5c: {  	_ =	shalt  }
0x5d: {  	_ =	shalt  }
0x5e: {  	_ =	shalt  }
0x5f: {  	_ =	shalt  }
0x60: {  	_ =	shalt  }
0x61: {  	_ =	shalt  }
0x62: {  	_ =	shalt  }
0x63: {  	_ =	shalt  }
0x64: {  	_ =	shalt  }
0x65: {  	_ =	shalt  }
0x66: {  	_ =	shalt  }
0x67: {  	_ =	shalt  }
0x68: {  	_ =	shalt  }
0x69: {  	_ =	shalt  }
0x6a: {  	_ =	shalt  }
0x6b: {  	_ =	shalt  }
0x6c: {  	_ =	shalt  }
0x6d: {  	_ =	shalt  }
0x6e: {  	_ =	shalt  }
0x6f: {  	_ =	shalt  }
0x70: {  	_ =	shalt  }
0x71: {  	_ =	shalt  }
0x72: {  	_ =	shalt  }
0x73: {  	_ =	shalt  }
0x74: {  	_ =	shalt  }
0x75: {  	_ =	shalt  }
0x76: {  	_ =	shalt  }
0x77: {  	_ =	shalt  }
0x78: {  	_ =	shalt  }
0x79: {  	_ =	shalt  }
0x7a: {  	_ =	shalt  }
0x7b: {  	_ =	shalt  }
0x7c: {  	_ =	shalt  }
0x7d: {  	_ =	shalt  }
0x7e: {  	_ =	shalt  }
0x7f: {  	_ =	shalt  }
0x80: {  	_ =	shalt  }
0x81: {  	_ =	shalt  }
0x82: {  	_ =	shalt  }
0x83: {  	_ =	shalt  }
0x84: {  	_ =	shalt  }
0x85: {  	_ =	shalt  }
0x86: {  	_ =	shalt  }
0x87: {  	_ =	shalt  }
.Lfunc_end0:
.L_simem_size_0:
called_computation_lowered:
.L_overlay_start_0:
0x88: {  	s2 =	sld [smem:$0x3FD9]  }
0x89: {  	s3 =	sld [smem:$0x3FFE];
	_ =	sdelay $0x1  }
0x8a: {  	s1 =	srdreg.scid  }
0x8b: {  	s0 =	sand.u32 $0x1, s1  }
0x8c: {  	s18 =	sshll.u32 s0, $0xA;
	s2 =	sadd.s32 s3, s2  }
0x8d: {  	s2 =	sadd.s32 s2, s18  }
0x8e: {  	[smem:$0x3FC3] =	sst s2  }
0x8f: {  	_ = 	snop  }
0x90: {  	s2 =	sld [smem:$0x3FC9]  }
0x91: {  	s19 =	sld [smem:$0x3FC8]  }
0x92: {  	s4 =	sld [smem:$0x3FC7]  }
0x93: {  	s5 =	sld [smem:$0x3FC6]  }
0x94: {  	s6 =	sld [smem:$0x3FC5]  }
0x95: {  	s7 =	sld [smem:$0x3FD0];
	(tm) =	ssettm $0x1  }
0x96: {  	s8 =	sld [smem:$0x3FFB];
	_ =	sdelay $0x3  }
0x97: {  	_ =	strace s8  }
0x98: {  	s8 =	sld [smem:$0x3FFC];
	_ =	sdelay $0x3  }
0x99: {  	_ =	strace s8  }
0x9a: {  	s8 =	sld [smem:$0x3FFD];
	_ =	sdelay $0x3  }
0x9b: {  	_ =	strace s8  }
0x9c: {  	_ =	strace $0x8FFFFFFF  }
0x9d: {  	s20 =	sld [smem:$0x3FDB];
	_ =	sdelay $0x1  }
0x9e: {  	s9 =	simm.s32 $_scs_section_size  }
0x9f: {  	s10 =	simm.s32 $_size__tile_overlayer_lowered;
	s11 =	simm.s32 $_tile_overlayer_lowered  }
0xa0: {  	s23 =	simm.s32 $0x1BFF;
	s22 =	sshll.u32 s11, $0x1;
	s8 =	sadd.s32 s9, s20  }
0xa1: {  	s12 =	simm.s32 $0x0;
	s21 =	sshll.u32 s10, $0x1;
	s10 =	sadd.s32 s22, s8  }
0xa2: {  	[timem:s12], [sflag:s23] =	dma.local [hbm:s10], s21  }
0xa3: {  	_ =	swait.ge [sflag:s23], s21  }
0xa4: {  	s9 =	ssub.s32 $0x0, s21;
	[sflag:s23] =	ssyncset.done $0x0  }
0xa5: {  	[sflag:s23] =	ssyncadd.s32 s9;
	_ =	sdelay $0x1  }
0xa6: {  	s24 =	simm.s32 $0x1B8B  }
0xa7: {  	_ =	swait.ge [sflag:s24], $0x1  }
0xa8: {  	[sflag:s24] =	ssyncset.done $0x0  }
0xa9: {  	s25 =	simm.s32 $0x1B8E;
	[sflag:s24] =	ssyncadd.s32 $0xFFFFFFFF  }
0xaa: {  	s26 =	simm.s32 $execute0_lowered;
	[smem:$0x3FD2] =	sst s25  }
0xab: {  	s9 =	sshll.u32 s26, $0x1;
	_ =	strace $0x80000046;
	[dreg:$0x1] =	wrdreg $0xFFFFFFFF  }
0xac: {  	s28 =	simm.s32 $_size_execute0_lowered;
	s8 =	sadd.s32 s8, s9;
	[dreg:$0x0] =	wrdreg $0x0  }
0xad: {  	s9 =	sshll.u32 s28, $0x1;
	[dreg:$0x2] =	wrdreg s8  }
0xae: {  	[dreg:$0x3] =	wrdreg s9  }
0xaf: {  	[dreg:$0x4] =	wrdreg $0xC0  }
0xb0: {  	_ =	task [dreg:s12], $0x5FFFF  }
0xb1: {  	[dreg:$0x1] =	wrdreg $0xFFFFFFFF  }
0xb2: {  	[dreg:$0x0] =	wrdreg $0x60  }
0xb3: {  	[dreg:$0x2] =	wrdreg s2  }
0xb4: {  	[dreg:$0x3] =	wrdreg s19  }
0xb5: {  	[dreg:$0x4] =	wrdreg s4  }
0xb6: {  	[dreg:$0x5] =	wrdreg s5  }
0xb7: {  	[dreg:$0x6] =	wrdreg s6  }
0xb8: {  	[dreg:$0x7] =	wrdreg s7  }
0xb9: {  	[dreg:$0x8] =	wrdreg $0x9  }
0xba: {  	_ =	task.clear_ibuf [dreg:s12], $0x9FFFF;
	_ =	strace $0x90000046  }
0xbb: {  	s29 =	simm.s32 $0x9;
	_ =	strace $0x80000048  }
0xbc: {  	_ =	swait.ge [sflag:s29], $0x1  }
0xbd: {  	[sflag:s29] =	ssyncadd.s32 $0xFFFFFFFF  }
0xbe: {  	_ =	strace $0x90000048  }
0xbf: {  	_ =	sfence  }
0xc0: {  	s30 =	sld [smem:$0x0];
	_ =	sdelay $0x2  }
0xc1: {  	s31 =	sshll.u32 s1, $0xD;
	s1 =	sshrl.u32 s1, $0x2  }
0xc2: {  	s3 =	sand.u32 $0x4000, s31;
	s1 =	sadd.s32 s1, s30  }
0xc3: {  	s0 =	sor.u32 s3, s0;
	s1 =	sshll.u32 s1, $0x11  }
0xc4: {  	s0 =	sor.u32 s1, s0  }
0xc5: {  	s0 =	sadd.s32 $0x8F2B, s0  }
0xc6: {  	[sflag:s0] =	ssyncadd.remote.s32 $0x1  }
0xc7: {  	_ =	sfence.sel $0xFFFF  }
0xc8: {  	[dreg:$0x0] =	wrdreg $0xFFFFFFFF;
	(pc) =	sbr.abs _section_cstart, $3  }
0xc9: {  	[dreg:$0x1] =	wrdreg $0xFFFFFFFF  }
0xca: {  	_ =	task.clear_ibuf [dreg:s12], $0x2FFFF;
	_ =	strace $0x9FFFFFFF  }
0xcb: {  	(tm) =	ssettm $0x7FFFFFFF  }
tec
execute0_lowered:
.L_overlay_start_1:
0x0: {  	(tag) =	ssettag $0x1  }
0x1: {  	s1 =	rddreg [dreg:$0x0]  }
0x2: {  	s0 =	rddreg [dreg:$0x1]  }
0x3: {  	s7 =	rddreg [dreg:$0x2]  }
0x4: {  	s2 =	srdreg.scid;
	s6 =	rddreg [dreg:$0x5]  }
0x5: {  	s3 =	stileid.u32;
	s5 =	simm.s32 $0x0;
	s29 =	simm.s32 $0x8200  }
0x6: {  	v0 =	vimm.s32 $0xBA98FEDC;
	s28 =	simm.s32 $0xC200;
	s15 =	simm.s32 $0xEA00;
	s19 =	simm.s32 $0xF200  }
0x7: {  	v1 =	vimm.s32 $0x76543210;
	v2 =	vimm.s32 $0xFEDCBA98;
	s2 =	sand.u32 $0x1, s2;
	s3 =	sshll.u32 s3, $0x8;
	[smem:$0x7FF] =	sst s5  }
0x8: {  	v3 =	vimm.s32 $0x32107654;
	v4 =	vimm.s32 $0xDCFE98BA;
	s16 =	sadd.s32 $0x100, s0;
	s17 =	sadd.s32 $0x200, s0;
	s4 =	sshll.u32 s2, $0x7  }
0x9: {  	v5 =	vimm.s32 $0x54761032;
	v6 =	vimm.s32 $0xEFCDAB89;
	s18 =	sadd.s32 $0x300, s0;
	s2 =	ssub.s32 $0x2, s2;
	s8 =	sor.u32 s4, s3  }
0xa: {  	v7 =	vimm.s32 $0x67452301;
	_ =	strace $0x80000047;
	s20 =	sshrl.u32 s2, $0x1;
	s22 =	sor.u32 $0x1000, s8  }
0xb: {  	vm0 =	vmmov $0xffff;
	v0 =	vunpack.c.l.s4.s8 v0;
	v3 =	vunpack.c.l.s4.s8 v3;
	s4 =	sshrl.u32 s8, $0x3;
	s23 =	sor.u32 $0x2000, s8;
	[dreg:$0x8] =	wrdreg s22  }
0xc: {  	v1 =	vunpack.c.l.s4.s8 v1;
	v4 =	vunpack.c.l.s4.s8 v4;
	v5 =	vunpack.c.l.s4.s8 v5;
	s2 =	ssub.s32 s2, s20;
	s24 =	sor.u32 $0x3000, s8;
	[dreg:$0x9] =	wrdreg s23  }
0xd: {  	v2 =	vunpack.c.l.s4.s8 v2;
	v0 =	vunpack.c.0.s8.s32 v0;
	v3 =	vunpack.c.0.s8.s32 v3;
	s26 =	sshll.u32 s8, $0x7;
	s30 =	sor.u32 $0x20, s8;
	[dreg:$0xa] =	wrdreg s24  }
0xe: {  	v6 =	vunpack.c.l.s4.s8 v6;
	v7 =	vunpack.c.l.s4.s8 v7;
	v4 =	vunpack.c.0.s8.s32 v4;
	s21 =	sadd.s32 s1, s4;
	s3 =	sshrl.u32 s22, $0x3;
	[dreg:$0xf] =	wrdreg s30  }
0xf: {  	v5 =	vunpack.c.0.s8.s32 v5;
	v2 =	vunpack.c.0.s8.s32 v2;
	s4 =	sshrl.u32 s23, $0x3;
	s31 =	smax.u32 s2, $0x1;
	v8 =	vcombine.low v3, v0;
	[dreg:$0x7] =	wrdreg s21  }
0x10: {  	s5 =	sshrl.u32 s24, $0x3;
	v0 =	vunpack.c.0.s8.s32 v6;
	v3 =	vunpack.c.0.s8.s32 v7;
	v6 =	vlaneseq.u32;
	s3 =	sadd.s32 s1, s3;
	[dreg:$0x10] =	wrdreg s31  }
0x11: {  	s23 =	simm.s32 $0x5;
	v5 =	vcombine.low v5, v4;
	v7 =	vunpack.c.0.s8.s32 v1;
	s25 =	sadd.s32 s1, s4;
	v4 =	vshrl.u32 v6, $0x3;
	[dreg:$0xb] =	wrdreg s3  }
0x12: {  	s1 =	sadd.s32 s1, s5;
	s21 =	simm.s32 $0xFA00;
	[dreg:$0xc] =	wrdreg s25;
	v9 =	vcombine.low v3, v0;
	v0 =	vand.u32 $0x7, v6;
	v1 =	vmul.u32 $0x8, v4  }
0x13: {  	[dreg:$0xd] =	wrdreg s1;
	s1 =	sadd.s32 s7, s26;
	v3 =	vand.u32 $0xF, v2;
	v2 =	vor.u32 $0x8, v6;
	s26 =	simm.s32 $0x1;
	v4 =	vand.u32 $0xF, v8  }
0x14: {  	v5 =	vand.u32 $0xF, v5;
	s3 =	simm.s32 $0x0;
	[dreg:$0xe] =	wrdreg s1;
	v3 =	vcombine.low v3, v7;
	s1 =	simm.s32 $0x2;
	v6 =	vand.u32 $0xF, v9  }
.LBB2_1:
0x15: {  	[dreg:$0x11] =	wrdreg s3  }
0x16: {  	s2 =	rddreg [dreg:$0x3];
	s3 =	simm.s32 $0x0;
	s4 =	simm.s32 $0x10200  }
0x17: {  	[tilespmem:s4], [sflag:$0x5] =	stream.linear.gather [hbm4b:s2+s3], $0x400, $0x38;
	[tilespmem:$0x10A00] =	vst v63  }
0x18: {  	_ =	swait.ge [sflag:s23], $0x400  }
0x19: {  	[sflag:s23] =	ssyncset.done $0x0  }
0x1a: {  	[sflag:s23] =	ssyncadd.s32 $0xFFFFFC00  }
0x1b: {  	s30 =	simm.s32 $0x10600;
	s25 =	rddreg [dreg:$0x4]  }
0x1c: {  	[tilespmem:s30], [sflag:$0x5] =	stream.linear.gather [hbm4b:s25+s3], $0x400, $0x38;
	[tilespmem:$0x10A00] =	vst v63  }
0x1d: {  	_ =	swait.ge [sflag:s23], $0x400  }
0x1e: {  	[sflag:s23] =	ssyncset.done $0x0  }
0x1f: {  	s31 =	rddreg [dreg:$0x7];
	[sflag:s23] =	ssyncadd.s32 $0xFFFFFC00  }
0x20: {  	[tilespmem:s3], [sflag:$0x5] =	stream.linear.gather [hbm4b:s31+s3], $0x80, $0x38;
	[tilespmem:$0x10A00] =	vst v63  }
0x21: {  	_ =	swait.ge [sflag:s23], $0x80  }
0x22: {  	[sflag:s23] =	ssyncset.done $0x0  }
0x23: {  	s5 =	simm.s32 $0x80;
	s4 =	rddreg [dreg:$0xb];
	[sflag:s23] =	ssyncadd.s32 $0xFFFFFF80  }
0x24: {  	[tilespmem:s5], [sflag:$0x5] =	stream.linear.gather [hbm4b:s4+s3], $0x80, $0x38;
	[tilespmem:$0x10A00] =	vst v63  }
0x25: {  	_ =	swait.ge [sflag:s23], $0x80  }
0x26: {  	[sflag:s23] =	ssyncset.done $0x0  }
0x27: {  	s9 =	simm.s32 $0x100;
	s7 =	rddreg [dreg:$0xc];
	[sflag:s23] =	ssyncadd.s32 $0xFFFFFF80  }
0x28: {  	[tilespmem:s9], [sflag:$0x5] =	stream.linear.gather [hbm4b:s7+s3], $0x80, $0x38;
	[tilespmem:$0x10A00] =	vst v63  }
0x29: {  	_ =	swait.ge [sflag:s23], $0x80  }
0x2a: {  	[sflag:s23] =	ssyncset.done $0x0  }
0x2b: {  	s11 =	simm.s32 $0x180;
	s10 =	rddreg [dreg:$0xd];
	[sflag:s23] =	ssyncadd.s32 $0xFFFFFF80  }
0x2c: {  	[tilespmem:s11], [sflag:$0x5] =	stream.linear.gather [hbm4b:s10+s3], $0x80, $0x38;
	[tilespmem:$0x10A00] =	vst v63  }
0x2d: {  	_ =	swait.ge [sflag:s23], $0x80  }
0x2e: {  	[sflag:s23] =	ssyncset.done $0x0  }
0x2f: {  	[sflag:s23] =	ssyncadd.s32 $0xFFFFFF80  }
0x30: {  	v7 =	vld [tilespmem:$0x0];
	_ =	sdelay $0x4  }
0x31: {  	v8 =	vshll.u32 v7, $0x3  }
0x32: {  	v7 =	vand.u32 $0x7, v7;
	v8 =	vand.u32 $0xFFFFFFC0, v8  }
0x33: {  	v7 =	vor.u32 v7, v8  }
0x34: {  	v8 =	vperm.xlane v7, v0;
	_ =	sdelay $0x1  }
0x35: {  	v8 =	vadd.s32 v1, v8;
	_ =	sdelay $0x4  }
0x36: {  	[tilespmem:s29], [sflag:$0x1] =	stream.indirect_vreg.gather [hbm4b:s0+s3], $0x80, v8, vm0, $0xb8;
	[tilespmem:$0x10A00] =	vst v63  }
0x37: {  	s12 =	simm.s32 $0x8A00;
	v7 =	vperm.xlane v7, v2  }
0x38: {  	[tilespmem:s12], [sflag:$0x1] =	stream.indirect_vreg.gather [hbm4b:s16+s3], $0x80, v8, vm0, $0xb8;
	[tilespmem:$0x10A00] =	vst v63  }
0x39: {  	s13 =	simm.s32 $0x9200;
	v7 =	vadd.s32 v1, v7  }
0x3a: {  	[tilespmem:s13], [sflag:$0x1] =	stream.indirect_vreg.gather [hbm4b:s17+s3], $0x80, v8, vm0, $0xb8;
	[tilespmem:$0x10A00] =	vst v63  }
0x3b: {  	s14 =	simm.s32 $0x9A00  }
0x3c: {  	[tilespmem:s14], [sflag:$0x1] =	stream.indirect_vreg.gather [hbm4b:s18+s3], $0x80, v8, vm0, $0xb8;
	[tilespmem:$0x10A00] =	vst v63  }
0x3d: {  	s20 =	simm.s32 $0xA200  }
0x3e: {  	[tilespmem:s20], [sflag:$0x1] =	stream.indirect_vreg.gather [hbm4b:s0+s3], $0x80, v7, vm0, $0xb8;
	[tilespmem:$0x10A00] =	vst v63  }
0x3f: {  	s22 =	simm.s32 $0xAA00  }
0x40: {  	[tilespmem:s22], [sflag:$0x1] =	stream.indirect_vreg.gather [hbm4b:s16+s3], $0x80, v7, vm0, $0xb8;
	[tilespmem:$0x10A00] =	vst v63  }
0x41: {  	s24 =	simm.s32 $0xB200  }
0x42: {  	[tilespmem:s24], [sflag:$0x1] =	stream.indirect_vreg.gather [hbm4b:s17+s3], $0x80, v7, vm0, $0xb8;
	[tilespmem:$0x10A00] =	vst v63  }
0x43: {  	s25 =	simm.s32 $0xBA00  }
0x44: {  	[tilespmem:s25], [sflag:$0x1] =	stream.indirect_vreg.gather [hbm4b:s18+s3], $0x80, v7, vm0, $0xb8;
	[tilespmem:$0x10A00] =	vst v63  }
0x45: {  	s31 =	simm.s32 $0x200;
	s30 =	rddreg [dreg:$0xe];
	s25 =	simm.s32 $0x0  }
0x46: {  	[tilespmem:s31], [sflag:$0x3] =	stream.linear.gather [hbm4b:s30+s3], $0x4000, $0x38;
	[tilespmem:$0x10A00] =	vst v63  }
.LBB2_2:
0x47: {  	s4 =	simm.s32 $0x3  }
0x48: {  	s20 =	sshll.u32 s25, $0x5;
	_ =	swait.ge [sflag:s4], $0x4000  }
0x49: {  	s2 =	sadd.s32 s20, s8;
	[sflag:s4] =	ssyncset.done $0x0  }
0x4a: {  	s2 =	sshll.u32 s2, $0x7;
	s3 =	rddreg [dreg:$0x2]  }
0x4b: {  	s30 =	simm.s32 $0x0;
	s2 =	sadd.s32 s3, s2  }
0x4c: {  	s13 =	simm.s32 $0x4200;
	[sflag:s4] =	ssyncadd.s32 $0xFFFFC000;
	s2 =	sadd.s32 $0x800, s2  }
0x4d: {  	[tilespmem:s13], [sflag:$0x4] =	stream.linear.gather [hbm4b:s2+s30], $0x4000, $0x38;
	[tilespmem:$0x10A00] =	vst v63  }
0x4e: {  	v7 =	vld [tilespmem:s20+$0x80];
	_ =	sdelay $0x4  }
0x4f: {  	v8 =	vshll.u32 v7, $0x3  }
0x50: {  	v7 =	vand.u32 $0x7, v7;
	v8 =	vand.u32 $0xFFFFFFC0, v8  }
0x51: {  	v7 =	vor.u32 v7, v8  }
0x52: {  	v8 =	vperm.xlane v7, v0;
	_ =	sdelay $0x1  }
0x53: {  	v8 =	vadd.s32 v1, v8;
	_ =	sdelay $0x4  }
0x54: {  	[tilespmem:s28], [sflag:$0x2] =	stream.indirect_vreg.gather [hbm4b:s0+s30], $0x80, v8, vm0, $0xb8;
	[tilespmem:$0x10A00] =	vst v63  }
0x55: {  	s14 =	simm.s32 $0xCA00;
	v7 =	vperm.xlane v7, v2  }
0x56: {  	[tilespmem:s14], [sflag:$0x2] =	stream.indirect_vreg.gather [hbm4b:s16+s30], $0x80, v8, vm0, $0xb8;
	[tilespmem:$0x10A00] =	vst v63  }
0x57: {  	s22 =	simm.s32 $0xD200;
	v7 =	vadd.s32 v1, v7  }
0x58: {  	[tilespmem:s22], [sflag:$0x2] =	stream.indirect_vreg.gather [hbm4b:s17+s30], $0x80, v8, vm0, $0xb8;
	[tilespmem:$0x10A00] =	vst v63  }
0x59: {  	s24 =	simm.s32 $0xDA00  }
0x5a: {  	[tilespmem:s24], [sflag:$0x2] =	stream.indirect_vreg.gather [hbm4b:s18+s30], $0x80, v8, vm0, $0xb8;
	[tilespmem:$0x10A00] =	vst v63  }
0x5b: {  	s31 =	simm.s32 $0xE200  }
0x5c: {  	[tilespmem:s31], [sflag:$0x2] =	stream.indirect_vreg.gather [hbm4b:s0+s30], $0x80, v7, vm0, $0xb8;
	[tilespmem:$0x10A00] =	vst v63  }
0x5d: {  	_ = 	snop  }
0x5e: {  	[tilespmem:s15], [sflag:$0x2] =	stream.indirect_vreg.gather [hbm4b:s16+s30], $0x80, v7, vm0, $0xb8;
	[tilespmem:$0x10A00] =	vst v63  }
0x5f: {  	_ = 	snop  }
0x60: {  	[tilespmem:s19], [sflag:$0x2] =	stream.indirect_vreg.gather [hbm4b:s17+s30], $0x80, v7, vm0, $0xb8;
	[tilespmem:$0x10A00] =	vst v63  }
0x61: {  	_ = 	snop  }
0x62: {  	[tilespmem:s21], [sflag:$0x2] =	stream.indirect_vreg.gather [hbm4b:s18+s30], $0x80, v7, vm0, $0xb8;
	[tilespmem:$0x10A00] =	vst v63  }
0x63: {  	_ =	swait.ge [sflag:s26], $0x4000  }
0x64: {  	[sflag:s26] =	ssyncset.done $0x0  }
0x65: {  	s2 =	simm.s32 $0x0;
	[sflag:s26] =	ssyncadd.s32 $0xFFFFC000  }
.LBB2_3:
0x66: {  	s3 =	sshll.u32 s2, $0xA;
	s4 =	sshll.u32 s2, $0x7;
	s14 =	sand.u32 $0x40, s30  }
0x67: {  	s7 =	sand.u32 $0x1C00, s30;
	s3 =	sand.u32 $0x2000, s3;
	s31 =	sand.u32 $0x380, s4  }
0x68: {  	s4 =	sor.u32 s7, s14;
	s5 =	sor.u32 s31, s3  }
0x69: {  	s4 =	sor.u32 s5, s4  }
0x6a: {  	v7 =	vld [tilespmem:s4+$0x230]  }
0x6b: {  	v9 =	vld [tilespmem:s4+$0x210]  }
0x6c: {  	v10 =	vld [tilespmem:s4+$0x8210]  }
0x6d: {  	v8 =	vld [tilespmem:s4+$0x220]  }
0x6e: {  	s22 =	simm.s32 $0x200;
	s10 =	simm.s32 $0x40;
	v11 =	vld [tilespmem:s4+$0x8220]  }
0x6f: {  	s10 =	sand.u32 $0x40, s10;
	s7 =	sand.u32 $0x1C00, s22;
	v12 =	vld [tilespmem:s4+$0x200]  }
0x70: {  	s7 =	sor.u32 s7, s10;
	v13 =	vld [tilespmem:s4+$0x8230]  }
0x71: {  	s7 =	sor.u32 s5, s7;
	v14 =	vadd.f32 v9, v10;
	v9 =	vld [tilespmem:s4+$0x8200]  }
0x72: {  	v15 =	vld [tilespmem:s7+$0x230]  }
0x73: {  	v16 =	vld [tilespmem:s7+$0x210]  }
0x74: {  	v10 =	vld [tilespmem:s7+$0x220];
	[tilespmem:s4+$0x8210] =	vst v14  }
0x75: {  	v17 =	vadd.f32 v8, v11;
	v11 =	vld [tilespmem:s7+$0x8210]  }
0x76: {  	v8 =	vadd.f32 v7, v13;
	v7 =	vadd.f32 v12, v9  }
0x77: {  	[tilespmem:s4+$0x8220] =	vst v17  }
0x78: {  	s24 =	simm.s32 $0x400;
	s11 =	simm.s32 $0x80;
	v20 =	vimm.f32 $0.0e+00;
	v13 =	vld [tilespmem:s7+$0x8220];
	v22 =	vmul.f32 v7, v7  }
0x79: {  	s11 =	sand.u32 $0x40, s11;
	s10 =	sand.u32 $0x1C00, s24;
	v19 =	vld [tilespmem:s7+$0x200];
	[tilespmem:s4+$0x8230] =	vst v8;
	v23 =	vadd.f32 v7, v20  }
0x7a: {  	s10 =	sor.u32 s10, s11;
	v18 =	vld [tilespmem:s7+$0x8230];
	[tilespmem:s4+$0x8200] =	vst v7;
	v12 =	vadd.f32 v16, v11;
	v16 =	vmul.f32 v14, v14;
	v20 =	vadd.f32 v22, v20  }
0x7b: {  	s4 =	sor.u32 s5, s10;
	v21 =	vld [tilespmem:s7+$0x8200]  }
0x7c: {  	v9 =	vld [tilespmem:s4+$0x230];
	v16 =	vadd.f32 v16, v20  }
0x7d: {  	v7 =	vld [tilespmem:s4+$0x220];
	v10 =	vadd.f32 v10, v13;
	v22 =	vadd.f32 v14, v23  }
0x7e: {  	v11 =	vld [tilespmem:s4+$0x210];
	v23 =	vmul.f32 v17, v17;
	[tilespmem:s7+$0x8210] =	vst v12  }
0x7f: {  	v13 =	vadd.f32 v15, v18;
	v18 =	vmul.f32 v8, v8;
	v14 =	vld [tilespmem:s4+$0x8210];
	[tilespmem:s7+$0x8220] =	vst v10;
	v20 =	vadd.f32 v17, v22  }
0x80: {  	s12 =	simm.s32 $0xC0;
	s11 =	simm.s32 $0x600;
	s10 =	simm.s32 $0x8;
	v17 =	vmovc v12;
	v15 =	vld [tilespmem:s4+$0x8220];
	v19 =	vadd.f32 v19, v21;
	v21 =	vadd.f32 v23, v16;
	v16 =	vmov v10  }
.LBB2_4:
0x81: {  	s22 =	sand.u32 $0x40, s12;
	s24 =	sand.u32 $0x1C00, s11;
	s10 =	sadd.s32 $0x4, s10;
	v22 =	vld [tilespmem:s4+$0x200];
	[tilespmem:s7+$0x8230] =	vst v13;
	v20 =	vadd.f32 v8, v20;
	v23 =	vmov v9;
	v8 =	vmov v13  }
0x82: {  	s22 =	sor.u32 s24, s22;
	p0 =	slt.u32 s10, $0x3C;
	v24 =	vld [tilespmem:s4+$0x8230];
	[tilespmem:s7+$0x8200] =	vst v19;
	v25 =	vmul.f32 v19, v19;
	v18 =	vadd.f32 v18, v21;
	s7 =	smov.u32 s4  }
0x83: {  	s4 =	sor.u32 s5, s22;
	v21 =	vld [tilespmem:s7+$0x8200];
	v19 =	vadd.f32 v19, v20;
	v20 =	vmul.f32 v17, v12  }
.Ltmp0:
0x84: {  	v9 =	vld [tilespmem:s4+$0x230];
	v17 =	vadd.f32 v11, v14;
	v14 =	vadd.f32 v25, v18;
	(pc) =	sbr.rel @p0 .LBB2_4-.Ltmp0, $4  }
0x85: {  	v25 =	vmul.f32 v16, v10;
	v19 =	vadd.f32 v12, v19;
	v16 =	vadd.f32 v7, v15;
	v7 =	vld [tilespmem:s4+$0x220]  }
0x86: {  	v18 =	vmul.f32 v13, v8;
	v11 =	vld [tilespmem:s4+$0x210];
	[tilespmem:s7+$0x8210] =	vst v17;
	v26 =	vadd.f32 v20, v14;
	v12 =	vmov v17  }
0x87: {  	v14 =	vld [tilespmem:s4+$0x8210];
	[tilespmem:s7+$0x8220] =	vst v16;
	v13 =	vadd.f32 v23, v24;
	v20 =	vadd.f32 v10, v19;
	v10 =	vmov v16  }
0x88: {  	s11 =	sadd.s32 $0x200, s11;
	s12 =	sadd.s32 $0x40, s12;
	v15 =	vld [tilespmem:s4+$0x8220];
	v19 =	vadd.f32 v22, v21;
	v21 =	vadd.f32 v25, v26  }
0x89: {  	v22 =	vld [tilespmem:s4+$0x200];
	[tilespmem:s7+$0x8230] =	vst v13;
	v8 =	vadd.f32 v8, v20  }
0x8a: {  	v49 =	vld [tilespmem:s4+$0x8230];
	[tilespmem:s7+$0x8200] =	vst v19  }
0x8b: {  	v23 =	vmul.f32 v19, v19;
	v18 =	vadd.f32 v18, v21;
	v50 =	vld [tilespmem:s4+$0x8200];
	v8 =	vadd.f32 v19, v8;
	_ =	sdelay $0x1  }
0x8c: {  	v17 =	vmul.f32 v17, v12;
	v18 =	vadd.f32 v23, v18;
	v8 =	vadd.f32 v12, v8;
	_ =	sdelay $0x1  }
0x8d: {  	v51 =	vmul.f32 v16, v10;
	v52 =	vadd.f32 v17, v18;
	v8 =	vadd.f32 v10, v8  }
0x8e: {  	v10 =	vadd.f32 v22, v50  }
0x8f: {  	v53 =	vmul.f32 v13, v13;
	v12 =	vadd.f32 v51, v52;
	v8 =	vadd.f32 v13, v8  }
0x90: {  	v11 =	vadd.f32 v11, v14  }
0x91: {  	v54 =	vmul.f32 v10, v10;
	v12 =	vadd.f32 v53, v12;
	v8 =	vadd.f32 v10, v8  }
0x92: {  	v55 =	vadd.f32 v7, v15  }
0x93: {  	v7 =	vmul.f32 v11, v11;
	v12 =	vadd.f32 v54, v12;
	v8 =	vadd.f32 v11, v8  }
0x94: {  	v9 =	vadd.f32 v9, v49  }
0x95: {  	v56 =	vmul.f32 v55, v55;
	v7 =	vadd.f32 v7, v12;
	v8 =	vadd.f32 v55, v8;
	_ =	sdelay $0x1  }
0x96: {  	v57 =	vmul.f32 v9, v9;
	v7 =	vadd.f32 v56, v7;
	v8 =	vadd.f32 v9, v8;
	_ =	sdelay $0x1  }
0x97: {  	v7 =	vadd.f32 v57, v7;
	v58 =	vperm.xlane v8, v3;
	_ =	sdelay $0x1  }
0x98: {  	v59 =	vperm.xlane v7, v3;
	v8 =	vadd.f32 v58, v8;
	_ =	sdelay $0x1  }
0x99: {  	v7 =	vadd.f32 v59, v7;
	v60 =	vperm.xlane v8, v4;
	_ =	sdelay $0x1  }
0x9a: {  	v12 =	vperm.xlane v7, v4;
	v8 =	vadd.f32 v60, v8;
	_ =	sdelay $0x1  }
0x9b: {  	v7 =	vadd.f32 v12, v7;
	v13 =	vperm.xlane v8, v5;
	_ =	sdelay $0x1  }
0x9c: {  	v12 =	vperm.xlane v7, v5;
	v8 =	vadd.f32 v13, v8;
	_ =	sdelay $0x1  }
0x9d: {  	v12 =	vadd.f32 v12, v7;
	v13 =	vperm.xlane v8, v6;
	_ =	sdelay $0x1  }
0x9e: {  	v7 =	vadd.f32 v13, v8;
	v8 =	vperm.xlane v12, v6;
	_ =	sdelay $0x1  }
0x9f: {  	v7 =	vmul.f32 $9.765625000e-04, v7;
	v8 =	vadd.f32 v8, v12;
	_ =	sdelay $0x1  }
0xa0: {  	v8 =	vmul.f32 $9.765625000e-04, v8;
	v61 =	vmul.f32 v7, v7;
	_ =	sdelay $0x1  }
0xa1: {  	v8 =	vsub.f32 v8, v61;
	_ =	sdelay $0x1  }
0xa2: {  	v8 =	vadd.f32 $9.999999960e-13, v8;
	_ =	sdelay $0x1  }
0xa3: {  	v62 =	vshrl.u32 v8, $0x1;
	v8 =	vmul.f32 $5.000000000e-01, v8  }
0xa4: {  	v12 =	vsub.s32 $0x5F3759DF, v62  }
0xa5: {  	v63 =	vmul.f32 v12, v8;
	_ =	sdelay $0x1  }
0xa6: {  	v13 =	vmul.f32 v12, v63;
	_ =	sdelay $0x1  }
0xa7: {  	v13 =	vsub.f32 $1.500000000e+00, v13;
	_ =	sdelay $0x1  }
0xa8: {  	v12 =	vmul.f32 v12, v13;
	_ =	sdelay $0x1  }
0xa9: {  	v13 =	vmul.f32 v12, v8;
	_ =	sdelay $0x1  }
0xaa: {  	v13 =	vmul.f32 v13, v12;
	_ =	sdelay $0x1  }
0xab: {  	s5 =	simm.s32 $0x0;
	v13 =	vsub.f32 $1.500000000e+00, v13  }
0xac: {  	s3 =	sadd.s32 s31, s3;
	s14 =	sand.u32 $0x7000, s5;
	[tilespmem:s4+$0x8210] =	vst v11  }
0xad: {  	s3 =	sadd.s32 $0x8200, s3;
	s7 =	sshrl.u32 s14, $0x2;
	[tilespmem:s4+$0x8220] =	vst v55;
	v11 =	vmul.f32 v13, v12  }
0xae: {  	s10 =	sand.u32 $0x40, s5;
	s7 =	sadd.s32 s7, s3;
	[tilespmem:s4+$0x8230] =	vst v9  }
0xaf: {  	s11 =	sadd.s32 s10, s7;
	[tilespmem:s4+$0x8200] =	vst v10;
	v8 =	vmul.f32 v11, v8  }
0xb0: {  	v9 =	vld [tilespmem:s11+$0x0]  }
0xb1: {  	v8 =	vmul.f32 v8, v11;
	_ =	sdelay $0x1  }
0xb2: {  	s4 =	simm.s32 $0x10200;
	v8 =	vsub.f32 $1.500000000e+00, v8  }
0xb3: {  	v10 =	vld [tilespmem:s4+$0x0]  }
0xb4: {  	s12 =	simm.s32 $0x10600;
	v9 =	vsub.f32 v9, v7;
	v8 =	vmul.f32 v8, v11  }
0xb5: {  	v11 =	vld [tilespmem:s12+$0x0]  }
0xb6: {  	v9 =	vmul.f32 v9, v8;
	_ =	sdelay $0x1  }
0xb7: {  	v9 =	vmul.f32 v9, v10;
	_ =	sdelay $0x1  }
0xb8: {  	v9 =	vadd.f32 v9, v11  }
0xb9: {  	s22 =	sor.u32 $0x10, s10  }
0xba: {  	s24 =	sadd.s32 s22, s7;
	[tilespmem:s11+$0x0] =	vst v9  }
0xbb: {  	v9 =	vld [tilespmem:s24+$0x0];
	_ =	sdelay $0x1  }
0xbc: {  	s5 =	sand.u32 $0x380, s5  }
0xbd: {  	s12 =	sor.u32 s5, s22  }
0xbe: {  	v10 =	vld [tilespmem:s12+$0x10200]  }
0xbf: {  	v9 =	vsub.f32 v9, v7  }
0xc0: {  	v11 =	vld [tilespmem:s12+$0x10600]  }
0xc1: {  	v9 =	vmul.f32 v9, v8;
	_ =	sdelay $0x1  }
0xc2: {  	v9 =	vmul.f32 v9, v10;
	_ =	sdelay $0x1  }
0xc3: {  	v9 =	vadd.f32 v9, v11  }
0xc4: {  	s9 =	sor.u32 $0x20, s10  }
0xc5: {  	s13 =	sadd.s32 s9, s7;
	[tilespmem:s24+$0x0] =	vst v9  }
0xc6: {  	v9 =	vld [tilespmem:s13+$0x0];
	_ =	sdelay $0x2  }
0xc7: {  	s12 =	sor.u32 s5, s9  }
0xc8: {  	v10 =	vld [tilespmem:s12+$0x10200]  }
0xc9: {  	v9 =	vsub.f32 v9, v7  }
0xca: {  	v11 =	vld [tilespmem:s12+$0x10600]  }
0xcb: {  	v9 =	vmul.f32 v9, v8;
	_ =	sdelay $0x1  }
0xcc: {  	v9 =	vmul.f32 v9, v10;
	_ =	sdelay $0x1  }
0xcd: {  	v9 =	vadd.f32 v9, v11  }
0xce: {  	s10 =	sor.u32 $0x30, s10  }
0xcf: {  	s12 =	sadd.s32 s10, s7;
	[tilespmem:s13+$0x0] =	vst v9  }
0xd0: {  	v9 =	vld [tilespmem:s12+$0x0];
	_ =	sdelay $0x2  }
0xd1: {  	s5 =	sor.u32 s5, s10  }
0xd2: {  	v10 =	vld [tilespmem:s5+$0x10200]  }
0xd3: {  	v9 =	vsub.f32 v9, v7  }
0xd4: {  	v11 =	vld [tilespmem:s5+$0x10600]  }
0xd5: {  	v9 =	vmul.f32 v9, v8;
	_ =	sdelay $0x1  }
0xd6: {  	s22 =	simm.s32 $0x800;
	v9 =	vmul.f32 v9, v10  }
0xd7: {  	s14 =	sand.u32 $0x7000, s22  }
0xd8: {  	s11 =	simm.s32 $0x4;
	s24 =	sshrl.u32 s14, $0x2;
	s5 =	simm.s32 $0x40;
	v9 =	vadd.f32 v9, v11  }
0xd9: {  	s31 =	sadd.s32 s24, s3;
	s10 =	simm.s32 $0x10640;
	s7 =	sand.u32 $0x40, s5  }
.LBB2_6:
0xda: {  	s11 =	sadd.s32 $0x4, s11;
	s24 =	sadd.s32 s7, s31;
	[tilespmem:s12+$0x0] =	vst v9;
	s4 =	sadd.s32 $0x40, s4  }
0xdb: {  	p0 =	slt.u32 s11, $0x3C;
	v9 =	vld [tilespmem:s24+$0x0];
	_ =	sdelay $0x3  }
0xdc: {  	v10 =	vld [tilespmem:s4+$0x0]  }
0xdd: {  	v9 =	vsub.f32 v9, v7  }
0xde: {  	v11 =	vld [tilespmem:s10+$0x0]  }
0xdf: {  	v9 =	vmul.f32 v9, v8;
	_ =	sdelay $0x1  }
0xe0: {  	v9 =	vmul.f32 v9, v10;
	_ =	sdelay $0x1  }
0xe1: {  	v9 =	vadd.f32 v9, v11  }
0xe2: {  	s12 =	sor.u32 $0x10, s7  }
0xe3: {  	[tilespmem:s24+$0x0] =	vst v9;
	s24 =	sadd.s32 s12, s31  }
0xe4: {  	v9 =	vld [tilespmem:s24+$0x0];
	_ =	sdelay $0x1  }
0xe5: {  	s9 =	sand.u32 $0x380, s5  }
0xe6: {  	s12 =	sor.u32 s9, s12  }
0xe7: {  	v10 =	vld [tilespmem:s12+$0x10200]  }
0xe8: {  	v9 =	vsub.f32 v9, v7  }
0xe9: {  	v11 =	vld [tilespmem:s12+$0x10600]  }
0xea: {  	v9 =	vmul.f32 v9, v8;
	_ =	sdelay $0x1  }
0xeb: {  	v9 =	vmul.f32 v9, v10;
	_ =	sdelay $0x1  }
0xec: {  	v9 =	vadd.f32 v9, v11  }
0xed: {  	s12 =	sor.u32 $0x20, s7  }
0xee: {  	[tilespmem:s24+$0x0] =	vst v9;
	s24 =	sadd.s32 s12, s31  }
0xef: {  	v9 =	vld [tilespmem:s24+$0x0];
	_ =	sdelay $0x2  }
0xf0: {  	s12 =	sor.u32 s9, s12  }
0xf1: {  	v10 =	vld [tilespmem:s12+$0x10200]  }
0xf2: {  	v9 =	vsub.f32 v9, v7  }
0xf3: {  	v11 =	vld [tilespmem:s12+$0x10600]  }
0xf4: {  	v9 =	vmul.f32 v9, v8;
	_ =	sdelay $0x1  }
0xf5: {  	v9 =	vmul.f32 v9, v10;
	_ =	sdelay $0x1  }
0xf6: {  	v9 =	vadd.f32 v9, v11  }
0xf7: {  	s7 =	sor.u32 $0x30, s7  }
0xf8: {  	s12 =	sadd.s32 s7, s31;
	[tilespmem:s24+$0x0] =	vst v9  }
0xf9: {  	s7 =	sor.u32 s9, s7;
	v9 =	vld [tilespmem:s12+$0x0]  }
0xfa: {  	v10 =	vld [tilespmem:s7+$0x10200]  }
0xfb: {  	v11 =	vld [tilespmem:s7+$0x10600];
	_ =	sdelay $0x2  }
0xfc: {  	v9 =	vsub.f32 v9, v7;
	_ =	sdelay $0x1  }
0xfd: {  	v9 =	vmul.f32 v9, v8  }
.Ltmp1:
0xfe: {  	(pc) =	sbr.rel @p0 .LBB2_6-.Ltmp1, $4  }
0xff: {  	s22 =	sadd.s32 $0x800, s22;
	v9 =	vmul.f32 v9, v10  }
0x100: {  	s7 =	sand.u32 $0x7000, s22  }
0x101: {  	s5 =	sadd.s32 $0x40, s5;
	s9 =	sshrl.u32 s7, $0x2;
	v9 =	vadd.f32 v9, v11  }
0x102: {  	s10 =	sadd.s32 $0x40, s10;
	s7 =	sand.u32 $0x40, s5;
	s31 =	sadd.s32 s9, s3  }
0x103: {  	s3 =	sadd.s32 s7, s31;
	[tilespmem:s12+$0x0] =	vst v9  }
0x104: {  	v9 =	vld [tilespmem:s3+$0x0];
	_ =	sdelay $0x2  }
0x105: {  	s4 =	sadd.s32 $0x40, s4  }
0x106: {  	v10 =	vld [tilespmem:s4+$0x0]  }
0x107: {  	v9 =	vsub.f32 v9, v7  }
0x108: {  	v11 =	vld [tilespmem:s10+$0x0]  }
0x109: {  	v9 =	vmul.f32 v9, v8;
	_ =	sdelay $0x1  }
0x10a: {  	v9 =	vmul.f32 v9, v10;
	_ =	sdelay $0x1  }
0x10b: {  	v9 =	vadd.f32 v9, v11  }
0x10c: {  	s12 =	sor.u32 $0x10, s7  }
0x10d: {  	s13 =	sadd.s32 s12, s31;
	[tilespmem:s3+$0x0] =	vst v9  }
0x10e: {  	v9 =	vld [tilespmem:s13+$0x0];
	_ =	sdelay $0x1  }
0x10f: {  	s5 =	sand.u32 $0x380, s5  }
0x110: {  	s4 =	sor.u32 s5, s12  }
0x111: {  	v58 =	vld [tilespmem:s4+$0x10200]  }
0x112: {  	v9 =	vsub.f32 v9, v7  }
0x113: {  	v59 =	vld [tilespmem:s4+$0x10600]  }
0x114: {  	v9 =	vmul.f32 v9, v8;
	_ =	sdelay $0x1  }
0x115: {  	v9 =	vmul.f32 v9, v58;
	_ =	sdelay $0x1  }
0x116: {  	v9 =	vadd.f32 v9, v59  }
0x117: {  	s14 =	sor.u32 $0x20, s7  }
0x118: {  	s22 =	sadd.s32 s14, s31;
	[tilespmem:s13+$0x0] =	vst v9  }
0x119: {  	v9 =	vld [tilespmem:s22+$0x0];
	_ =	sdelay $0x2  }
0x11a: {  	s4 =	sor.u32 s5, s14  }
0x11b: {  	v60 =	vld [tilespmem:s4+$0x10200]  }
0x11c: {  	v9 =	vsub.f32 v9, v7  }
0x11d: {  	v61 =	vld [tilespmem:s4+$0x10600]  }
0x11e: {  	v9 =	vmul.f32 v9, v8;
	_ =	sdelay $0x1  }
0x11f: {  	v9 =	vmul.f32 v9, v60;
	_ =	sdelay $0x1  }
0x120: {  	v9 =	vadd.f32 v9, v61  }
0x121: {  	s24 =	sor.u32 $0x30, s7  }
0x122: {  	s31 =	sadd.s32 s24, s31;
	[tilespmem:s22+$0x0] =	vst v9  }
0x123: {  	v9 =	vld [tilespmem:s31+$0x0];
	_ =	sdelay $0x2  }
0x124: {  	s4 =	sor.u32 s5, s24  }
0x125: {  	v62 =	vld [tilespmem:s4+$0x10200]  }
0x126: {  	v7 =	vsub.f32 v9, v7  }
0x127: {  	v63 =	vld [tilespmem:s4+$0x10600]  }
0x128: {  	s2 =	sadd.s32 $0x1, s2;
	v7 =	vmul.f32 v7, v8  }
0x129: {  	p0 =	sne.s32 s2, $0x10  }
.Ltmp2:
0x12a: {  	v7 =	vmul.f32 v7, v62;
	(pc) =	sbr.rel @p0 .LBB2_3-.Ltmp2, $3  }
0x12b: {  	_ = 	snop  }
0x12c: {  	v7 =	vadd.f32 v7, v63;
	_ =	sdelay $0x1  }
0x12d: {  	[tilespmem:s31+$0x0] =	vst v7  }
0x12e: {  	s2 =	sadd.s32 s8, s20  }
0x12f: {  	s2 =	sshll.u32 s2, $0x7  }
0x130: {  	s30 =	simm.s32 $0x0;
	s2 =	sadd.s32 s6, s2  }
0x131: {  	[hbm4b:s2+s30] =	stream.linear.scatter [tilespmem:s29], [sflag:$0x5], $0x4000, $0x38;
	[tilespmem:$0x10A00] =	vst v63  }
0x132: {  	_ =	swait.ge [sflag:s23], $0x4000  }
0x133: {  	[sflag:s23] =	ssyncset.done $0x0  }
0x134: {  	[sflag:s23] =	ssyncadd.s32 $0xFFFFC000  }
0x135: {  	v7 =	vld [tilespmem:s20+$0x100];
	_ =	sdelay $0x4  }
0x136: {  	v8 =	vshll.u32 v7, $0x3  }
0x137: {  	v7 =	vand.u32 $0x7, v7;
	v8 =	vand.u32 $0xFFFFFFC0, v8  }
0x138: {  	v7 =	vor.u32 v7, v8  }
0x139: {  	v8 =	vperm.xlane v7, v0;
	_ =	sdelay $0x1  }
0x13a: {  	v8 =	vadd.s32 v1, v8;
	_ =	sdelay $0x4  }
0x13b: {  	[tilespmem:s29], [sflag:$0x1] =	stream.indirect_vreg.gather [hbm4b:s0+s30], $0x80, v8, vm0, $0xb8;
	[tilespmem:$0x10A00] =	vst v63  }
0x13c: {  	s10 =	simm.s32 $0x8A00;
	v7 =	vperm.xlane v7, v2  }
0x13d: {  	[tilespmem:s10], [sflag:$0x1] =	stream.indirect_vreg.gather [hbm4b:s16+s30], $0x80, v8, vm0, $0xb8;
	[tilespmem:$0x10A00] =	vst v63  }
0x13e: {  	s11 =	simm.s32 $0x9200;
	v7 =	vadd.s32 v1, v7  }
0x13f: {  	[tilespmem:s11], [sflag:$0x1] =	stream.indirect_vreg.gather [hbm4b:s17+s30], $0x80, v8, vm0, $0xb8;
	[tilespmem:$0x10A00] =	vst v63  }
0x140: {  	s12 =	simm.s32 $0x9A00  }
0x141: {  	[tilespmem:s12], [sflag:$0x1] =	stream.indirect_vreg.gather [hbm4b:s18+s30], $0x80, v8, vm0, $0xb8;
	[tilespmem:$0x10A00] =	vst v63  }
0x142: {  	s13 =	simm.s32 $0xA200  }
0x143: {  	[tilespmem:s13], [sflag:$0x1] =	stream.indirect_vreg.gather [hbm4b:s0+s30], $0x80, v7, vm0, $0xb8;
	[tilespmem:$0x10A00] =	vst v63  }
0x144: {  	s14 =	simm.s32 $0xAA00  }
0x145: {  	[tilespmem:s14], [sflag:$0x1] =	stream.indirect_vreg.gather [hbm4b:s16+s30], $0x80, v7, vm0, $0xb8;
	[tilespmem:$0x10A00] =	vst v63  }
0x146: {  	s22 =	simm.s32 $0xB200  }
0x147: {  	[tilespmem:s22], [sflag:$0x1] =	stream.indirect_vreg.gather [hbm4b:s17+s30], $0x80, v7, vm0, $0xb8;
	[tilespmem:$0x10A00] =	vst v63  }
0x148: {  	s24 =	simm.s32 $0xBA00  }
0x149: {  	[tilespmem:s24], [sflag:$0x1] =	stream.indirect_vreg.gather [hbm4b:s18+s30], $0x80, v7, vm0, $0xb8;
	[tilespmem:$0x10A00] =	vst v63  }
0x14a: {  	_ =	swait.ge [sflag:s1], $0x4000  }
0x14b: {  	[sflag:s1] =	ssyncset.done $0x0  }
0x14c: {  	s31 =	simm.s32 $0x0;
	[sflag:s1] =	ssyncadd.s32 $0xFFFFC000  }
.LBB2_9:
0x14d: {  	s2 =	sshll.u32 s31, $0xA;
	s3 =	sshll.u32 s31, $0x7  }
0x14e: {  	s2 =	sand.u32 $0x2000, s2;
	s3 =	sand.u32 $0x380, s3  }
0x14f: {  	s3 =	sor.u32 s3, s2  }
0x150: {  	s4 =	sand.u32 $0x1C00, s30;
	s2 =	sadd.s32 $0xC200, s3  }
0x151: {  	s5 =	sand.u32 $0x40, s30;
	s3 =	sadd.s32 $0x200, s3;
	s7 =	sadd.s32 s4, s2  }
0x152: {  	s4 =	sadd.s32 s4, s3;
	s9 =	sadd.s32 s5, s7  }
0x153: {  	s10 =	sadd.s32 s5, s4;
	v7 =	vld [tilespmem:s9+$0x0]  }
0x154: {  	v8 =	vld [tilespmem:s10+$0x0];
	_ =	sdelay $0x4  }
0x155: {  	v7 =	vadd.f32 v8, v7  }
0x156: {  	s13 =	sor.u32 $0x10, s5  }
0x157: {  	s14 =	sadd.s32 s13, s7;
	[tilespmem:s9+$0x0] =	vst v7  }
0x158: {  	s10 =	sadd.s32 s13, s4;
	v8 =	vld [tilespmem:s14+$0x0]  }
0x159: {  	v9 =	vld [tilespmem:s10+$0x0];
	_ =	sdelay $0x4  }
0x15a: {  	v8 =	vadd.f32 v9, v8  }
0x15b: {  	s22 =	sor.u32 $0x20, s5  }
0x15c: {  	s24 =	sadd.s32 s22, s7;
	[tilespmem:s14+$0x0] =	vst v8  }
0x15d: {  	s10 =	sadd.s32 s22, s4;
	v9 =	vld [tilespmem:s24+$0x0]  }
0x15e: {  	v10 =	vld [tilespmem:s10+$0x0];
	_ =	sdelay $0x3  }
0x15f: {  	v11 =	vmul.f32 v7, v7  }
0x160: {  	v12 =	vimm.f32 $0.0e+00;
	v13 =	vadd.f32 v10, v9  }
0x161: {  	s5 =	sor.u32 $0x30, s5;
	v9 =	vmul.f32 v8, v8;
	v10 =	vadd.f32 v11, v12  }
0x162: {  	s10 =	sadd.s32 s5, s7;
	[tilespmem:s24+$0x0] =	vst v13  }
0x163: {  	v7 =	vadd.f32 v7, v12;
	s5 =	sadd.s32 s5, s4;
	v12 =	vadd.f32 v9, v10;
	v9 =	vld [tilespmem:s10+$0x0]  }
0x164: {  	v10 =	vld [tilespmem:s5+$0x0];
	_ =	sdelay $0x1  }
0x165: {  	v7 =	vadd.f32 v8, v7;
	v11 =	vmul.f32 v13, v13;
	_ =	sdelay $0x1  }
0x166: {  	s4 =	simm.s32 $0x4;
	s7 =	simm.s32 $0x200;
	v8 =	vadd.f32 v13, v7;
	s5 =	simm.s32 $0x0;
	v7 =	vadd.f32 v11, v12  }
.LBB2_10:
0x167: {  	s4 =	sadd.s32 $0x4, s4;
	s9 =	sand.u32 $0x1C00, s7;
	v9 =	vadd.f32 v10, v9;
	s5 =	sadd.s32 $0x40, s5  }
0x168: {  	s11 =	sand.u32 $0x40, s5;
	s12 =	sadd.s32 s9, s2;
	s9 =	sadd.s32 s9, s3  }
0x169: {  	p0 =	slt.u32 s4, $0x3C;
	s22 =	sadd.s32 s11, s12;
	s24 =	sadd.s32 s11, s9;
	[tilespmem:s10+$0x0] =	vst v9;
	v8 =	vadd.f32 v9, v8;
	v9 =	vmul.f32 v9, v9  }
0x16a: {  	v10 =	vld [tilespmem:s22+$0x0]  }
0x16b: {  	v11 =	vld [tilespmem:s24+$0x0];
	v7 =	vadd.f32 v9, v7;
	_ =	sdelay $0x4  }
0x16c: {  	v9 =	vadd.f32 v11, v10  }
0x16d: {  	s10 =	sor.u32 $0x10, s11  }
0x16e: {  	[tilespmem:s22+$0x0] =	vst v9;
	v10 =	vmul.f32 v9, v9;
	s22 =	sadd.s32 s10, s12;
	s10 =	sadd.s32 s10, s9  }
0x16f: {  	v11 =	vld [tilespmem:s22+$0x0]  }
0x170: {  	v12 =	vld [tilespmem:s10+$0x0];
	_ =	sdelay $0x4  }
0x171: {  	v11 =	vadd.f32 v12, v11  }
0x172: {  	s10 =	sor.u32 $0x20, s11  }
0x173: {  	[tilespmem:s22+$0x0] =	vst v11;
	v12 =	vmul.f32 v11, v11;
	s22 =	sadd.s32 s10, s12;
	s10 =	sadd.s32 s10, s9  }
0x174: {  	v13 =	vld [tilespmem:s22+$0x0]  }
0x175: {  	v14 =	vld [tilespmem:s10+$0x0];
	_ =	sdelay $0x4  }
0x176: {  	v13 =	vadd.f32 v14, v13  }
0x177: {  	s11 =	sor.u32 $0x30, s11  }
0x178: {  	s9 =	sadd.s32 s11, s9;
	s10 =	sadd.s32 s11, s12;
	[tilespmem:s22+$0x0] =	vst v13;
	v14 =	vmul.f32 v13, v13  }
0x179: {  	v8 =	vadd.f32 v9, v8;
	v7 =	vadd.f32 v10, v7;
	v9 =	vld [tilespmem:s10+$0x0]  }
.Ltmp3:
0x17a: {  	v10 =	vld [tilespmem:s9+$0x0];
	(pc) =	sbr.rel @p0 .LBB2_10-.Ltmp3, $3  }
0x17b: {  	v8 =	vadd.f32 v11, v8;
	v7 =	vadd.f32 v12, v7;
	_ =	sdelay $0x1  }
0x17c: {  	v8 =	vadd.f32 v13, v8;
	v7 =	vadd.f32 v14, v7  }
0x17d: {  	s7 =	sadd.s32 $0x200, s7  }
0x17e: {  	s4 =	sand.u32 $0x1C00, s7;
	v9 =	vadd.f32 v10, v9;
	s5 =	sadd.s32 $0x40, s5  }
0x17f: {  	s5 =	sand.u32 $0x40, s5;
	s7 =	sadd.s32 s4, s2  }
0x180: {  	s3 =	sadd.s32 s4, s3;
	s12 =	sadd.s32 s5, s7;
	[tilespmem:s10+$0x0] =	vst v9  }
0x181: {  	s9 =	sadd.s32 s5, s3;
	v10 =	vld [tilespmem:s12+$0x0]  }
0x182: {  	v11 =	vld [tilespmem:s9+$0x0];
	_ =	sdelay $0x4  }
0x183: {  	v10 =	vadd.f32 v11, v10  }
0x184: {  	s13 =	sor.u32 $0x10, s5  }
0x185: {  	s14 =	sadd.s32 s13, s7;
	[tilespmem:s12+$0x0] =	vst v10  }
0x186: {  	s9 =	sadd.s32 s13, s3;
	v11 =	vld [tilespmem:s14+$0x0]  }
0x187: {  	v12 =	vld [tilespmem:s9+$0x0];
	_ =	sdelay $0x4  }
0x188: {  	v11 =	vadd.f32 v12, v11  }
0x189: {  	s22 =	sor.u32 $0x20, s5  }
0x18a: {  	s24 =	sadd.s32 s22, s7;
	[tilespmem:s14+$0x0] =	vst v11  }
0x18b: {  	s9 =	sadd.s32 s22, s3;
	v61 =	vld [tilespmem:s24+$0x0]  }
0x18c: {  	v13 =	vld [tilespmem:s9+$0x0];
	_ =	sdelay $0x4  }
0x18d: {  	v12 =	vadd.f32 v13, v61  }
0x18e: {  	s5 =	sor.u32 $0x30, s5  }
0x18f: {  	v62 =	vmul.f32 v9, v9;
	s10 =	sadd.s32 s5, s7;
	[tilespmem:s24+$0x0] =	vst v12  }
0x190: {  	v8 =	vadd.f32 v9, v8;
	s3 =	sadd.s32 s5, s3;
	v9 =	vld [tilespmem:s10+$0x0]  }
0x191: {  	v7 =	vadd.f32 v62, v7;
	v63 =	vmul.f32 v10, v10;
	v14 =	vld [tilespmem:s3+$0x0]  }
0x192: {  	v8 =	vadd.f32 v10, v8  }
0x193: {  	v7 =	vadd.f32 v63, v7;
	v10 =	vmul.f32 v11, v11  }
0x194: {  	v8 =	vadd.f32 v11, v8  }
0x195: {  	v7 =	vadd.f32 v10, v7  }
0x196: {  	v10 =	vmul.f32 v12, v12;
	v8 =	vadd.f32 v12, v8;
	v9 =	vadd.f32 v14, v9;
	_ =	sdelay $0x1  }
0x197: {  	v7 =	vadd.f32 v10, v7;
	v8 =	vadd.f32 v9, v8;
	v10 =	vmul.f32 v9, v9;
	_ =	sdelay $0x1  }
0x198: {  	v7 =	vadd.f32 v10, v7;
	v10 =	vperm.xlane v8, v3;
	_ =	sdelay $0x1  }
0x199: {  	v8 =	vadd.f32 v10, v8;
	v10 =	vperm.xlane v7, v3;
	_ =	sdelay $0x1  }
0x19a: {  	v11 =	vperm.xlane v8, v4;
	v7 =	vadd.f32 v10, v7;
	_ =	sdelay $0x1  }
0x19b: {  	v8 =	vadd.f32 v11, v8;
	v10 =	vperm.xlane v7, v4;
	_ =	sdelay $0x1  }
0x19c: {  	v11 =	vperm.xlane v8, v5;
	v7 =	vadd.f32 v10, v7;
	_ =	sdelay $0x1  }
0x19d: {  	v8 =	vadd.f32 v11, v8;
	v10 =	vperm.xlane v7, v5;
	_ =	sdelay $0x1  }
0x19e: {  	v11 =	vperm.xlane v8, v6;
	v10 =	vadd.f32 v10, v7;
	_ =	sdelay $0x1  }
0x19f: {  	v7 =	vadd.f32 v11, v8;
	v8 =	vperm.xlane v10, v6;
	_ =	sdelay $0x1  }
0x1a0: {  	v7 =	vmul.f32 $9.765625000e-04, v7;
	v8 =	vadd.f32 v8, v10;
	_ =	sdelay $0x1  }
0x1a1: {  	v8 =	vmul.f32 $9.765625000e-04, v8;
	v10 =	vmul.f32 v7, v7;
	_ =	sdelay $0x1  }
0x1a2: {  	v8 =	vsub.f32 v8, v10;
	_ =	sdelay $0x1  }
0x1a3: {  	v8 =	vadd.f32 $9.999999960e-13, v8;
	_ =	sdelay $0x1  }
0x1a4: {  	v10 =	vshrl.u32 v8, $0x1;
	v8 =	vmul.f32 $5.000000000e-01, v8  }
0x1a5: {  	v10 =	vsub.s32 $0x5F3759DF, v10  }
0x1a6: {  	v11 =	vmul.f32 v10, v8;
	_ =	sdelay $0x1  }
0x1a7: {  	v11 =	vmul.f32 v10, v11;
	_ =	sdelay $0x1  }
0x1a8: {  	v11 =	vsub.f32 $1.500000000e+00, v11;
	_ =	sdelay $0x1  }
0x1a9: {  	v10 =	vmul.f32 v10, v11;
	_ =	sdelay $0x1  }
0x1aa: {  	v11 =	vmul.f32 v10, v8;
	_ =	sdelay $0x1  }
0x1ab: {  	v11 =	vmul.f32 v11, v10;
	_ =	sdelay $0x1  }
0x1ac: {  	s11 =	simm.s32 $0x0;
	v11 =	vsub.f32 $1.500000000e+00, v11  }
0x1ad: {  	s12 =	sand.u32 $0x7000, s11  }
0x1ae: {  	s3 =	sshrl.u32 s12, $0x2;
	v10 =	vmul.f32 v11, v10  }
0x1af: {  	s7 =	sand.u32 $0x40, s11;
	s9 =	sadd.s32 s3, s2  }
0x1b0: {  	s13 =	sadd.s32 s7, s9;
	[tilespmem:s10+$0x0] =	vst v9;
	v8 =	vmul.f32 v10, v8  }
0x1b1: {  	v9 =	vld [tilespmem:s13+$0x0]  }
0x1b2: {  	v8 =	vmul.f32 v8, v10;
	_ =	sdelay $0x1  }
0x1b3: {  	s3 =	simm.s32 $0x10200;
	v8 =	vsub.f32 $1.500000000e+00, v8  }
0x1b4: {  	v11 =	vld [tilespmem:s3+$0x0]  }
0x1b5: {  	s14 =	simm.s32 $0x10600;
	v9 =	vsub.f32 v9, v7;
	v8 =	vmul.f32 v8, v10  }
0x1b6: {  	v10 =	vld [tilespmem:s14+$0x0]  }
0x1b7: {  	v9 =	vmul.f32 v9, v8;
	_ =	sdelay $0x1  }
0x1b8: {  	v9 =	vmul.f32 v9, v11;
	_ =	sdelay $0x1  }
0x1b9: {  	v9 =	vadd.f32 v9, v10  }
0x1ba: {  	s22 =	sor.u32 $0x10, s7  }
0x1bb: {  	s24 =	sadd.s32 s22, s9;
	[tilespmem:s13+$0x0] =	vst v9  }
0x1bc: {  	v9 =	vld [tilespmem:s24+$0x0];
	_ =	sdelay $0x1  }
0x1bd: {  	s5 =	sand.u32 $0x380, s11  }
0x1be: {  	s10 =	sor.u32 s5, s22  }
0x1bf: {  	v10 =	vld [tilespmem:s10+$0x10200]  }
0x1c0: {  	v9 =	vsub.f32 v9, v7  }
0x1c1: {  	v11 =	vld [tilespmem:s10+$0x10600]  }
0x1c2: {  	v9 =	vmul.f32 v9, v8;
	_ =	sdelay $0x1  }
0x1c3: {  	v9 =	vmul.f32 v9, v10;
	_ =	sdelay $0x1  }
0x1c4: {  	v9 =	vadd.f32 v9, v11  }
0x1c5: {  	s11 =	sor.u32 $0x20, s7  }
0x1c6: {  	s12 =	sadd.s32 s11, s9;
	[tilespmem:s24+$0x0] =	vst v9  }
0x1c7: {  	v9 =	vld [tilespmem:s12+$0x0];
	_ =	sdelay $0x2  }
0x1c8: {  	s10 =	sor.u32 s5, s11  }
0x1c9: {  	v10 =	vld [tilespmem:s10+$0x10200]  }
0x1ca: {  	v9 =	vsub.f32 v9, v7  }
0x1cb: {  	v11 =	vld [tilespmem:s10+$0x10600]  }
0x1cc: {  	v9 =	vmul.f32 v9, v8;
	_ =	sdelay $0x1  }
0x1cd: {  	v9 =	vmul.f32 v9, v10;
	_ =	sdelay $0x1  }
0x1ce: {  	v9 =	vadd.f32 v9, v11  }
0x1cf: {  	s7 =	sor.u32 $0x30, s7  }
0x1d0: {  	[tilespmem:s12+$0x0] =	vst v9;
	s12 =	sadd.s32 s7, s9  }
0x1d1: {  	v9 =	vld [tilespmem:s12+$0x0];
	_ =	sdelay $0x2  }
0x1d2: {  	s13 =	sor.u32 s5, s7  }
0x1d3: {  	v10 =	vld [tilespmem:s13+$0x10200]  }
0x1d4: {  	v9 =	vsub.f32 v9, v7  }
0x1d5: {  	v11 =	vld [tilespmem:s13+$0x10600]  }
0x1d6: {  	v9 =	vmul.f32 v9, v8;
	_ =	sdelay $0x1  }
0x1d7: {  	s22 =	simm.s32 $0x800;
	v9 =	vmul.f32 v9, v10  }
0x1d8: {  	s14 =	sand.u32 $0x7000, s22  }
0x1d9: {  	s4 =	simm.s32 $0x40;
	s11 =	simm.s32 $0x4;
	s24 =	sshrl.u32 s14, $0x2;
	v9 =	vadd.f32 v9, v11  }
0x1da: {  	s5 =	sadd.s32 s24, s2;
	s10 =	simm.s32 $0x10640;
	s7 =	sand.u32 $0x40, s4  }
.LBB2_12:
0x1db: {  	s11 =	sadd.s32 $0x4, s11;
	s9 =	sadd.s32 s7, s5;
	[tilespmem:s12+$0x0] =	vst v9;
	s3 =	sadd.s32 $0x40, s3  }
0x1dc: {  	p0 =	slt.u32 s11, $0x3C;
	v9 =	vld [tilespmem:s9+$0x0];
	_ =	sdelay $0x3  }
0x1dd: {  	v10 =	vld [tilespmem:s3+$0x0]  }
0x1de: {  	v9 =	vsub.f32 v9, v7  }
0x1df: {  	v11 =	vld [tilespmem:s10+$0x0]  }
0x1e0: {  	v9 =	vmul.f32 v9, v8;
	_ =	sdelay $0x1  }
0x1e1: {  	v9 =	vmul.f32 v9, v10;
	_ =	sdelay $0x1  }
0x1e2: {  	v9 =	vadd.f32 v9, v11  }
0x1e3: {  	s12 =	sor.u32 $0x10, s7  }
0x1e4: {  	[tilespmem:s9+$0x0] =	vst v9;
	s9 =	sadd.s32 s12, s5  }
0x1e5: {  	v9 =	vld [tilespmem:s9+$0x0];
	_ =	sdelay $0x1  }
0x1e6: {  	s24 =	sand.u32 $0x380, s4  }
0x1e7: {  	s12 =	sor.u32 s24, s12  }
0x1e8: {  	v10 =	vld [tilespmem:s12+$0x10200]  }
0x1e9: {  	v9 =	vsub.f32 v9, v7  }
0x1ea: {  	v11 =	vld [tilespmem:s12+$0x10600]  }
0x1eb: {  	v9 =	vmul.f32 v9, v8;
	_ =	sdelay $0x1  }
0x1ec: {  	v9 =	vmul.f32 v9, v10;
	_ =	sdelay $0x1  }
0x1ed: {  	v9 =	vadd.f32 v9, v11  }
0x1ee: {  	s12 =	sor.u32 $0x20, s7  }
0x1ef: {  	[tilespmem:s9+$0x0] =	vst v9;
	s9 =	sadd.s32 s12, s5  }
0x1f0: {  	v9 =	vld [tilespmem:s9+$0x0];
	_ =	sdelay $0x2  }
0x1f1: {  	s12 =	sor.u32 s24, s12  }
0x1f2: {  	v10 =	vld [tilespmem:s12+$0x10200]  }
0x1f3: {  	v9 =	vsub.f32 v9, v7  }
0x1f4: {  	v11 =	vld [tilespmem:s12+$0x10600]  }
0x1f5: {  	v9 =	vmul.f32 v9, v8;
	_ =	sdelay $0x1  }
0x1f6: {  	v9 =	vmul.f32 v9, v10;
	_ =	sdelay $0x1  }
0x1f7: {  	v9 =	vadd.f32 v9, v11  }
0x1f8: {  	s7 =	sor.u32 $0x30, s7  }
0x1f9: {  	s12 =	sadd.s32 s7, s5;
	[tilespmem:s9+$0x0] =	vst v9  }
0x1fa: {  	s5 =	sor.u32 s24, s7;
	v9 =	vld [tilespmem:s12+$0x0]  }
0x1fb: {  	v10 =	vld [tilespmem:s5+$0x10200]  }
0x1fc: {  	v11 =	vld [tilespmem:s5+$0x10600];
	_ =	sdelay $0x2  }
0x1fd: {  	v9 =	vsub.f32 v9, v7;
	_ =	sdelay $0x1  }
0x1fe: {  	v9 =	vmul.f32 v9, v8  }
.Ltmp4:
0x1ff: {  	(pc) =	sbr.rel @p0 .LBB2_12-.Ltmp4, $4  }
0x200: {  	s22 =	sadd.s32 $0x800, s22;
	v9 =	vmul.f32 v9, v10  }
0x201: {  	s5 =	sand.u32 $0x7000, s22  }
0x202: {  	s4 =	sadd.s32 $0x40, s4;
	s5 =	sshrl.u32 s5, $0x2;
	v9 =	vadd.f32 v9, v11  }
0x203: {  	s10 =	sadd.s32 $0x40, s10;
	s7 =	sand.u32 $0x40, s4;
	s5 =	sadd.s32 s5, s2  }
0x204: {  	s2 =	sadd.s32 s7, s5;
	[tilespmem:s12+$0x0] =	vst v9  }
0x205: {  	v9 =	vld [tilespmem:s2+$0x0];
	_ =	sdelay $0x2  }
0x206: {  	s3 =	sadd.s32 $0x40, s3  }
0x207: {  	v10 =	vld [tilespmem:s3+$0x0]  }
0x208: {  	v9 =	vsub.f32 v9, v7  }
0x209: {  	v11 =	vld [tilespmem:s10+$0x0]  }
0x20a: {  	v9 =	vmul.f32 v9, v8;
	_ =	sdelay $0x1  }
0x20b: {  	v9 =	vmul.f32 v9, v10;
	_ =	sdelay $0x1  }
0x20c: {  	v9 =	vadd.f32 v9, v11  }
0x20d: {  	s11 =	sor.u32 $0x10, s7  }
0x20e: {  	s12 =	sadd.s32 s11, s5;
	[tilespmem:s2+$0x0] =	vst v9  }
0x20f: {  	v9 =	vld [tilespmem:s12+$0x0];
	_ =	sdelay $0x1  }
0x210: {  	s4 =	sand.u32 $0x380, s4  }
0x211: {  	s3 =	sor.u32 s4, s11  }
0x212: {  	v58 =	vld [tilespmem:s3+$0x10200]  }
0x213: {  	v9 =	vsub.f32 v9, v7  }
0x214: {  	v59 =	vld [tilespmem:s3+$0x10600]  }
0x215: {  	v9 =	vmul.f32 v9, v8;
	_ =	sdelay $0x1  }
0x216: {  	v9 =	vmul.f32 v9, v58;
	_ =	sdelay $0x1  }
0x217: {  	v9 =	vadd.f32 v9, v59  }
0x218: {  	s13 =	sor.u32 $0x20, s7  }
0x219: {  	s14 =	sadd.s32 s13, s5;
	[tilespmem:s12+$0x0] =	vst v9  }
0x21a: {  	v9 =	vld [tilespmem:s14+$0x0];
	_ =	sdelay $0x2  }
0x21b: {  	s3 =	sor.u32 s4, s13  }
0x21c: {  	v60 =	vld [tilespmem:s3+$0x10200]  }
0x21d: {  	v9 =	vsub.f32 v9, v7  }
0x21e: {  	v61 =	vld [tilespmem:s3+$0x10600]  }
0x21f: {  	v9 =	vmul.f32 v9, v8;
	_ =	sdelay $0x1  }
0x220: {  	v9 =	vmul.f32 v9, v60;
	_ =	sdelay $0x1  }
0x221: {  	v9 =	vadd.f32 v9, v61  }
0x222: {  	s22 =	sor.u32 $0x30, s7  }
0x223: {  	s24 =	sadd.s32 s22, s5;
	[tilespmem:s14+$0x0] =	vst v9  }
0x224: {  	v9 =	vld [tilespmem:s24+$0x0];
	_ =	sdelay $0x2  }
0x225: {  	s3 =	sor.u32 s4, s22  }
0x226: {  	v62 =	vld [tilespmem:s3+$0x10200]  }
0x227: {  	v7 =	vsub.f32 v9, v7  }
0x228: {  	v63 =	vld [tilespmem:s3+$0x10600]  }
0x229: {  	s31 =	sadd.s32 $0x1, s31;
	v7 =	vmul.f32 v7, v8  }
0x22a: {  	p0 =	sne.s32 s31, $0x10  }
.Ltmp5:
0x22b: {  	v7 =	vmul.f32 v7, v62;
	(pc) =	sbr.rel @p0 .LBB2_9-.Ltmp5, $3  }
0x22c: {  	_ = 	snop  }
0x22d: {  	v7 =	vadd.f32 v7, v63;
	_ =	sdelay $0x1  }
0x22e: {  	[tilespmem:s24+$0x0] =	vst v7  }
0x22f: {  	s2 =	rddreg [dreg:$0x8]  }
0x230: {  	s2 =	sadd.s32 s2, s20  }
0x231: {  	s2 =	sshll.u32 s2, $0x7  }
0x232: {  	s30 =	simm.s32 $0x0;
	s2 =	sadd.s32 s6, s2  }
0x233: {  	[hbm4b:s2+s30] =	stream.linear.scatter [tilespmem:s28], [sflag:$0x5], $0x4000, $0x38;
	[tilespmem:$0x10A00] =	vst v63  }
0x234: {  	_ =	swait.ge [sflag:s23], $0x4000  }
0x235: {  	[sflag:s23] =	ssyncset.done $0x0  }
0x236: {  	[sflag:s23] =	ssyncadd.s32 $0xFFFFC000  }
0x237: {  	v7 =	vld [tilespmem:s20+$0x180];
	_ =	sdelay $0x4  }
0x238: {  	v8 =	vshll.u32 v7, $0x3  }
0x239: {  	v7 =	vand.u32 $0x7, v7;
	v8 =	vand.u32 $0xFFFFFFC0, v8  }
0x23a: {  	v7 =	vor.u32 v7, v8  }
0x23b: {  	v8 =	vperm.xlane v7, v0;
	_ =	sdelay $0x1  }
0x23c: {  	v8 =	vadd.s32 v1, v8;
	_ =	sdelay $0x4  }
0x23d: {  	[tilespmem:s28], [sflag:$0x2] =	stream.indirect_vreg.gather [hbm4b:s0+s30], $0x80, v8, vm0, $0xb8;
	[tilespmem:$0x10A00] =	vst v63  }
0x23e: {  	s14 =	simm.s32 $0xCA00;
	v7 =	vperm.xlane v7, v2  }
0x23f: {  	[tilespmem:s14], [sflag:$0x2] =	stream.indirect_vreg.gather [hbm4b:s16+s30], $0x80, v8, vm0, $0xb8;
	[tilespmem:$0x10A00] =	vst v63  }
0x240: {  	s22 =	simm.s32 $0xD200;
	v7 =	vadd.s32 v1, v7  }
0x241: {  	[tilespmem:s22], [sflag:$0x2] =	stream.indirect_vreg.gather [hbm4b:s17+s30], $0x80, v8, vm0, $0xb8;
	[tilespmem:$0x10A00] =	vst v63  }
0x242: {  	s24 =	simm.s32 $0xDA00  }
0x243: {  	[tilespmem:s24], [sflag:$0x2] =	stream.indirect_vreg.gather [hbm4b:s18+s30], $0x80, v8, vm0, $0xb8;
	[tilespmem:$0x10A00] =	vst v63  }
0x244: {  	s31 =	simm.s32 $0xE200  }
0x245: {  	[tilespmem:s31], [sflag:$0x2] =	stream.indirect_vreg.gather [hbm4b:s0+s30], $0x80, v7, vm0, $0xb8;
	[tilespmem:$0x10A00] =	vst v63  }
0x246: {  	_ = 	snop  }
0x247: {  	[tilespmem:s15], [sflag:$0x2] =	stream.indirect_vreg.gather [hbm4b:s16+s30], $0x80, v7, vm0, $0xb8;
	[tilespmem:$0x10A00] =	vst v63  }
0x248: {  	_ = 	snop  }
0x249: {  	[tilespmem:s19], [sflag:$0x2] =	stream.indirect_vreg.gather [hbm4b:s17+s30], $0x80, v7, vm0, $0xb8;
	[tilespmem:$0x10A00] =	vst v63  }
0x24a: {  	_ = 	snop  }
0x24b: {  	[tilespmem:s21], [sflag:$0x2] =	stream.indirect_vreg.gather [hbm4b:s18+s30], $0x80, v7, vm0, $0xb8;
	[tilespmem:$0x10A00] =	vst v63  }
0x24c: {  	_ =	swait.ge [sflag:s26], $0x4000  }
0x24d: {  	[sflag:s26] =	ssyncset.done $0x0  }
0x24e: {  	s2 =	simm.s32 $0x0;
	[sflag:s26] =	ssyncadd.s32 $0xFFFFC000  }
.LBB2_15:
0x24f: {  	s3 =	sshll.u32 s2, $0xA;
	s4 =	sshll.u32 s2, $0x7;
	s14 =	sand.u32 $0x40, s30  }
0x250: {  	s7 =	sand.u32 $0x1C00, s30;
	s3 =	sand.u32 $0x2000, s3;
	s31 =	sand.u32 $0x380, s4  }
0x251: {  	s4 =	sor.u32 s7, s14;
	s5 =	sor.u32 s31, s3  }
0x252: {  	s4 =	sor.u32 s5, s4  }
0x253: {  	v7 =	vld [tilespmem:s4+$0x230]  }
0x254: {  	v9 =	vld [tilespmem:s4+$0x210]  }
0x255: {  	v10 =	vld [tilespmem:s4+$0x8210]  }
0x256: {  	v8 =	vld [tilespmem:s4+$0x220]  }
0x257: {  	s22 =	simm.s32 $0x200;
	s9 =	simm.s32 $0x40;
	v11 =	vld [tilespmem:s4+$0x8220]  }
0x258: {  	s9 =	sand.u32 $0x40, s9;
	s7 =	sand.u32 $0x1C00, s22;
	v12 =	vld [tilespmem:s4+$0x200]  }
0x259: {  	s7 =	sor.u32 s7, s9;
	v13 =	vld [tilespmem:s4+$0x8230]  }
0x25a: {  	s7 =	sor.u32 s5, s7;
	v14 =	vadd.f32 v9, v10;
	v9 =	vld [tilespmem:s4+$0x8200]  }
0x25b: {  	v15 =	vld [tilespmem:s7+$0x230]  }
0x25c: {  	v16 =	vld [tilespmem:s7+$0x210]  }
0x25d: {  	v10 =	vld [tilespmem:s7+$0x220];
	[tilespmem:s4+$0x8210] =	vst v14  }
0x25e: {  	v17 =	vadd.f32 v8, v11;
	v11 =	vld [tilespmem:s7+$0x8210]  }
0x25f: {  	v8 =	vadd.f32 v7, v13;
	v7 =	vadd.f32 v12, v9  }
0x260: {  	[tilespmem:s4+$0x8220] =	vst v17  }
0x261: {  	s24 =	simm.s32 $0x400;
	s10 =	simm.s32 $0x80;
	v20 =	vimm.f32 $0.0e+00;
	v13 =	vld [tilespmem:s7+$0x8220];
	v22 =	vmul.f32 v7, v7  }
0x262: {  	s10 =	sand.u32 $0x40, s10;
	s9 =	sand.u32 $0x1C00, s24;
	v19 =	vld [tilespmem:s7+$0x200];
	[tilespmem:s4+$0x8230] =	vst v8;
	v23 =	vadd.f32 v7, v20  }
0x263: {  	s9 =	sor.u32 s9, s10;
	v18 =	vld [tilespmem:s7+$0x8230];
	[tilespmem:s4+$0x8200] =	vst v7;
	v12 =	vadd.f32 v16, v11;
	v16 =	vmul.f32 v14, v14;
	v20 =	vadd.f32 v22, v20  }
0x264: {  	s4 =	sor.u32 s5, s9;
	v21 =	vld [tilespmem:s7+$0x8200]  }
0x265: {  	v9 =	vld [tilespmem:s4+$0x230];
	v16 =	vadd.f32 v16, v20  }
0x266: {  	v7 =	vld [tilespmem:s4+$0x220];
	v10 =	vadd.f32 v10, v13;
	v22 =	vadd.f32 v14, v23  }
0x267: {  	v11 =	vld [tilespmem:s4+$0x210];
	v23 =	vmul.f32 v17, v17;
	[tilespmem:s7+$0x8210] =	vst v12  }
0x268: {  	v13 =	vadd.f32 v15, v18;
	v18 =	vmul.f32 v8, v8;
	v14 =	vld [tilespmem:s4+$0x8210];
	[tilespmem:s7+$0x8220] =	vst v10;
	v20 =	vadd.f32 v17, v22  }
0x269: {  	s11 =	simm.s32 $0x600;
	s12 =	simm.s32 $0xC0;
	s10 =	simm.s32 $0x8;
	v17 =	vmovc v12;
	v15 =	vld [tilespmem:s4+$0x8220];
	v19 =	vadd.f32 v19, v21;
	v21 =	vadd.f32 v23, v16;
	v16 =	vmov v10  }
.LBB2_16:
0x26a: {  	s9 =	sand.u32 $0x40, s12;
	s22 =	sand.u32 $0x1C00, s11;
	s10 =	sadd.s32 $0x4, s10;
	v22 =	vld [tilespmem:s4+$0x200];
	[tilespmem:s7+$0x8230] =	vst v13;
	v20 =	vadd.f32 v8, v20;
	v23 =	vmov v9;
	v8 =	vmov v13  }
0x26b: {  	s9 =	sor.u32 s22, s9;
	p0 =	slt.u32 s10, $0x3C;
	v24 =	vld [tilespmem:s4+$0x8230];
	[tilespmem:s7+$0x8200] =	vst v19;
	v25 =	vmul.f32 v19, v19;
	v18 =	vadd.f32 v18, v21;
	s7 =	smov.u32 s4  }
0x26c: {  	s4 =	sor.u32 s5, s9;
	v21 =	vld [tilespmem:s7+$0x8200];
	v19 =	vadd.f32 v19, v20;
	v20 =	vmul.f32 v17, v12  }
.Ltmp6:
0x26d: {  	v9 =	vld [tilespmem:s4+$0x230];
	v17 =	vadd.f32 v11, v14;
	v14 =	vadd.f32 v25, v18;
	(pc) =	sbr.rel @p0 .LBB2_16-.Ltmp6, $4  }
0x26e: {  	v25 =	vmul.f32 v16, v10;
	v19 =	vadd.f32 v12, v19;
	v16 =	vadd.f32 v7, v15;
	v7 =	vld [tilespmem:s4+$0x220]  }
0x26f: {  	v18 =	vmul.f32 v13, v8;
	v11 =	vld [tilespmem:s4+$0x210];
	[tilespmem:s7+$0x8210] =	vst v17;
	v26 =	vadd.f32 v20, v14;
	v12 =	vmov v17  }
0x270: {  	v14 =	vld [tilespmem:s4+$0x8210];
	[tilespmem:s7+$0x8220] =	vst v16;
	v13 =	vadd.f32 v23, v24;
	v20 =	vadd.f32 v10, v19;
	v10 =	vmov v16  }
0x271: {  	s11 =	sadd.s32 $0x200, s11;
	s12 =	sadd.s32 $0x40, s12;
	v15 =	vld [tilespmem:s4+$0x8220];
	v19 =	vadd.f32 v22, v21;
	v21 =	vadd.f32 v25, v26  }
0x272: {  	v22 =	vld [tilespmem:s4+$0x200];
	[tilespmem:s7+$0x8230] =	vst v13;
	v8 =	vadd.f32 v8, v20  }
0x273: {  	v49 =	vld [tilespmem:s4+$0x8230];
	[tilespmem:s7+$0x8200] =	vst v19  }
0x274: {  	v23 =	vmul.f32 v19, v19;
	v18 =	vadd.f32 v18, v21;
	v50 =	vld [tilespmem:s4+$0x8200];
	v8 =	vadd.f32 v19, v8;
	_ =	sdelay $0x1  }
0x275: {  	v17 =	vmul.f32 v17, v12;
	v18 =	vadd.f32 v23, v18;
	v8 =	vadd.f32 v12, v8;
	_ =	sdelay $0x1  }
0x276: {  	v51 =	vmul.f32 v16, v10;
	v52 =	vadd.f32 v17, v18;
	v8 =	vadd.f32 v10, v8  }
0x277: {  	v10 =	vadd.f32 v22, v50  }
0x278: {  	v53 =	vmul.f32 v13, v13;
	v12 =	vadd.f32 v51, v52;
	v8 =	vadd.f32 v13, v8  }
0x279: {  	v11 =	vadd.f32 v11, v14  }
0x27a: {  	v54 =	vmul.f32 v10, v10;
	v12 =	vadd.f32 v53, v12;
	v8 =	vadd.f32 v10, v8  }
0x27b: {  	v55 =	vadd.f32 v7, v15  }
0x27c: {  	v7 =	vmul.f32 v11, v11;
	v12 =	vadd.f32 v54, v12;
	v8 =	vadd.f32 v11, v8  }
0x27d: {  	v9 =	vadd.f32 v9, v49  }
0x27e: {  	v56 =	vmul.f32 v55, v55;
	v7 =	vadd.f32 v7, v12;
	v8 =	vadd.f32 v55, v8;
	_ =	sdelay $0x1  }
0x27f: {  	v57 =	vmul.f32 v9, v9;
	v7 =	vadd.f32 v56, v7;
	v8 =	vadd.f32 v9, v8;
	_ =	sdelay $0x1  }
0x280: {  	v7 =	vadd.f32 v57, v7;
	v58 =	vperm.xlane v8, v3;
	_ =	sdelay $0x1  }
0x281: {  	v59 =	vperm.xlane v7, v3;
	v8 =	vadd.f32 v58, v8;
	_ =	sdelay $0x1  }
0x282: {  	v7 =	vadd.f32 v59, v7;
	v60 =	vperm.xlane v8, v4;
	_ =	sdelay $0x1  }
0x283: {  	v12 =	vperm.xlane v7, v4;
	v8 =	vadd.f32 v60, v8;
	_ =	sdelay $0x1  }
0x284: {  	v7 =	vadd.f32 v12, v7;
	v13 =	vperm.xlane v8, v5;
	_ =	sdelay $0x1  }
0x285: {  	v12 =	vperm.xlane v7, v5;
	v8 =	vadd.f32 v13, v8;
	_ =	sdelay $0x1  }
0x286: {  	v12 =	vadd.f32 v12, v7;
	v13 =	vperm.xlane v8, v6;
	_ =	sdelay $0x1  }
0x287: {  	v7 =	vadd.f32 v13, v8;
	v8 =	vperm.xlane v12, v6;
	_ =	sdelay $0x1  }
0x288: {  	v7 =	vmul.f32 $9.765625000e-04, v7;
	v8 =	vadd.f32 v8, v12;
	_ =	sdelay $0x1  }
0x289: {  	v8 =	vmul.f32 $9.765625000e-04, v8;
	v61 =	vmul.f32 v7, v7;
	_ =	sdelay $0x1  }
0x28a: {  	v8 =	vsub.f32 v8, v61;
	_ =	sdelay $0x1  }
0x28b: {  	v8 =	vadd.f32 $9.999999960e-13, v8;
	_ =	sdelay $0x1  }
0x28c: {  	v62 =	vshrl.u32 v8, $0x1;
	v8 =	vmul.f32 $5.000000000e-01, v8  }
0x28d: {  	v12 =	vsub.s32 $0x5F3759DF, v62  }
0x28e: {  	v63 =	vmul.f32 v12, v8;
	_ =	sdelay $0x1  }
0x28f: {  	v13 =	vmul.f32 v12, v63;
	_ =	sdelay $0x1  }
0x290: {  	v13 =	vsub.f32 $1.500000000e+00, v13;
	_ =	sdelay $0x1  }
0x291: {  	v12 =	vmul.f32 v12, v13;
	_ =	sdelay $0x1  }
0x292: {  	v13 =	vmul.f32 v12, v8;
	_ =	sdelay $0x1  }
0x293: {  	v13 =	vmul.f32 v13, v12;
	_ =	sdelay $0x1  }
0x294: {  	s5 =	simm.s32 $0x0;
	v13 =	vsub.f32 $1.500000000e+00, v13  }
0x295: {  	s3 =	sadd.s32 s31, s3;
	s14 =	sand.u32 $0x7000, s5;
	[tilespmem:s4+$0x8210] =	vst v11  }
0x296: {  	s3 =	sadd.s32 $0x8200, s3;
	s7 =	sshrl.u32 s14, $0x2;
	[tilespmem:s4+$0x8220] =	vst v55;
	v11 =	vmul.f32 v13, v12  }
0x297: {  	s9 =	sand.u32 $0x40, s5;
	s7 =	sadd.s32 s7, s3;
	[tilespmem:s4+$0x8230] =	vst v9  }
0x298: {  	s10 =	sadd.s32 s9, s7;
	[tilespmem:s4+$0x8200] =	vst v10;
	v8 =	vmul.f32 v11, v8  }
0x299: {  	v9 =	vld [tilespmem:s10+$0x0]  }
0x29a: {  	v8 =	vmul.f32 v8, v11;
	_ =	sdelay $0x1  }
0x29b: {  	s4 =	simm.s32 $0x10200;
	v8 =	vsub.f32 $1.500000000e+00, v8  }
0x29c: {  	v10 =	vld [tilespmem:s4+$0x0]  }
0x29d: {  	s11 =	simm.s32 $0x10600;
	v9 =	vsub.f32 v9, v7;
	v8 =	vmul.f32 v8, v11  }
0x29e: {  	v11 =	vld [tilespmem:s11+$0x0]  }
0x29f: {  	v9 =	vmul.f32 v9, v8;
	_ =	sdelay $0x1  }
0x2a0: {  	v9 =	vmul.f32 v9, v10;
	_ =	sdelay $0x1  }
0x2a1: {  	v9 =	vadd.f32 v9, v11  }
0x2a2: {  	s22 =	sor.u32 $0x10, s9  }
0x2a3: {  	s24 =	sadd.s32 s22, s7;
	[tilespmem:s10+$0x0] =	vst v9  }
0x2a4: {  	v9 =	vld [tilespmem:s24+$0x0];
	_ =	sdelay $0x1  }
0x2a5: {  	s5 =	sand.u32 $0x380, s5  }
0x2a6: {  	s11 =	sor.u32 s5, s22  }
0x2a7: {  	v10 =	vld [tilespmem:s11+$0x10200]  }
0x2a8: {  	v9 =	vsub.f32 v9, v7  }
0x2a9: {  	v11 =	vld [tilespmem:s11+$0x10600]  }
0x2aa: {  	v9 =	vmul.f32 v9, v8;
	_ =	sdelay $0x1  }
0x2ab: {  	v9 =	vmul.f32 v9, v10;
	_ =	sdelay $0x1  }
0x2ac: {  	v9 =	vadd.f32 v9, v11  }
0x2ad: {  	s12 =	sor.u32 $0x20, s9  }
0x2ae: {  	s13 =	sadd.s32 s12, s7;
	[tilespmem:s24+$0x0] =	vst v9  }
0x2af: {  	v9 =	vld [tilespmem:s13+$0x0];
	_ =	sdelay $0x2  }
0x2b0: {  	s11 =	sor.u32 s5, s12  }
0x2b1: {  	v10 =	vld [tilespmem:s11+$0x10200]  }
0x2b2: {  	v9 =	vsub.f32 v9, v7  }
0x2b3: {  	v11 =	vld [tilespmem:s11+$0x10600]  }
0x2b4: {  	v9 =	vmul.f32 v9, v8;
	_ =	sdelay $0x1  }
0x2b5: {  	v9 =	vmul.f32 v9, v10;
	_ =	sdelay $0x1  }
0x2b6: {  	v9 =	vadd.f32 v9, v11  }
0x2b7: {  	s9 =	sor.u32 $0x30, s9  }
0x2b8: {  	s12 =	sadd.s32 s9, s7;
	[tilespmem:s13+$0x0] =	vst v9  }
0x2b9: {  	v9 =	vld [tilespmem:s12+$0x0];
	_ =	sdelay $0x2  }
0x2ba: {  	s5 =	sor.u32 s5, s9  }
0x2bb: {  	v10 =	vld [tilespmem:s5+$0x10200]  }
0x2bc: {  	v9 =	vsub.f32 v9, v7  }
0x2bd: {  	v11 =	vld [tilespmem:s5+$0x10600]  }
0x2be: {  	v9 =	vmul.f32 v9, v8;
	_ =	sdelay $0x1  }
0x2bf: {  	s22 =	simm.s32 $0x800;
	v9 =	vmul.f32 v9, v10  }
0x2c0: {  	s14 =	sand.u32 $0x7000, s22  }
0x2c1: {  	s10 =	simm.s32 $0x10640;
	s24 =	sshrl.u32 s14, $0x2;
	s5 =	simm.s32 $0x40;
	v9 =	vadd.f32 v9, v11  }
0x2c2: {  	s11 =	simm.s32 $0x4;
	s31 =	sadd.s32 s24, s3;
	s7 =	sand.u32 $0x40, s5  }
.LBB2_18:
0x2c3: {  	s11 =	sadd.s32 $0x4, s11;
	s9 =	sadd.s32 s7, s31;
	[tilespmem:s12+$0x0] =	vst v9;
	s4 =	sadd.s32 $0x40, s4  }
0x2c4: {  	p0 =	slt.u32 s11, $0x3C;
	v9 =	vld [tilespmem:s9+$0x0];
	_ =	sdelay $0x3  }
0x2c5: {  	v10 =	vld [tilespmem:s4+$0x0]  }
0x2c6: {  	v9 =	vsub.f32 v9, v7  }
0x2c7: {  	v11 =	vld [tilespmem:s10+$0x0]  }
0x2c8: {  	v9 =	vmul.f32 v9, v8;
	_ =	sdelay $0x1  }
0x2c9: {  	v9 =	vmul.f32 v9, v10;
	_ =	sdelay $0x1  }
0x2ca: {  	v9 =	vadd.f32 v9, v11  }
0x2cb: {  	s12 =	sor.u32 $0x10, s7  }
0x2cc: {  	[tilespmem:s9+$0x0] =	vst v9;
	s9 =	sadd.s32 s12, s31  }
0x2cd: {  	v9 =	vld [tilespmem:s9+$0x0];
	_ =	sdelay $0x1  }
0x2ce: {  	s24 =	sand.u32 $0x380, s5  }
0x2cf: {  	s12 =	sor.u32 s24, s12  }
0x2d0: {  	v10 =	vld [tilespmem:s12+$0x10200]  }
0x2d1: {  	v9 =	vsub.f32 v9, v7  }
0x2d2: {  	v11 =	vld [tilespmem:s12+$0x10600]  }
0x2d3: {  	v9 =	vmul.f32 v9, v8;
	_ =	sdelay $0x1  }
0x2d4: {  	v9 =	vmul.f32 v9, v10;
	_ =	sdelay $0x1  }
0x2d5: {  	v9 =	vadd.f32 v9, v11  }
0x2d6: {  	s12 =	sor.u32 $0x20, s7  }
0x2d7: {  	[tilespmem:s9+$0x0] =	vst v9;
	s9 =	sadd.s32 s12, s31  }
0x2d8: {  	v9 =	vld [tilespmem:s9+$0x0];
	_ =	sdelay $0x2  }
0x2d9: {  	s12 =	sor.u32 s24, s12  }
0x2da: {  	v10 =	vld [tilespmem:s12+$0x10200]  }
0x2db: {  	v9 =	vsub.f32 v9, v7  }
0x2dc: {  	v11 =	vld [tilespmem:s12+$0x10600]  }
0x2dd: {  	v9 =	vmul.f32 v9, v8;
	_ =	sdelay $0x1  }
0x2de: {  	v9 =	vmul.f32 v9, v10;
	_ =	sdelay $0x1  }
0x2df: {  	v9 =	vadd.f32 v9, v11  }
0x2e0: {  	s7 =	sor.u32 $0x30, s7  }
0x2e1: {  	s12 =	sadd.s32 s7, s31;
	[tilespmem:s9+$0x0] =	vst v9  }
0x2e2: {  	s7 =	sor.u32 s24, s7;
	v9 =	vld [tilespmem:s12+$0x0]  }
0x2e3: {  	v10 =	vld [tilespmem:s7+$0x10200]  }
0x2e4: {  	v11 =	vld [tilespmem:s7+$0x10600];
	_ =	sdelay $0x2  }
0x2e5: {  	v9 =	vsub.f32 v9, v7;
	_ =	sdelay $0x1  }
0x2e6: {  	v9 =	vmul.f32 v9, v8  }
.Ltmp7:
0x2e7: {  	(pc) =	sbr.rel @p0 .LBB2_18-.Ltmp7, $4  }
0x2e8: {  	s22 =	sadd.s32 $0x800, s22;
	v9 =	vmul.f32 v9, v10  }
0x2e9: {  	s7 =	sand.u32 $0x7000, s22  }
0x2ea: {  	s5 =	sadd.s32 $0x40, s5;
	s9 =	sshrl.u32 s7, $0x2;
	v9 =	vadd.f32 v9, v11  }
0x2eb: {  	s10 =	sadd.s32 $0x40, s10;
	s7 =	sand.u32 $0x40, s5;
	s31 =	sadd.s32 s9, s3  }
0x2ec: {  	s3 =	sadd.s32 s7, s31;
	[tilespmem:s12+$0x0] =	vst v9  }
0x2ed: {  	v9 =	vld [tilespmem:s3+$0x0];
	_ =	sdelay $0x2  }
0x2ee: {  	s4 =	sadd.s32 $0x40, s4  }
0x2ef: {  	v10 =	vld [tilespmem:s4+$0x0]  }
0x2f0: {  	v9 =	vsub.f32 v9, v7  }
0x2f1: {  	v11 =	vld [tilespmem:s10+$0x0]  }
0x2f2: {  	v9 =	vmul.f32 v9, v8;
	_ =	sdelay $0x1  }
0x2f3: {  	v9 =	vmul.f32 v9, v10;
	_ =	sdelay $0x1  }
0x2f4: {  	v9 =	vadd.f32 v9, v11  }
0x2f5: {  	s12 =	sor.u32 $0x10, s7  }
0x2f6: {  	s13 =	sadd.s32 s12, s31;
	[tilespmem:s3+$0x0] =	vst v9  }
0x2f7: {  	v9 =	vld [tilespmem:s13+$0x0];
	_ =	sdelay $0x1  }
0x2f8: {  	s5 =	sand.u32 $0x380, s5  }
0x2f9: {  	s4 =	sor.u32 s5, s12  }
0x2fa: {  	v58 =	vld [tilespmem:s4+$0x10200]  }
0x2fb: {  	v9 =	vsub.f32 v9, v7  }
0x2fc: {  	v59 =	vld [tilespmem:s4+$0x10600]  }
0x2fd: {  	v9 =	vmul.f32 v9, v8;
	_ =	sdelay $0x1  }
0x2fe: {  	v9 =	vmul.f32 v9, v58;
	_ =	sdelay $0x1  }
0x2ff: {  	v9 =	vadd.f32 v9, v59  }
0x300: {  	s14 =	sor.u32 $0x20, s7  }
0x301: {  	s22 =	sadd.s32 s14, s31;
	[tilespmem:s13+$0x0] =	vst v9  }
0x302: {  	v9 =	vld [tilespmem:s22+$0x0];
	_ =	sdelay $0x2  }
0x303: {  	s4 =	sor.u32 s5, s14  }
0x304: {  	v60 =	vld [tilespmem:s4+$0x10200]  }
0x305: {  	v9 =	vsub.f32 v9, v7  }
0x306: {  	v61 =	vld [tilespmem:s4+$0x10600]  }
0x307: {  	v9 =	vmul.f32 v9, v8;
	_ =	sdelay $0x1  }
0x308: {  	v9 =	vmul.f32 v9, v60;
	_ =	sdelay $0x1  }
0x309: {  	v9 =	vadd.f32 v9, v61  }
0x30a: {  	s24 =	sor.u32 $0x30, s7  }
0x30b: {  	s31 =	sadd.s32 s24, s31;
	[tilespmem:s22+$0x0] =	vst v9  }
0x30c: {  	v9 =	vld [tilespmem:s31+$0x0];
	_ =	sdelay $0x2  }
0x30d: {  	s4 =	sor.u32 s5, s24  }
0x30e: {  	v62 =	vld [tilespmem:s4+$0x10200]  }
0x30f: {  	v7 =	vsub.f32 v9, v7  }
0x310: {  	v63 =	vld [tilespmem:s4+$0x10600]  }
0x311: {  	s2 =	sadd.s32 $0x1, s2;
	v7 =	vmul.f32 v7, v8  }
0x312: {  	p0 =	sne.s32 s2, $0x10  }
.Ltmp8:
0x313: {  	v7 =	vmul.f32 v7, v62;
	(pc) =	sbr.rel @p0 .LBB2_15-.Ltmp8, $3  }
0x314: {  	_ = 	snop  }
0x315: {  	v7 =	vadd.f32 v7, v63;
	_ =	sdelay $0x1  }
0x316: {  	[tilespmem:s31+$0x0] =	vst v7  }
0x317: {  	s2 =	rddreg [dreg:$0x9]  }
0x318: {  	s2 =	sadd.s32 s2, s20  }
0x319: {  	s2 =	sshll.u32 s2, $0x7  }
0x31a: {  	s31 =	simm.s32 $0x0;
	s2 =	sadd.s32 s6, s2  }
0x31b: {  	[hbm4b:s2+s31] =	stream.linear.scatter [tilespmem:s29], [sflag:$0x5], $0x4000, $0x38;
	[tilespmem:$0x10A00] =	vst v63  }
0x31c: {  	_ =	swait.ge [sflag:s23], $0x4000  }
0x31d: {  	[sflag:s23] =	ssyncset.done $0x0  }
0x31e: {  	s30 =	sand.u32 $0x3FFFFFE0, s20;
	[sflag:s23] =	ssyncadd.s32 $0xFFFFC000  }
0x31f: {  	v7 =	vld [tilespmem:s30+$0x10];
	_ =	sdelay $0x4  }
0x320: {  	v8 =	vshll.u32 v7, $0x3  }
0x321: {  	v7 =	vand.u32 $0x7, v7;
	v8 =	vand.u32 $0xFFFFFFC0, v8  }
0x322: {  	v7 =	vor.u32 v7, v8  }
0x323: {  	v8 =	vperm.xlane v7, v0;
	_ =	sdelay $0x1  }
0x324: {  	v8 =	vadd.s32 v1, v8;
	_ =	sdelay $0x4  }
0x325: {  	[tilespmem:s29], [sflag:$0x1] =	stream.indirect_vreg.gather [hbm4b:s0+s31], $0x80, v8, vm0, $0xb8;
	[tilespmem:$0x10A00] =	vst v63  }
0x326: {  	s10 =	simm.s32 $0x8A00;
	v7 =	vperm.xlane v7, v2  }
0x327: {  	[tilespmem:s10], [sflag:$0x1] =	stream.indirect_vreg.gather [hbm4b:s16+s31], $0x80, v8, vm0, $0xb8;
	[tilespmem:$0x10A00] =	vst v63  }
0x328: {  	s11 =	simm.s32 $0x9200;
	v7 =	vadd.s32 v1, v7  }
0x329: {  	[tilespmem:s11], [sflag:$0x1] =	stream.indirect_vreg.gather [hbm4b:s17+s31], $0x80, v8, vm0, $0xb8;
	[tilespmem:$0x10A00] =	vst v63  }
0x32a: {  	s12 =	simm.s32 $0x9A00  }
0x32b: {  	[tilespmem:s12], [sflag:$0x1] =	stream.indirect_vreg.gather [hbm4b:s18+s31], $0x80, v8, vm0, $0xb8;
	[tilespmem:$0x10A00] =	vst v63  }
0x32c: {  	s13 =	simm.s32 $0xA200  }
0x32d: {  	[tilespmem:s13], [sflag:$0x1] =	stream.indirect_vreg.gather [hbm4b:s0+s31], $0x80, v7, vm0, $0xb8;
	[tilespmem:$0x10A00] =	vst v63  }
0x32e: {  	s14 =	simm.s32 $0xAA00  }
0x32f: {  	[tilespmem:s14], [sflag:$0x1] =	stream.indirect_vreg.gather [hbm4b:s16+s31], $0x80, v7, vm0, $0xb8;
	[tilespmem:$0x10A00] =	vst v63  }
0x330: {  	s22 =	simm.s32 $0xB200  }
0x331: {  	[tilespmem:s22], [sflag:$0x1] =	stream.indirect_vreg.gather [hbm4b:s17+s31], $0x80, v7, vm0, $0xb8;
	[tilespmem:$0x10A00] =	vst v63  }
0x332: {  	s24 =	simm.s32 $0xBA00  }
0x333: {  	[tilespmem:s24], [sflag:$0x1] =	stream.indirect_vreg.gather [hbm4b:s18+s31], $0x80, v7, vm0, $0xb8;
	[tilespmem:$0x10A00] =	vst v63  }
0x334: {  	_ =	swait.ge [sflag:s1], $0x4000  }
0x335: {  	[sflag:s1] =	ssyncset.done $0x0  }
0x336: {  	s2 =	simm.s32 $0x0;
	[sflag:s1] =	ssyncadd.s32 $0xFFFFC000  }
.LBB2_21:
0x337: {  	s3 =	sshll.u32 s2, $0xA;
	s4 =	sshll.u32 s2, $0x7  }
0x338: {  	s3 =	sand.u32 $0x2000, s3;
	s4 =	sand.u32 $0x380, s4  }
0x339: {  	s4 =	sor.u32 s4, s3  }
0x33a: {  	s5 =	sand.u32 $0x1C00, s31;
	s3 =	sadd.s32 $0xC200, s4  }
0x33b: {  	s7 =	sand.u32 $0x40, s31;
	s4 =	sadd.s32 $0x200, s4;
	s9 =	sadd.s32 s5, s3  }
0x33c: {  	s5 =	sadd.s32 s5, s4;
	s10 =	sadd.s32 s7, s9  }
0x33d: {  	s11 =	sadd.s32 s7, s5;
	v7 =	vld [tilespmem:s10+$0x0]  }
0x33e: {  	v8 =	vld [tilespmem:s11+$0x0];
	_ =	sdelay $0x4  }
0x33f: {  	v7 =	vadd.f32 v8, v7  }
0x340: {  	s13 =	sor.u32 $0x10, s7  }
0x341: {  	s14 =	sadd.s32 s13, s9;
	[tilespmem:s10+$0x0] =	vst v7  }
0x342: {  	s11 =	sadd.s32 s13, s5;
	v8 =	vld [tilespmem:s14+$0x0]  }
0x343: {  	v9 =	vld [tilespmem:s11+$0x0];
	_ =	sdelay $0x4  }
0x344: {  	v8 =	vadd.f32 v9, v8  }
0x345: {  	s22 =	sor.u32 $0x20, s7  }
0x346: {  	s24 =	sadd.s32 s22, s9;
	[tilespmem:s14+$0x0] =	vst v8  }
0x347: {  	s11 =	sadd.s32 s22, s5;
	v9 =	vld [tilespmem:s24+$0x0]  }
0x348: {  	v10 =	vld [tilespmem:s11+$0x0];
	_ =	sdelay $0x3  }
0x349: {  	v11 =	vmul.f32 v7, v7  }
0x34a: {  	v12 =	vimm.f32 $0.0e+00;
	v13 =	vadd.f32 v10, v9  }
0x34b: {  	s7 =	sor.u32 $0x30, s7;
	v9 =	vmul.f32 v8, v8;
	v10 =	vadd.f32 v11, v12  }
0x34c: {  	s11 =	sadd.s32 s7, s9;
	[tilespmem:s24+$0x0] =	vst v13  }
0x34d: {  	v7 =	vadd.f32 v7, v12;
	s7 =	sadd.s32 s7, s5;
	v12 =	vadd.f32 v9, v10;
	v9 =	vld [tilespmem:s11+$0x0]  }
0x34e: {  	v10 =	vld [tilespmem:s7+$0x0];
	_ =	sdelay $0x1  }
0x34f: {  	v7 =	vadd.f32 v8, v7;
	v11 =	vmul.f32 v13, v13;
	_ =	sdelay $0x1  }
0x350: {  	s10 =	simm.s32 $0x200;
	s5 =	simm.s32 $0x4;
	v8 =	vadd.f32 v13, v7;
	s7 =	simm.s32 $0x0;
	v7 =	vadd.f32 v11, v12  }
.LBB2_22:
0x351: {  	s5 =	sadd.s32 $0x4, s5;
	s9 =	sand.u32 $0x1C00, s10;
	v9 =	vadd.f32 v10, v9;
	s7 =	sadd.s32 $0x40, s7  }
0x352: {  	s12 =	sand.u32 $0x40, s7;
	s22 =	sadd.s32 s9, s3;
	s9 =	sadd.s32 s9, s4  }
0x353: {  	p0 =	slt.u32 s5, $0x3C;
	s24 =	sadd.s32 s12, s22;
	s13 =	sadd.s32 s12, s9;
	[tilespmem:s11+$0x0] =	vst v9;
	v8 =	vadd.f32 v9, v8;
	v9 =	vmul.f32 v9, v9  }
0x354: {  	v10 =	vld [tilespmem:s24+$0x0]  }
0x355: {  	v11 =	vld [tilespmem:s13+$0x0];
	v7 =	vadd.f32 v9, v7;
	_ =	sdelay $0x4  }
0x356: {  	v9 =	vadd.f32 v11, v10  }
0x357: {  	s11 =	sor.u32 $0x10, s12  }
0x358: {  	s13 =	sadd.s32 s11, s22;
	s11 =	sadd.s32 s11, s9;
	[tilespmem:s24+$0x0] =	vst v9;
	v10 =	vmul.f32 v9, v9  }
0x359: {  	v11 =	vld [tilespmem:s13+$0x0]  }
0x35a: {  	v12 =	vld [tilespmem:s11+$0x0];
	_ =	sdelay $0x4  }
0x35b: {  	v11 =	vadd.f32 v12, v11  }
0x35c: {  	s11 =	sor.u32 $0x20, s12  }
0x35d: {  	[tilespmem:s13+$0x0] =	vst v11;
	v12 =	vmul.f32 v11, v11;
	s13 =	sadd.s32 s11, s22;
	s11 =	sadd.s32 s11, s9  }
0x35e: {  	v13 =	vld [tilespmem:s13+$0x0]  }
0x35f: {  	v14 =	vld [tilespmem:s11+$0x0];
	_ =	sdelay $0x4  }
0x360: {  	v13 =	vadd.f32 v14, v13  }
0x361: {  	s12 =	sor.u32 $0x30, s12  }
0x362: {  	s9 =	sadd.s32 s12, s9;
	s11 =	sadd.s32 s12, s22;
	[tilespmem:s13+$0x0] =	vst v13;
	v14 =	vmul.f32 v13, v13  }
0x363: {  	v8 =	vadd.f32 v9, v8;
	v7 =	vadd.f32 v10, v7;
	v9 =	vld [tilespmem:s11+$0x0]  }
.Ltmp9:
0x364: {  	v10 =	vld [tilespmem:s9+$0x0];
	(pc) =	sbr.rel @p0 .LBB2_22-.Ltmp9, $3  }
0x365: {  	v8 =	vadd.f32 v11, v8;
	v7 =	vadd.f32 v12, v7;
	_ =	sdelay $0x1  }
0x366: {  	v8 =	vadd.f32 v13, v8;
	v7 =	vadd.f32 v14, v7  }
0x367: {  	s10 =	sadd.s32 $0x200, s10  }
0x368: {  	s5 =	sand.u32 $0x1C00, s10;
	v9 =	vadd.f32 v10, v9;
	s7 =	sadd.s32 $0x40, s7  }
0x369: {  	s7 =	sand.u32 $0x40, s7;
	s9 =	sadd.s32 s5, s3  }
0x36a: {  	s4 =	sadd.s32 s5, s4;
	s22 =	sadd.s32 s7, s9;
	[tilespmem:s11+$0x0] =	vst v9  }
0x36b: {  	s24 =	sadd.s32 s7, s4;
	v10 =	vld [tilespmem:s22+$0x0]  }
0x36c: {  	v11 =	vld [tilespmem:s24+$0x0];
	_ =	sdelay $0x4  }
0x36d: {  	v10 =	vadd.f32 v11, v10  }
0x36e: {  	s11 =	sor.u32 $0x10, s7  }
0x36f: {  	s12 =	sadd.s32 s11, s9;
	[tilespmem:s22+$0x0] =	vst v10  }
0x370: {  	s10 =	sadd.s32 s11, s4;
	v11 =	vld [tilespmem:s12+$0x0]  }
0x371: {  	v12 =	vld [tilespmem:s10+$0x0];
	_ =	sdelay $0x4  }
0x372: {  	v11 =	vadd.f32 v12, v11  }
0x373: {  	s13 =	sor.u32 $0x20, s7  }
0x374: {  	s14 =	sadd.s32 s13, s9;
	[tilespmem:s12+$0x0] =	vst v11  }
0x375: {  	s10 =	sadd.s32 s13, s4;
	v61 =	vld [tilespmem:s14+$0x0]  }
0x376: {  	v13 =	vld [tilespmem:s10+$0x0];
	_ =	sdelay $0x4  }
0x377: {  	v12 =	vadd.f32 v13, v61  }
0x378: {  	s7 =	sor.u32 $0x30, s7  }
0x379: {  	v62 =	vmul.f32 v9, v9;
	s22 =	sadd.s32 s7, s9;
	[tilespmem:s14+$0x0] =	vst v12  }
0x37a: {  	v8 =	vadd.f32 v9, v8;
	s4 =	sadd.s32 s7, s4;
	v9 =	vld [tilespmem:s22+$0x0]  }
0x37b: {  	v7 =	vadd.f32 v62, v7;
	v63 =	vmul.f32 v10, v10;
	v14 =	vld [tilespmem:s4+$0x0]  }
0x37c: {  	v8 =	vadd.f32 v10, v8  }
0x37d: {  	v7 =	vadd.f32 v63, v7;
	v10 =	vmul.f32 v11, v11  }
0x37e: {  	v8 =	vadd.f32 v11, v8  }
0x37f: {  	v7 =	vadd.f32 v10, v7  }
0x380: {  	v10 =	vmul.f32 v12, v12;
	v8 =	vadd.f32 v12, v8;
	v9 =	vadd.f32 v14, v9;
	_ =	sdelay $0x1  }
0x381: {  	v7 =	vadd.f32 v10, v7;
	v8 =	vadd.f32 v9, v8;
	v10 =	vmul.f32 v9, v9;
	_ =	sdelay $0x1  }
0x382: {  	v7 =	vadd.f32 v10, v7;
	v10 =	vperm.xlane v8, v3;
	_ =	sdelay $0x1  }
0x383: {  	v8 =	vadd.f32 v10, v8;
	v10 =	vperm.xlane v7, v3;
	_ =	sdelay $0x1  }
0x384: {  	v11 =	vperm.xlane v8, v4;
	v7 =	vadd.f32 v10, v7;
	_ =	sdelay $0x1  }
0x385: {  	v8 =	vadd.f32 v11, v8;
	v10 =	vperm.xlane v7, v4;
	_ =	sdelay $0x1  }
0x386: {  	v11 =	vperm.xlane v8, v5;
	v7 =	vadd.f32 v10, v7;
	_ =	sdelay $0x1  }
0x387: {  	v8 =	vadd.f32 v11, v8;
	v10 =	vperm.xlane v7, v5;
	_ =	sdelay $0x1  }
0x388: {  	v11 =	vperm.xlane v8, v6;
	v10 =	vadd.f32 v10, v7;
	_ =	sdelay $0x1  }
0x389: {  	v7 =	vadd.f32 v11, v8;
	v8 =	vperm.xlane v10, v6;
	_ =	sdelay $0x1  }
0x38a: {  	v7 =	vmul.f32 $9.765625000e-04, v7;
	v8 =	vadd.f32 v8, v10;
	_ =	sdelay $0x1  }
0x38b: {  	v8 =	vmul.f32 $9.765625000e-04, v8;
	v10 =	vmul.f32 v7, v7;
	_ =	sdelay $0x1  }
0x38c: {  	v8 =	vsub.f32 v8, v10;
	_ =	sdelay $0x1  }
0x38d: {  	v8 =	vadd.f32 $9.999999960e-13, v8;
	_ =	sdelay $0x1  }
0x38e: {  	v10 =	vshrl.u32 v8, $0x1;
	v8 =	vmul.f32 $5.000000000e-01, v8  }
0x38f: {  	v10 =	vsub.s32 $0x5F3759DF, v10  }
0x390: {  	v11 =	vmul.f32 v10, v8;
	_ =	sdelay $0x1  }
0x391: {  	v11 =	vmul.f32 v10, v11;
	_ =	sdelay $0x1  }
0x392: {  	v11 =	vsub.f32 $1.500000000e+00, v11;
	_ =	sdelay $0x1  }
0x393: {  	v10 =	vmul.f32 v10, v11;
	_ =	sdelay $0x1  }
0x394: {  	v11 =	vmul.f32 v10, v8;
	_ =	sdelay $0x1  }
0x395: {  	v11 =	vmul.f32 v11, v10;
	_ =	sdelay $0x1  }
0x396: {  	s24 =	simm.s32 $0x0;
	v11 =	vsub.f32 $1.500000000e+00, v11  }
0x397: {  	s11 =	sand.u32 $0x7000, s24  }
0x398: {  	s4 =	sshrl.u32 s11, $0x2;
	v10 =	vmul.f32 v11, v10  }
0x399: {  	s9 =	sand.u32 $0x40, s24;
	s10 =	sadd.s32 s4, s3  }
0x39a: {  	s12 =	sadd.s32 s9, s10;
	[tilespmem:s22+$0x0] =	vst v9;
	v8 =	vmul.f32 v10, v8  }
0x39b: {  	v9 =	vld [tilespmem:s12+$0x0]  }
0x39c: {  	v8 =	vmul.f32 v8, v10;
	_ =	sdelay $0x1  }
0x39d: {  	s4 =	simm.s32 $0x10200;
	v8 =	vsub.f32 $1.500000000e+00, v8  }
0x39e: {  	v11 =	vld [tilespmem:s4+$0x0]  }
0x39f: {  	s13 =	simm.s32 $0x10600;
	v9 =	vsub.f32 v9, v7;
	v8 =	vmul.f32 v8, v10  }
0x3a0: {  	v10 =	vld [tilespmem:s13+$0x0]  }
0x3a1: {  	v9 =	vmul.f32 v9, v8;
	_ =	sdelay $0x1  }
0x3a2: {  	v9 =	vmul.f32 v9, v11;
	_ =	sdelay $0x1  }
0x3a3: {  	v9 =	vadd.f32 v9, v10  }
0x3a4: {  	s14 =	sor.u32 $0x10, s9  }
0x3a5: {  	s22 =	sadd.s32 s14, s10;
	[tilespmem:s12+$0x0] =	vst v9  }
0x3a6: {  	v9 =	vld [tilespmem:s22+$0x0];
	_ =	sdelay $0x1  }
0x3a7: {  	s7 =	sand.u32 $0x380, s24  }
0x3a8: {  	s11 =	sor.u32 s7, s14  }
0x3a9: {  	v10 =	vld [tilespmem:s11+$0x10200]  }
0x3aa: {  	v9 =	vsub.f32 v9, v7  }
0x3ab: {  	v11 =	vld [tilespmem:s11+$0x10600]  }
0x3ac: {  	v9 =	vmul.f32 v9, v8;
	_ =	sdelay $0x1  }
0x3ad: {  	v9 =	vmul.f32 v9, v10;
	_ =	sdelay $0x1  }
0x3ae: {  	v9 =	vadd.f32 v9, v11  }
0x3af: {  	s24 =	sor.u32 $0x20, s9  }
0x3b0: {  	s12 =	sadd.s32 s24, s10;
	[tilespmem:s22+$0x0] =	vst v9  }
0x3b1: {  	v9 =	vld [tilespmem:s12+$0x0];
	_ =	sdelay $0x2  }
0x3b2: {  	s11 =	sor.u32 s7, s24  }
0x3b3: {  	v10 =	vld [tilespmem:s11+$0x10200]  }
0x3b4: {  	v9 =	vsub.f32 v9, v7  }
0x3b5: {  	v11 =	vld [tilespmem:s11+$0x10600]  }
0x3b6: {  	v9 =	vmul.f32 v9, v8;
	_ =	sdelay $0x1  }
0x3b7: {  	v9 =	vmul.f32 v9, v10;
	_ =	sdelay $0x1  }
0x3b8: {  	v9 =	vadd.f32 v9, v11  }
0x3b9: {  	s9 =	sor.u32 $0x30, s9  }
0x3ba: {  	s24 =	sadd.s32 s9, s10;
	[tilespmem:s12+$0x0] =	vst v9  }
0x3bb: {  	v9 =	vld [tilespmem:s24+$0x0];
	_ =	sdelay $0x2  }
0x3bc: {  	s13 =	sor.u32 s7, s9  }
0x3bd: {  	v10 =	vld [tilespmem:s13+$0x10200]  }
0x3be: {  	v9 =	vsub.f32 v9, v7  }
0x3bf: {  	v11 =	vld [tilespmem:s13+$0x10600]  }
0x3c0: {  	v9 =	vmul.f32 v9, v8;
	_ =	sdelay $0x1  }
0x3c1: {  	s7 =	simm.s32 $0x800;
	v9 =	vmul.f32 v9, v10  }
0x3c2: {  	s5 =	simm.s32 $0x40;
	s14 =	sand.u32 $0x7000, s7  }
0x3c3: {  	s10 =	sand.u32 $0x40, s5;
	s22 =	sshrl.u32 s14, $0x2;
	v9 =	vadd.f32 v9, v11  }
0x3c4: {  	s22 =	sadd.s32 s22, s3;
	s11 =	simm.s32 $0x10640;
	s12 =	simm.s32 $0x4  }
.LBB2_24:
0x3c5: {  	s12 =	sadd.s32 $0x4, s12;
	s9 =	sadd.s32 s10, s22;
	[tilespmem:s24+$0x0] =	vst v9;
	s4 =	sadd.s32 $0x40, s4  }
0x3c6: {  	p0 =	slt.u32 s12, $0x3C;
	v9 =	vld [tilespmem:s9+$0x0];
	_ =	sdelay $0x3  }
0x3c7: {  	v10 =	vld [tilespmem:s4+$0x0]  }
0x3c8: {  	v9 =	vsub.f32 v9, v7  }
0x3c9: {  	v11 =	vld [tilespmem:s11+$0x0]  }
0x3ca: {  	v9 =	vmul.f32 v9, v8;
	_ =	sdelay $0x1  }
0x3cb: {  	v9 =	vmul.f32 v9, v10;
	_ =	sdelay $0x1  }
0x3cc: {  	v9 =	vadd.f32 v9, v11  }
0x3cd: {  	s13 =	sor.u32 $0x10, s10  }
0x3ce: {  	[tilespmem:s9+$0x0] =	vst v9;
	s9 =	sadd.s32 s13, s22  }
0x3cf: {  	v9 =	vld [tilespmem:s9+$0x0];
	_ =	sdelay $0x1  }
0x3d0: {  	s14 =	sand.u32 $0x380, s5  }
0x3d1: {  	s13 =	sor.u32 s14, s13  }
0x3d2: {  	v10 =	vld [tilespmem:s13+$0x10200]  }
0x3d3: {  	v9 =	vsub.f32 v9, v7  }
0x3d4: {  	v11 =	vld [tilespmem:s13+$0x10600]  }
0x3d5: {  	v9 =	vmul.f32 v9, v8;
	_ =	sdelay $0x1  }
0x3d6: {  	v9 =	vmul.f32 v9, v10;
	_ =	sdelay $0x1  }
0x3d7: {  	v9 =	vadd.f32 v9, v11  }
0x3d8: {  	s13 =	sor.u32 $0x20, s10  }
0x3d9: {  	[tilespmem:s9+$0x0] =	vst v9;
	s9 =	sadd.s32 s13, s22  }
0x3da: {  	v9 =	vld [tilespmem:s9+$0x0];
	_ =	sdelay $0x2  }
0x3db: {  	s13 =	sor.u32 s14, s13  }
0x3dc: {  	v10 =	vld [tilespmem:s13+$0x10200]  }
0x3dd: {  	v9 =	vsub.f32 v9, v7  }
0x3de: {  	v11 =	vld [tilespmem:s13+$0x10600]  }
0x3df: {  	v9 =	vmul.f32 v9, v8;
	_ =	sdelay $0x1  }
0x3e0: {  	v9 =	vmul.f32 v9, v10;
	_ =	sdelay $0x1  }
0x3e1: {  	v9 =	vadd.f32 v9, v11  }
0x3e2: {  	s10 =	sor.u32 $0x30, s10  }
0x3e3: {  	s24 =	sadd.s32 s10, s22;
	[tilespmem:s9+$0x0] =	vst v9  }
0x3e4: {  	s9 =	sor.u32 s14, s10;
	v9 =	vld [tilespmem:s24+$0x0]  }
0x3e5: {  	v10 =	vld [tilespmem:s9+$0x10200]  }
0x3e6: {  	v11 =	vld [tilespmem:s9+$0x10600];
	_ =	sdelay $0x2  }
0x3e7: {  	v9 =	vsub.f32 v9, v7;
	_ =	sdelay $0x1  }
0x3e8: {  	v9 =	vmul.f32 v9, v8  }
.Ltmp10:
0x3e9: {  	(pc) =	sbr.rel @p0 .LBB2_24-.Ltmp10, $4  }
0x3ea: {  	s7 =	sadd.s32 $0x800, s7;
	v9 =	vmul.f32 v9, v10  }
0x3eb: {  	s9 =	sand.u32 $0x7000, s7  }
0x3ec: {  	s5 =	sadd.s32 $0x40, s5;
	s9 =	sshrl.u32 s9, $0x2;
	v9 =	vadd.f32 v9, v11  }
0x3ed: {  	s11 =	sadd.s32 $0x40, s11;
	s10 =	sand.u32 $0x40, s5;
	s22 =	sadd.s32 s9, s3  }
0x3ee: {  	s3 =	sadd.s32 s10, s22;
	[tilespmem:s24+$0x0] =	vst v9  }
0x3ef: {  	v9 =	vld [tilespmem:s3+$0x0];
	_ =	sdelay $0x2  }
0x3f0: {  	s4 =	sadd.s32 $0x40, s4  }
0x3f1: {  	v10 =	vld [tilespmem:s4+$0x0]  }
0x3f2: {  	v9 =	vsub.f32 v9, v7  }
0x3f3: {  	v11 =	vld [tilespmem:s11+$0x0]  }
0x3f4: {  	v9 =	vmul.f32 v9, v8;
	_ =	sdelay $0x1  }
0x3f5: {  	v9 =	vmul.f32 v9, v10;
	_ =	sdelay $0x1  }
0x3f6: {  	v9 =	vadd.f32 v9, v11  }
0x3f7: {  	s9 =	sor.u32 $0x10, s10  }
0x3f8: {  	s11 =	sadd.s32 s9, s22;
	[tilespmem:s3+$0x0] =	vst v9  }
0x3f9: {  	v9 =	vld [tilespmem:s11+$0x0];
	_ =	sdelay $0x1  }
0x3fa: {  	s5 =	sand.u32 $0x380, s5  }
0x3fb: {  	s4 =	sor.u32 s5, s9  }
0x3fc: {  	v58 =	vld [tilespmem:s4+$0x10200]  }
0x3fd: {  	v9 =	vsub.f32 v9, v7  }
0x3fe: {  	v59 =	vld [tilespmem:s4+$0x10600]  }
0x3ff: {  	v9 =	vmul.f32 v9, v8;
	_ =	sdelay $0x1  }
0x400: {  	v9 =	vmul.f32 v9, v58;
	_ =	sdelay $0x1  }
0x401: {  	v9 =	vadd.f32 v9, v59  }
0x402: {  	s12 =	sor.u32 $0x20, s10  }
0x403: {  	s13 =	sadd.s32 s12, s22;
	[tilespmem:s11+$0x0] =	vst v9  }
0x404: {  	v9 =	vld [tilespmem:s13+$0x0];
	_ =	sdelay $0x2  }
0x405: {  	s4 =	sor.u32 s5, s12  }
0x406: {  	v60 =	vld [tilespmem:s4+$0x10200]  }
0x407: {  	v9 =	vsub.f32 v9, v7  }
0x408: {  	v61 =	vld [tilespmem:s4+$0x10600]  }
0x409: {  	v9 =	vmul.f32 v9, v8;
	_ =	sdelay $0x1  }
0x40a: {  	v9 =	vmul.f32 v9, v60;
	_ =	sdelay $0x1  }
0x40b: {  	v9 =	vadd.f32 v9, v61  }
0x40c: {  	s14 =	sor.u32 $0x30, s10  }
0x40d: {  	s24 =	sadd.s32 s14, s22;
	[tilespmem:s13+$0x0] =	vst v9  }
0x40e: {  	v9 =	vld [tilespmem:s24+$0x0];
	_ =	sdelay $0x2  }
0x40f: {  	s4 =	sor.u32 s5, s14  }
0x410: {  	v62 =	vld [tilespmem:s4+$0x10200]  }
0x411: {  	v7 =	vsub.f32 v9, v7  }
0x412: {  	v63 =	vld [tilespmem:s4+$0x10600]  }
0x413: {  	s2 =	sadd.s32 $0x1, s2;
	v7 =	vmul.f32 v7, v8  }
0x414: {  	p0 =	sne.s32 s2, $0x10  }
.Ltmp11:
0x415: {  	v7 =	vmul.f32 v7, v62;
	(pc) =	sbr.rel @p0 .LBB2_21-.Ltmp11, $3  }
0x416: {  	_ = 	snop  }
0x417: {  	v7 =	vadd.f32 v7, v63;
	_ =	sdelay $0x1  }
0x418: {  	[tilespmem:s24+$0x0] =	vst v7  }
0x419: {  	s2 =	rddreg [dreg:$0xa]  }
0x41a: {  	s2 =	sadd.s32 s2, s20  }
0x41b: {  	s2 =	sshll.u32 s2, $0x7  }
0x41c: {  	s3 =	simm.s32 $0x0;
	s2 =	sadd.s32 s6, s2  }
0x41d: {  	[hbm4b:s2+s3] =	stream.linear.scatter [tilespmem:s28], [sflag:$0x5], $0x4000, $0x38;
	[tilespmem:$0x10A00] =	vst v63  }
0x41e: {  	_ =	swait.ge [sflag:s23], $0x4000  }
0x41f: {  	[sflag:s23] =	ssyncset.done $0x0  }
0x420: {  	s4 =	simm.s32 $0x4;
	[sflag:s23] =	ssyncadd.s32 $0xFFFFC000  }
0x421: {  	s12 =	sshllo.u32 s25, $0x1;
	_ =	swait.ge [sflag:s4], $0x4000  }
0x422: {  	p0 =	sgt.u32 s12, $0x6;
	[sflag:s4] =	ssyncset.done $0x0;
	s3 =	rddreg [dreg:$0xf]  }
0x423: {  	s3 =	sadd.s32 @!p0 s20, s3;
	[sflag:s4] =	ssyncadd.s32 $0xFFFFC000  }
0x424: {  	s5 =	simm.s32 @!p0 $0x200;
	s3 =	sshll.u32 @!p0 s3, $0x7;
	s4 =	rddreg [dreg:$0x2]  }
0x425: {  	s20 =	sshll.u32 s12, $0x4;
	s3 =	sadd.s32 @!p0 s4, s3;
	s4 =	simm.s32 @!p0 $0x0  }
0x426: {  	[tilespmem:s5], [sflag:$0x3] =	stream.linear.gather @!p0 [hbm4b:s3+s4], $0x4000, $0x38;
	[tilespmem:$0x10A00] =	vst v63  }
0x427: {  	v7 =	vld [tilespmem:s20+$0x80];
	_ =	sdelay $0x4  }
0x428: {  	v8 =	vshll.u32 v7, $0x3  }
0x429: {  	v7 =	vand.u32 $0x7, v7;
	v8 =	vand.u32 $0xFFFFFFC0, v8  }
0x42a: {  	v7 =	vor.u32 v7, v8  }
0x42b: {  	v8 =	vperm.xlane v7, v0;
	_ =	sdelay $0x1  }
0x42c: {  	v8 =	vadd.s32 v1, v8;
	_ =	sdelay $0x3  }
0x42d: {  	s31 =	simm.s32 $0x0  }
0x42e: {  	[tilespmem:s28], [sflag:$0x2] =	stream.indirect_vreg.gather [hbm4b:s0+s31], $0x80, v8, vm0, $0xb8;
	[tilespmem:$0x10A00] =	vst v63  }
0x42f: {  	s13 =	simm.s32 $0xCA00;
	v7 =	vperm.xlane v7, v2  }
0x430: {  	[tilespmem:s13], [sflag:$0x2] =	stream.indirect_vreg.gather [hbm4b:s16+s31], $0x80, v8, vm0, $0xb8;
	[tilespmem:$0x10A00] =	vst v63  }
0x431: {  	s14 =	simm.s32 $0xD200;
	v7 =	vadd.s32 v1, v7  }
0x432: {  	[tilespmem:s14], [sflag:$0x2] =	stream.indirect_vreg.gather [hbm4b:s17+s31], $0x80, v8, vm0, $0xb8;
	[tilespmem:$0x10A00] =	vst v63  }
0x433: {  	s22 =	simm.s32 $0xDA00  }
0x434: {  	[tilespmem:s22], [sflag:$0x2] =	stream.indirect_vreg.gather [hbm4b:s18+s31], $0x80, v8, vm0, $0xb8;
	[tilespmem:$0x10A00] =	vst v63  }
0x435: {  	s24 =	simm.s32 $0xE200  }
0x436: {  	[tilespmem:s24], [sflag:$0x2] =	stream.indirect_vreg.gather [hbm4b:s0+s31], $0x80, v7, vm0, $0xb8;
	[tilespmem:$0x10A00] =	vst v63  }
0x437: {  	_ = 	snop  }
0x438: {  	[tilespmem:s15], [sflag:$0x2] =	stream.indirect_vreg.gather [hbm4b:s16+s31], $0x80, v7, vm0, $0xb8;
	[tilespmem:$0x10A00] =	vst v63  }
0x439: {  	_ = 	snop  }
0x43a: {  	[tilespmem:s19], [sflag:$0x2] =	stream.indirect_vreg.gather [hbm4b:s17+s31], $0x80, v7, vm0, $0xb8;
	[tilespmem:$0x10A00] =	vst v63  }
0x43b: {  	_ = 	snop  }
0x43c: {  	[tilespmem:s21], [sflag:$0x2] =	stream.indirect_vreg.gather [hbm4b:s18+s31], $0x80, v7, vm0, $0xb8;
	[tilespmem:$0x10A00] =	vst v63  }
0x43d: {  	_ =	swait.ge [sflag:s26], $0x4000  }
0x43e: {  	[sflag:s26] =	ssyncset.done $0x0  }
0x43f: {  	s2 =	simm.s32 $0x0;
	[sflag:s26] =	ssyncadd.s32 $0xFFFFC000  }
.LBB2_27:
0x440: {  	s3 =	sshll.u32 s2, $0xA;
	s4 =	sshll.u32 s2, $0x7  }
0x441: {  	s3 =	sand.u32 $0x2000, s3;
	s4 =	sand.u32 $0x380, s4  }
0x442: {  	s4 =	sor.u32 s4, s3  }
0x443: {  	s5 =	sand.u32 $0x1C00, s31;
	s3 =	sadd.s32 $0x8200, s4  }
0x444: {  	s7 =	sand.u32 $0x40, s31;
	s4 =	sadd.s32 $0x4200, s4;
	s9 =	sadd.s32 s5, s3  }
0x445: {  	s5 =	sadd.s32 s5, s4;
	s10 =	sadd.s32 s7, s9  }
0x446: {  	s11 =	sadd.s32 s7, s5;
	v7 =	vld [tilespmem:s10+$0x0]  }
0x447: {  	v8 =	vld [tilespmem:s11+$0x0];
	_ =	sdelay $0x4  }
0x448: {  	v7 =	vadd.f32 v8, v7  }
0x449: {  	s13 =	sor.u32 $0x10, s7  }
0x44a: {  	s14 =	sadd.s32 s13, s9;
	[tilespmem:s10+$0x0] =	vst v7  }
0x44b: {  	s11 =	sadd.s32 s13, s5;
	v8 =	vld [tilespmem:s14+$0x0]  }
0x44c: {  	v9 =	vld [tilespmem:s11+$0x0];
	_ =	sdelay $0x4  }
0x44d: {  	v8 =	vadd.f32 v9, v8  }
0x44e: {  	s22 =	sor.u32 $0x20, s7  }
0x44f: {  	s24 =	sadd.s32 s22, s9;
	[tilespmem:s14+$0x0] =	vst v8  }
0x450: {  	s11 =	sadd.s32 s22, s5;
	v9 =	vld [tilespmem:s24+$0x0]  }
0x451: {  	v10 =	vld [tilespmem:s11+$0x0];
	_ =	sdelay $0x3  }
0x452: {  	v11 =	vmul.f32 v7, v7  }
0x453: {  	v12 =	vimm.f32 $0.0e+00;
	v13 =	vadd.f32 v10, v9  }
0x454: {  	s7 =	sor.u32 $0x30, s7;
	v9 =	vmul.f32 v8, v8;
	v10 =	vadd.f32 v11, v12  }
0x455: {  	s11 =	sadd.s32 s7, s9;
	[tilespmem:s24+$0x0] =	vst v13  }
0x456: {  	v7 =	vadd.f32 v7, v12;
	s7 =	sadd.s32 s7, s5;
	v12 =	vadd.f32 v9, v10;
	v9 =	vld [tilespmem:s11+$0x0]  }
0x457: {  	v10 =	vld [tilespmem:s7+$0x0];
	_ =	sdelay $0x1  }
0x458: {  	v7 =	vadd.f32 v8, v7;
	v11 =	vmul.f32 v13, v13;
	_ =	sdelay $0x1  }
0x459: {  	s10 =	simm.s32 $0x200;
	s5 =	simm.s32 $0x4;
	v8 =	vadd.f32 v13, v7;
	s7 =	simm.s32 $0x0;
	v7 =	vadd.f32 v11, v12  }
.LBB2_28:
0x45a: {  	s5 =	sadd.s32 $0x4, s5;
	s9 =	sand.u32 $0x1C00, s10;
	v9 =	vadd.f32 v10, v9;
	s7 =	sadd.s32 $0x40, s7  }
0x45b: {  	s12 =	sand.u32 $0x40, s7;
	s13 =	sadd.s32 s9, s3;
	s9 =	sadd.s32 s9, s4  }
0x45c: {  	p1 =	slt.u32 s5, $0x3C;
	s14 =	sadd.s32 s12, s13;
	s22 =	sadd.s32 s12, s9;
	[tilespmem:s11+$0x0] =	vst v9;
	v8 =	vadd.f32 v9, v8;
	v9 =	vmul.f32 v9, v9  }
0x45d: {  	v10 =	vld [tilespmem:s14+$0x0]  }
0x45e: {  	v11 =	vld [tilespmem:s22+$0x0];
	v7 =	vadd.f32 v9, v7;
	_ =	sdelay $0x4  }
0x45f: {  	v9 =	vadd.f32 v11, v10  }
0x460: {  	s11 =	sor.u32 $0x10, s12  }
0x461: {  	[tilespmem:s14+$0x0] =	vst v9;
	v10 =	vmul.f32 v9, v9;
	s14 =	sadd.s32 s11, s13;
	s11 =	sadd.s32 s11, s9  }
0x462: {  	v11 =	vld [tilespmem:s14+$0x0]  }
0x463: {  	v12 =	vld [tilespmem:s11+$0x0];
	_ =	sdelay $0x4  }
0x464: {  	v11 =	vadd.f32 v12, v11  }
0x465: {  	s11 =	sor.u32 $0x20, s12  }
0x466: {  	[tilespmem:s14+$0x0] =	vst v11;
	v12 =	vmul.f32 v11, v11;
	s14 =	sadd.s32 s11, s13;
	s11 =	sadd.s32 s11, s9  }
0x467: {  	v13 =	vld [tilespmem:s14+$0x0]  }
0x468: {  	v14 =	vld [tilespmem:s11+$0x0];
	_ =	sdelay $0x4  }
0x469: {  	v13 =	vadd.f32 v14, v13  }
0x46a: {  	s12 =	sor.u32 $0x30, s12  }
0x46b: {  	s9 =	sadd.s32 s12, s9;
	s11 =	sadd.s32 s12, s13;
	[tilespmem:s14+$0x0] =	vst v13;
	v14 =	vmul.f32 v13, v13  }
0x46c: {  	v8 =	vadd.f32 v9, v8;
	v7 =	vadd.f32 v10, v7;
	v9 =	vld [tilespmem:s11+$0x0]  }
.Ltmp12:
0x46d: {  	v10 =	vld [tilespmem:s9+$0x0];
	(pc) =	sbr.rel @p1 .LBB2_28-.Ltmp12, $3  }
0x46e: {  	v8 =	vadd.f32 v11, v8;
	v7 =	vadd.f32 v12, v7;
	_ =	sdelay $0x1  }
0x46f: {  	v8 =	vadd.f32 v13, v8;
	v7 =	vadd.f32 v14, v7  }
0x470: {  	s10 =	sadd.s32 $0x200, s10  }
0x471: {  	s5 =	sand.u32 $0x1C00, s10;
	v9 =	vadd.f32 v10, v9;
	s7 =	sadd.s32 $0x40, s7  }
0x472: {  	s7 =	sand.u32 $0x40, s7;
	s9 =	sadd.s32 s5, s3  }
0x473: {  	s4 =	sadd.s32 s5, s4;
	s22 =	sadd.s32 s7, s9;
	[tilespmem:s11+$0x0] =	vst v9  }
0x474: {  	s24 =	sadd.s32 s7, s4;
	v10 =	vld [tilespmem:s22+$0x0]  }
0x475: {  	v11 =	vld [tilespmem:s24+$0x0];
	_ =	sdelay $0x4  }
0x476: {  	v10 =	vadd.f32 v11, v10  }
0x477: {  	s11 =	sor.u32 $0x10, s7  }
0x478: {  	s12 =	sadd.s32 s11, s9;
	[tilespmem:s22+$0x0] =	vst v10  }
0x479: {  	s10 =	sadd.s32 s11, s4;
	v11 =	vld [tilespmem:s12+$0x0]  }
0x47a: {  	v12 =	vld [tilespmem:s10+$0x0];
	_ =	sdelay $0x4  }
0x47b: {  	v11 =	vadd.f32 v12, v11  }
0x47c: {  	s13 =	sor.u32 $0x20, s7  }
0x47d: {  	s14 =	sadd.s32 s13, s9;
	[tilespmem:s12+$0x0] =	vst v11  }
0x47e: {  	s10 =	sadd.s32 s13, s4;
	v61 =	vld [tilespmem:s14+$0x0]  }
0x47f: {  	v13 =	vld [tilespmem:s10+$0x0];
	_ =	sdelay $0x4  }
0x480: {  	v12 =	vadd.f32 v13, v61  }
0x481: {  	s7 =	sor.u32 $0x30, s7  }
0x482: {  	v62 =	vmul.f32 v9, v9;
	s22 =	sadd.s32 s7, s9;
	[tilespmem:s14+$0x0] =	vst v12  }
0x483: {  	v8 =	vadd.f32 v9, v8;
	s4 =	sadd.s32 s7, s4;
	v9 =	vld [tilespmem:s22+$0x0]  }
0x484: {  	v7 =	vadd.f32 v62, v7;
	v63 =	vmul.f32 v10, v10;
	v14 =	vld [tilespmem:s4+$0x0]  }
0x485: {  	v8 =	vadd.f32 v10, v8  }
0x486: {  	v7 =	vadd.f32 v63, v7;
	v10 =	vmul.f32 v11, v11  }
0x487: {  	v8 =	vadd.f32 v11, v8  }
0x488: {  	v7 =	vadd.f32 v10, v7  }
0x489: {  	v10 =	vmul.f32 v12, v12;
	v8 =	vadd.f32 v12, v8;
	v9 =	vadd.f32 v14, v9;
	_ =	sdelay $0x1  }
0x48a: {  	v7 =	vadd.f32 v10, v7;
	v8 =	vadd.f32 v9, v8;
	v10 =	vmul.f32 v9, v9;
	_ =	sdelay $0x1  }
0x48b: {  	v7 =	vadd.f32 v10, v7;
	v10 =	vperm.xlane v8, v3;
	_ =	sdelay $0x1  }
0x48c: {  	v8 =	vadd.f32 v10, v8;
	v10 =	vperm.xlane v7, v3;
	_ =	sdelay $0x1  }
0x48d: {  	v11 =	vperm.xlane v8, v4;
	v7 =	vadd.f32 v10, v7;
	_ =	sdelay $0x1  }
0x48e: {  	v8 =	vadd.f32 v11, v8;
	v10 =	vperm.xlane v7, v4;
	_ =	sdelay $0x1  }
0x48f: {  	v11 =	vperm.xlane v8, v5;
	v7 =	vadd.f32 v10, v7;
	_ =	sdelay $0x1  }
0x490: {  	v8 =	vadd.f32 v11, v8;
	v10 =	vperm.xlane v7, v5;
	_ =	sdelay $0x1  }
0x491: {  	v11 =	vperm.xlane v8, v6;
	v10 =	vadd.f32 v10, v7;
	_ =	sdelay $0x1  }
0x492: {  	v7 =	vadd.f32 v11, v8;
	v8 =	vperm.xlane v10, v6;
	_ =	sdelay $0x1  }
0x493: {  	v7 =	vmul.f32 $9.765625000e-04, v7;
	v8 =	vadd.f32 v8, v10;
	_ =	sdelay $0x1  }
0x494: {  	v8 =	vmul.f32 $9.765625000e-04, v8;
	v10 =	vmul.f32 v7, v7;
	_ =	sdelay $0x1  }
0x495: {  	v8 =	vsub.f32 v8, v10;
	_ =	sdelay $0x1  }
0x496: {  	v8 =	vadd.f32 $9.999999960e-13, v8;
	_ =	sdelay $0x1  }
0x497: {  	v10 =	vshrl.u32 v8, $0x1;
	v8 =	vmul.f32 $5.000000000e-01, v8  }
0x498: {  	v10 =	vsub.s32 $0x5F3759DF, v10  }
0x499: {  	v11 =	vmul.f32 v10, v8;
	_ =	sdelay $0x1  }
0x49a: {  	v11 =	vmul.f32 v10, v11;
	_ =	sdelay $0x1  }
0x49b: {  	v11 =	vsub.f32 $1.500000000e+00, v11;
	_ =	sdelay $0x1  }
0x49c: {  	v10 =	vmul.f32 v10, v11;
	_ =	sdelay $0x1  }
0x49d: {  	v11 =	vmul.f32 v10, v8;
	_ =	sdelay $0x1  }
0x49e: {  	v11 =	vmul.f32 v11, v10;
	_ =	sdelay $0x1  }
0x49f: {  	s24 =	simm.s32 $0x0;
	v11 =	vsub.f32 $1.500000000e+00, v11  }
0x4a0: {  	s11 =	sand.u32 $0x7000, s24  }
0x4a1: {  	s4 =	sshrl.u32 s11, $0x2;
	v10 =	vmul.f32 v11, v10  }
0x4a2: {  	s9 =	sand.u32 $0x40, s24;
	s10 =	sadd.s32 s4, s3  }
0x4a3: {  	s12 =	sadd.s32 s9, s10;
	[tilespmem:s22+$0x0] =	vst v9;
	v8 =	vmul.f32 v10, v8  }
0x4a4: {  	v9 =	vld [tilespmem:s12+$0x0]  }
0x4a5: {  	v8 =	vmul.f32 v8, v10;
	_ =	sdelay $0x1  }
0x4a6: {  	s4 =	simm.s32 $0x10200;
	v8 =	vsub.f32 $1.500000000e+00, v8  }
0x4a7: {  	v11 =	vld [tilespmem:s4+$0x0]  }
0x4a8: {  	s13 =	simm.s32 $0x10600;
	v9 =	vsub.f32 v9, v7;
	v8 =	vmul.f32 v8, v10  }
0x4a9: {  	v10 =	vld [tilespmem:s13+$0x0]  }
0x4aa: {  	v9 =	vmul.f32 v9, v8;
	_ =	sdelay $0x1  }
0x4ab: {  	v9 =	vmul.f32 v9, v11;
	_ =	sdelay $0x1  }
0x4ac: {  	v9 =	vadd.f32 v9, v10  }
0x4ad: {  	s14 =	sor.u32 $0x10, s9  }
0x4ae: {  	s22 =	sadd.s32 s14, s10;
	[tilespmem:s12+$0x0] =	vst v9  }
0x4af: {  	v9 =	vld [tilespmem:s22+$0x0];
	_ =	sdelay $0x1  }
0x4b0: {  	s7 =	sand.u32 $0x380, s24  }
0x4b1: {  	s11 =	sor.u32 s7, s14  }
0x4b2: {  	v10 =	vld [tilespmem:s11+$0x10200]  }
0x4b3: {  	v9 =	vsub.f32 v9, v7  }
0x4b4: {  	v11 =	vld [tilespmem:s11+$0x10600]  }
0x4b5: {  	v9 =	vmul.f32 v9, v8;
	_ =	sdelay $0x1  }
0x4b6: {  	v9 =	vmul.f32 v9, v10;
	_ =	sdelay $0x1  }
0x4b7: {  	v9 =	vadd.f32 v9, v11  }
0x4b8: {  	s24 =	sor.u32 $0x20, s9  }
0x4b9: {  	s12 =	sadd.s32 s24, s10;
	[tilespmem:s22+$0x0] =	vst v9  }
0x4ba: {  	v9 =	vld [tilespmem:s12+$0x0];
	_ =	sdelay $0x2  }
0x4bb: {  	s11 =	sor.u32 s7, s24  }
0x4bc: {  	v10 =	vld [tilespmem:s11+$0x10200]  }
0x4bd: {  	v9 =	vsub.f32 v9, v7  }
0x4be: {  	v11 =	vld [tilespmem:s11+$0x10600]  }
0x4bf: {  	v9 =	vmul.f32 v9, v8;
	_ =	sdelay $0x1  }
0x4c0: {  	v9 =	vmul.f32 v9, v10;
	_ =	sdelay $0x1  }
0x4c1: {  	v9 =	vadd.f32 v9, v11  }
0x4c2: {  	s9 =	sor.u32 $0x30, s9  }
0x4c3: {  	s24 =	sadd.s32 s9, s10;
	[tilespmem:s12+$0x0] =	vst v9  }
0x4c4: {  	v9 =	vld [tilespmem:s24+$0x0];
	_ =	sdelay $0x2  }
0x4c5: {  	s13 =	sor.u32 s7, s9  }
0x4c6: {  	v10 =	vld [tilespmem:s13+$0x10200]  }
0x4c7: {  	v9 =	vsub.f32 v9, v7  }
0x4c8: {  	v11 =	vld [tilespmem:s13+$0x10600]  }
0x4c9: {  	v9 =	vmul.f32 v9, v8;
	_ =	sdelay $0x1  }
0x4ca: {  	s7 =	simm.s32 $0x800;
	v9 =	vmul.f32 v9, v10  }
0x4cb: {  	s5 =	simm.s32 $0x40;
	s14 =	sand.u32 $0x7000, s7  }
0x4cc: {  	s10 =	sand.u32 $0x40, s5;
	s22 =	sshrl.u32 s14, $0x2;
	v9 =	vadd.f32 v9, v11  }
0x4cd: {  	s22 =	sadd.s32 s22, s3;
	s11 =	simm.s32 $0x10640;
	s12 =	simm.s32 $0x4  }
.LBB2_30:
0x4ce: {  	s12 =	sadd.s32 $0x4, s12;
	s9 =	sadd.s32 s10, s22;
	[tilespmem:s24+$0x0] =	vst v9;
	s4 =	sadd.s32 $0x40, s4  }
0x4cf: {  	p1 =	slt.u32 s12, $0x3C;
	v9 =	vld [tilespmem:s9+$0x0];
	_ =	sdelay $0x3  }
0x4d0: {  	v10 =	vld [tilespmem:s4+$0x0]  }
0x4d1: {  	v9 =	vsub.f32 v9, v7  }
0x4d2: {  	v11 =	vld [tilespmem:s11+$0x0]  }
0x4d3: {  	v9 =	vmul.f32 v9, v8;
	_ =	sdelay $0x1  }
0x4d4: {  	v9 =	vmul.f32 v9, v10;
	_ =	sdelay $0x1  }
0x4d5: {  	v9 =	vadd.f32 v9, v11  }
0x4d6: {  	s13 =	sor.u32 $0x10, s10  }
0x4d7: {  	[tilespmem:s9+$0x0] =	vst v9;
	s9 =	sadd.s32 s13, s22  }
0x4d8: {  	v9 =	vld [tilespmem:s9+$0x0];
	_ =	sdelay $0x1  }
0x4d9: {  	s14 =	sand.u32 $0x380, s5  }
0x4da: {  	s13 =	sor.u32 s14, s13  }
0x4db: {  	v10 =	vld [tilespmem:s13+$0x10200]  }
0x4dc: {  	v9 =	vsub.f32 v9, v7  }
0x4dd: {  	v11 =	vld [tilespmem:s13+$0x10600]  }
0x4de: {  	v9 =	vmul.f32 v9, v8;
	_ =	sdelay $0x1  }
0x4df: {  	v9 =	vmul.f32 v9, v10;
	_ =	sdelay $0x1  }
0x4e0: {  	v9 =	vadd.f32 v9, v11  }
0x4e1: {  	s13 =	sor.u32 $0x20, s10  }
0x4e2: {  	[tilespmem:s9+$0x0] =	vst v9;
	s9 =	sadd.s32 s13, s22  }
0x4e3: {  	v9 =	vld [tilespmem:s9+$0x0];
	_ =	sdelay $0x2  }
0x4e4: {  	s13 =	sor.u32 s14, s13  }
0x4e5: {  	v10 =	vld [tilespmem:s13+$0x10200]  }
0x4e6: {  	v9 =	vsub.f32 v9, v7  }
0x4e7: {  	v11 =	vld [tilespmem:s13+$0x10600]  }
0x4e8: {  	v9 =	vmul.f32 v9, v8;
	_ =	sdelay $0x1  }
0x4e9: {  	v9 =	vmul.f32 v9, v10;
	_ =	sdelay $0x1  }
0x4ea: {  	v9 =	vadd.f32 v9, v11  }
0x4eb: {  	s10 =	sor.u32 $0x30, s10  }
0x4ec: {  	s24 =	sadd.s32 s10, s22;
	[tilespmem:s9+$0x0] =	vst v9  }
0x4ed: {  	s9 =	sor.u32 s14, s10;
	v9 =	vld [tilespmem:s24+$0x0]  }
0x4ee: {  	v10 =	vld [tilespmem:s9+$0x10200]  }
0x4ef: {  	v11 =	vld [tilespmem:s9+$0x10600];
	_ =	sdelay $0x2  }
0x4f0: {  	v9 =	vsub.f32 v9, v7;
	_ =	sdelay $0x1  }
0x4f1: {  	v9 =	vmul.f32 v9, v8  }
.Ltmp13:
0x4f2: {  	(pc) =	sbr.rel @p1 .LBB2_30-.Ltmp13, $4  }
0x4f3: {  	s7 =	sadd.s32 $0x800, s7;
	v9 =	vmul.f32 v9, v10  }
0x4f4: {  	s9 =	sand.u32 $0x7000, s7  }
0x4f5: {  	s5 =	sadd.s32 $0x40, s5;
	s9 =	sshrl.u32 s9, $0x2;
	v9 =	vadd.f32 v9, v11  }
0x4f6: {  	s11 =	sadd.s32 $0x40, s11;
	s10 =	sand.u32 $0x40, s5;
	s22 =	sadd.s32 s9, s3  }
0x4f7: {  	s3 =	sadd.s32 s10, s22;
	[tilespmem:s24+$0x0] =	vst v9  }
0x4f8: {  	v9 =	vld [tilespmem:s3+$0x0];
	_ =	sdelay $0x2  }
0x4f9: {  	s4 =	sadd.s32 $0x40, s4  }
0x4fa: {  	v10 =	vld [tilespmem:s4+$0x0]  }
0x4fb: {  	v9 =	vsub.f32 v9, v7  }
0x4fc: {  	v11 =	vld [tilespmem:s11+$0x0]  }
0x4fd: {  	v9 =	vmul.f32 v9, v8;
	_ =	sdelay $0x1  }
0x4fe: {  	v9 =	vmul.f32 v9, v10;
	_ =	sdelay $0x1  }
0x4ff: {  	v9 =	vadd.f32 v9, v11  }
0x500: {  	s9 =	sor.u32 $0x10, s10  }
0x501: {  	s11 =	sadd.s32 s9, s22;
	[tilespmem:s3+$0x0] =	vst v9  }
0x502: {  	v9 =	vld [tilespmem:s11+$0x0];
	_ =	sdelay $0x1  }
0x503: {  	s5 =	sand.u32 $0x380, s5  }
0x504: {  	s4 =	sor.u32 s5, s9  }
0x505: {  	v58 =	vld [tilespmem:s4+$0x10200]  }
0x506: {  	v9 =	vsub.f32 v9, v7  }
0x507: {  	v59 =	vld [tilespmem:s4+$0x10600]  }
0x508: {  	v9 =	vmul.f32 v9, v8;
	_ =	sdelay $0x1  }
0x509: {  	v9 =	vmul.f32 v9, v58;
	_ =	sdelay $0x1  }
0x50a: {  	v9 =	vadd.f32 v9, v59  }
0x50b: {  	s12 =	sor.u32 $0x20, s10  }
0x50c: {  	s13 =	sadd.s32 s12, s22;
	[tilespmem:s11+$0x0] =	vst v9  }
0x50d: {  	v9 =	vld [tilespmem:s13+$0x0];
	_ =	sdelay $0x2  }
0x50e: {  	s4 =	sor.u32 s5, s12  }
0x50f: {  	v60 =	vld [tilespmem:s4+$0x10200]  }
0x510: {  	v9 =	vsub.f32 v9, v7  }
0x511: {  	v61 =	vld [tilespmem:s4+$0x10600]  }
0x512: {  	v9 =	vmul.f32 v9, v8;
	_ =	sdelay $0x1  }
0x513: {  	v9 =	vmul.f32 v9, v60;
	_ =	sdelay $0x1  }
0x514: {  	v9 =	vadd.f32 v9, v61  }
0x515: {  	s14 =	sor.u32 $0x30, s10  }
0x516: {  	s24 =	sadd.s32 s14, s22;
	[tilespmem:s13+$0x0] =	vst v9  }
0x517: {  	v9 =	vld [tilespmem:s24+$0x0];
	_ =	sdelay $0x2  }
0x518: {  	s4 =	sor.u32 s5, s14  }
0x519: {  	v62 =	vld [tilespmem:s4+$0x10200]  }
0x51a: {  	v7 =	vsub.f32 v9, v7  }
0x51b: {  	v63 =	vld [tilespmem:s4+$0x10600]  }
0x51c: {  	s2 =	sadd.s32 $0x1, s2;
	v7 =	vmul.f32 v7, v8  }
0x51d: {  	p1 =	sne.s32 s2, $0x10  }
.Ltmp14:
0x51e: {  	v7 =	vmul.f32 v7, v62;
	(pc) =	sbr.rel @p1 .LBB2_27-.Ltmp14, $3  }
0x51f: {  	_ = 	snop  }
0x520: {  	v7 =	vadd.f32 v7, v63;
	_ =	sdelay $0x1  }
0x521: {  	[tilespmem:s24+$0x0] =	vst v7  }
0x522: {  	s2 =	sadd.s32 s8, s20  }
0x523: {  	s2 =	sshll.u32 s2, $0x7  }
0x524: {  	s31 =	simm.s32 $0x0;
	s2 =	sadd.s32 s6, s2  }
0x525: {  	[hbm4b:s2+s31] =	stream.linear.scatter [tilespmem:s29], [sflag:$0x5], $0x4000, $0x38;
	[tilespmem:$0x10A00] =	vst v63  }
0x526: {  	_ =	swait.ge [sflag:s23], $0x4000  }
0x527: {  	[sflag:s23] =	ssyncset.done $0x0  }
0x528: {  	[sflag:s23] =	ssyncadd.s32 $0xFFFFC000  }
0x529: {  	v7 =	vld [tilespmem:s20+$0x100];
	_ =	sdelay $0x4  }
0x52a: {  	v8 =	vshll.u32 v7, $0x3  }
0x52b: {  	v7 =	vand.u32 $0x7, v7;
	v8 =	vand.u32 $0xFFFFFFC0, v8  }
0x52c: {  	v7 =	vor.u32 v7, v8  }
0x52d: {  	v8 =	vperm.xlane v7, v0;
	_ =	sdelay $0x1  }
0x52e: {  	v8 =	vadd.s32 v1, v8;
	_ =	sdelay $0x4  }
0x52f: {  	[tilespmem:s29], [sflag:$0x1] =	stream.indirect_vreg.gather [hbm4b:s0+s31], $0x80, v8, vm0, $0xb8;
	[tilespmem:$0x10A00] =	vst v63  }
0x530: {  	s10 =	simm.s32 $0x8A00;
	v7 =	vperm.xlane v7, v2  }
0x531: {  	[tilespmem:s10], [sflag:$0x1] =	stream.indirect_vreg.gather [hbm4b:s16+s31], $0x80, v8, vm0, $0xb8;
	[tilespmem:$0x10A00] =	vst v63  }
0x532: {  	s11 =	simm.s32 $0x9200;
	v7 =	vadd.s32 v1, v7  }
0x533: {  	[tilespmem:s11], [sflag:$0x1] =	stream.indirect_vreg.gather [hbm4b:s17+s31], $0x80, v8, vm0, $0xb8;
	[tilespmem:$0x10A00] =	vst v63  }
0x534: {  	s12 =	simm.s32 $0x9A00  }
0x535: {  	[tilespmem:s12], [sflag:$0x1] =	stream.indirect_vreg.gather [hbm4b:s18+s31], $0x80, v8, vm0, $0xb8;
	[tilespmem:$0x10A00] =	vst v63  }
0x536: {  	s13 =	simm.s32 $0xA200  }
0x537: {  	[tilespmem:s13], [sflag:$0x1] =	stream.indirect_vreg.gather [hbm4b:s0+s31], $0x80, v7, vm0, $0xb8;
	[tilespmem:$0x10A00] =	vst v63  }
0x538: {  	s14 =	simm.s32 $0xAA00  }
0x539: {  	[tilespmem:s14], [sflag:$0x1] =	stream.indirect_vreg.gather [hbm4b:s16+s31], $0x80, v7, vm0, $0xb8;
	[tilespmem:$0x10A00] =	vst v63  }
0x53a: {  	s22 =	simm.s32 $0xB200  }
0x53b: {  	[tilespmem:s22], [sflag:$0x1] =	stream.indirect_vreg.gather [hbm4b:s17+s31], $0x80, v7, vm0, $0xb8;
	[tilespmem:$0x10A00] =	vst v63  }
0x53c: {  	s24 =	simm.s32 $0xBA00  }
0x53d: {  	[tilespmem:s24], [sflag:$0x1] =	stream.indirect_vreg.gather [hbm4b:s18+s31], $0x80, v7, vm0, $0xb8;
	[tilespmem:$0x10A00] =	vst v63  }
0x53e: {  	_ =	swait.ge [sflag:s1], $0x4000  }
0x53f: {  	[sflag:s1] =	ssyncset.done $0x0  }
0x540: {  	s2 =	simm.s32 $0x0;
	[sflag:s1] =	ssyncadd.s32 $0xFFFFC000  }
.LBB2_33:
0x541: {  	s3 =	sshll.u32 s2, $0xA;
	s4 =	sshll.u32 s2, $0x7;
	s5 =	sand.u32 $0x40, s31  }
0x542: {  	s9 =	sand.u32 $0x1C00, s31;
	s3 =	sand.u32 $0x2000, s3;
	s4 =	sand.u32 $0x380, s4  }
0x543: {  	s5 =	sor.u32 s9, s5;
	s7 =	sor.u32 s3, s4  }
0x544: {  	s5 =	sor.u32 s7, s5  }
0x545: {  	v7 =	vld [tilespmem:s5+$0x4230]  }
0x546: {  	v9 =	vld [tilespmem:s5+$0x4210]  }
0x547: {  	v10 =	vld [tilespmem:s5+$0xC210]  }
0x548: {  	v8 =	vld [tilespmem:s5+$0x4220]  }
0x549: {  	s22 =	simm.s32 $0x200;
	s10 =	simm.s32 $0x40;
	v11 =	vld [tilespmem:s5+$0xC220]  }
0x54a: {  	s10 =	sand.u32 $0x40, s10;
	s9 =	sand.u32 $0x1C00, s22;
	v12 =	vld [tilespmem:s5+$0x4200]  }
0x54b: {  	s9 =	sor.u32 s9, s10;
	v13 =	vld [tilespmem:s5+$0xC230]  }
0x54c: {  	s10 =	sor.u32 s7, s9;
	v14 =	vadd.f32 v9, v10;
	v9 =	vld [tilespmem:s5+$0xC200]  }
0x54d: {  	v15 =	vld [tilespmem:s10+$0x4230]  }
0x54e: {  	v16 =	vld [tilespmem:s10+$0x4210]  }
0x54f: {  	v10 =	vld [tilespmem:s10+$0x4220];
	[tilespmem:s5+$0xC210] =	vst v14  }
0x550: {  	v17 =	vadd.f32 v8, v11;
	v11 =	vld [tilespmem:s10+$0xC210]  }
0x551: {  	v8 =	vadd.f32 v7, v13;
	v7 =	vadd.f32 v12, v9  }
0x552: {  	[tilespmem:s5+$0xC220] =	vst v17  }
0x553: {  	s24 =	simm.s32 $0x400;
	s11 =	simm.s32 $0x80;
	v20 =	vimm.f32 $0.0e+00;
	v13 =	vld [tilespmem:s10+$0xC220];
	v22 =	vmul.f32 v7, v7  }
0x554: {  	s11 =	sand.u32 $0x40, s11;
	s9 =	sand.u32 $0x1C00, s24;
	v19 =	vld [tilespmem:s10+$0x4200];
	[tilespmem:s5+$0xC230] =	vst v8;
	v23 =	vadd.f32 v7, v20  }
0x555: {  	s9 =	sor.u32 s9, s11;
	v18 =	vld [tilespmem:s10+$0xC230];
	[tilespmem:s5+$0xC200] =	vst v7;
	v12 =	vadd.f32 v16, v11;
	v16 =	vmul.f32 v14, v14;
	v20 =	vadd.f32 v22, v20  }
0x556: {  	s5 =	sor.u32 s7, s9;
	v21 =	vld [tilespmem:s10+$0xC200]  }
0x557: {  	v9 =	vld [tilespmem:s5+$0x4230];
	v16 =	vadd.f32 v16, v20  }
0x558: {  	v7 =	vld [tilespmem:s5+$0x4220];
	v10 =	vadd.f32 v10, v13;
	v22 =	vadd.f32 v14, v23  }
0x559: {  	v11 =	vld [tilespmem:s5+$0x4210];
	v23 =	vmul.f32 v17, v17;
	[tilespmem:s10+$0xC210] =	vst v12  }
0x55a: {  	v13 =	vadd.f32 v15, v18;
	v18 =	vmul.f32 v8, v8;
	v14 =	vld [tilespmem:s5+$0xC210];
	[tilespmem:s10+$0xC220] =	vst v10;
	v20 =	vadd.f32 v17, v22  }
0x55b: {  	s12 =	simm.s32 $0x600;
	s22 =	simm.s32 $0xC0;
	s11 =	simm.s32 $0x8;
	v17 =	vmovc v12;
	v15 =	vld [tilespmem:s5+$0xC220];
	v19 =	vadd.f32 v19, v21;
	v21 =	vadd.f32 v23, v16;
	v16 =	vmov v10  }
.LBB2_34:
0x55c: {  	s9 =	sand.u32 $0x40, s22;
	s13 =	sand.u32 $0x1C00, s12;
	s11 =	sadd.s32 $0x4, s11;
	v22 =	vld [tilespmem:s5+$0x4200];
	[tilespmem:s10+$0xC230] =	vst v13;
	v20 =	vadd.f32 v8, v20;
	v23 =	vmov v9;
	v8 =	vmov v13  }
0x55d: {  	s9 =	sor.u32 s13, s9;
	p1 =	slt.u32 s11, $0x3C;
	v24 =	vld [tilespmem:s5+$0xC230];
	[tilespmem:s10+$0xC200] =	vst v19;
	v25 =	vmul.f32 v19, v19;
	v18 =	vadd.f32 v18, v21;
	s10 =	smov.u32 s5  }
0x55e: {  	s5 =	sor.u32 s7, s9;
	v21 =	vld [tilespmem:s10+$0xC200];
	v19 =	vadd.f32 v19, v20;
	v20 =	vmul.f32 v17, v12  }
.Ltmp15:
0x55f: {  	v9 =	vld [tilespmem:s5+$0x4230];
	v17 =	vadd.f32 v11, v14;
	v14 =	vadd.f32 v25, v18;
	(pc) =	sbr.rel @p1 .LBB2_34-.Ltmp15, $4  }
0x560: {  	v25 =	vmul.f32 v16, v10;
	v19 =	vadd.f32 v12, v19;
	v16 =	vadd.f32 v7, v15;
	v7 =	vld [tilespmem:s5+$0x4220]  }
0x561: {  	v18 =	vmul.f32 v13, v8;
	v11 =	vld [tilespmem:s5+$0x4210];
	[tilespmem:s10+$0xC210] =	vst v17;
	v26 =	vadd.f32 v20, v14;
	v12 =	vmov v17  }
0x562: {  	v14 =	vld [tilespmem:s5+$0xC210];
	[tilespmem:s10+$0xC220] =	vst v16;
	v13 =	vadd.f32 v23, v24;
	v20 =	vadd.f32 v10, v19;
	v10 =	vmov v16  }
0x563: {  	s12 =	sadd.s32 $0x200, s12;
	s22 =	sadd.s32 $0x40, s22;
	v15 =	vld [tilespmem:s5+$0xC220];
	v19 =	vadd.f32 v22, v21;
	v21 =	vadd.f32 v25, v26  }
0x564: {  	v22 =	vld [tilespmem:s5+$0x4200];
	[tilespmem:s10+$0xC230] =	vst v13;
	v8 =	vadd.f32 v8, v20  }
0x565: {  	v49 =	vld [tilespmem:s5+$0xC230];
	[tilespmem:s10+$0xC200] =	vst v19  }
0x566: {  	v23 =	vmul.f32 v19, v19;
	v18 =	vadd.f32 v18, v21;
	v50 =	vld [tilespmem:s5+$0xC200];
	v8 =	vadd.f32 v19, v8;
	_ =	sdelay $0x1  }
0x567: {  	v17 =	vmul.f32 v17, v12;
	v18 =	vadd.f32 v23, v18;
	v8 =	vadd.f32 v12, v8;
	_ =	sdelay $0x1  }
0x568: {  	v51 =	vmul.f32 v16, v10;
	v52 =	vadd.f32 v17, v18;
	v8 =	vadd.f32 v10, v8  }
0x569: {  	v10 =	vadd.f32 v22, v50  }
0x56a: {  	v53 =	vmul.f32 v13, v13;
	v12 =	vadd.f32 v51, v52;
	v8 =	vadd.f32 v13, v8  }
0x56b: {  	v11 =	vadd.f32 v11, v14  }
0x56c: {  	v54 =	vmul.f32 v10, v10;
	v12 =	vadd.f32 v53, v12;
	v8 =	vadd.f32 v10, v8  }
0x56d: {  	v55 =	vadd.f32 v7, v15  }
0x56e: {  	v7 =	vmul.f32 v11, v11;
	v12 =	vadd.f32 v54, v12;
	v8 =	vadd.f32 v11, v8  }
0x56f: {  	v9 =	vadd.f32 v9, v49  }
0x570: {  	v56 =	vmul.f32 v55, v55;
	v7 =	vadd.f32 v7, v12;
	v8 =	vadd.f32 v55, v8;
	_ =	sdelay $0x1  }
0x571: {  	v57 =	vmul.f32 v9, v9;
	v7 =	vadd.f32 v56, v7;
	v8 =	vadd.f32 v9, v8;
	_ =	sdelay $0x1  }
0x572: {  	v7 =	vadd.f32 v57, v7;
	v58 =	vperm.xlane v8, v3;
	_ =	sdelay $0x1  }
0x573: {  	v59 =	vperm.xlane v7, v3;
	v8 =	vadd.f32 v58, v8;
	_ =	sdelay $0x1  }
0x574: {  	v7 =	vadd.f32 v59, v7;
	v60 =	vperm.xlane v8, v4;
	_ =	sdelay $0x1  }
0x575: {  	v12 =	vperm.xlane v7, v4;
	v8 =	vadd.f32 v60, v8;
	_ =	sdelay $0x1  }
0x576: {  	v7 =	vadd.f32 v12, v7;
	v13 =	vperm.xlane v8, v5;
	_ =	sdelay $0x1  }
0x577: {  	v12 =	vperm.xlane v7, v5;
	v8 =	vadd.f32 v13, v8;
	_ =	sdelay $0x1  }
0x578: {  	v12 =	vadd.f32 v12, v7;
	v13 =	vperm.xlane v8, v6;
	_ =	sdelay $0x1  }
0x579: {  	v7 =	vadd.f32 v13, v8;
	v8 =	vperm.xlane v12, v6;
	_ =	sdelay $0x1  }
0x57a: {  	v7 =	vmul.f32 $9.765625000e-04, v7;
	v8 =	vadd.f32 v8, v12;
	_ =	sdelay $0x1  }
0x57b: {  	v8 =	vmul.f32 $9.765625000e-04, v8;
	v61 =	vmul.f32 v7, v7;
	_ =	sdelay $0x1  }
0x57c: {  	v8 =	vsub.f32 v8, v61;
	_ =	sdelay $0x1  }
0x57d: {  	v8 =	vadd.f32 $9.999999960e-13, v8;
	_ =	sdelay $0x1  }
0x57e: {  	v62 =	vshrl.u32 v8, $0x1;
	v8 =	vmul.f32 $5.000000000e-01, v8  }
0x57f: {  	v12 =	vsub.s32 $0x5F3759DF, v62  }
0x580: {  	v63 =	vmul.f32 v12, v8;
	_ =	sdelay $0x1  }
0x581: {  	v13 =	vmul.f32 v12, v63;
	_ =	sdelay $0x1  }
0x582: {  	v13 =	vsub.f32 $1.500000000e+00, v13;
	_ =	sdelay $0x1  }
0x583: {  	v12 =	vmul.f32 v12, v13;
	_ =	sdelay $0x1  }
0x584: {  	v13 =	vmul.f32 v12, v8;
	_ =	sdelay $0x1  }
0x585: {  	v13 =	vmul.f32 v13, v12;
	_ =	sdelay $0x1  }
0x586: {  	s7 =	simm.s32 $0x0;
	v13 =	vsub.f32 $1.500000000e+00, v13  }
0x587: {  	s3 =	sadd.s32 s4, s3;
	s12 =	sand.u32 $0x7000, s7;
	[tilespmem:s5+$0xC210] =	vst v11  }
0x588: {  	s3 =	sadd.s32 $0xC200, s3;
	s4 =	sshrl.u32 s12, $0x2;
	[tilespmem:s5+$0xC220] =	vst v55;
	v11 =	vmul.f32 v13, v12  }
0x589: {  	s9 =	sand.u32 $0x40, s7;
	s10 =	sadd.s32 s4, s3;
	[tilespmem:s5+$0xC230] =	vst v9  }
0x58a: {  	s13 =	sadd.s32 s9, s10;
	[tilespmem:s5+$0xC200] =	vst v10;
	v8 =	vmul.f32 v11, v8  }
0x58b: {  	v9 =	vld [tilespmem:s13+$0x0]  }
0x58c: {  	v8 =	vmul.f32 v8, v11;
	_ =	sdelay $0x1  }
0x58d: {  	s4 =	simm.s32 $0x10200;
	v8 =	vsub.f32 $1.500000000e+00, v8  }
0x58e: {  	v10 =	vld [tilespmem:s4+$0x0]  }
0x58f: {  	s11 =	simm.s32 $0x10600;
	v9 =	vsub.f32 v9, v7;
	v8 =	vmul.f32 v8, v11  }
0x590: {  	v11 =	vld [tilespmem:s11+$0x0]  }
0x591: {  	v9 =	vmul.f32 v9, v8;
	_ =	sdelay $0x1  }
0x592: {  	v9 =	vmul.f32 v9, v10;
	_ =	sdelay $0x1  }
0x593: {  	v9 =	vadd.f32 v9, v11  }
0x594: {  	s14 =	sor.u32 $0x10, s9  }
0x595: {  	s22 =	sadd.s32 s14, s10;
	[tilespmem:s13+$0x0] =	vst v9  }
0x596: {  	v9 =	vld [tilespmem:s22+$0x0];
	_ =	sdelay $0x1  }
0x597: {  	s7 =	sand.u32 $0x380, s7  }
0x598: {  	s11 =	sor.u32 s7, s14  }
0x599: {  	v10 =	vld [tilespmem:s11+$0x10200]  }
0x59a: {  	v9 =	vsub.f32 v9, v7  }
0x59b: {  	v11 =	vld [tilespmem:s11+$0x10600]  }
0x59c: {  	v9 =	vmul.f32 v9, v8;
	_ =	sdelay $0x1  }
0x59d: {  	v9 =	vmul.f32 v9, v10;
	_ =	sdelay $0x1  }
0x59e: {  	v9 =	vadd.f32 v9, v11  }
0x59f: {  	s24 =	sor.u32 $0x20, s9  }
0x5a0: {  	s12 =	sadd.s32 s24, s10;
	[tilespmem:s22+$0x0] =	vst v9  }
0x5a1: {  	v9 =	vld [tilespmem:s12+$0x0];
	_ =	sdelay $0x2  }
0x5a2: {  	s11 =	sor.u32 s7, s24  }
0x5a3: {  	v10 =	vld [tilespmem:s11+$0x10200]  }
0x5a4: {  	v9 =	vsub.f32 v9, v7  }
0x5a5: {  	v11 =	vld [tilespmem:s11+$0x10600]  }
0x5a6: {  	v9 =	vmul.f32 v9, v8;
	_ =	sdelay $0x1  }
0x5a7: {  	v9 =	vmul.f32 v9, v10;
	_ =	sdelay $0x1  }
0x5a8: {  	v9 =	vadd.f32 v9, v11  }
0x5a9: {  	s9 =	sor.u32 $0x30, s9  }
0x5aa: {  	s24 =	sadd.s32 s9, s10;
	[tilespmem:s12+$0x0] =	vst v9  }
0x5ab: {  	v9 =	vld [tilespmem:s24+$0x0];
	_ =	sdelay $0x2  }
0x5ac: {  	s13 =	sor.u32 s7, s9  }
0x5ad: {  	v10 =	vld [tilespmem:s13+$0x10200]  }
0x5ae: {  	v9 =	vsub.f32 v9, v7  }
0x5af: {  	v11 =	vld [tilespmem:s13+$0x10600]  }
0x5b0: {  	v9 =	vmul.f32 v9, v8;
	_ =	sdelay $0x1  }
0x5b1: {  	s7 =	simm.s32 $0x800;
	v9 =	vmul.f32 v9, v10  }
0x5b2: {  	s5 =	simm.s32 $0x40;
	s14 =	sand.u32 $0x7000, s7  }
0x5b3: {  	s10 =	sand.u32 $0x40, s5;
	s22 =	sshrl.u32 s14, $0x2;
	v9 =	vadd.f32 v9, v11  }
0x5b4: {  	s22 =	sadd.s32 s22, s3;
	s11 =	simm.s32 $0x10640;
	s12 =	simm.s32 $0x4  }
.LBB2_36:
0x5b5: {  	s12 =	sadd.s32 $0x4, s12;
	s9 =	sadd.s32 s10, s22;
	[tilespmem:s24+$0x0] =	vst v9;
	s4 =	sadd.s32 $0x40, s4  }
0x5b6: {  	p1 =	slt.u32 s12, $0x3C;
	v9 =	vld [tilespmem:s9+$0x0];
	_ =	sdelay $0x3  }
0x5b7: {  	v10 =	vld [tilespmem:s4+$0x0]  }
0x5b8: {  	v9 =	vsub.f32 v9, v7  }
0x5b9: {  	v11 =	vld [tilespmem:s11+$0x0]  }
0x5ba: {  	v9 =	vmul.f32 v9, v8;
	_ =	sdelay $0x1  }
0x5bb: {  	v9 =	vmul.f32 v9, v10;
	_ =	sdelay $0x1  }
0x5bc: {  	v9 =	vadd.f32 v9, v11  }
0x5bd: {  	s13 =	sor.u32 $0x10, s10  }
0x5be: {  	[tilespmem:s9+$0x0] =	vst v9;
	s9 =	sadd.s32 s13, s22  }
0x5bf: {  	v9 =	vld [tilespmem:s9+$0x0];
	_ =	sdelay $0x1  }
0x5c0: {  	s14 =	sand.u32 $0x380, s5  }
0x5c1: {  	s13 =	sor.u32 s14, s13  }
0x5c2: {  	v10 =	vld [tilespmem:s13+$0x10200]  }
0x5c3: {  	v9 =	vsub.f32 v9, v7  }
0x5c4: {  	v11 =	vld [tilespmem:s13+$0x10600]  }
0x5c5: {  	v9 =	vmul.f32 v9, v8;
	_ =	sdelay $0x1  }
0x5c6: {  	v9 =	vmul.f32 v9, v10;
	_ =	sdelay $0x1  }
0x5c7: {  	v9 =	vadd.f32 v9, v11  }
0x5c8: {  	s13 =	sor.u32 $0x20, s10  }
0x5c9: {  	[tilespmem:s9+$0x0] =	vst v9;
	s9 =	sadd.s32 s13, s22  }
0x5ca: {  	v9 =	vld [tilespmem:s9+$0x0];
	_ =	sdelay $0x2  }
0x5cb: {  	s13 =	sor.u32 s14, s13  }
0x5cc: {  	v10 =	vld [tilespmem:s13+$0x10200]  }
0x5cd: {  	v9 =	vsub.f32 v9, v7  }
0x5ce: {  	v11 =	vld [tilespmem:s13+$0x10600]  }
0x5cf: {  	v9 =	vmul.f32 v9, v8;
	_ =	sdelay $0x1  }
0x5d0: {  	v9 =	vmul.f32 v9, v10;
	_ =	sdelay $0x1  }
0x5d1: {  	v9 =	vadd.f32 v9, v11  }
0x5d2: {  	s10 =	sor.u32 $0x30, s10  }
0x5d3: {  	s24 =	sadd.s32 s10, s22;
	[tilespmem:s9+$0x0] =	vst v9  }
0x5d4: {  	s9 =	sor.u32 s14, s10;
	v9 =	vld [tilespmem:s24+$0x0]  }
0x5d5: {  	v10 =	vld [tilespmem:s9+$0x10200]  }
0x5d6: {  	v11 =	vld [tilespmem:s9+$0x10600];
	_ =	sdelay $0x2  }
0x5d7: {  	v9 =	vsub.f32 v9, v7;
	_ =	sdelay $0x1  }
0x5d8: {  	v9 =	vmul.f32 v9, v8  }
.Ltmp16:
0x5d9: {  	(pc) =	sbr.rel @p1 .LBB2_36-.Ltmp16, $4  }
0x5da: {  	s7 =	sadd.s32 $0x800, s7;
	v9 =	vmul.f32 v9, v10  }
0x5db: {  	s9 =	sand.u32 $0x7000, s7  }
0x5dc: {  	s5 =	sadd.s32 $0x40, s5;
	s9 =	sshrl.u32 s9, $0x2;
	v9 =	vadd.f32 v9, v11  }
0x5dd: {  	s11 =	sadd.s32 $0x40, s11;
	s10 =	sand.u32 $0x40, s5;
	s22 =	sadd.s32 s9, s3  }
0x5de: {  	s3 =	sadd.s32 s10, s22;
	[tilespmem:s24+$0x0] =	vst v9  }
0x5df: {  	v9 =	vld [tilespmem:s3+$0x0];
	_ =	sdelay $0x2  }
0x5e0: {  	s4 =	sadd.s32 $0x40, s4  }
0x5e1: {  	v10 =	vld [tilespmem:s4+$0x0]  }
0x5e2: {  	v9 =	vsub.f32 v9, v7  }
0x5e3: {  	v11 =	vld [tilespmem:s11+$0x0]  }
0x5e4: {  	v9 =	vmul.f32 v9, v8;
	_ =	sdelay $0x1  }
0x5e5: {  	v9 =	vmul.f32 v9, v10;
	_ =	sdelay $0x1  }
0x5e6: {  	v9 =	vadd.f32 v9, v11  }
0x5e7: {  	s9 =	sor.u32 $0x10, s10  }
0x5e8: {  	s11 =	sadd.s32 s9, s22;
	[tilespmem:s3+$0x0] =	vst v9  }
0x5e9: {  	v9 =	vld [tilespmem:s11+$0x0];
	_ =	sdelay $0x1  }
0x5ea: {  	s5 =	sand.u32 $0x380, s5  }
0x5eb: {  	s4 =	sor.u32 s5, s9  }
0x5ec: {  	v58 =	vld [tilespmem:s4+$0x10200]  }
0x5ed: {  	v9 =	vsub.f32 v9, v7  }
0x5ee: {  	v59 =	vld [tilespmem:s4+$0x10600]  }
0x5ef: {  	v9 =	vmul.f32 v9, v8;
	_ =	sdelay $0x1  }
0x5f0: {  	v9 =	vmul.f32 v9, v58;
	_ =	sdelay $0x1  }
0x5f1: {  	v9 =	vadd.f32 v9, v59  }
0x5f2: {  	s12 =	sor.u32 $0x20, s10  }
0x5f3: {  	s13 =	sadd.s32 s12, s22;
	[tilespmem:s11+$0x0] =	vst v9  }
0x5f4: {  	v9 =	vld [tilespmem:s13+$0x0];
	_ =	sdelay $0x2  }
0x5f5: {  	s4 =	sor.u32 s5, s12  }
0x5f6: {  	v60 =	vld [tilespmem:s4+$0x10200]  }
0x5f7: {  	v9 =	vsub.f32 v9, v7  }
0x5f8: {  	v61 =	vld [tilespmem:s4+$0x10600]  }
0x5f9: {  	v9 =	vmul.f32 v9, v8;
	_ =	sdelay $0x1  }
0x5fa: {  	v9 =	vmul.f32 v9, v60;
	_ =	sdelay $0x1  }
0x5fb: {  	v9 =	vadd.f32 v9, v61  }
0x5fc: {  	s14 =	sor.u32 $0x30, s10  }
0x5fd: {  	s24 =	sadd.s32 s14, s22;
	[tilespmem:s13+$0x0] =	vst v9  }
0x5fe: {  	v9 =	vld [tilespmem:s24+$0x0];
	_ =	sdelay $0x2  }
0x5ff: {  	s4 =	sor.u32 s5, s14  }
0x600: {  	v62 =	vld [tilespmem:s4+$0x10200]  }
0x601: {  	v7 =	vsub.f32 v9, v7  }
0x602: {  	v63 =	vld [tilespmem:s4+$0x10600]  }
0x603: {  	s2 =	sadd.s32 $0x1, s2;
	v7 =	vmul.f32 v7, v8  }
0x604: {  	p1 =	sne.s32 s2, $0x10  }
.Ltmp17:
0x605: {  	v7 =	vmul.f32 v7, v62;
	(pc) =	sbr.rel @p1 .LBB2_33-.Ltmp17, $3  }
0x606: {  	_ = 	snop  }
0x607: {  	v7 =	vadd.f32 v7, v63;
	_ =	sdelay $0x1  }
0x608: {  	[tilespmem:s24+$0x0] =	vst v7  }
0x609: {  	s2 =	rddreg [dreg:$0x8]  }
0x60a: {  	s2 =	sadd.s32 s2, s20  }
0x60b: {  	s2 =	sshll.u32 s2, $0x7  }
0x60c: {  	s31 =	simm.s32 $0x0;
	s2 =	sadd.s32 s6, s2  }
0x60d: {  	[hbm4b:s2+s31] =	stream.linear.scatter [tilespmem:s28], [sflag:$0x5], $0x4000, $0x38;
	[tilespmem:$0x10A00] =	vst v63  }
0x60e: {  	_ =	swait.ge [sflag:s23], $0x4000  }
0x60f: {  	[sflag:s23] =	ssyncset.done $0x0  }
0x610: {  	[sflag:s23] =	ssyncadd.s32 $0xFFFFC000  }
0x611: {  	v7 =	vld [tilespmem:s20+$0x180];
	_ =	sdelay $0x4  }
0x612: {  	v8 =	vshll.u32 v7, $0x3  }
0x613: {  	v7 =	vand.u32 $0x7, v7;
	v8 =	vand.u32 $0xFFFFFFC0, v8  }
0x614: {  	v7 =	vor.u32 v7, v8  }
0x615: {  	v8 =	vperm.xlane v7, v0;
	_ =	sdelay $0x1  }
0x616: {  	v8 =	vadd.s32 v1, v8;
	_ =	sdelay $0x4  }
0x617: {  	[tilespmem:s28], [sflag:$0x2] =	stream.indirect_vreg.gather [hbm4b:s0+s31], $0x80, v8, vm0, $0xb8;
	[tilespmem:$0x10A00] =	vst v63  }
0x618: {  	s13 =	simm.s32 $0xCA00;
	v7 =	vperm.xlane v7, v2  }
0x619: {  	[tilespmem:s13], [sflag:$0x2] =	stream.indirect_vreg.gather [hbm4b:s16+s31], $0x80, v8, vm0, $0xb8;
	[tilespmem:$0x10A00] =	vst v63  }
0x61a: {  	s14 =	simm.s32 $0xD200;
	v7 =	vadd.s32 v1, v7  }
0x61b: {  	[tilespmem:s14], [sflag:$0x2] =	stream.indirect_vreg.gather [hbm4b:s17+s31], $0x80, v8, vm0, $0xb8;
	[tilespmem:$0x10A00] =	vst v63  }
0x61c: {  	s22 =	simm.s32 $0xDA00  }
0x61d: {  	[tilespmem:s22], [sflag:$0x2] =	stream.indirect_vreg.gather [hbm4b:s18+s31], $0x80, v8, vm0, $0xb8;
	[tilespmem:$0x10A00] =	vst v63  }
0x61e: {  	s24 =	simm.s32 $0xE200  }
0x61f: {  	[tilespmem:s24], [sflag:$0x2] =	stream.indirect_vreg.gather [hbm4b:s0+s31], $0x80, v7, vm0, $0xb8;
	[tilespmem:$0x10A00] =	vst v63  }
0x620: {  	_ = 	snop  }
0x621: {  	[tilespmem:s15], [sflag:$0x2] =	stream.indirect_vreg.gather [hbm4b:s16+s31], $0x80, v7, vm0, $0xb8;
	[tilespmem:$0x10A00] =	vst v63  }
0x622: {  	_ = 	snop  }
0x623: {  	[tilespmem:s19], [sflag:$0x2] =	stream.indirect_vreg.gather [hbm4b:s17+s31], $0x80, v7, vm0, $0xb8;
	[tilespmem:$0x10A00] =	vst v63  }
0x624: {  	_ = 	snop  }
0x625: {  	[tilespmem:s21], [sflag:$0x2] =	stream.indirect_vreg.gather [hbm4b:s18+s31], $0x80, v7, vm0, $0xb8;
	[tilespmem:$0x10A00] =	vst v63  }
0x626: {  	_ =	swait.ge [sflag:s26], $0x4000  }
0x627: {  	[sflag:s26] =	ssyncset.done $0x0  }
0x628: {  	s2 =	simm.s32 $0x0;
	[sflag:s26] =	ssyncadd.s32 $0xFFFFC000  }
.LBB2_39:
0x629: {  	s3 =	sshll.u32 s2, $0xA;
	s4 =	sshll.u32 s2, $0x7  }
0x62a: {  	s3 =	sand.u32 $0x2000, s3;
	s4 =	sand.u32 $0x380, s4  }
0x62b: {  	s4 =	sor.u32 s4, s3  }
0x62c: {  	s5 =	sand.u32 $0x1C00, s31;
	s3 =	sadd.s32 $0x8200, s4  }
0x62d: {  	s7 =	sand.u32 $0x40, s31;
	s4 =	sadd.s32 $0x4200, s4;
	s9 =	sadd.s32 s5, s3  }
0x62e: {  	s5 =	sadd.s32 s5, s4;
	s10 =	sadd.s32 s7, s9  }
0x62f: {  	s11 =	sadd.s32 s7, s5;
	v7 =	vld [tilespmem:s10+$0x0]  }
0x630: {  	v8 =	vld [tilespmem:s11+$0x0];
	_ =	sdelay $0x4  }
0x631: {  	v7 =	vadd.f32 v8, v7  }
0x632: {  	s13 =	sor.u32 $0x10, s7  }
0x633: {  	s14 =	sadd.s32 s13, s9;
	[tilespmem:s10+$0x0] =	vst v7  }
0x634: {  	s11 =	sadd.s32 s13, s5;
	v8 =	vld [tilespmem:s14+$0x0]  }
0x635: {  	v9 =	vld [tilespmem:s11+$0x0];
	_ =	sdelay $0x4  }
0x636: {  	v8 =	vadd.f32 v9, v8  }
0x637: {  	s22 =	sor.u32 $0x20, s7  }
0x638: {  	s24 =	sadd.s32 s22, s9;
	[tilespmem:s14+$0x0] =	vst v8  }
0x639: {  	s11 =	sadd.s32 s22, s5;
	v9 =	vld [tilespmem:s24+$0x0]  }
0x63a: {  	v10 =	vld [tilespmem:s11+$0x0];
	_ =	sdelay $0x3  }
0x63b: {  	v11 =	vmul.f32 v7, v7  }
0x63c: {  	v12 =	vimm.f32 $0.0e+00;
	v13 =	vadd.f32 v10, v9  }
0x63d: {  	s7 =	sor.u32 $0x30, s7;
	v9 =	vmul.f32 v8, v8;
	v10 =	vadd.f32 v11, v12  }
0x63e: {  	s11 =	sadd.s32 s7, s9;
	[tilespmem:s24+$0x0] =	vst v13  }
0x63f: {  	v7 =	vadd.f32 v7, v12;
	s7 =	sadd.s32 s7, s5;
	v12 =	vadd.f32 v9, v10;
	v9 =	vld [tilespmem:s11+$0x0]  }
0x640: {  	v10 =	vld [tilespmem:s7+$0x0];
	_ =	sdelay $0x1  }
0x641: {  	v7 =	vadd.f32 v8, v7;
	v11 =	vmul.f32 v13, v13;
	_ =	sdelay $0x1  }
0x642: {  	s10 =	simm.s32 $0x200;
	s5 =	simm.s32 $0x4;
	v8 =	vadd.f32 v13, v7;
	s7 =	simm.s32 $0x0;
	v7 =	vadd.f32 v11, v12  }
.LBB2_40:
0x643: {  	s5 =	sadd.s32 $0x4, s5;
	s9 =	sand.u32 $0x1C00, s10;
	v9 =	vadd.f32 v10, v9;
	s7 =	sadd.s32 $0x40, s7  }
0x644: {  	s12 =	sand.u32 $0x40, s7;
	s13 =	sadd.s32 s9, s3;
	s9 =	sadd.s32 s9, s4  }
0x645: {  	p1 =	slt.u32 s5, $0x3C;
	s14 =	sadd.s32 s12, s13;
	s22 =	sadd.s32 s12, s9;
	[tilespmem:s11+$0x0] =	vst v9;
	v8 =	vadd.f32 v9, v8;
	v9 =	vmul.f32 v9, v9  }
0x646: {  	v10 =	vld [tilespmem:s14+$0x0]  }
0x647: {  	v11 =	vld [tilespmem:s22+$0x0];
	v7 =	vadd.f32 v9, v7;
	_ =	sdelay $0x4  }
0x648: {  	v9 =	vadd.f32 v11, v10  }
0x649: {  	s11 =	sor.u32 $0x10, s12  }
0x64a: {  	[tilespmem:s14+$0x0] =	vst v9;
	v10 =	vmul.f32 v9, v9;
	s14 =	sadd.s32 s11, s13;
	s11 =	sadd.s32 s11, s9  }
0x64b: {  	v11 =	vld [tilespmem:s14+$0x0]  }
0x64c: {  	v12 =	vld [tilespmem:s11+$0x0];
	_ =	sdelay $0x4  }
0x64d: {  	v11 =	vadd.f32 v12, v11  }
0x64e: {  	s11 =	sor.u32 $0x20, s12  }
0x64f: {  	[tilespmem:s14+$0x0] =	vst v11;
	v12 =	vmul.f32 v11, v11;
	s14 =	sadd.s32 s11, s13;
	s11 =	sadd.s32 s11, s9  }
0x650: {  	v13 =	vld [tilespmem:s14+$0x0]  }
0x651: {  	v14 =	vld [tilespmem:s11+$0x0];
	_ =	sdelay $0x4  }
0x652: {  	v13 =	vadd.f32 v14, v13  }
0x653: {  	s12 =	sor.u32 $0x30, s12  }
0x654: {  	s9 =	sadd.s32 s12, s9;
	s11 =	sadd.s32 s12, s13;
	[tilespmem:s14+$0x0] =	vst v13;
	v14 =	vmul.f32 v13, v13  }
0x655: {  	v8 =	vadd.f32 v9, v8;
	v7 =	vadd.f32 v10, v7;
	v9 =	vld [tilespmem:s11+$0x0]  }
.Ltmp18:
0x656: {  	v10 =	vld [tilespmem:s9+$0x0];
	(pc) =	sbr.rel @p1 .LBB2_40-.Ltmp18, $3  }
0x657: {  	v8 =	vadd.f32 v11, v8;
	v7 =	vadd.f32 v12, v7;
	_ =	sdelay $0x1  }
0x658: {  	v8 =	vadd.f32 v13, v8;
	v7 =	vadd.f32 v14, v7  }
0x659: {  	s10 =	sadd.s32 $0x200, s10  }
0x65a: {  	s5 =	sand.u32 $0x1C00, s10;
	v9 =	vadd.f32 v10, v9;
	s7 =	sadd.s32 $0x40, s7  }
0x65b: {  	s7 =	sand.u32 $0x40, s7;
	s9 =	sadd.s32 s5, s3  }
0x65c: {  	s4 =	sadd.s32 s5, s4;
	s22 =	sadd.s32 s7, s9;
	[tilespmem:s11+$0x0] =	vst v9  }
0x65d: {  	s24 =	sadd.s32 s7, s4;
	v10 =	vld [tilespmem:s22+$0x0]  }
0x65e: {  	v11 =	vld [tilespmem:s24+$0x0];
	_ =	sdelay $0x4  }
0x65f: {  	v10 =	vadd.f32 v11, v10  }
0x660: {  	s11 =	sor.u32 $0x10, s7  }
0x661: {  	s12 =	sadd.s32 s11, s9;
	[tilespmem:s22+$0x0] =	vst v10  }
0x662: {  	s10 =	sadd.s32 s11, s4;
	v11 =	vld [tilespmem:s12+$0x0]  }
0x663: {  	v12 =	vld [tilespmem:s10+$0x0];
	_ =	sdelay $0x4  }
0x664: {  	v11 =	vadd.f32 v12, v11  }
0x665: {  	s13 =	sor.u32 $0x20, s7  }
0x666: {  	s14 =	sadd.s32 s13, s9;
	[tilespmem:s12+$0x0] =	vst v11  }
0x667: {  	s10 =	sadd.s32 s13, s4;
	v61 =	vld [tilespmem:s14+$0x0]  }
0x668: {  	v13 =	vld [tilespmem:s10+$0x0];
	_ =	sdelay $0x4  }
0x669: {  	v12 =	vadd.f32 v13, v61  }
0x66a: {  	s7 =	sor.u32 $0x30, s7  }
0x66b: {  	v62 =	vmul.f32 v9, v9;
	s22 =	sadd.s32 s7, s9;
	[tilespmem:s14+$0x0] =	vst v12  }
0x66c: {  	v8 =	vadd.f32 v9, v8;
	s4 =	sadd.s32 s7, s4;
	v9 =	vld [tilespmem:s22+$0x0]  }
0x66d: {  	v7 =	vadd.f32 v62, v7;
	v63 =	vmul.f32 v10, v10;
	v14 =	vld [tilespmem:s4+$0x0]  }
0x66e: {  	v8 =	vadd.f32 v10, v8  }
0x66f: {  	v7 =	vadd.f32 v63, v7;
	v10 =	vmul.f32 v11, v11  }
0x670: {  	v8 =	vadd.f32 v11, v8  }
0x671: {  	v7 =	vadd.f32 v10, v7  }
0x672: {  	v10 =	vmul.f32 v12, v12;
	v8 =	vadd.f32 v12, v8;
	v9 =	vadd.f32 v14, v9;
	_ =	sdelay $0x1  }
0x673: {  	v7 =	vadd.f32 v10, v7;
	v8 =	vadd.f32 v9, v8;
	v10 =	vmul.f32 v9, v9;
	_ =	sdelay $0x1  }
0x674: {  	v7 =	vadd.f32 v10, v7;
	v10 =	vperm.xlane v8, v3;
	_ =	sdelay $0x1  }
0x675: {  	v8 =	vadd.f32 v10, v8;
	v10 =	vperm.xlane v7, v3;
	_ =	sdelay $0x1  }
0x676: {  	v11 =	vperm.xlane v8, v4;
	v7 =	vadd.f32 v10, v7;
	_ =	sdelay $0x1  }
0x677: {  	v8 =	vadd.f32 v11, v8;
	v10 =	vperm.xlane v7, v4;
	_ =	sdelay $0x1  }
0x678: {  	v11 =	vperm.xlane v8, v5;
	v7 =	vadd.f32 v10, v7;
	_ =	sdelay $0x1  }
0x679: {  	v8 =	vadd.f32 v11, v8;
	v10 =	vperm.xlane v7, v5;
	_ =	sdelay $0x1  }
0x67a: {  	v11 =	vperm.xlane v8, v6;
	v10 =	vadd.f32 v10, v7;
	_ =	sdelay $0x1  }
0x67b: {  	v7 =	vadd.f32 v11, v8;
	v8 =	vperm.xlane v10, v6;
	_ =	sdelay $0x1  }
0x67c: {  	v7 =	vmul.f32 $9.765625000e-04, v7;
	v8 =	vadd.f32 v8, v10;
	_ =	sdelay $0x1  }
0x67d: {  	v8 =	vmul.f32 $9.765625000e-04, v8;
	v10 =	vmul.f32 v7, v7;
	_ =	sdelay $0x1  }
0x67e: {  	v8 =	vsub.f32 v8, v10;
	_ =	sdelay $0x1  }
0x67f: {  	v8 =	vadd.f32 $9.999999960e-13, v8;
	_ =	sdelay $0x1  }
0x680: {  	v10 =	vshrl.u32 v8, $0x1;
	v8 =	vmul.f32 $5.000000000e-01, v8  }
0x681: {  	v10 =	vsub.s32 $0x5F3759DF, v10  }
0x682: {  	v11 =	vmul.f32 v10, v8;
	_ =	sdelay $0x1  }
0x683: {  	v11 =	vmul.f32 v10, v11;
	_ =	sdelay $0x1  }
0x684: {  	v11 =	vsub.f32 $1.500000000e+00, v11;
	_ =	sdelay $0x1  }
0x685: {  	v10 =	vmul.f32 v10, v11;
	_ =	sdelay $0x1  }
0x686: {  	v11 =	vmul.f32 v10, v8;
	_ =	sdelay $0x1  }
0x687: {  	v11 =	vmul.f32 v11, v10;
	_ =	sdelay $0x1  }
0x688: {  	s24 =	simm.s32 $0x0;
	v11 =	vsub.f32 $1.500000000e+00, v11  }
0x689: {  	s11 =	sand.u32 $0x7000, s24  }
0x68a: {  	s4 =	sshrl.u32 s11, $0x2;
	v10 =	vmul.f32 v11, v10  }
0x68b: {  	s9 =	sand.u32 $0x40, s24;
	s10 =	sadd.s32 s4, s3  }
0x68c: {  	s12 =	sadd.s32 s9, s10;
	[tilespmem:s22+$0x0] =	vst v9;
	v8 =	vmul.f32 v10, v8  }
0x68d: {  	v9 =	vld [tilespmem:s12+$0x0]  }
0x68e: {  	v8 =	vmul.f32 v8, v10;
	_ =	sdelay $0x1  }
0x68f: {  	s4 =	simm.s32 $0x10200;
	v8 =	vsub.f32 $1.500000000e+00, v8  }
0x690: {  	v11 =	vld [tilespmem:s4+$0x0]  }
0x691: {  	s13 =	simm.s32 $0x10600;
	v9 =	vsub.f32 v9, v7;
	v8 =	vmul.f32 v8, v10  }
0x692: {  	v10 =	vld [tilespmem:s13+$0x0]  }
0x693: {  	v9 =	vmul.f32 v9, v8;
	_ =	sdelay $0x1  }
0x694: {  	v9 =	vmul.f32 v9, v11;
	_ =	sdelay $0x1  }
0x695: {  	v9 =	vadd.f32 v9, v10  }
0x696: {  	s14 =	sor.u32 $0x10, s9  }
0x697: {  	s22 =	sadd.s32 s14, s10;
	[tilespmem:s12+$0x0] =	vst v9  }
0x698: {  	v9 =	vld [tilespmem:s22+$0x0];
	_ =	sdelay $0x1  }
0x699: {  	s7 =	sand.u32 $0x380, s24  }
0x69a: {  	s11 =	sor.u32 s7, s14  }
0x69b: {  	v10 =	vld [tilespmem:s11+$0x10200]  }
0x69c: {  	v9 =	vsub.f32 v9, v7  }
0x69d: {  	v11 =	vld [tilespmem:s11+$0x10600]  }
0x69e: {  	v9 =	vmul.f32 v9, v8;
	_ =	sdelay $0x1  }
0x69f: {  	v9 =	vmul.f32 v9, v10;
	_ =	sdelay $0x1  }
0x6a0: {  	v9 =	vadd.f32 v9, v11  }
0x6a1: {  	s24 =	sor.u32 $0x20, s9  }
0x6a2: {  	s12 =	sadd.s32 s24, s10;
	[tilespmem:s22+$0x0] =	vst v9  }
0x6a3: {  	v9 =	vld [tilespmem:s12+$0x0];
	_ =	sdelay $0x2  }
0x6a4: {  	s11 =	sor.u32 s7, s24  }
0x6a5: {  	v10 =	vld [tilespmem:s11+$0x10200]  }
0x6a6: {  	v9 =	vsub.f32 v9, v7  }
0x6a7: {  	v11 =	vld [tilespmem:s11+$0x10600]  }
0x6a8: {  	v9 =	vmul.f32 v9, v8;
	_ =	sdelay $0x1  }
0x6a9: {  	v9 =	vmul.f32 v9, v10;
	_ =	sdelay $0x1  }
0x6aa: {  	v9 =	vadd.f32 v9, v11  }
0x6ab: {  	s9 =	sor.u32 $0x30, s9  }
0x6ac: {  	s24 =	sadd.s32 s9, s10;
	[tilespmem:s12+$0x0] =	vst v9  }
0x6ad: {  	v9 =	vld [tilespmem:s24+$0x0];
	_ =	sdelay $0x2  }
0x6ae: {  	s13 =	sor.u32 s7, s9  }
0x6af: {  	v10 =	vld [tilespmem:s13+$0x10200]  }
0x6b0: {  	v9 =	vsub.f32 v9, v7  }
0x6b1: {  	v11 =	vld [tilespmem:s13+$0x10600]  }
0x6b2: {  	v9 =	vmul.f32 v9, v8;
	_ =	sdelay $0x1  }
0x6b3: {  	s7 =	simm.s32 $0x800;
	v9 =	vmul.f32 v9, v10  }
0x6b4: {  	s5 =	simm.s32 $0x40;
	s14 =	sand.u32 $0x7000, s7  }
0x6b5: {  	s10 =	sand.u32 $0x40, s5;
	s22 =	sshrl.u32 s14, $0x2;
	v9 =	vadd.f32 v9, v11  }
0x6b6: {  	s22 =	sadd.s32 s22, s3;
	s11 =	simm.s32 $0x10640;
	s12 =	simm.s32 $0x4  }
.LBB2_42:
0x6b7: {  	s12 =	sadd.s32 $0x4, s12;
	s9 =	sadd.s32 s10, s22;
	[tilespmem:s24+$0x0] =	vst v9;
	s4 =	sadd.s32 $0x40, s4  }
0x6b8: {  	p1 =	slt.u32 s12, $0x3C;
	v9 =	vld [tilespmem:s9+$0x0];
	_ =	sdelay $0x3  }
0x6b9: {  	v10 =	vld [tilespmem:s4+$0x0]  }
0x6ba: {  	v9 =	vsub.f32 v9, v7  }
0x6bb: {  	v11 =	vld [tilespmem:s11+$0x0]  }
0x6bc: {  	v9 =	vmul.f32 v9, v8;
	_ =	sdelay $0x1  }
0x6bd: {  	v9 =	vmul.f32 v9, v10;
	_ =	sdelay $0x1  }
0x6be: {  	v9 =	vadd.f32 v9, v11  }
0x6bf: {  	s13 =	sor.u32 $0x10, s10  }
0x6c0: {  	[tilespmem:s9+$0x0] =	vst v9;
	s9 =	sadd.s32 s13, s22  }
0x6c1: {  	v9 =	vld [tilespmem:s9+$0x0];
	_ =	sdelay $0x1  }
0x6c2: {  	s14 =	sand.u32 $0x380, s5  }
0x6c3: {  	s13 =	sor.u32 s14, s13  }
0x6c4: {  	v10 =	vld [tilespmem:s13+$0x10200]  }
0x6c5: {  	v9 =	vsub.f32 v9, v7  }
0x6c6: {  	v11 =	vld [tilespmem:s13+$0x10600]  }
0x6c7: {  	v9 =	vmul.f32 v9, v8;
	_ =	sdelay $0x1  }
0x6c8: {  	v9 =	vmul.f32 v9, v10;
	_ =	sdelay $0x1  }
0x6c9: {  	v9 =	vadd.f32 v9, v11  }
0x6ca: {  	s13 =	sor.u32 $0x20, s10  }
0x6cb: {  	[tilespmem:s9+$0x0] =	vst v9;
	s9 =	sadd.s32 s13, s22  }
0x6cc: {  	v9 =	vld [tilespmem:s9+$0x0];
	_ =	sdelay $0x2  }
0x6cd: {  	s13 =	sor.u32 s14, s13  }
0x6ce: {  	v10 =	vld [tilespmem:s13+$0x10200]  }
0x6cf: {  	v9 =	vsub.f32 v9, v7  }
0x6d0: {  	v11 =	vld [tilespmem:s13+$0x10600]  }
0x6d1: {  	v9 =	vmul.f32 v9, v8;
	_ =	sdelay $0x1  }
0x6d2: {  	v9 =	vmul.f32 v9, v10;
	_ =	sdelay $0x1  }
0x6d3: {  	v9 =	vadd.f32 v9, v11  }
0x6d4: {  	s10 =	sor.u32 $0x30, s10  }
0x6d5: {  	s24 =	sadd.s32 s10, s22;
	[tilespmem:s9+$0x0] =	vst v9  }
0x6d6: {  	s9 =	sor.u32 s14, s10;
	v9 =	vld [tilespmem:s24+$0x0]  }
0x6d7: {  	v10 =	vld [tilespmem:s9+$0x10200]  }
0x6d8: {  	v11 =	vld [tilespmem:s9+$0x10600];
	_ =	sdelay $0x2  }
0x6d9: {  	v9 =	vsub.f32 v9, v7;
	_ =	sdelay $0x1  }
0x6da: {  	v9 =	vmul.f32 v9, v8  }
.Ltmp19:
0x6db: {  	(pc) =	sbr.rel @p1 .LBB2_42-.Ltmp19, $4  }
0x6dc: {  	s7 =	sadd.s32 $0x800, s7;
	v9 =	vmul.f32 v9, v10  }
0x6dd: {  	s9 =	sand.u32 $0x7000, s7  }
0x6de: {  	s5 =	sadd.s32 $0x40, s5;
	s9 =	sshrl.u32 s9, $0x2;
	v9 =	vadd.f32 v9, v11  }
0x6df: {  	s11 =	sadd.s32 $0x40, s11;
	s10 =	sand.u32 $0x40, s5;
	s22 =	sadd.s32 s9, s3  }
0x6e0: {  	s3 =	sadd.s32 s10, s22;
	[tilespmem:s24+$0x0] =	vst v9  }
0x6e1: {  	v9 =	vld [tilespmem:s3+$0x0];
	_ =	sdelay $0x2  }
0x6e2: {  	s4 =	sadd.s32 $0x40, s4  }
0x6e3: {  	v10 =	vld [tilespmem:s4+$0x0]  }
0x6e4: {  	v9 =	vsub.f32 v9, v7  }
0x6e5: {  	v11 =	vld [tilespmem:s11+$0x0]  }
0x6e6: {  	v9 =	vmul.f32 v9, v8;
	_ =	sdelay $0x1  }
0x6e7: {  	v9 =	vmul.f32 v9, v10;
	_ =	sdelay $0x1  }
0x6e8: {  	v9 =	vadd.f32 v9, v11  }
0x6e9: {  	s9 =	sor.u32 $0x10, s10  }
0x6ea: {  	s11 =	sadd.s32 s9, s22;
	[tilespmem:s3+$0x0] =	vst v9  }
0x6eb: {  	v9 =	vld [tilespmem:s11+$0x0];
	_ =	sdelay $0x1  }
0x6ec: {  	s5 =	sand.u32 $0x380, s5  }
0x6ed: {  	s4 =	sor.u32 s5, s9  }
0x6ee: {  	v58 =	vld [tilespmem:s4+$0x10200]  }
0x6ef: {  	v9 =	vsub.f32 v9, v7  }
0x6f0: {  	v59 =	vld [tilespmem:s4+$0x10600]  }
0x6f1: {  	v9 =	vmul.f32 v9, v8;
	_ =	sdelay $0x1  }
0x6f2: {  	v9 =	vmul.f32 v9, v58;
	_ =	sdelay $0x1  }
0x6f3: {  	v9 =	vadd.f32 v9, v59  }
0x6f4: {  	s12 =	sor.u32 $0x20, s10  }
0x6f5: {  	s13 =	sadd.s32 s12, s22;
	[tilespmem:s11+$0x0] =	vst v9  }
0x6f6: {  	v9 =	vld [tilespmem:s13+$0x0];
	_ =	sdelay $0x2  }
0x6f7: {  	s4 =	sor.u32 s5, s12  }
0x6f8: {  	v60 =	vld [tilespmem:s4+$0x10200]  }
0x6f9: {  	v9 =	vsub.f32 v9, v7  }
0x6fa: {  	v61 =	vld [tilespmem:s4+$0x10600]  }
0x6fb: {  	v9 =	vmul.f32 v9, v8;
	_ =	sdelay $0x1  }
0x6fc: {  	v9 =	vmul.f32 v9, v60;
	_ =	sdelay $0x1  }
0x6fd: {  	v9 =	vadd.f32 v9, v61  }
0x6fe: {  	s14 =	sor.u32 $0x30, s10  }
0x6ff: {  	s24 =	sadd.s32 s14, s22;
	[tilespmem:s13+$0x0] =	vst v9  }
0x700: {  	v9 =	vld [tilespmem:s24+$0x0];
	_ =	sdelay $0x2  }
0x701: {  	s4 =	sor.u32 s5, s14  }
0x702: {  	v62 =	vld [tilespmem:s4+$0x10200]  }
0x703: {  	v7 =	vsub.f32 v9, v7  }
0x704: {  	v63 =	vld [tilespmem:s4+$0x10600]  }
0x705: {  	s2 =	sadd.s32 $0x1, s2;
	v7 =	vmul.f32 v7, v8  }
0x706: {  	p1 =	sne.s32 s2, $0x10  }
.Ltmp20:
0x707: {  	v7 =	vmul.f32 v7, v62;
	(pc) =	sbr.rel @p1 .LBB2_39-.Ltmp20, $3  }
0x708: {  	_ = 	snop  }
0x709: {  	v7 =	vadd.f32 v7, v63;
	_ =	sdelay $0x1  }
0x70a: {  	[tilespmem:s24+$0x0] =	vst v7  }
0x70b: {  	s2 =	rddreg [dreg:$0x9]  }
0x70c: {  	s2 =	sadd.s32 s2, s20  }
0x70d: {  	s2 =	sshll.u32 s2, $0x7  }
0x70e: {  	s3 =	simm.s32 $0x0;
	s2 =	sadd.s32 s6, s2  }
0x70f: {  	[hbm4b:s2+s3] =	stream.linear.scatter [tilespmem:s29], [sflag:$0x5], $0x4000, $0x38;
	[tilespmem:$0x10A00] =	vst v63  }
0x710: {  	_ =	swait.ge [sflag:s23], $0x4000  }
0x711: {  	[sflag:s23] =	ssyncset.done $0x0  }
0x712: {  	[sflag:s23] =	ssyncadd.s32 $0xFFFFC000  }
0x713: {  	v7 =	vld @!p0 [tilespmem:s30+$0x20];
	_ =	sdelay $0x4  }
0x714: {  	v8 =	vshll.u32 @!p0 v7, $0x3  }
0x715: {  	v9 =	vlaneseq.u32 @!p0;
	v7 =	vand.u32 @!p0 $0x7, v7;
	v8 =	vand.u32 @!p0 $0xFFFFFFC0, v8  }
0x716: {  	v10 =	vshrl.u32 @!p0 v9, $0x3;
	v7 =	vor.u32 @!p0 v7, v8;
	v8 =	vand.u32 @!p0 $0x7, v9  }
0x717: {  	v10 =	vmul.u32 @!p0 $0x8, v10;
	v8 =	vperm.xlane @!p0 v7, v8;
	_ =	sdelay $0x1  }
0x718: {  	v8 =	vadd.s32 @!p0 v10, v8;
	_ =	sdelay $0x3  }
0x719: {  	vm1 =	vmmov @!p0 $0xffff;
	s2 =	simm.s32 @!p0 $0x0;
	s3 =	simm.s32 @!p0 $0x8200  }
0x71a: {  	v9 =	vor.u32 @!p0 $0x8, v9;
	[tilespmem:s3], [sflag:$0x1] =	stream.indirect_vreg.gather @!p0 [hbm4b:s0+s2], $0x80, v8, vm1, $0xb8;
	[tilespmem:$0x10A00] =	vst v63  }
0x71b: {  	v7 =	vperm.xlane @!p0 v7, v9;
	s3 =	simm.s32 @!p0 $0x8A00  }
0x71c: {  	[tilespmem:s3], [sflag:$0x1] =	stream.indirect_vreg.gather @!p0 [hbm4b:s16+s2], $0x80, v8, vm1, $0xb8;
	[tilespmem:$0x10A00] =	vst v63  }
0x71d: {  	v7 =	vadd.s32 @!p0 v10, v7;
	s3 =	simm.s32 @!p0 $0x9200  }
0x71e: {  	[tilespmem:s3], [sflag:$0x1] =	stream.indirect_vreg.gather @!p0 [hbm4b:s17+s2], $0x80, v8, vm1, $0xb8;
	[tilespmem:$0x10A00] =	vst v63  }
0x71f: {  	s3 =	simm.s32 @!p0 $0x9A00  }
0x720: {  	[tilespmem:s3], [sflag:$0x1] =	stream.indirect_vreg.gather @!p0 [hbm4b:s18+s2], $0x80, v8, vm1, $0xb8;
	[tilespmem:$0x10A00] =	vst v63  }
0x721: {  	s3 =	simm.s32 @!p0 $0xA200  }
0x722: {  	[tilespmem:s3], [sflag:$0x1] =	stream.indirect_vreg.gather @!p0 [hbm4b:s0+s2], $0x80, v7, vm1, $0xb8;
	[tilespmem:$0x10A00] =	vst v63  }
0x723: {  	s3 =	simm.s32 @!p0 $0xAA00  }
0x724: {  	[tilespmem:s3], [sflag:$0x1] =	stream.indirect_vreg.gather @!p0 [hbm4b:s16+s2], $0x80, v7, vm1, $0xb8;
	[tilespmem:$0x10A00] =	vst v63  }
0x725: {  	s3 =	simm.s32 @!p0 $0xB200  }
0x726: {  	[tilespmem:s3], [sflag:$0x1] =	stream.indirect_vreg.gather @!p0 [hbm4b:s17+s2], $0x80, v7, vm1, $0xb8;
	[tilespmem:$0x10A00] =	vst v63  }
0x727: {  	s3 =	simm.s32 @!p0 $0xBA00  }
0x728: {  	[tilespmem:s3], [sflag:$0x1] =	stream.indirect_vreg.gather @!p0 [hbm4b:s18+s2], $0x80, v7, vm1, $0xb8;
	[tilespmem:$0x10A00] =	vst v63  }
0x729: {  	_ =	swait.ge [sflag:s1], $0x4000  }
0x72a: {  	[sflag:s1] =	ssyncset.done $0x0  }
0x72b: {  	s30 =	simm.s32 $0x0;
	s2 =	simm.s32 $0x0;
	[sflag:s1] =	ssyncadd.s32 $0xFFFFC000  }
.LBB2_45:
0x72c: {  	s3 =	sshll.u32 s30, $0xA;
	s4 =	sshll.u32 s30, $0x7;
	s5 =	sand.u32 $0x40, s2  }
0x72d: {  	s9 =	sand.u32 $0x1C00, s2;
	s3 =	sand.u32 $0x2000, s3;
	s4 =	sand.u32 $0x380, s4  }
0x72e: {  	s5 =	sor.u32 s9, s5;
	s7 =	sor.u32 s3, s4  }
0x72f: {  	s5 =	sor.u32 s7, s5  }
0x730: {  	v7 =	vld [tilespmem:s5+$0x4230]  }
0x731: {  	v9 =	vld [tilespmem:s5+$0x4210]  }
0x732: {  	v10 =	vld [tilespmem:s5+$0xC210]  }
0x733: {  	v8 =	vld [tilespmem:s5+$0x4220]  }
0x734: {  	s24 =	simm.s32 $0x200;
	s10 =	simm.s32 $0x40;
	v11 =	vld [tilespmem:s5+$0xC220]  }
0x735: {  	s10 =	sand.u32 $0x40, s10;
	s9 =	sand.u32 $0x1C00, s24;
	v12 =	vld [tilespmem:s5+$0x4200]  }
0x736: {  	s9 =	sor.u32 s9, s10;
	v13 =	vld [tilespmem:s5+$0xC230]  }
0x737: {  	s10 =	sor.u32 s7, s9;
	v14 =	vadd.f32 v9, v10;
	v9 =	vld [tilespmem:s5+$0xC200]  }
0x738: {  	v15 =	vld [tilespmem:s10+$0x4230]  }
0x739: {  	v16 =	vld [tilespmem:s10+$0x4210]  }
0x73a: {  	v10 =	vld [tilespmem:s10+$0x4220];
	[tilespmem:s5+$0xC210] =	vst v14  }
0x73b: {  	v17 =	vadd.f32 v8, v11;
	v11 =	vld [tilespmem:s10+$0xC210]  }
0x73c: {  	v8 =	vadd.f32 v7, v13;
	v7 =	vadd.f32 v12, v9  }
0x73d: {  	[tilespmem:s5+$0xC220] =	vst v17  }
0x73e: {  	s31 =	simm.s32 $0x400;
	s11 =	simm.s32 $0x80;
	v20 =	vimm.f32 $0.0e+00;
	v13 =	vld [tilespmem:s10+$0xC220];
	v22 =	vmul.f32 v7, v7  }
0x73f: {  	s11 =	sand.u32 $0x40, s11;
	s9 =	sand.u32 $0x1C00, s31;
	v19 =	vld [tilespmem:s10+$0x4200];
	[tilespmem:s5+$0xC230] =	vst v8;
	v23 =	vadd.f32 v7, v20  }
0x740: {  	s9 =	sor.u32 s9, s11;
	v18 =	vld [tilespmem:s10+$0xC230];
	[tilespmem:s5+$0xC200] =	vst v7;
	v12 =	vadd.f32 v16, v11;
	v16 =	vmul.f32 v14, v14;
	v20 =	vadd.f32 v22, v20  }
0x741: {  	s5 =	sor.u32 s7, s9;
	v21 =	vld [tilespmem:s10+$0xC200]  }
0x742: {  	v9 =	vld [tilespmem:s5+$0x4230];
	v16 =	vadd.f32 v16, v20  }
0x743: {  	v7 =	vld [tilespmem:s5+$0x4220];
	v10 =	vadd.f32 v10, v13;
	v22 =	vadd.f32 v14, v23  }
0x744: {  	v11 =	vld [tilespmem:s5+$0x4210];
	v23 =	vmul.f32 v17, v17;
	[tilespmem:s10+$0xC210] =	vst v12  }
0x745: {  	v13 =	vadd.f32 v15, v18;
	v18 =	vmul.f32 v8, v8;
	v14 =	vld [tilespmem:s5+$0xC210];
	[tilespmem:s10+$0xC220] =	vst v10;
	v20 =	vadd.f32 v17, v22  }
0x746: {  	s12 =	simm.s32 $0x600;
	s22 =	simm.s32 $0xC0;
	s11 =	simm.s32 $0x8;
	v17 =	vmovc v12;
	v15 =	vld [tilespmem:s5+$0xC220];
	v19 =	vadd.f32 v19, v21;
	v21 =	vadd.f32 v23, v16;
	v16 =	vmov v10  }
.LBB2_46:
0x747: {  	s9 =	sand.u32 $0x40, s22;
	s13 =	sand.u32 $0x1C00, s12;
	s11 =	sadd.s32 $0x4, s11;
	v22 =	vld [tilespmem:s5+$0x4200];
	[tilespmem:s10+$0xC230] =	vst v13;
	v20 =	vadd.f32 v8, v20;
	v23 =	vmov v9;
	v8 =	vmov v13  }
0x748: {  	s9 =	sor.u32 s13, s9;
	p0 =	slt.u32 s11, $0x3C;
	v24 =	vld [tilespmem:s5+$0xC230];
	[tilespmem:s10+$0xC200] =	vst v19;
	v25 =	vmul.f32 v19, v19;
	v18 =	vadd.f32 v18, v21;
	s10 =	smov.u32 s5  }
0x749: {  	s5 =	sor.u32 s7, s9;
	v21 =	vld [tilespmem:s10+$0xC200];
	v19 =	vadd.f32 v19, v20;
	v20 =	vmul.f32 v17, v12  }
.Ltmp21:
0x74a: {  	v9 =	vld [tilespmem:s5+$0x4230];
	v17 =	vadd.f32 v11, v14;
	v14 =	vadd.f32 v25, v18;
	(pc) =	sbr.rel @p0 .LBB2_46-.Ltmp21, $4  }
0x74b: {  	v25 =	vmul.f32 v16, v10;
	v19 =	vadd.f32 v12, v19;
	v16 =	vadd.f32 v7, v15;
	v7 =	vld [tilespmem:s5+$0x4220]  }
0x74c: {  	v18 =	vmul.f32 v13, v8;
	v11 =	vld [tilespmem:s5+$0x4210];
	[tilespmem:s10+$0xC210] =	vst v17;
	v26 =	vadd.f32 v20, v14;
	v12 =	vmov v17  }
0x74d: {  	v14 =	vld [tilespmem:s5+$0xC210];
	[tilespmem:s10+$0xC220] =	vst v16;
	v13 =	vadd.f32 v23, v24;
	v20 =	vadd.f32 v10, v19;
	v10 =	vmov v16  }
0x74e: {  	s12 =	sadd.s32 $0x200, s12;
	s22 =	sadd.s32 $0x40, s22;
	v15 =	vld [tilespmem:s5+$0xC220];
	v19 =	vadd.f32 v22, v21;
	v21 =	vadd.f32 v25, v26  }
0x74f: {  	v22 =	vld [tilespmem:s5+$0x4200];
	[tilespmem:s10+$0xC230] =	vst v13;
	v8 =	vadd.f32 v8, v20  }
0x750: {  	v49 =	vld [tilespmem:s5+$0xC230];
	[tilespmem:s10+$0xC200] =	vst v19  }
0x751: {  	v23 =	vmul.f32 v19, v19;
	v18 =	vadd.f32 v18, v21;
	v50 =	vld [tilespmem:s5+$0xC200];
	v8 =	vadd.f32 v19, v8;
	_ =	sdelay $0x1  }
0x752: {  	v17 =	vmul.f32 v17, v12;
	v18 =	vadd.f32 v23, v18;
	v8 =	vadd.f32 v12, v8;
	_ =	sdelay $0x1  }
0x753: {  	v51 =	vmul.f32 v16, v10;
	v52 =	vadd.f32 v17, v18;
	v8 =	vadd.f32 v10, v8  }
0x754: {  	v10 =	vadd.f32 v22, v50  }
0x755: {  	v53 =	vmul.f32 v13, v13;
	v12 =	vadd.f32 v51, v52;
	v8 =	vadd.f32 v13, v8  }
0x756: {  	v11 =	vadd.f32 v11, v14  }
0x757: {  	v54 =	vmul.f32 v10, v10;
	v12 =	vadd.f32 v53, v12;
	v8 =	vadd.f32 v10, v8  }
0x758: {  	v55 =	vadd.f32 v7, v15  }
0x759: {  	v7 =	vmul.f32 v11, v11;
	v12 =	vadd.f32 v54, v12;
	v8 =	vadd.f32 v11, v8  }
0x75a: {  	v9 =	vadd.f32 v9, v49  }
0x75b: {  	v56 =	vmul.f32 v55, v55;
	v7 =	vadd.f32 v7, v12;
	v8 =	vadd.f32 v55, v8;
	_ =	sdelay $0x1  }
0x75c: {  	v57 =	vmul.f32 v9, v9;
	v7 =	vadd.f32 v56, v7;
	v8 =	vadd.f32 v9, v8;
	_ =	sdelay $0x1  }
0x75d: {  	v7 =	vadd.f32 v57, v7;
	v58 =	vperm.xlane v8, v3;
	_ =	sdelay $0x1  }
0x75e: {  	v59 =	vperm.xlane v7, v3;
	v8 =	vadd.f32 v58, v8;
	_ =	sdelay $0x1  }
0x75f: {  	v7 =	vadd.f32 v59, v7;
	v60 =	vperm.xlane v8, v4;
	_ =	sdelay $0x1  }
0x760: {  	v12 =	vperm.xlane v7, v4;
	v8 =	vadd.f32 v60, v8;
	_ =	sdelay $0x1  }
0x761: {  	v7 =	vadd.f32 v12, v7;
	v13 =	vperm.xlane v8, v5;
	_ =	sdelay $0x1  }
0x762: {  	v12 =	vperm.xlane v7, v5;
	v8 =	vadd.f32 v13, v8;
	_ =	sdelay $0x1  }
0x763: {  	v12 =	vadd.f32 v12, v7;
	v13 =	vperm.xlane v8, v6;
	_ =	sdelay $0x1  }
0x764: {  	v7 =	vadd.f32 v13, v8;
	v8 =	vperm.xlane v12, v6;
	_ =	sdelay $0x1  }
0x765: {  	v7 =	vmul.f32 $9.765625000e-04, v7;
	v8 =	vadd.f32 v8, v12;
	_ =	sdelay $0x1  }
0x766: {  	v8 =	vmul.f32 $9.765625000e-04, v8;
	v61 =	vmul.f32 v7, v7;
	_ =	sdelay $0x1  }
0x767: {  	v8 =	vsub.f32 v8, v61;
	_ =	sdelay $0x1  }
0x768: {  	v8 =	vadd.f32 $9.999999960e-13, v8;
	_ =	sdelay $0x1  }
0x769: {  	v62 =	vshrl.u32 v8, $0x1;
	v8 =	vmul.f32 $5.000000000e-01, v8  }
0x76a: {  	v12 =	vsub.s32 $0x5F3759DF, v62  }
0x76b: {  	v63 =	vmul.f32 v12, v8;
	_ =	sdelay $0x1  }
0x76c: {  	v13 =	vmul.f32 v12, v63;
	_ =	sdelay $0x1  }
0x76d: {  	v13 =	vsub.f32 $1.500000000e+00, v13;
	_ =	sdelay $0x1  }
0x76e: {  	v12 =	vmul.f32 v12, v13;
	_ =	sdelay $0x1  }
0x76f: {  	v13 =	vmul.f32 v12, v8;
	_ =	sdelay $0x1  }
0x770: {  	v13 =	vmul.f32 v13, v12;
	_ =	sdelay $0x1  }
0x771: {  	s7 =	simm.s32 $0x0;
	v13 =	vsub.f32 $1.500000000e+00, v13  }
0x772: {  	s3 =	sadd.s32 s4, s3;
	s13 =	sand.u32 $0x7000, s7;
	[tilespmem:s5+$0xC210] =	vst v11  }
0x773: {  	s3 =	sadd.s32 $0xC200, s3;
	s4 =	sshrl.u32 s13, $0x2;
	[tilespmem:s5+$0xC220] =	vst v55;
	v11 =	vmul.f32 v13, v12  }
0x774: {  	s9 =	sand.u32 $0x40, s7;
	s14 =	sadd.s32 s4, s3;
	[tilespmem:s5+$0xC230] =	vst v9  }
0x775: {  	s22 =	sadd.s32 s9, s14;
	[tilespmem:s5+$0xC200] =	vst v10;
	v8 =	vmul.f32 v11, v8  }
0x776: {  	v9 =	vld [tilespmem:s22+$0x0]  }
0x777: {  	v8 =	vmul.f32 v8, v11;
	_ =	sdelay $0x1  }
0x778: {  	s4 =	simm.s32 $0x10200;
	v8 =	vsub.f32 $1.500000000e+00, v8  }
0x779: {  	v10 =	vld [tilespmem:s4+$0x0]  }
0x77a: {  	s11 =	simm.s32 $0x10600;
	v9 =	vsub.f32 v9, v7;
	v8 =	vmul.f32 v8, v11  }
0x77b: {  	v11 =	vld [tilespmem:s11+$0x0]  }
0x77c: {  	v9 =	vmul.f32 v9, v8;
	_ =	sdelay $0x1  }
0x77d: {  	v9 =	vmul.f32 v9, v10;
	_ =	sdelay $0x1  }
0x77e: {  	v9 =	vadd.f32 v9, v11  }
0x77f: {  	s24 =	sor.u32 $0x10, s9  }
0x780: {  	s31 =	sadd.s32 s24, s14;
	[tilespmem:s22+$0x0] =	vst v9  }
0x781: {  	v9 =	vld [tilespmem:s31+$0x0];
	_ =	sdelay $0x1  }
0x782: {  	s7 =	sand.u32 $0x380, s7  }
0x783: {  	s11 =	sor.u32 s7, s24  }
0x784: {  	v10 =	vld [tilespmem:s11+$0x10200]  }
0x785: {  	v9 =	vsub.f32 v9, v7  }
0x786: {  	v11 =	vld [tilespmem:s11+$0x10600]  }
0x787: {  	v9 =	vmul.f32 v9, v8;
	_ =	sdelay $0x1  }
0x788: {  	v9 =	vmul.f32 v9, v10;
	_ =	sdelay $0x1  }
0x789: {  	v9 =	vadd.f32 v9, v11  }
0x78a: {  	s12 =	sor.u32 $0x20, s9  }
0x78b: {  	s13 =	sadd.s32 s12, s14;
	[tilespmem:s31+$0x0] =	vst v9  }
0x78c: {  	v9 =	vld [tilespmem:s13+$0x0];
	_ =	sdelay $0x2  }
0x78d: {  	s11 =	sor.u32 s7, s12  }
0x78e: {  	v10 =	vld [tilespmem:s11+$0x10200]  }
0x78f: {  	v9 =	vsub.f32 v9, v7  }
0x790: {  	v11 =	vld [tilespmem:s11+$0x10600]  }
0x791: {  	v9 =	vmul.f32 v9, v8;
	_ =	sdelay $0x1  }
0x792: {  	v9 =	vmul.f32 v9, v10;
	_ =	sdelay $0x1  }
0x793: {  	v9 =	vadd.f32 v9, v11  }
0x794: {  	s9 =	sor.u32 $0x30, s9  }
0x795: {  	s24 =	sadd.s32 s9, s14;
	[tilespmem:s13+$0x0] =	vst v9  }
0x796: {  	v9 =	vld [tilespmem:s24+$0x0];
	_ =	sdelay $0x2  }
0x797: {  	s14 =	sor.u32 s7, s9  }
0x798: {  	v10 =	vld [tilespmem:s14+$0x10200]  }
0x799: {  	v9 =	vsub.f32 v9, v7  }
0x79a: {  	v11 =	vld [tilespmem:s14+$0x10600]  }
0x79b: {  	v9 =	vmul.f32 v9, v8;
	_ =	sdelay $0x1  }
0x79c: {  	s7 =	simm.s32 $0x800;
	v9 =	vmul.f32 v9, v10  }
0x79d: {  	s5 =	simm.s32 $0x40;
	s22 =	sand.u32 $0x7000, s7  }
0x79e: {  	s10 =	sand.u32 $0x40, s5;
	s31 =	sshrl.u32 s22, $0x2;
	v9 =	vadd.f32 v9, v11  }
0x79f: {  	s12 =	simm.s32 $0x4;
	s22 =	sadd.s32 s31, s3;
	s11 =	simm.s32 $0x10640  }
.LBB2_48:
0x7a0: {  	s12 =	sadd.s32 $0x4, s12;
	s9 =	sadd.s32 s10, s22;
	[tilespmem:s24+$0x0] =	vst v9;
	s4 =	sadd.s32 $0x40, s4  }
0x7a1: {  	p0 =	slt.u32 s12, $0x3C;
	v9 =	vld [tilespmem:s9+$0x0];
	_ =	sdelay $0x3  }
0x7a2: {  	v10 =	vld [tilespmem:s4+$0x0]  }
0x7a3: {  	v9 =	vsub.f32 v9, v7  }
0x7a4: {  	v11 =	vld [tilespmem:s11+$0x0]  }
0x7a5: {  	v9 =	vmul.f32 v9, v8;
	_ =	sdelay $0x1  }
0x7a6: {  	v9 =	vmul.f32 v9, v10;
	_ =	sdelay $0x1  }
0x7a7: {  	v9 =	vadd.f32 v9, v11  }
0x7a8: {  	s13 =	sor.u32 $0x10, s10  }
0x7a9: {  	[tilespmem:s9+$0x0] =	vst v9;
	s9 =	sadd.s32 s13, s22  }
0x7aa: {  	v9 =	vld [tilespmem:s9+$0x0];
	_ =	sdelay $0x1  }
0x7ab: {  	s14 =	sand.u32 $0x380, s5  }
0x7ac: {  	s13 =	sor.u32 s14, s13  }
0x7ad: {  	v10 =	vld [tilespmem:s13+$0x10200]  }
0x7ae: {  	v9 =	vsub.f32 v9, v7  }
0x7af: {  	v11 =	vld [tilespmem:s13+$0x10600]  }
0x7b0: {  	v9 =	vmul.f32 v9, v8;
	_ =	sdelay $0x1  }
0x7b1: {  	v9 =	vmul.f32 v9, v10;
	_ =	sdelay $0x1  }
0x7b2: {  	v9 =	vadd.f32 v9, v11  }
0x7b3: {  	s13 =	sor.u32 $0x20, s10  }
0x7b4: {  	[tilespmem:s9+$0x0] =	vst v9;
	s9 =	sadd.s32 s13, s22  }
0x7b5: {  	v9 =	vld [tilespmem:s9+$0x0];
	_ =	sdelay $0x2  }
0x7b6: {  	s13 =	sor.u32 s14, s13  }
0x7b7: {  	v10 =	vld [tilespmem:s13+$0x10200]  }
0x7b8: {  	v9 =	vsub.f32 v9, v7  }
0x7b9: {  	v11 =	vld [tilespmem:s13+$0x10600]  }
0x7ba: {  	v9 =	vmul.f32 v9, v8;
	_ =	sdelay $0x1  }
0x7bb: {  	v9 =	vmul.f32 v9, v10;
	_ =	sdelay $0x1  }
0x7bc: {  	v9 =	vadd.f32 v9, v11  }
0x7bd: {  	s10 =	sor.u32 $0x30, s10  }
0x7be: {  	s24 =	sadd.s32 s10, s22;
	[tilespmem:s9+$0x0] =	vst v9  }
0x7bf: {  	s9 =	sor.u32 s14, s10;
	v9 =	vld [tilespmem:s24+$0x0]  }
0x7c0: {  	v10 =	vld [tilespmem:s9+$0x10200]  }
0x7c1: {  	v11 =	vld [tilespmem:s9+$0x10600];
	_ =	sdelay $0x2  }
0x7c2: {  	v9 =	vsub.f32 v9, v7;
	_ =	sdelay $0x1  }
0x7c3: {  	v9 =	vmul.f32 v9, v8  }
.Ltmp22:
0x7c4: {  	(pc) =	sbr.rel @p0 .LBB2_48-.Ltmp22, $4  }
0x7c5: {  	s7 =	sadd.s32 $0x800, s7;
	v9 =	vmul.f32 v9, v10  }
0x7c6: {  	s9 =	sand.u32 $0x7000, s7  }
0x7c7: {  	s5 =	sadd.s32 $0x40, s5;
	s9 =	sshrl.u32 s9, $0x2;
	v9 =	vadd.f32 v9, v11  }
0x7c8: {  	s11 =	sadd.s32 $0x40, s11;
	s10 =	sand.u32 $0x40, s5;
	s22 =	sadd.s32 s9, s3  }
0x7c9: {  	s3 =	sadd.s32 s10, s22;
	[tilespmem:s24+$0x0] =	vst v9  }
0x7ca: {  	v9 =	vld [tilespmem:s3+$0x0];
	_ =	sdelay $0x2  }
0x7cb: {  	s4 =	sadd.s32 $0x40, s4  }
0x7cc: {  	v10 =	vld [tilespmem:s4+$0x0]  }
0x7cd: {  	v9 =	vsub.f32 v9, v7  }
0x7ce: {  	v11 =	vld [tilespmem:s11+$0x0]  }
0x7cf: {  	v9 =	vmul.f32 v9, v8;
	_ =	sdelay $0x1  }
0x7d0: {  	v9 =	vmul.f32 v9, v10;
	_ =	sdelay $0x1  }
0x7d1: {  	v9 =	vadd.f32 v9, v11  }
0x7d2: {  	s11 =	sor.u32 $0x10, s10  }
0x7d3: {  	s12 =	sadd.s32 s11, s22;
	[tilespmem:s3+$0x0] =	vst v9  }
0x7d4: {  	v9 =	vld [tilespmem:s12+$0x0];
	_ =	sdelay $0x1  }
0x7d5: {  	s5 =	sand.u32 $0x380, s5  }
0x7d6: {  	s4 =	sor.u32 s5, s11  }
0x7d7: {  	v58 =	vld [tilespmem:s4+$0x10200]  }
0x7d8: {  	v9 =	vsub.f32 v9, v7  }
0x7d9: {  	v59 =	vld [tilespmem:s4+$0x10600]  }
0x7da: {  	v9 =	vmul.f32 v9, v8;
	_ =	sdelay $0x1  }
0x7db: {  	v9 =	vmul.f32 v9, v58;
	_ =	sdelay $0x1  }
0x7dc: {  	v9 =	vadd.f32 v9, v59  }
0x7dd: {  	s13 =	sor.u32 $0x20, s10  }
0x7de: {  	s14 =	sadd.s32 s13, s22;
	[tilespmem:s12+$0x0] =	vst v9  }
0x7df: {  	v9 =	vld [tilespmem:s14+$0x0];
	_ =	sdelay $0x2  }
0x7e0: {  	s4 =	sor.u32 s5, s13  }
0x7e1: {  	v60 =	vld [tilespmem:s4+$0x10200]  }
0x7e2: {  	v9 =	vsub.f32 v9, v7  }
0x7e3: {  	v61 =	vld [tilespmem:s4+$0x10600]  }
0x7e4: {  	v9 =	vmul.f32 v9, v8;
	_ =	sdelay $0x1  }
0x7e5: {  	v9 =	vmul.f32 v9, v60;
	_ =	sdelay $0x1  }
0x7e6: {  	v9 =	vadd.f32 v9, v61  }
0x7e7: {  	s24 =	sor.u32 $0x30, s10  }
0x7e8: {  	s31 =	sadd.s32 s24, s22;
	[tilespmem:s14+$0x0] =	vst v9  }
0x7e9: {  	v9 =	vld [tilespmem:s31+$0x0];
	_ =	sdelay $0x2  }
0x7ea: {  	s4 =	sor.u32 s5, s24  }
0x7eb: {  	v62 =	vld [tilespmem:s4+$0x10200]  }
0x7ec: {  	v7 =	vsub.f32 v9, v7  }
0x7ed: {  	v63 =	vld [tilespmem:s4+$0x10600]  }
0x7ee: {  	s30 =	sadd.s32 $0x1, s30;
	v7 =	vmul.f32 v7, v8  }
0x7ef: {  	p0 =	sne.s32 s30, $0x10  }
.Ltmp23:
0x7f0: {  	v7 =	vmul.f32 v7, v62;
	(pc) =	sbr.rel @p0 .LBB2_45-.Ltmp23, $3  }
0x7f1: {  	_ = 	snop  }
0x7f2: {  	v7 =	vadd.f32 v7, v63;
	_ =	sdelay $0x1  }
0x7f3: {  	[tilespmem:s31+$0x0] =	vst v7  }
0x7f4: {  	s2 =	rddreg [dreg:$0xa]  }
0x7f5: {  	s25 =	sadd.s32 $0x1, s25;
	s2 =	sadd.s32 s2, s20  }
0x7f6: {  	p0 =	sne.s32 s25, $0x4;
	s2 =	sshll.u32 s2, $0x7  }
.Ltmp24:
0x7f7: {  	s3 =	simm.s32 $0x0;
	s2 =	sadd.s32 s6, s2;
	(pc) =	sbr.rel @p0 .LBB2_2-.Ltmp24, $4  }
0x7f8: {  	[hbm4b:s2+s3] =	stream.linear.scatter [tilespmem:s28], [sflag:$0x5], $0x4000, $0x38;
	[tilespmem:$0x10A00] =	vst v63  }
0x7f9: {  	_ =	swait.ge [sflag:s23], $0x4000  }
0x7fa: {  	[sflag:s23] =	ssyncset.done $0x0  }
0x7fb: {  	[sflag:s23] =	ssyncadd.s32 $0xFFFFC000  }
0x7fc: {  	s3 =	rddreg [dreg:$0x11]  }
0x7fd: {  	s2 =	rddreg [dreg:$0x10];
	s3 =	sadd.s32 $0x1, s3  }
0x7fe: {  	p0 =	sne.s32 s3, s2  }
.Ltmp25:
0x7ff: {  	_ = 	snop;
	(pc) =	sbr.rel @p0 .LBB2_1-.Ltmp25, $1  }
0x800: {  	_ =	sdelay $0x3  }
0x801: {  	_ =	sfence.sel $0x180000  }
0x802: {  	[bflag:$0x0] =	sbarrier.arrive $0xFFFF  }
0x803: {  	_ =	strace $0x90000047  }
0x804: {  	s0 =	stileid.u32;
	[bflag:$0x2] =	sbarrier.arrive $0xFFFF  }
0x805: {  	p0 =	sne.s32 s0, $0x0;
	s0 =	rddreg [dreg:$0x6]  }
0x806: {  	s0 =	sadd.s32 @!p0 $0x100000, s0  }
0x807: {  	[sflag:s0] =	ssyncadd.tile.s32 @!p0 $0x1;
	_ =	shalt  }
.Lfunc_end2:
_tile_overlayer_lowered:
.L_overlay_start_2:
0x808: {  	(tag) =	ssettag $0x2  }
0x809: {  	s0 =	rddreg [dreg:$0x0];
	s2 =	stileid.u32  }
0x80a: {  	s1 =	rddreg [dreg:$0x1];
	p0 =	sne.s32 s2, $0x0  }
0x80b: {  	s3 =	rddreg [dreg:$0x2];
	[bflag:$0x3] =	sbarrier.arrive $0xFFFF;
	s2 =	simm.s32 @!p0 $0x1C05  }
0x80c: {  	[timem:s3], [sflag:s2] =	dma.local @!p0 [hbm:s0], s1  }
0x80d: {  	s0 =	simm.s32 @!p0 $0x5  }
0x80e: {  	_ =	swait.ge @!p0 [sflag:s0], s1  }
0x80f: {  	s1 =	ssub.s32 @!p0 $0x0, s1;
	[sflag:s0] =	ssyncset.done @!p0 $0x0  }
0x810: {  	[sflag:s0] =	ssyncadd.s32 @!p0 s1  }
0x811: {  	[bflag:$0x3] =	sbarrier.arrive $0xFFFF  }
0x812: {  	_ =	shalt  }

</sc_bundles>
